<compile_context>
chip_gen: v7x
topology: tpu7x:2x2x1
jax: 0.10.2.dev20260603
libtpu: 0.0.44.dev20260713+nightly
codegen_flags: <defaults>
</compile_context>

<pallas_src>
import functools

import jax
import jax.numpy as jnp
from jax import lax
from jax.experimental import pallas as pl
from jax.experimental.pallas import tpu as pltpu
from jax.experimental.pallas import tpu_sc as plsc

_B, _L, _V, _D, _OUT = 4096, 200, 100000, 64, 10
_CHA = 128
_CHB = _L - _CHA
_LANES = 16
_NVR = _D // _LANES

_info = plsc.get_sparse_core_info()
_NC, _NS = _info.num_cores, _info.num_subcores
_NW = _NC * _NS
_EPW = _B // _NW


_UNROLL = 25
_NBUF = 4


def _sc_pool_body(x_hbm, table_hbm, out_hbm, idx_v,
                  rows0, rows1, rows2, rows3, outbuf,
                  sem0, sem1, sem2, sem3):
    wid = lax.axis_index("s") * _NC + lax.axis_index("c")
    base = wid * _EPW
    pltpu.sync_copy(x_hbm.at[pl.ds(base * _L, _EPW * _L)], idx_v)

    bufs = ((rows0, sem0), (rows1, sem1), (rows2, sem2), (rows3, sem3))

    def issue(e, rows, sem):
        pltpu.async_copy(table_hbm.at[idx_v.at[pl.ds(e * _L, _CHA)]],
                         rows.at[pl.ds(0, _CHA)], sem)
        pltpu.async_copy(table_hbm.at[idx_v.at[pl.ds(e * _L + _CHA, _CHB)]],
                         rows.at[pl.ds(_CHA, _CHB)], sem)

    def drain(rows, sem):
        pltpu.make_async_copy(table_hbm.at[idx_v.at[pl.ds(0, _CHA)]],
                              rows.at[pl.ds(0, _CHA)], sem).wait()
        pltpu.make_async_copy(table_hbm.at[idx_v.at[pl.ds(0, _CHB)]],
                              rows.at[pl.ds(_CHA, _CHB)], sem).wait()

    def compute(e, rows):
        zero = jnp.zeros((_LANES,), jnp.float32)
        ninf = jnp.full((_LANES,), -jnp.inf, jnp.float32)
        init = (zero,) * _NVR + (ninf,) * _NVR

        def rowstep(j0, accs):
            s = list(accs[:_NVR])
            m = list(accs[_NVR:])
            for u in range(_UNROLL):
                j = j0 * _UNROLL + u
                for q in range(_NVR):
                    v = rows[j, pl.ds(q * _LANES, _LANES)]
                    s[q] = s[q] + v
                    m[q] = jnp.maximum(m[q], v)
            return tuple(s) + tuple(m)

        accs = lax.fori_loop(0, _L // _UNROLL, rowstep, init)
        for q in range(_NVR):
            outbuf[e, pl.ds(q * _LANES, _LANES)] = accs[q]
            outbuf[e, pl.ds(_D + q * _LANES, _LANES)] = accs[_NVR + q]

    for b, (rows, sem) in enumerate(bufs):
        issue(b, rows, sem)

    def body(eg, _):
        e = _NBUF * eg
        for b, (rows, sem) in enumerate(bufs):
            eb = e + b
            drain(rows, sem)
            compute(eb, rows)

            @pl.when(eb + _NBUF < _EPW)
            def _():
                issue(eb + _NBUF, rows, sem)
        return 0

    lax.fori_loop(0, _EPW // _NBUF, body, 0)
    pltpu.sync_copy(outbuf, out_hbm.at[pl.ds(base, _EPW)])


_sc_pool = functools.partial(
    pl.kernel,
    mesh=plsc.VectorSubcoreMesh(core_axis_name="c", subcore_axis_name="s"),
    out_type=jax.ShapeDtypeStruct((_B, 2 * _D), jnp.float32),
    scratch_types=[
        pltpu.VMEM((_EPW * _L,), jnp.int32),
        pltpu.VMEM((_L, _D), jnp.float32),
        pltpu.VMEM((_L, _D), jnp.float32),
        pltpu.VMEM((_L, _D), jnp.float32),
        pltpu.VMEM((_L, _D), jnp.float32),
        pltpu.VMEM((_EPW, 2 * _D), jnp.float32),
        pltpu.SemaphoreType.DMA,
        pltpu.SemaphoreType.DMA,
        pltpu.SemaphoreType.DMA,
        pltpu.SemaphoreType.DMA,
    ],
    compiler_params=pltpu.CompilerParams(use_tc_tiling_on_sc=False),
)(_sc_pool_body)


def _tc_head_body(pooled_ref, len_ref, wn_ref, bn_ref, w3_ref, b3_ref, out_ref):
    pooled = pooled_ref[...]
    lens = len_ref[...]
    inv2 = 1.0 / (lens * lens)
    mean = pooled[:, :_D] * inv2
    rep = jnp.concatenate([mean, pooled[:, _D:]], axis=1)
    h = lax.dot_general(rep, wn_ref[...], (((1,), (1,)), ((), ())),
                        preferred_element_type=jnp.float32)
    h = jnp.maximum(h + bn_ref[...], 0.0)
    out = lax.dot_general(h, w3_ref[...], (((1,), (1,)), ((), ())),
                          preferred_element_type=jnp.float32)
    out_ref[...] = out + b3_ref[...]


def kernel(x, lengths, table, W1, b1, Wn, bn, W3, b3):
    pooled = _sc_pool(x.astype(jnp.int32).reshape(_B * _L), table)
    lens = lengths.astype(jnp.float32).reshape(_B, 1)
    out = pl.pallas_call(
        _tc_head_body,
        out_shape=jax.ShapeDtypeStruct((_B, _OUT), jnp.float32),
    )(pooled, lens, Wn, bn.reshape(1, -1), W3, b3.reshape(1, -1))
    return out

# --- scband reference (transcript-rebuilt; emitter-appended) ---
"""Pipeline reference for scband-baseline-dnn-50697793962160 (READ-ONLY COPY).

The authoritative reference and input builder live on the scoring server;
editing this copy changes nothing except your own understanding.
"""

import jax, jax.numpy as jnp
import numpy as np

B, L, V, D, OUT = 4096, 200, 100000, 64, 10

def setup_inputs(seed: int = 0) -> dict:
    key = jax.random.key(seed)
    ks = jax.random.split(key, 10)
    x = jax.random.randint(ks[0], (B, L), 0, V, dtype=jnp.int64) if jax.config.jax_enable_x64 else jax.random.randint(ks[0], (B, L), 0, V, dtype=jnp.int32)
    lengths = jax.random.randint(ks[1], (B,), 1, L + 1, dtype=jnp.int32)
    table = jax.random.normal(ks[2], (V, D), dtype=jnp.float32)
    # nn.Linear default init: U(-1/sqrt(fan_in), 1/sqrt(fan_in))
    def lin(k, out_f, in_f):
        k1, k2 = jax.random.split(k)
        bound = 1.0 / np.sqrt(in_f)
        W = jax.random.uniform(k1, (out_f, in_f), jnp.float32, -bound, bound)
        b = jax.random.uniform(k2, (out_f,), jnp.float32, -bound, bound)
        return W, b
    W1, b1 = lin(ks[3], 128, D)
    Wn, bn = lin(ks[4], 128, 2 * D)
    W3, b3 = lin(ks[5], OUT, 128)
    return {"x": x, "lengths": lengths, "table": table, "W1": W1, "b1": b1, "Wn": Wn, "bn": bn, "W3": W3, "b3": b3}

def reference(x, lengths, table, W1, b1, Wn, bn, W3, b3):
    emb = jnp.take(table, x, axis=0)              # (B, L, D) embedding gather
    s = jnp.sum(emb, axis=1)                       # (B, D)
    maxE = jnp.max(emb, axis=1)                    # (B, D)
    lens = lengths.astype(jnp.float32)[:, None]
    representations = s / lens                     # in-place mean (faithful to loop)
    meanE = representations / lens                 # NOTE: divided twice, faithful to original bug
    new_representations = jnp.concatenate([meanE, maxE], axis=1)  # (B, 2D)
    rep_h = jax.nn.relu(representations @ W1.T + b1)
    new_h = jax.nn.relu(new_representations @ Wn.T + bn)
    logits = rep_h @ W3.T + b3   # computed but unused (faithful; returned value is logits2)
    logits2 = new_h @ W3.T + b3
    return logits2

if __name__ == "__main__":
    import jax
    _d = setup_inputs()
    print(jax.jit(kernel)(*tuple(_d.values())))

</pallas_src>

<mosaic_0001>
#map = affine_map<(d0, d1) -> (0)>
#map1 = affine_map<(d0, d1) -> (0, 0)>
module attributes {stable_mosaic.version = 14 : i64} {
  func.func @_sc_pool_body(%arg0: i32, %arg1: i32, %arg2: memref<819200xi32, #tpu.memory_space<hbm>>, %arg3: memref<100000x64xf32, #tpu.memory_space<hbm>>, %arg4: memref<4096x128xf32, #tpu.memory_space<hbm>>, %arg5: memref<25600xi32, #tpu.memory_space<vmem>>, %arg6: memref<200x64xf32, #tpu.memory_space<vmem>>, %arg7: memref<200x64xf32, #tpu.memory_space<vmem>>, %arg8: memref<200x64xf32, #tpu.memory_space<vmem>>, %arg9: memref<200x64xf32, #tpu.memory_space<vmem>>, %arg10: memref<128x128xf32, #tpu.memory_space<vmem>>, %arg11: memref<!tpu.dma_semaphore, #tpu.memory_space<semaphore_mem>>, %arg12: memref<!tpu.dma_semaphore, #tpu.memory_space<semaphore_mem>>, %arg13: memref<!tpu.dma_semaphore, #tpu.memory_space<semaphore_mem>>, %arg14: memref<!tpu.dma_semaphore, #tpu.memory_space<semaphore_mem>>) attributes {dimension_semantics = [#tpu.dimension_semantics<core_parallel>, #tpu.dimension_semantics<subcore_parallel>], iteration_bounds = array<i64: 2, 16>, scalar_prefetch = 0 : i64, scratch_operands = 10 : i64, tpu.core_type = #tpu.core_type<sc_vector_subcore>, window_params = [{transform_indices = #map}, {transform_indices = #map1}, {transform_indices = #map1}]} {
    %mul3A = arith.constant 2 : i32
    %mul3A_0 = arith.muli %arg1, %mul3A : i32
    %add3A = arith.addi %mul3A_0, %arg0 : i32
    %mul3A_1 = arith.constant 128 : i32
    %mul3A_2 = arith.muli %add3A, %mul3A_1 : i32
    %mul3A_3 = arith.constant 200 : i32
    %mul3A_4 = arith.muli %mul3A_2, %mul3A_3 : i32
    "tpu.region"() ({
      %run_scoped3A = tpu.sem_alloc : memref<!tpu.dma_semaphore, #tpu.memory_space<semaphore_mem>>
      %dma_start3A_74 = tpu.memref_slice %arg2[%mul3A_4] : memref<819200xi32, #tpu.memory_space<hbm>> -> memref<25600xi32, #tpu.memory_space<hbm>>
      %dma_start3A_75 = tpu.memref_slice %arg2[%mul3A_4] : memref<819200xi32, #tpu.memory_space<hbm>> -> memref<25600xi32, #tpu.memory_space<hbm>>
      tpu.enqueue_dma source(%dma_start3A_75 : memref<25600xi32, #tpu.memory_space<hbm>>) target(%arg5 : memref<25600xi32, #tpu.memory_space<vmem>>) target_semaphore(%run_scoped3A : memref<!tpu.dma_semaphore, #tpu.memory_space<semaphore_mem>>)
      %dma_wait3A = tpu.memref_slice %arg2[%mul3A_4] : memref<819200xi32, #tpu.memory_space<hbm>> -> memref<25600xi32, #tpu.memory_space<hbm>>
      %dma_wait3A_76 = tpu.memref_slice %arg2[%mul3A_4] : memref<819200xi32, #tpu.memory_space<hbm>> -> memref<25600xi32, #tpu.memory_space<hbm>>
      tpu.wait_dma2 semaphore(%run_scoped3A : memref<!tpu.dma_semaphore, #tpu.memory_space<semaphore_mem>>) src(%dma_wait3A_76 : memref<25600xi32, #tpu.memory_space<hbm>>) dst(%arg5 : memref<25600xi32, #tpu.memory_space<vmem>>)
      tpu.yield
    }) : () -> ()
    %dma_start3A = arith.constant 0 : i32
    %dma_start3A_5 = arith.constant 0 : i32
    %dma_start3A_6 = tpu.memref_slice %arg6[%dma_start3A, %dma_start3A_5] : memref<200x64xf32, #tpu.memory_space<vmem>> -> memref<128x64xf32, #tpu.memory_space<vmem>>
    %dma_start3A_7 = arith.constant 0 : i32
    %dma_start3A_8 = tpu.memref_slice %arg5[%dma_start3A_7] : memref<25600xi32, #tpu.memory_space<vmem>> -> memref<128xi32, #tpu.memory_space<vmem>>
    %dma_start3A_9 = arith.constant 0 : i32
    %dma_start3A_10 = arith.constant 0 : i32
    %dma_start3A_11 = tpu.memref_slice %arg3[%dma_start3A_9, %dma_start3A_10] : memref<100000x64xf32, #tpu.memory_space<hbm>> -> memref<100000x64xf32, #tpu.memory_space<hbm>>
    tpu.enqueue_indirect_dma source(%dma_start3A_11 : memref<100000x64xf32, #tpu.memory_space<hbm>>) target(%dma_start3A_6 : memref<128x64xf32, #tpu.memory_space<vmem>>) offsets(%dma_start3A_8 : memref<128xi32, #tpu.memory_space<vmem>>) semaphore(%arg11 : memref<!tpu.dma_semaphore, #tpu.memory_space<semaphore_mem>>)
    %dma_start3A_12 = arith.constant 128 : i32
    %dma_start3A_13 = arith.constant 0 : i32
    %dma_start3A_14 = tpu.memref_slice %arg6[%dma_start3A_12, %dma_start3A_13] : memref<200x64xf32, #tpu.memory_space<vmem>> -> memref<72x64xf32, #tpu.memory_space<vmem>>
    %dma_start3A_15 = arith.constant 128 : i32
    %dma_start3A_16 = tpu.memref_slice %arg5[%dma_start3A_15] : memref<25600xi32, #tpu.memory_space<vmem>> -> memref<72xi32, #tpu.memory_space<vmem>>
    %dma_start3A_17 = arith.constant 0 : i32
    %dma_start3A_18 = arith.constant 0 : i32
    %dma_start3A_19 = tpu.memref_slice %arg3[%dma_start3A_17, %dma_start3A_18] : memref<100000x64xf32, #tpu.memory_space<hbm>> -> memref<100000x64xf32, #tpu.memory_space<hbm>>
    tpu.enqueue_indirect_dma source(%dma_start3A_19 : memref<100000x64xf32, #tpu.memory_space<hbm>>) target(%dma_start3A_14 : memref<72x64xf32, #tpu.memory_space<vmem>>) offsets(%dma_start3A_16 : memref<72xi32, #tpu.memory_space<vmem>>) semaphore(%arg11 : memref<!tpu.dma_semaphore, #tpu.memory_space<semaphore_mem>>)
    %dma_start3A_20 = arith.constant 0 : i32
    %dma_start3A_21 = arith.constant 0 : i32
    %dma_start3A_22 = tpu.memref_slice %arg7[%dma_start3A_20, %dma_start3A_21] : memref<200x64xf32, #tpu.memory_space<vmem>> -> memref<128x64xf32, #tpu.memory_space<vmem>>
    %dma_start3A_23 = arith.constant 200 : i32
    %dma_start3A_24 = tpu.memref_slice %arg5[%dma_start3A_23] : memref<25600xi32, #tpu.memory_space<vmem>> -> memref<128xi32, #tpu.memory_space<vmem>>
    %dma_start3A_25 = arith.constant 0 : i32
    %dma_start3A_26 = arith.constant 0 : i32
    %dma_start3A_27 = tpu.memref_slice %arg3[%dma_start3A_25, %dma_start3A_26] : memref<100000x64xf32, #tpu.memory_space<hbm>> -> memref<100000x64xf32, #tpu.memory_space<hbm>>
    tpu.enqueue_indirect_dma source(%dma_start3A_27 : memref<100000x64xf32, #tpu.memory_space<hbm>>) target(%dma_start3A_22 : memref<128x64xf32, #tpu.memory_space<vmem>>) offsets(%dma_start3A_24 : memref<128xi32, #tpu.memory_space<vmem>>) semaphore(%arg12 : memref<!tpu.dma_semaphore, #tpu.memory_space<semaphore_mem>>)
    %dma_start3A_28 = arith.constant 128 : i32
    %dma_start3A_29 = arith.constant 0 : i32
    %dma_start3A_30 = tpu.memref_slice %arg7[%dma_start3A_28, %dma_start3A_29] : memref<200x64xf32, #tpu.memory_space<vmem>> -> memref<72x64xf32, #tpu.memory_space<vmem>>
    %dma_start3A_31 = arith.constant 328 : i32
    %dma_start3A_32 = tpu.memref_slice %arg5[%dma_start3A_31] : memref<25600xi32, #tpu.memory_space<vmem>> -> memref<72xi32, #tpu.memory_space<vmem>>
    %dma_start3A_33 = arith.constant 0 : i32
    %dma_start3A_34 = arith.constant 0 : i32
    %dma_start3A_35 = tpu.memref_slice %arg3[%dma_start3A_33, %dma_start3A_34] : memref<100000x64xf32, #tpu.memory_space<hbm>> -> memref<100000x64xf32, #tpu.memory_space<hbm>>
    tpu.enqueue_indirect_dma source(%dma_start3A_35 : memref<100000x64xf32, #tpu.memory_space<hbm>>) target(%dma_start3A_30 : memref<72x64xf32, #tpu.memory_space<vmem>>) offsets(%dma_start3A_32 : memref<72xi32, #tpu.memory_space<vmem>>) semaphore(%arg12 : memref<!tpu.dma_semaphore, #tpu.memory_space<semaphore_mem>>)
    %dma_start3A_36 = arith.constant 0 : i32
    %dma_start3A_37 = arith.constant 0 : i32
    %dma_start3A_38 = tpu.memref_slice %arg8[%dma_start3A_36, %dma_start3A_37] : memref<200x64xf32, #tpu.memory_space<vmem>> -> memref<128x64xf32, #tpu.memory_space<vmem>>
    %dma_start3A_39 = arith.constant 400 : i32
    %dma_start3A_40 = tpu.memref_slice %arg5[%dma_start3A_39] : memref<25600xi32, #tpu.memory_space<vmem>> -> memref<128xi32, #tpu.memory_space<vmem>>
    %dma_start3A_41 = arith.constant 0 : i32
    %dma_start3A_42 = arith.constant 0 : i32
    %dma_start3A_43 = tpu.memref_slice %arg3[%dma_start3A_41, %dma_start3A_42] : memref<100000x64xf32, #tpu.memory_space<hbm>> -> memref<100000x64xf32, #tpu.memory_space<hbm>>
    tpu.enqueue_indirect_dma source(%dma_start3A_43 : memref<100000x64xf32, #tpu.memory_space<hbm>>) target(%dma_start3A_38 : memref<128x64xf32, #tpu.memory_space<vmem>>) offsets(%dma_start3A_40 : memref<128xi32, #tpu.memory_space<vmem>>) semaphore(%arg13 : memref<!tpu.dma_semaphore, #tpu.memory_space<semaphore_mem>>)
    %dma_start3A_44 = arith.constant 128 : i32
    %dma_start3A_45 = arith.constant 0 : i32
    %dma_start3A_46 = tpu.memref_slice %arg8[%dma_start3A_44, %dma_start3A_45] : memref<200x64xf32, #tpu.memory_space<vmem>> -> memref<72x64xf32, #tpu.memory_space<vmem>>
    %dma_start3A_47 = arith.constant 528 : i32
    %dma_start3A_48 = tpu.memref_slice %arg5[%dma_start3A_47] : memref<25600xi32, #tpu.memory_space<vmem>> -> memref<72xi32, #tpu.memory_space<vmem>>
    %dma_start3A_49 = arith.constant 0 : i32
    %dma_start3A_50 = arith.constant 0 : i32
    %dma_start3A_51 = tpu.memref_slice %arg3[%dma_start3A_49, %dma_start3A_50] : memref<100000x64xf32, #tpu.memory_space<hbm>> -> memref<100000x64xf32, #tpu.memory_space<hbm>>
    tpu.enqueue_indirect_dma source(%dma_start3A_51 : memref<100000x64xf32, #tpu.memory_space<hbm>>) target(%dma_start3A_46 : memref<72x64xf32, #tpu.memory_space<vmem>>) offsets(%dma_start3A_48 : memref<72xi32, #tpu.memory_space<vmem>>) semaphore(%arg13 : memref<!tpu.dma_semaphore, #tpu.memory_space<semaphore_mem>>)
    %dma_start3A_52 = arith.constant 0 : i32
    %dma_start3A_53 = arith.constant 0 : i32
    %dma_start3A_54 = tpu.memref_slice %arg9[%dma_start3A_52, %dma_start3A_53] : memref<200x64xf32, #tpu.memory_space<vmem>> -> memref<128x64xf32, #tpu.memory_space<vmem>>
    %dma_start3A_55 = arith.constant 600 : i32
    %dma_start3A_56 = tpu.memref_slice %arg5[%dma_start3A_55] : memref<25600xi32, #tpu.memory_space<vmem>> -> memref<128xi32, #tpu.memory_space<vmem>>
    %dma_start3A_57 = arith.constant 0 : i32
    %dma_start3A_58 = arith.constant 0 : i32
    %dma_start3A_59 = tpu.memref_slice %arg3[%dma_start3A_57, %dma_start3A_58] : memref<100000x64xf32, #tpu.memory_space<hbm>> -> memref<100000x64xf32, #tpu.memory_space<hbm>>
    tpu.enqueue_indirect_dma source(%dma_start3A_59 : memref<100000x64xf32, #tpu.memory_space<hbm>>) target(%dma_start3A_54 : memref<128x64xf32, #tpu.memory_space<vmem>>) offsets(%dma_start3A_56 : memref<128xi32, #tpu.memory_space<vmem>>) semaphore(%arg14 : memref<!tpu.dma_semaphore, #tpu.memory_space<semaphore_mem>>)
    %dma_start3A_60 = arith.constant 128 : i32
    %dma_start3A_61 = arith.constant 0 : i32
    %dma_start3A_62 = tpu.memref_slice %arg9[%dma_start3A_60, %dma_start3A_61] : memref<200x64xf32, #tpu.memory_space<vmem>> -> memref<72x64xf32, #tpu.memory_space<vmem>>
    %dma_start3A_63 = arith.constant 728 : i32
    %dma_start3A_64 = tpu.memref_slice %arg5[%dma_start3A_63] : memref<25600xi32, #tpu.memory_space<vmem>> -> memref<72xi32, #tpu.memory_space<vmem>>
    %dma_start3A_65 = arith.constant 0 : i32
    %dma_start3A_66 = arith.constant 0 : i32
    %dma_start3A_67 = tpu.memref_slice %arg3[%dma_start3A_65, %dma_start3A_66] : memref<100000x64xf32, #tpu.memory_space<hbm>> -> memref<100000x64xf32, #tpu.memory_space<hbm>>
    tpu.enqueue_indirect_dma source(%dma_start3A_67 : memref<100000x64xf32, #tpu.memory_space<hbm>>) target(%dma_start3A_62 : memref<72x64xf32, #tpu.memory_space<vmem>>) offsets(%dma_start3A_64 : memref<72xi32, #tpu.memory_space<vmem>>) semaphore(%arg14 : memref<!tpu.dma_semaphore, #tpu.memory_space<semaphore_mem>>)
    %scan3A = arith.constant 0 : i32
    %scan3A_68 = arith.constant 0 : i32
    %scan3A_69 = arith.constant 32 : i32
    %scan3A_70 = arith.addi %scan3A_68, %scan3A_69 : i32
    %scan3A_71 = arith.constant 1 : i32
    %scan3A_72 = scf.for %scan3A_74 = %scan3A_68 to %scan3A_70 step %scan3A_71 iter_args(%scan3A_75 = %scan3A) -> (i32)  : i32 {
      %mul3A_76 = arith.constant 4 : i32
      %mul3A_77 = arith.muli %mul3A_76, %scan3A_74 : i32
      %add3A_78 = arith.constant 0 : i32
      %add3A_79 = arith.addi %mul3A_77, %add3A_78 : i32
      %dma_wait3A = arith.constant 0 : i32
      %dma_wait3A_80 = arith.constant 0 : i32
      %dma_wait3A_81 = tpu.memref_slice %arg6[%dma_wait3A, %dma_wait3A_80] : memref<200x64xf32, #tpu.memory_space<vmem>> -> memref<128x64xf32, #tpu.memory_space<vmem>>
      %dma_wait3A_82 = arith.constant 0 : i32
      %dma_wait3A_83 = tpu.memref_slice %arg5[%dma_wait3A_82] : memref<25600xi32, #tpu.memory_space<vmem>> -> memref<128xi32, #tpu.memory_space<vmem>>
      %dma_wait3A_84 = arith.constant 0 : i32
      %dma_wait3A_85 = arith.constant 0 : i32
      %dma_wait3A_86 = tpu.memref_slice %arg3[%dma_wait3A_84, %dma_wait3A_85] : memref<100000x64xf32, #tpu.memory_space<hbm>> -> memref<100000x64xf32, #tpu.memory_space<hbm>>
      tpu.wait_indirect_dma semaphore(%arg11 : memref<!tpu.dma_semaphore, #tpu.memory_space<semaphore_mem>>) src(%dma_wait3A_86 : memref<100000x64xf32, #tpu.memory_space<hbm>>) dst(%dma_wait3A_81 : memref<128x64xf32, #tpu.memory_space<vmem>>)
      %dma_wait3A_87 = arith.constant 128 : i32
      %dma_wait3A_88 = arith.constant 0 : i32
      %dma_wait3A_89 = tpu.memref_slice %arg6[%dma_wait3A_87, %dma_wait3A_88] : memref<200x64xf32, #tpu.memory_space<vmem>> -> memref<72x64xf32, #tpu.memory_space<vmem>>
      %dma_wait3A_90 = arith.constant 0 : i32
      %dma_wait3A_91 = tpu.memref_slice %arg5[%dma_wait3A_90] : memref<25600xi32, #tpu.memory_space<vmem>> -> memref<72xi32, #tpu.memory_space<vmem>>
      %dma_wait3A_92 = arith.constant 0 : i32
      %dma_wait3A_93 = arith.constant 0 : i32
      %dma_wait3A_94 = tpu.memref_slice %arg3[%dma_wait3A_92, %dma_wait3A_93] : memref<100000x64xf32, #tpu.memory_space<hbm>> -> memref<100000x64xf32, #tpu.memory_space<hbm>>
      tpu.wait_indirect_dma semaphore(%arg11 : memref<!tpu.dma_semaphore, #tpu.memory_space<semaphore_mem>>) src(%dma_wait3A_94 : memref<100000x64xf32, #tpu.memory_space<hbm>>) dst(%dma_wait3A_89 : memref<72x64xf32, #tpu.memory_space<vmem>>)
      %broadcast_in_dim3A = arith.constant 0.000000e+00 : f32
      %broadcast_in_dim3A_95 = vector.broadcast %broadcast_in_dim3A : f32 to vector<16xf32>
      %broadcast_in_dim3A_96 = arith.constant 0xFF800000 : f32
      %broadcast_in_dim3A_97 = vector.broadcast %broadcast_in_dim3A_96 : f32 to vector<16xf32>
      %scan3A_98 = arith.constant 0 : i32
      %scan3A_99 = arith.constant 8 : i32
      %scan3A_100 = arith.addi %scan3A_98, %scan3A_99 : i32
      %scan3A_101 = arith.constant 1 : i32
      %scan3A_102:8 = scf.for %scan3A_373 = %scan3A_98 to %scan3A_100 step %scan3A_101 iter_args(%scan3A_374 = %broadcast_in_dim3A_95, %scan3A_375 = %broadcast_in_dim3A_95, %scan3A_376 = %broadcast_in_dim3A_95, %scan3A_377 = %broadcast_in_dim3A_95, %scan3A_378 = %broadcast_in_dim3A_97, %scan3A_379 = %broadcast_in_dim3A_97, %scan3A_380 = %broadcast_in_dim3A_97, %scan3A_381 = %broadcast_in_dim3A_97) -> (vector<16xf32>, vector<16xf32>, vector<16xf32>, vector<16xf32>, vector<16xf32>, vector<16xf32>, vector<16xf32>, vector<16xf32>)  : i32 {
        %mul3A_382 = arith.constant 25 : i32
        %mul3A_383 = arith.muli %scan3A_373, %mul3A_382 : i32
        %add3A_384 = arith.constant 0 : i32
        %add3A_385 = arith.addi %mul3A_383, %add3A_384 : i32
        %get3A = arith.index_cast %add3A_385 : i32 to index
        %get3A_386 = arith.constant 0 : index
        %get3A_387 = tpu.vector_load %arg6[%get3A, %get3A_386] {strides = array<i32>} : memref<200x64xf32, #tpu.memory_space<vmem>>, vector<1x16xf32>,
        %get3A_388 = vector.shape_cast %get3A_387 : vector<1x16xf32> to vector<16xf32>
        %add3A_389 = arith.addf %scan3A_374, %get3A_388 : vector<16xf32>
        %max3A = arith.maximumf %scan3A_378, %get3A_388 : vector<16xf32>
        %get3A_390 = arith.index_cast %add3A_385 : i32 to index
        %get3A_391 = arith.constant 16 : index
        %get3A_392 = tpu.vector_load %arg6[%get3A_390, %get3A_391] {strides = array<i32>} : memref<200x64xf32, #tpu.memory_space<vmem>>, vector<1x16xf32>,
        %get3A_393 = vector.shape_cast %get3A_392 : vector<1x16xf32> to vector<16xf32>
        %add3A_394 = arith.addf %scan3A_375, %get3A_393 : vector<16xf32>
        %max3A_395 = arith.maximumf %scan3A_379, %get3A_393 : vector<16xf32>
        %get3A_396 = arith.index_cast %add3A_385 : i32 to index
        %get3A_397 = arith.constant 32 : index
        %get3A_398 = tpu.vector_load %arg6[%get3A_396, %get3A_397] {strides = array<i32>} : memref<200x64xf32, #tpu.memory_space<vmem>>, vector<1x16xf32>,
        %get3A_399 = vector.shape_cast %get3A_398 : vector<1x16xf32> to vector<16xf32>
        %add3A_400 = arith.addf %scan3A_376, %get3A_399 : vector<16xf32>
        %max3A_401 = arith.maximumf %scan3A_380, %get3A_399 : vector<16xf32>
        %get3A_402 = arith.index_cast %add3A_385 : i32 to index
        %get3A_403 = arith.constant 48 : index
        %get3A_404 = tpu.vector_load %arg6[%get3A_402, %get3A_403] {strides = array<i32>} : memref<200x64xf32, #tpu.memory_space<vmem>>, vector<1x16xf32>,
        %get3A_405 = vector.shape_cast %get3A_404 : vector<1x16xf32> to vector<16xf32>
        %add3A_406 = arith.addf %scan3A_377, %get3A_405 : vector<16xf32>
        %max3A_407 = arith.maximumf %scan3A_381, %get3A_405 : vector<16xf32>
        %mul3A_408 = arith.constant 25 : i32
        %mul3A_409 = arith.muli %scan3A_373, %mul3A_408 : i32
        %add3A_410 = arith.constant 1 : i32
        %add3A_411 = arith.addi %mul3A_409, %add3A_410 : i32
        %get3A_412 = arith.index_cast %add3A_411 : i32 to index
        %get3A_413 = arith.constant 0 : index
        %get3A_414 = tpu.vector_load %arg6[%get3A_412, %get3A_413] {strides = array<i32>} : memref<200x64xf32, #tpu.memory_space<vmem>>, vector<1x16xf32>,
        %get3A_415 = vector.shape_cast %get3A_414 : vector<1x16xf32> to vector<16xf32>
        %add3A_416 = arith.addf %add3A_389, %get3A_415 : vector<16xf32>
        %max3A_417 = arith.maximumf %max3A, %get3A_415 : vector<16xf32>
        %get3A_418 = arith.index_cast %add3A_411 : i32 to index
        %get3A_419 = arith.constant 16 : index
        %get3A_420 = tpu.vector_load %arg6[%get3A_418, %get3A_419] {strides = array<i32>} : memref<200x64xf32, #tpu.memory_space<vmem>>, vector<1x16xf32>,
        %get3A_421 = vector.shape_cast %get3A_420 : vector<1x16xf32> to vector<16xf32>
        %add3A_422 = arith.addf %add3A_394, %get3A_421 : vector<16xf32>
        %max3A_423 = arith.maximumf %max3A_395, %get3A_421 : vector<16xf32>
        %get3A_424 = arith.index_cast %add3A_411 : i32 to index
        %get3A_425 = arith.constant 32 : index
        %get3A_426 = tpu.vector_load %arg6[%get3A_424, %get3A_425] {strides = array<i32>} : memref<200x64xf32, #tpu.memory_space<vmem>>, vector<1x16xf32>,
        %get3A_427 = vector.shape_cast %get3A_426 : vector<1x16xf32> to vector<16xf32>
        %add3A_428 = arith.addf %add3A_400, %get3A_427 : vector<16xf32>
        %max3A_429 = arith.maximumf %max3A_401, %get3A_427 : vector<16xf32>
        %get3A_430 = arith.index_cast %add3A_411 : i32 to index
        %get3A_431 = arith.constant 48 : index
        %get3A_432 = tpu.vector_load %arg6[%get3A_430, %get3A_431] {strides = array<i32>} : memref<200x64xf32, #tpu.memory_space<vmem>>, vector<1x16xf32>,
        %get3A_433 = vector.shape_cast %get3A_432 : vector<1x16xf32> to vector<16xf32>
        %add3A_434 = arith.addf %add3A_406, %get3A_433 : vector<16xf32>
        %max3A_435 = arith.maximumf %max3A_407, %get3A_433 : vector<16xf32>
        %mul3A_436 = arith.constant 25 : i32
        %mul3A_437 = arith.muli %scan3A_373, %mul3A_436 : i32
        %add3A_438 = arith.constant 2 : i32
        %add3A_439 = arith.addi %mul3A_437, %add3A_438 : i32
        %get3A_440 = arith.index_cast %add3A_439 : i32 to index
        %get3A_441 = arith.constant 0 : index
        %get3A_442 = tpu.vector_load %arg6[%get3A_440, %get3A_441] {strides = array<i32>} : memref<200x64xf32, #tpu.memory_space<vmem>>, vector<1x16xf32>,
        %get3A_443 = vector.shape_cast %get3A_442 : vector<1x16xf32> to vector<16xf32>
        %add3A_444 = arith.addf %add3A_416, %get3A_443 : vector<16xf32>
        %max3A_445 = arith.maximumf %max3A_417, %get3A_443 : vector<16xf32>
        %get3A_446 = arith.index_cast %add3A_439 : i32 to index
        %get3A_447 = arith.constant 16 : index
        %get3A_448 = tpu.vector_load %arg6[%get3A_446, %get3A_447] {strides = array<i32>} : memref<200x64xf32, #tpu.memory_space<vmem>>, vector<1x16xf32>,
        %get3A_449 = vector.shape_cast %get3A_448 : vector<1x16xf32> to vector<16xf32>
        %add3A_450 = arith.addf %add3A_422, %get3A_449 : vector<16xf32>
        %max3A_451 = arith.maximumf %max3A_423, %get3A_449 : vector<16xf32>
        %get3A_452 = arith.index_cast %add3A_439 : i32 to index
        %get3A_453 = arith.constant 32 : index
        %get3A_454 = tpu.vector_load %arg6[%get3A_452, %get3A_453] {strides = array<i32>} : memref<200x64xf32, #tpu.memory_space<vmem>>, vector<1x16xf32>,
        %get3A_455 = vector.shape_cast %get3A_454 : vector<1x16xf32> to vector<16xf32>
        %add3A_456 = arith.addf %add3A_428, %get3A_455 : vector<16xf32>
        %max3A_457 = arith.maximumf %max3A_429, %get3A_455 : vector<16xf32>
        %get3A_458 = arith.index_cast %add3A_439 : i32 to index
        %get3A_459 = arith.constant 48 : index
        %get3A_460 = tpu.vector_load %arg6[%get3A_458, %get3A_459] {strides = array<i32>} : memref<200x64xf32, #tpu.memory_space<vmem>>, vector<1x16xf32>,
        %get3A_461 = vector.shape_cast %get3A_460 : vector<1x16xf32> to vector<16xf32>
        %add3A_462 = arith.addf %add3A_434, %get3A_461 : vector<16xf32>
        %max3A_463 = arith.maximumf %max3A_435, %get3A_461 : vector<16xf32>
        %mul3A_464 = arith.constant 25 : i32
        %mul3A_465 = arith.muli %scan3A_373, %mul3A_464 : i32
        %add3A_466 = arith.constant 3 : i32
        %add3A_467 = arith.addi %mul3A_465, %add3A_466 : i32
        %get3A_468 = arith.index_cast %add3A_467 : i32 to index
        %get3A_469 = arith.constant 0 : index
        %get3A_470 = tpu.vector_load %arg6[%get3A_468, %get3A_469] {strides = array<i32>} : memref<200x64xf32, #tpu.memory_space<vmem>>, vector<1x16xf32>,
        %get3A_471 = vector.shape_cast %get3A_470 : vector<1x16xf32> to vector<16xf32>
        %add3A_472 = arith.addf %add3A_444, %get3A_471 : vector<16xf32>
        %max3A_473 = arith.maximumf %max3A_445, %get3A_471 : vector<16xf32>
        %get3A_474 = arith.index_cast %add3A_467 : i32 to index
        %get3A_475 = arith.constant 16 : index
        %get3A_476 = tpu.vector_load %arg6[%get3A_474, %get3A_475] {strides = array<i32>} : memref<200x64xf32, #tpu.memory_space<vmem>>, vector<1x16xf32>,
        %get3A_477 = vector.shape_cast %get3A_476 : vector<1x16xf32> to vector<16xf32>
        %add3A_478 = arith.addf %add3A_450, %get3A_477 : vector<16xf32>
        %max3A_479 = arith.maximumf %max3A_451, %get3A_477 : vector<16xf32>
        %get3A_480 = arith.index_cast %add3A_467 : i32 to index
        %get3A_481 = arith.constant 32 : index
        %get3A_482 = tpu.vector_load %arg6[%get3A_480, %get3A_481] {strides = array<i32>} : memref<200x64xf32, #tpu.memory_space<vmem>>, vector<1x16xf32>,
        %get3A_483 = vector.shape_cast %get3A_482 : vector<1x16xf32> to vector<16xf32>
        %add3A_484 = arith.addf %add3A_456, %get3A_483 : vector<16xf32>
        %max3A_485 = arith.maximumf %max3A_457, %get3A_483 : vector<16xf32>
        %get3A_486 = arith.index_cast %add3A_467 : i32 to index
        %get3A_487 = arith.constant 48 : index
        %get3A_488 = tpu.vector_load %arg6[%get3A_486, %get3A_487] {strides = array<i32>} : memref<200x64xf32, #tpu.memory_space<vmem>>, vector<1x16xf32>,
        %get3A_489 = vector.shape_cast %get3A_488 : vector<1x16xf32> to vector<16xf32>
        %add3A_490 = arith.addf %add3A_462, %get3A_489 : vector<16xf32>
        %max3A_491 = arith.maximumf %max3A_463, %get3A_489 : vector<16xf32>
        %mul3A_492 = arith.constant 25 : i32
        %mul3A_493 = arith.muli %scan3A_373, %mul3A_492 : i32
        %add3A_494 = arith.constant 4 : i32
        %add3A_495 = arith.addi %mul3A_493, %add3A_494 : i32
        %get3A_496 = arith.index_cast %add3A_495 : i32 to index
        %get3A_497 = arith.constant 0 : index
        %get3A_498 = tpu.vector_load %arg6[%get3A_496, %get3A_497] {strides = array<i32>} : memref<200x64xf32, #tpu.memory_space<vmem>>, vector<1x16xf32>,
        %get3A_499 = vector.shape_cast %get3A_498 : vector<1x16xf32> to vector<16xf32>
        %add3A_500 = arith.addf %add3A_472, %get3A_499 : vector<16xf32>
        %max3A_501 = arith.maximumf %max3A_473, %get3A_499 : vector<16xf32>
        %get3A_502 = arith.index_cast %add3A_495 : i32 to index
        %get3A_503 = arith.constant 16 : index
        %get3A_504 = tpu.vector_load %arg6[%get3A_502, %get3A_503] {strides = array<i32>} : memref<200x64xf32, #tpu.memory_space<vmem>>, vector<1x16xf32>,
        %get3A_505 = vector.shape_cast %get3A_504 : vector<1x16xf32> to vector<16xf32>
        %add3A_506 = arith.addf %add3A_478, %get3A_505 : vector<16xf32>
        %max3A_507 = arith.maximumf %max3A_479, %get3A_505 : vector<16xf32>
        %get3A_508 = arith.index_cast %add3A_495 : i32 to index
        %get3A_509 = arith.constant 32 : index
        %get3A_510 = tpu.vector_load %arg6[%get3A_508, %get3A_509] {strides = array<i32>} : memref<200x64xf32, #tpu.memory_space<vmem>>, vector<1x16xf32>,
        %get3A_511 = vector.shape_cast %get3A_510 : vector<1x16xf32> to vector<16xf32>
        %add3A_512 = arith.addf %add3A_484, %get3A_511 : vector<16xf32>
        %max3A_513 = arith.maximumf %max3A_485, %get3A_511 : vector<16xf32>
        %get3A_514 = arith.index_cast %add3A_495 : i32 to index
        %get3A_515 = arith.constant 48 : index
        %get3A_516 = tpu.vector_load %arg6[%get3A_514, %get3A_515] {strides = array<i32>} : memref<200x64xf32, #tpu.memory_space<vmem>>, vector<1x16xf32>,
        %get3A_517 = vector.shape_cast %get3A_516 : vector<1x16xf32> to vector<16xf32>
        %add3A_518 = arith.addf %add3A_490, %get3A_517 : vector<16xf32>
        %max3A_519 = arith.maximumf %max3A_491, %get3A_517 : vector<16xf32>
        %mul3A_520 = arith.constant 25 : i32
        %mul3A_521 = arith.muli %scan3A_373, %mul3A_520 : i32
        %add3A_522 = arith.constant 5 : i32
        %add3A_523 = arith.addi %mul3A_521, %add3A_522 : i32
        %get3A_524 = arith.index_cast %add3A_523 : i32 to index
        %get3A_525 = arith.constant 0 : index
        %get3A_526 = tpu.vector_load %arg6[%get3A_524, %get3A_525] {strides = array<i32>} : memref<200x64xf32, #tpu.memory_space<vmem>>, vector<1x16xf32>,
        %get3A_527 = vector.shape_cast %get3A_526 : vector<1x16xf32> to vector<16xf32>
        %add3A_528 = arith.addf %add3A_500, %get3A_527 : vector<16xf32>
        %max3A_529 = arith.maximumf %max3A_501, %get3A_527 : vector<16xf32>
        %get3A_530 = arith.index_cast %add3A_523 : i32 to index
        %get3A_531 = arith.constant 16 : index
        %get3A_532 = tpu.vector_load %arg6[%get3A_530, %get3A_531] {strides = array<i32>} : memref<200x64xf32, #tpu.memory_space<vmem>>, vector<1x16xf32>,
        %get3A_533 = vector.shape_cast %get3A_532 : vector<1x16xf32> to vector<16xf32>
        %add3A_534 = arith.addf %add3A_506, %get3A_533 : vector<16xf32>
        %max3A_535 = arith.maximumf %max3A_507, %get3A_533 : vector<16xf32>
        %get3A_536 = arith.index_cast %add3A_523 : i32 to index
        %get3A_537 = arith.constant 32 : index
        %get3A_538 = tpu.vector_load %arg6[%get3A_536, %get3A_537] {strides = array<i32>} : memref<200x64xf32, #tpu.memory_space<vmem>>, vector<1x16xf32>,
        %get3A_539 = vector.shape_cast %get3A_538 : vector<1x16xf32> to vector<16xf32>
        %add3A_540 = arith.addf %add3A_512, %get3A_539 : vector<16xf32>
        %max3A_541 = arith.maximumf %max3A_513, %get3A_539 : vector<16xf32>
        %get3A_542 = arith.index_cast %add3A_523 : i32 to index
        %get3A_543 = arith.constant 48 : index
        %get3A_544 = tpu.vector_load %arg6[%get3A_542, %get3A_543] {strides = array<i32>} : memref<200x64xf32, #tpu.memory_space<vmem>>, vector<1x16xf32>,
        %get3A_545 = vector.shape_cast %get3A_544 : vector<1x16xf32> to vector<16xf32>
        %add3A_546 = arith.addf %add3A_518, %get3A_545 : vector<16xf32>
        %max3A_547 = arith.maximumf %max3A_519, %get3A_545 : vector<16xf32>
        %mul3A_548 = arith.constant 25 : i32
        %mul3A_549 = arith.muli %scan3A_373, %mul3A_548 : i32
        %add3A_550 = arith.constant 6 : i32
        %add3A_551 = arith.addi %mul3A_549, %add3A_550 : i32
        %get3A_552 = arith.index_cast %add3A_551 : i32 to index
        %get3A_553 = arith.constant 0 : index
        %get3A_554 = tpu.vector_load %arg6[%get3A_552, %get3A_553] {strides = array<i32>} : memref<200x64xf32, #tpu.memory_space<vmem>>, vector<1x16xf32>,
        %get3A_555 = vector.shape_cast %get3A_554 : vector<1x16xf32> to vector<16xf32>
        %add3A_556 = arith.addf %add3A_528, %get3A_555 : vector<16xf32>
        %max3A_557 = arith.maximumf %max3A_529, %get3A_555 : vector<16xf32>
        %get3A_558 = arith.index_cast %add3A_551 : i32 to index
        %get3A_559 = arith.constant 16 : index
        %get3A_560 = tpu.vector_load %arg6[%get3A_558, %get3A_559] {strides = array<i32>} : memref<200x64xf32, #tpu.memory_space<vmem>>, vector<1x16xf32>,
        %get3A_561 = vector.shape_cast %get3A_560 : vector<1x16xf32> to vector<16xf32>
        %add3A_562 = arith.addf %add3A_534, %get3A_561 : vector<16xf32>
        %max3A_563 = arith.maximumf %max3A_535, %get3A_561 : vector<16xf32>
        %get3A_564 = arith.index_cast %add3A_551 : i32 to index
        %get3A_565 = arith.constant 32 : index
        %get3A_566 = tpu.vector_load %arg6[%get3A_564, %get3A_565] {strides = array<i32>} : memref<200x64xf32, #tpu.memory_space<vmem>>, vector<1x16xf32>,
        %get3A_567 = vector.shape_cast %get3A_566 : vector<1x16xf32> to vector<16xf32>
        %add3A_568 = arith.addf %add3A_540, %get3A_567 : vector<16xf32>
        %max3A_569 = arith.maximumf %max3A_541, %get3A_567 : vector<16xf32>
        %get3A_570 = arith.index_cast %add3A_551 : i32 to index
        %get3A_571 = arith.constant 48 : index
        %get3A_572 = tpu.vector_load %arg6[%get3A_570, %get3A_571] {strides = array<i32>} : memref<200x64xf32, #tpu.memory_space<vmem>>, vector<1x16xf32>,
        %get3A_573 = vector.shape_cast %get3A_572 : vector<1x16xf32> to vector<16xf32>
        %add3A_574 = arith.addf %add3A_546, %get3A_573 : vector<16xf32>
        %max3A_575 = arith.maximumf %max3A_547, %get3A_573 : vector<16xf32>
        %mul3A_576 = arith.constant 25 : i32
        %mul3A_577 = arith.muli %scan3A_373, %mul3A_576 : i32
        %add3A_578 = arith.constant 7 : i32
        %add3A_579 = arith.addi %mul3A_577, %add3A_578 : i32
        %get3A_580 = arith.index_cast %add3A_579 : i32 to index
        %get3A_581 = arith.constant 0 : index
        %get3A_582 = tpu.vector_load %arg6[%get3A_580, %get3A_581] {strides = array<i32>} : memref<200x64xf32, #tpu.memory_space<vmem>>, vector<1x16xf32>,
        %get3A_583 = vector.shape_cast %get3A_582 : vector<1x16xf32> to vector<16xf32>
        %add3A_584 = arith.addf %add3A_556, %get3A_583 : vector<16xf32>
        %max3A_585 = arith.maximumf %max3A_557, %get3A_583 : vector<16xf32>
        %get3A_586 = arith.index_cast %add3A_579 : i32 to index
        %get3A_587 = arith.constant 16 : index
        %get3A_588 = tpu.vector_load %arg6[%get3A_586, %get3A_587] {strides = array<i32>} : memref<200x64xf32, #tpu.memory_space<vmem>>, vector<1x16xf32>,
        %get3A_589 = vector.shape_cast %get3A_588 : vector<1x16xf32> to vector<16xf32>
        %add3A_590 = arith.addf %add3A_562, %get3A_589 : vector<16xf32>
        %max3A_591 = arith.maximumf %max3A_563, %get3A_589 : vector<16xf32>
        %get3A_592 = arith.index_cast %add3A_579 : i32 to index
        %get3A_593 = arith.constant 32 : index
        %get3A_594 = tpu.vector_load %arg6[%get3A_592, %get3A_593] {strides = array<i32>} : memref<200x64xf32, #tpu.memory_space<vmem>>, vector<1x16xf32>,
        %get3A_595 = vector.shape_cast %get3A_594 : vector<1x16xf32> to vector<16xf32>
        %add3A_596 = arith.addf %add3A_568, %get3A_595 : vector<16xf32>
        %max3A_597 = arith.maximumf %max3A_569, %get3A_595 : vector<16xf32>
        %get3A_598 = arith.index_cast %add3A_579 : i32 to index
        %get3A_599 = arith.constant 48 : index
        %get3A_600 = tpu.vector_load %arg6[%get3A_598, %get3A_599] {strides = array<i32>} : memref<200x64xf32, #tpu.memory_space<vmem>>, vector<1x16xf32>,
        %get3A_601 = vector.shape_cast %get3A_600 : vector<1x16xf32> to vector<16xf32>
        %add3A_602 = arith.addf %add3A_574, %get3A_601 : vector<16xf32>
        %max3A_603 = arith.maximumf %max3A_575, %get3A_601 : vector<16xf32>
        %mul3A_604 = arith.constant 25 : i32
        %mul3A_605 = arith.muli %scan3A_373, %mul3A_604 : i32
        %add3A_606 = arith.constant 8 : i32
        %add3A_607 = arith.addi %mul3A_605, %add3A_606 : i32
        %get3A_608 = arith.index_cast %add3A_607 : i32 to index
        %get3A_609 = arith.constant 0 : index
        %get3A_610 = tpu.vector_load %arg6[%get3A_608, %get3A_609] {strides = array<i32>} : memref<200x64xf32, #tpu.memory_space<vmem>>, vector<1x16xf32>,
        %get3A_611 = vector.shape_cast %get3A_610 : vector<1x16xf32> to vector<16xf32>
        %add3A_612 = arith.addf %add3A_584, %get3A_611 : vector<16xf32>
        %max3A_613 = arith.maximumf %max3A_585, %get3A_611 : vector<16xf32>
        %get3A_614 = arith.index_cast %add3A_607 : i32 to index
        %get3A_615 = arith.constant 16 : index
        %get3A_616 = tpu.vector_load %arg6[%get3A_614, %get3A_615] {strides = array<i32>} : memref<200x64xf32, #tpu.memory_space<vmem>>, vector<1x16xf32>,
        %get3A_617 = vector.shape_cast %get3A_616 : vector<1x16xf32> to vector<16xf32>
        %add3A_618 = arith.addf %add3A_590, %get3A_617 : vector<16xf32>
        %max3A_619 = arith.maximumf %max3A_591, %get3A_617 : vector<16xf32>
        %get3A_620 = arith.index_cast %add3A_607 : i32 to index
        %get3A_621 = arith.constant 32 : index
        %get3A_622 = tpu.vector_load %arg6[%get3A_620, %get3A_621] {strides = array<i32>} : memref<200x64xf32, #tpu.memory_space<vmem>>, vector<1x16xf32>,
        %get3A_623 = vector.shape_cast %get3A_622 : vector<1x16xf32> to vector<16xf32>
        %add3A_624 = arith.addf %add3A_596, %get3A_623 : vector<16xf32>
        %max3A_625 = arith.maximumf %max3A_597, %get3A_623 : vector<16xf32>
        %get3A_626 = arith.index_cast %add3A_607 : i32 to index
        %get3A_627 = arith.constant 48 : index
        %get3A_628 = tpu.vector_load %arg6[%get3A_626, %get3A_627] {strides = array<i32>} : memref<200x64xf32, #tpu.memory_space<vmem>>, vector<1x16xf32>,
        %get3A_629 = vector.shape_cast %get3A_628 : vector<1x16xf32> to vector<16xf32>
        %add3A_630 = arith.addf %add3A_602, %get3A_629 : vector<16xf32>
        %max3A_631 = arith.maximumf %max3A_603, %get3A_629 : vector<16xf32>
        %mul3A_632 = arith.constant 25 : i32
        %mul3A_633 = arith.muli %scan3A_373, %mul3A_632 : i32
        %add3A_634 = arith.constant 9 : i32
        %add3A_635 = arith.addi %mul3A_633, %add3A_634 : i32
        %get3A_636 = arith.index_cast %add3A_635 : i32 to index
        %get3A_637 = arith.constant 0 : index
        %get3A_638 = tpu.vector_load %arg6[%get3A_636, %get3A_637] {strides = array<i32>} : memref<200x64xf32, #tpu.memory_space<vmem>>, vector<1x16xf32>,
        %get3A_639 = vector.shape_cast %get3A_638 : vector<1x16xf32> to vector<16xf32>
        %add3A_640 = arith.addf %add3A_612, %get3A_639 : vector<16xf32>
        %max3A_641 = arith.maximumf %max3A_613, %get3A_639 : vector<16xf32>
        %get3A_642 = arith.index_cast %add3A_635 : i32 to index
        %get3A_643 = arith.constant 16 : index
        %get3A_644 = tpu.vector_load %arg6[%get3A_642, %get3A_643] {strides = array<i32>} : memref<200x64xf32, #tpu.memory_space<vmem>>, vector<1x16xf32>,
        %get3A_645 = vector.shape_cast %get3A_644 : vector<1x16xf32> to vector<16xf32>
        %add3A_646 = arith.addf %add3A_618, %get3A_645 : vector<16xf32>
        %max3A_647 = arith.maximumf %max3A_619, %get3A_645 : vector<16xf32>
        %get3A_648 = arith.index_cast %add3A_635 : i32 to index
        %get3A_649 = arith.constant 32 : index
        %get3A_650 = tpu.vector_load %arg6[%get3A_648, %get3A_649] {strides = array<i32>} : memref<200x64xf32, #tpu.memory_space<vmem>>, vector<1x16xf32>,
        %get3A_651 = vector.shape_cast %get3A_650 : vector<1x16xf32> to vector<16xf32>
        %add3A_652 = arith.addf %add3A_624, %get3A_651 : vector<16xf32>
        %max3A_653 = arith.maximumf %max3A_625, %get3A_651 : vector<16xf32>
        %get3A_654 = arith.index_cast %add3A_635 : i32 to index
        %get3A_655 = arith.constant 48 : index
        %get3A_656 = tpu.vector_load %arg6[%get3A_654, %get3A_655] {strides = array<i32>} : memref<200x64xf32, #tpu.memory_space<vmem>>, vector<1x16xf32>,
        %get3A_657 = vector.shape_cast %get3A_656 : vector<1x16xf32> to vector<16xf32>
        %add3A_658 = arith.addf %add3A_630, %get3A_657 : vector<16xf32>
        %max3A_659 = arith.maximumf %max3A_631, %get3A_657 : vector<16xf32>
        %mul3A_660 = arith.constant 25 : i32
        %mul3A_661 = arith.muli %scan3A_373, %mul3A_660 : i32
        %add3A_662 = arith.constant 10 : i32
        %add3A_663 = arith.addi %mul3A_661, %add3A_662 : i32
        %get3A_664 = arith.index_cast %add3A_663 : i32 to index
        %get3A_665 = arith.constant 0 : index
        %get3A_666 = tpu.vector_load %arg6[%get3A_664, %get3A_665] {strides = array<i32>} : memref<200x64xf32, #tpu.memory_space<vmem>>, vector<1x16xf32>,
        %get3A_667 = vector.shape_cast %get3A_666 : vector<1x16xf32> to vector<16xf32>
        %add3A_668 = arith.addf %add3A_640, %get3A_667 : vector<16xf32>
        %max3A_669 = arith.maximumf %max3A_641, %get3A_667 : vector<16xf32>
        %get3A_670 = arith.index_cast %add3A_663 : i32 to index
        %get3A_671 = arith.constant 16 : index
        %get3A_672 = tpu.vector_load %arg6[%get3A_670, %get3A_671] {strides = array<i32>} : memref<200x64xf32, #tpu.memory_space<vmem>>, vector<1x16xf32>,
        %get3A_673 = vector.shape_cast %get3A_672 : vector<1x16xf32> to vector<16xf32>
        %add3A_674 = arith.addf %add3A_646, %get3A_673 : vector<16xf32>
        %max3A_675 = arith.maximumf %max3A_647, %get3A_673 : vector<16xf32>
        %get3A_676 = arith.index_cast %add3A_663 : i32 to index
        %get3A_677 = arith.constant 32 : index
        %get3A_678 = tpu.vector_load %arg6[%get3A_676, %get3A_677] {strides = array<i32>} : memref<200x64xf32, #tpu.memory_space<vmem>>, vector<1x16xf32>,
        %get3A_679 = vector.shape_cast %get3A_678 : vector<1x16xf32> to vector<16xf32>
        %add3A_680 = arith.addf %add3A_652, %get3A_679 : vector<16xf32>
        %max3A_681 = arith.maximumf %max3A_653, %get3A_679 : vector<16xf32>
        %get3A_682 = arith.index_cast %add3A_663 : i32 to index
        %get3A_683 = arith.constant 48 : index
        %get3A_684 = tpu.vector_load %arg6[%get3A_682, %get3A_683] {strides = array<i32>} : memref<200x64xf32, #tpu.memory_space<vmem>>, vector<1x16xf32>,
        %get3A_685 = vector.shape_cast %get3A_684 : vector<1x16xf32> to vector<16xf32>
        %add3A_686 = arith.addf %add3A_658, %get3A_685 : vector<16xf32>
        %max3A_687 = arith.maximumf %max3A_659, %get3A_685 : vector<16xf32>
        %mul3A_688 = arith.constant 25 : i32
        %mul3A_689 = arith.muli %scan3A_373, %mul3A_688 : i32
        %add3A_690 = arith.constant 11 : i32
        %add3A_691 = arith.addi %mul3A_689, %add3A_690 : i32
        %get3A_692 = arith.index_cast %add3A_691 : i32 to index
        %get3A_693 = arith.constant 0 : index
        %get3A_694 = tpu.vector_load %arg6[%get3A_692, %get3A_693] {strides = array<i32>} : memref<200x64xf32, #tpu.memory_space<vmem>>, vector<1x16xf32>,
        %get3A_695 = vector.shape_cast %get3A_694 : vector<1x16xf32> to vector<16xf32>
        %add3A_696 = arith.addf %add3A_668, %get3A_695 : vector<16xf32>
        %max3A_697 = arith.maximumf %max3A_669, %get3A_695 : vector<16xf32>
        %get3A_698 = arith.index_cast %add3A_691 : i32 to index
        %get3A_699 = arith.constant 16 : index
        %get3A_700 = tpu.vector_load %arg6[%get3A_698, %get3A_699] {strides = array<i32>} : memref<200x64xf32, #tpu.memory_space<vmem>>, vector<1x16xf32>,
        %get3A_701 = vector.shape_cast %get3A_700 : vector<1x16xf32> to vector<16xf32>
        %add3A_702 = arith.addf %add3A_674, %get3A_701 : vector<16xf32>
        %max3A_703 = arith.maximumf %max3A_675, %get3A_701 : vector<16xf32>
        %get3A_704 = arith.index_cast %add3A_691 : i32 to index
        %get3A_705 = arith.constant 32 : index
        %get3A_706 = tpu.vector_load %arg6[%get3A_704, %get3A_705] {strides = array<i32>} : memref<200x64xf32, #tpu.memory_space<vmem>>, vector<1x16xf32>,
        %get3A_707 = vector.shape_cast %get3A_706 : vector<1x16xf32> to vector<16xf32>
        %add3A_708 = arith.addf %add3A_680, %get3A_707 : vector<16xf32>
        %max3A_709 = arith.maximumf %max3A_681, %get3A_707 : vector<16xf32>
        %get3A_710 = arith.index_cast %add3A_691 : i32 to index
        %get3A_711 = arith.constant 48 : index
        %get3A_712 = tpu.vector_load %arg6[%get3A_710, %get3A_711] {strides = array<i32>} : memref<200x64xf32, #tpu.memory_space<vmem>>, vector<1x16xf32>,
        %get3A_713 = vector.shape_cast %get3A_712 : vector<1x16xf32> to vector<16xf32>
        %add3A_714 = arith.addf %add3A_686, %get3A_713 : vector<16xf32>
        %max3A_715 = arith.maximumf %max3A_687, %get3A_713 : vector<16xf32>
        %mul3A_716 = arith.constant 25 : i32
        %mul3A_717 = arith.muli %scan3A_373, %mul3A_716 : i32
        %add3A_718 = arith.constant 12 : i32
        %add3A_719 = arith.addi %mul3A_717, %add3A_718 : i32
        %get3A_720 = arith.index_cast %add3A_719 : i32 to index
        %get3A_721 = arith.constant 0 : index
        %get3A_722 = tpu.vector_load %arg6[%get3A_720, %get3A_721] {strides = array<i32>} : memref<200x64xf32, #tpu.memory_space<vmem>>, vector<1x16xf32>,
        %get3A_723 = vector.shape_cast %get3A_722 : vector<1x16xf32> to vector<16xf32>
        %add3A_724 = arith.addf %add3A_696, %get3A_723 : vector<16xf32>
        %max3A_725 = arith.maximumf %max3A_697, %get3A_723 : vector<16xf32>
        %get3A_726 = arith.index_cast %add3A_719 : i32 to index
        %get3A_727 = arith.constant 16 : index
        %get3A_728 = tpu.vector_load %arg6[%get3A_726, %get3A_727] {strides = array<i32>} : memref<200x64xf32, #tpu.memory_space<vmem>>, vector<1x16xf32>,
        %get3A_729 = vector.shape_cast %get3A_728 : vector<1x16xf32> to vector<16xf32>
        %add3A_730 = arith.addf %add3A_702, %get3A_729 : vector<16xf32>
        %max3A_731 = arith.maximumf %max3A_703, %get3A_729 : vector<16xf32>
        %get3A_732 = arith.index_cast %add3A_719 : i32 to index
        %get3A_733 = arith.constant 32 : index
        %get3A_734 = tpu.vector_load %arg6[%get3A_732, %get3A_733] {strides = array<i32>} : memref<200x64xf32, #tpu.memory_space<vmem>>, vector<1x16xf32>,
        %get3A_735 = vector.shape_cast %get3A_734 : vector<1x16xf32> to vector<16xf32>
        %add3A_736 = arith.addf %add3A_708, %get3A_735 : vector<16xf32>
        %max3A_737 = arith.maximumf %max3A_709, %get3A_735 : vector<16xf32>
        %get3A_738 = arith.index_cast %add3A_719 : i32 to index
        %get3A_739 = arith.constant 48 : index
        %get3A_740 = tpu.vector_load %arg6[%get3A_738, %get3A_739] {strides = array<i32>} : memref<200x64xf32, #tpu.memory_space<vmem>>, vector<1x16xf32>,
        %get3A_741 = vector.shape_cast %get3A_740 : vector<1x16xf32> to vector<16xf32>
        %add3A_742 = arith.addf %add3A_714, %get3A_741 : vector<16xf32>
        %max3A_743 = arith.maximumf %max3A_715, %get3A_741 : vector<16xf32>
        %mul3A_744 = arith.constant 25 : i32
        %mul3A_745 = arith.muli %scan3A_373, %mul3A_744 : i32
        %add3A_746 = arith.constant 13 : i32
        %add3A_747 = arith.addi %mul3A_745, %add3A_746 : i32
        %get3A_748 = arith.index_cast %add3A_747 : i32 to index
        %get3A_749 = arith.constant 0 : index
        %get3A_750 = tpu.vector_load %arg6[%get3A_748, %get3A_749] {strides = array<i32>} : memref<200x64xf32, #tpu.memory_space<vmem>>, vector<1x16xf32>,
        %get3A_751 = vector.shape_cast %get3A_750 : vector<1x16xf32> to vector<16xf32>
        %add3A_752 = arith.addf %add3A_724, %get3A_751 : vector<16xf32>
        %max3A_753 = arith.maximumf %max3A_725, %get3A_751 : vector<16xf32>
        %get3A_754 = arith.index_cast %add3A_747 : i32 to index
        %get3A_755 = arith.constant 16 : index
        %get3A_756 = tpu.vector_load %arg6[%get3A_754, %get3A_755] {strides = array<i32>} : memref<200x64xf32, #tpu.memory_space<vmem>>, vector<1x16xf32>,
        %get3A_757 = vector.shape_cast %get3A_756 : vector<1x16xf32> to vector<16xf32>
        %add3A_758 = arith.addf %add3A_730, %get3A_757 : vector<16xf32>
        %max3A_759 = arith.maximumf %max3A_731, %get3A_757 : vector<16xf32>
        %get3A_760 = arith.index_cast %add3A_747 : i32 to index
        %get3A_761 = arith.constant 32 : index
        %get3A_762 = tpu.vector_load %arg6[%get3A_760, %get3A_761] {strides = array<i32>} : memref<200x64xf32, #tpu.memory_space<vmem>>, vector<1x16xf32>,
        %get3A_763 = vector.shape_cast %get3A_762 : vector<1x16xf32> to vector<16xf32>
        %add3A_764 = arith.addf %add3A_736, %get3A_763 : vector<16xf32>
        %max3A_765 = arith.maximumf %max3A_737, %get3A_763 : vector<16xf32>
        %get3A_766 = arith.index_cast %add3A_747 : i32 to index
        %get3A_767 = arith.constant 48 : index
        %get3A_768 = tpu.vector_load %arg6[%get3A_766, %get3A_767] {strides = array<i32>} : memref<200x64xf32, #tpu.memory_space<vmem>>, vector<1x16xf32>,
        %get3A_769 = vector.shape_cast %get3A_768 : vector<1x16xf32> to vector<16xf32>
        %add3A_770 = arith.addf %add3A_742, %get3A_769 : vector<16xf32>
        %max3A_771 = arith.maximumf %max3A_743, %get3A_769 : vector<16xf32>
        %mul3A_772 = arith.constant 25 : i32
        %mul3A_773 = arith.muli %scan3A_373, %mul3A_772 : i32
        %add3A_774 = arith.constant 14 : i32
        %add3A_775 = arith.addi %mul3A_773, %add3A_774 : i32
        %get3A_776 = arith.index_cast %add3A_775 : i32 to index
        %get3A_777 = arith.constant 0 : index
        %get3A_778 = tpu.vector_load %arg6[%get3A_776, %get3A_777] {strides = array<i32>} : memref<200x64xf32, #tpu.memory_space<vmem>>, vector<1x16xf32>,
        %get3A_779 = vector.shape_cast %get3A_778 : vector<1x16xf32> to vector<16xf32>
        %add3A_780 = arith.addf %add3A_752, %get3A_779 : vector<16xf32>
        %max3A_781 = arith.maximumf %max3A_753, %get3A_779 : vector<16xf32>
        %get3A_782 = arith.index_cast %add3A_775 : i32 to index
        %get3A_783 = arith.constant 16 : index
        %get3A_784 = tpu.vector_load %arg6[%get3A_782, %get3A_783] {strides = array<i32>} : memref<200x64xf32, #tpu.memory_space<vmem>>, vector<1x16xf32>,
        %get3A_785 = vector.shape_cast %get3A_784 : vector<1x16xf32> to vector<16xf32>
        %add3A_786 = arith.addf %add3A_758, %get3A_785 : vector<16xf32>
        %max3A_787 = arith.maximumf %max3A_759, %get3A_785 : vector<16xf32>
        %get3A_788 = arith.index_cast %add3A_775 : i32 to index
        %get3A_789 = arith.constant 32 : index
        %get3A_790 = tpu.vector_load %arg6[%get3A_788, %get3A_789] {strides = array<i32>} : memref<200x64xf32, #tpu.memory_space<vmem>>, vector<1x16xf32>,
        %get3A_791 = vector.shape_cast %get3A_790 : vector<1x16xf32> to vector<16xf32>
        %add3A_792 = arith.addf %add3A_764, %get3A_791 : vector<16xf32>
        %max3A_793 = arith.maximumf %max3A_765, %get3A_791 : vector<16xf32>
        %get3A_794 = arith.index_cast %add3A_775 : i32 to index
        %get3A_795 = arith.constant 48 : index
        %get3A_796 = tpu.vector_load %arg6[%get3A_794, %get3A_795] {strides = array<i32>} : memref<200x64xf32, #tpu.memory_space<vmem>>, vector<1x16xf32>,
        %get3A_797 = vector.shape_cast %get3A_796 : vector<1x16xf32> to vector<16xf32>
        %add3A_798 = arith.addf %add3A_770, %get3A_797 : vector<16xf32>
        %max3A_799 = arith.maximumf %max3A_771, %get3A_797 : vector<16xf32>
        %mul3A_800 = arith.constant 25 : i32
        %mul3A_801 = arith.muli %scan3A_373, %mul3A_800 : i32
        %add3A_802 = arith.constant 15 : i32
        %add3A_803 = arith.addi %mul3A_801, %add3A_802 : i32
        %get3A_804 = arith.index_cast %add3A_803 : i32 to index
        %get3A_805 = arith.constant 0 : index
        %get3A_806 = tpu.vector_load %arg6[%get3A_804, %get3A_805] {strides = array<i32>} : memref<200x64xf32, #tpu.memory_space<vmem>>, vector<1x16xf32>,
        %get3A_807 = vector.shape_cast %get3A_806 : vector<1x16xf32> to vector<16xf32>
        %add3A_808 = arith.addf %add3A_780, %get3A_807 : vector<16xf32>
        %max3A_809 = arith.maximumf %max3A_781, %get3A_807 : vector<16xf32>
        %get3A_810 = arith.index_cast %add3A_803 : i32 to index
        %get3A_811 = arith.constant 16 : index
        %get3A_812 = tpu.vector_load %arg6[%get3A_810, %get3A_811] {strides = array<i32>} : memref<200x64xf32, #tpu.memory_space<vmem>>, vector<1x16xf32>,
        %get3A_813 = vector.shape_cast %get3A_812 : vector<1x16xf32> to vector<16xf32>
        %add3A_814 = arith.addf %add3A_786, %get3A_813 : vector<16xf32>
        %max3A_815 = arith.maximumf %max3A_787, %get3A_813 : vector<16xf32>
        %get3A_816 = arith.index_cast %add3A_803 : i32 to index
        %get3A_817 = arith.constant 32 : index
        %get3A_818 = tpu.vector_load %arg6[%get3A_816, %get3A_817] {strides = array<i32>} : memref<200x64xf32, #tpu.memory_space<vmem>>, vector<1x16xf32>,
        %get3A_819 = vector.shape_cast %get3A_818 : vector<1x16xf32> to vector<16xf32>
        %add3A_820 = arith.addf %add3A_792, %get3A_819 : vector<16xf32>
        %max3A_821 = arith.maximumf %max3A_793, %get3A_819 : vector<16xf32>
        %get3A_822 = arith.index_cast %add3A_803 : i32 to index
        %get3A_823 = arith.constant 48 : index
        %get3A_824 = tpu.vector_load %arg6[%get3A_822, %get3A_823] {strides = array<i32>} : memref<200x64xf32, #tpu.memory_space<vmem>>, vector<1x16xf32>,
        %get3A_825 = vector.shape_cast %get3A_824 : vector<1x16xf32> to vector<16xf32>
        %add3A_826 = arith.addf %add3A_798, %get3A_825 : vector<16xf32>
        %max3A_827 = arith.maximumf %max3A_799, %get3A_825 : vector<16xf32>
        %mul3A_828 = arith.constant 25 : i32
        %mul3A_829 = arith.muli %scan3A_373, %mul3A_828 : i32
        %add3A_830 = arith.constant 16 : i32
        %add3A_831 = arith.addi %mul3A_829, %add3A_830 : i32
        %get3A_832 = arith.index_cast %add3A_831 : i32 to index
        %get3A_833 = arith.constant 0 : index
        %get3A_834 = tpu.vector_load %arg6[%get3A_832, %get3A_833] {strides = array<i32>} : memref<200x64xf32, #tpu.memory_space<vmem>>, vector<1x16xf32>,
        %get3A_835 = vector.shape_cast %get3A_834 : vector<1x16xf32> to vector<16xf32>
        %add3A_836 = arith.addf %add3A_808, %get3A_835 : vector<16xf32>
        %max3A_837 = arith.maximumf %max3A_809, %get3A_835 : vector<16xf32>
        %get3A_838 = arith.index_cast %add3A_831 : i32 to index
        %get3A_839 = arith.constant 16 : index
        %get3A_840 = tpu.vector_load %arg6[%get3A_838, %get3A_839] {strides = array<i32>} : memref<200x64xf32, #tpu.memory_space<vmem>>, vector<1x16xf32>,
        %get3A_841 = vector.shape_cast %get3A_840 : vector<1x16xf32> to vector<16xf32>
        %add3A_842 = arith.addf %add3A_814, %get3A_841 : vector<16xf32>
        %max3A_843 = arith.maximumf %max3A_815, %get3A_841 : vector<16xf32>
        %get3A_844 = arith.index_cast %add3A_831 : i32 to index
        %get3A_845 = arith.constant 32 : index
        %get3A_846 = tpu.vector_load %arg6[%get3A_844, %get3A_845] {strides = array<i32>} : memref<200x64xf32, #tpu.memory_space<vmem>>, vector<1x16xf32>,
        %get3A_847 = vector.shape_cast %get3A_846 : vector<1x16xf32> to vector<16xf32>
        %add3A_848 = arith.addf %add3A_820, %get3A_847 : vector<16xf32>
        %max3A_849 = arith.maximumf %max3A_821, %get3A_847 : vector<16xf32>
        %get3A_850 = arith.index_cast %add3A_831 : i32 to index
        %get3A_851 = arith.constant 48 : index
        %get3A_852 = tpu.vector_load %arg6[%get3A_850, %get3A_851] {strides = array<i32>} : memref<200x64xf32, #tpu.memory_space<vmem>>, vector<1x16xf32>,
        %get3A_853 = vector.shape_cast %get3A_852 : vector<1x16xf32> to vector<16xf32>
        %add3A_854 = arith.addf %add3A_826, %get3A_853 : vector<16xf32>
        %max3A_855 = arith.maximumf %max3A_827, %get3A_853 : vector<16xf32>
        %mul3A_856 = arith.constant 25 : i32
        %mul3A_857 = arith.muli %scan3A_373, %mul3A_856 : i32
        %add3A_858 = arith.constant 17 : i32
        %add3A_859 = arith.addi %mul3A_857, %add3A_858 : i32
        %get3A_860 = arith.index_cast %add3A_859 : i32 to index
        %get3A_861 = arith.constant 0 : index
        %get3A_862 = tpu.vector_load %arg6[%get3A_860, %get3A_861] {strides = array<i32>} : memref<200x64xf32, #tpu.memory_space<vmem>>, vector<1x16xf32>,
        %get3A_863 = vector.shape_cast %get3A_862 : vector<1x16xf32> to vector<16xf32>
        %add3A_864 = arith.addf %add3A_836, %get3A_863 : vector<16xf32>
        %max3A_865 = arith.maximumf %max3A_837, %get3A_863 : vector<16xf32>
        %get3A_866 = arith.index_cast %add3A_859 : i32 to index
        %get3A_867 = arith.constant 16 : index
        %get3A_868 = tpu.vector_load %arg6[%get3A_866, %get3A_867] {strides = array<i32>} : memref<200x64xf32, #tpu.memory_space<vmem>>, vector<1x16xf32>,
        %get3A_869 = vector.shape_cast %get3A_868 : vector<1x16xf32> to vector<16xf32>
        %add3A_870 = arith.addf %add3A_842, %get3A_869 : vector<16xf32>
        %max3A_871 = arith.maximumf %max3A_843, %get3A_869 : vector<16xf32>
        %get3A_872 = arith.index_cast %add3A_859 : i32 to index
        %get3A_873 = arith.constant 32 : index
        %get3A_874 = tpu.vector_load %arg6[%get3A_872, %get3A_873] {strides = array<i32>} : memref<200x64xf32, #tpu.memory_space<vmem>>, vector<1x16xf32>,
        %get3A_875 = vector.shape_cast %get3A_874 : vector<1x16xf32> to vector<16xf32>
        %add3A_876 = arith.addf %add3A_848, %get3A_875 : vector<16xf32>
        %max3A_877 = arith.maximumf %max3A_849, %get3A_875 : vector<16xf32>
        %get3A_878 = arith.index_cast %add3A_859 : i32 to index
        %get3A_879 = arith.constant 48 : index
        %get3A_880 = tpu.vector_load %arg6[%get3A_878, %get3A_879] {strides = array<i32>} : memref<200x64xf32, #tpu.memory_space<vmem>>, vector<1x16xf32>,
        %get3A_881 = vector.shape_cast %get3A_880 : vector<1x16xf32> to vector<16xf32>
        %add3A_882 = arith.addf %add3A_854, %get3A_881 : vector<16xf32>
        %max3A_883 = arith.maximumf %max3A_855, %get3A_881 : vector<16xf32>
        %mul3A_884 = arith.constant 25 : i32
        %mul3A_885 = arith.muli %scan3A_373, %mul3A_884 : i32
        %add3A_886 = arith.constant 18 : i32
        %add3A_887 = arith.addi %mul3A_885, %add3A_886 : i32
        %get3A_888 = arith.index_cast %add3A_887 : i32 to index
        %get3A_889 = arith.constant 0 : index
        %get3A_890 = tpu.vector_load %arg6[%get3A_888, %get3A_889] {strides = array<i32>} : memref<200x64xf32, #tpu.memory_space<vmem>>, vector<1x16xf32>,
        %get3A_891 = vector.shape_cast %get3A_890 : vector<1x16xf32> to vector<16xf32>
        %add3A_892 = arith.addf %add3A_864, %get3A_891 : vector<16xf32>
        %max3A_893 = arith.maximumf %max3A_865, %get3A_891 : vector<16xf32>
        %get3A_894 = arith.index_cast %add3A_887 : i32 to index
        %get3A_895 = arith.constant 16 : index
        %get3A_896 = tpu.vector_load %arg6[%get3A_894, %get3A_895] {strides = array<i32>} : memref<200x64xf32, #tpu.memory_space<vmem>>, vector<1x16xf32>,
        %get3A_897 = vector.shape_cast %get3A_896 : vector<1x16xf32> to vector<16xf32>
        %add3A_898 = arith.addf %add3A_870, %get3A_897 : vector<16xf32>
        %max3A_899 = arith.maximumf %max3A_871, %get3A_897 : vector<16xf32>
        %get3A_900 = arith.index_cast %add3A_887 : i32 to index
        %get3A_901 = arith.constant 32 : index
        %get3A_902 = tpu.vector_load %arg6[%get3A_900, %get3A_901] {strides = array<i32>} : memref<200x64xf32, #tpu.memory_space<vmem>>, vector<1x16xf32>,
        %get3A_903 = vector.shape_cast %get3A_902 : vector<1x16xf32> to vector<16xf32>
        %add3A_904 = arith.addf %add3A_876, %get3A_903 : vector<16xf32>
        %max3A_905 = arith.maximumf %max3A_877, %get3A_903 : vector<16xf32>
        %get3A_906 = arith.index_cast %add3A_887 : i32 to index
        %get3A_907 = arith.constant 48 : index
        %get3A_908 = tpu.vector_load %arg6[%get3A_906, %get3A_907] {strides = array<i32>} : memref<200x64xf32, #tpu.memory_space<vmem>>, vector<1x16xf32>,
        %get3A_909 = vector.shape_cast %get3A_908 : vector<1x16xf32> to vector<16xf32>
        %add3A_910 = arith.addf %add3A_882, %get3A_909 : vector<16xf32>
        %max3A_911 = arith.maximumf %max3A_883, %get3A_909 : vector<16xf32>
        %mul3A_912 = arith.constant 25 : i32
        %mul3A_913 = arith.muli %scan3A_373, %mul3A_912 : i32
        %add3A_914 = arith.constant 19 : i32
        %add3A_915 = arith.addi %mul3A_913, %add3A_914 : i32
        %get3A_916 = arith.index_cast %add3A_915 : i32 to index
        %get3A_917 = arith.constant 0 : index
        %get3A_918 = tpu.vector_load %arg6[%get3A_916, %get3A_917] {strides = array<i32>} : memref<200x64xf32, #tpu.memory_space<vmem>>, vector<1x16xf32>,
        %get3A_919 = vector.shape_cast %get3A_918 : vector<1x16xf32> to vector<16xf32>
        %add3A_920 = arith.addf %add3A_892, %get3A_919 : vector<16xf32>
        %max3A_921 = arith.maximumf %max3A_893, %get3A_919 : vector<16xf32>
        %get3A_922 = arith.index_cast %add3A_915 : i32 to index
        %get3A_923 = arith.constant 16 : index
        %get3A_924 = tpu.vector_load %arg6[%get3A_922, %get3A_923] {strides = array<i32>} : memref<200x64xf32, #tpu.memory_space<vmem>>, vector<1x16xf32>,
        %get3A_925 = vector.shape_cast %get3A_924 : vector<1x16xf32> to vector<16xf32>
        %add3A_926 = arith.addf %add3A_898, %get3A_925 : vector<16xf32>
        %max3A_927 = arith.maximumf %max3A_899, %get3A_925 : vector<16xf32>
        %get3A_928 = arith.index_cast %add3A_915 : i32 to index
        %get3A_929 = arith.constant 32 : index
        %get3A_930 = tpu.vector_load %arg6[%get3A_928, %get3A_929] {strides = array<i32>} : memref<200x64xf32, #tpu.memory_space<vmem>>, vector<1x16xf32>,
        %get3A_931 = vector.shape_cast %get3A_930 : vector<1x16xf32> to vector<16xf32>
        %add3A_932 = arith.addf %add3A_904, %get3A_931 : vector<16xf32>
        %max3A_933 = arith.maximumf %max3A_905, %get3A_931 : vector<16xf32>
        %get3A_934 = arith.index_cast %add3A_915 : i32 to index
        %get3A_935 = arith.constant 48 : index
        %get3A_936 = tpu.vector_load %arg6[%get3A_934, %get3A_935] {strides = array<i32>} : memref<200x64xf32, #tpu.memory_space<vmem>>, vector<1x16xf32>,
        %get3A_937 = vector.shape_cast %get3A_936 : vector<1x16xf32> to vector<16xf32>
        %add3A_938 = arith.addf %add3A_910, %get3A_937 : vector<16xf32>
        %max3A_939 = arith.maximumf %max3A_911, %get3A_937 : vector<16xf32>
        %mul3A_940 = arith.constant 25 : i32
        %mul3A_941 = arith.muli %scan3A_373, %mul3A_940 : i32
        %add3A_942 = arith.constant 20 : i32
        %add3A_943 = arith.addi %mul3A_941, %add3A_942 : i32
        %get3A_944 = arith.index_cast %add3A_943 : i32 to index
        %get3A_945 = arith.constant 0 : index
        %get3A_946 = tpu.vector_load %arg6[%get3A_944, %get3A_945] {strides = array<i32>} : memref<200x64xf32, #tpu.memory_space<vmem>>, vector<1x16xf32>,
        %get3A_947 = vector.shape_cast %get3A_946 : vector<1x16xf32> to vector<16xf32>
        %add3A_948 = arith.addf %add3A_920, %get3A_947 : vector<16xf32>
        %max3A_949 = arith.maximumf %max3A_921, %get3A_947 : vector<16xf32>
        %get3A_950 = arith.index_cast %add3A_943 : i32 to index
        %get3A_951 = arith.constant 16 : index
        %get3A_952 = tpu.vector_load %arg6[%get3A_950, %get3A_951] {strides = array<i32>} : memref<200x64xf32, #tpu.memory_space<vmem>>, vector<1x16xf32>,
        %get3A_953 = vector.shape_cast %get3A_952 : vector<1x16xf32> to vector<16xf32>
        %add3A_954 = arith.addf %add3A_926, %get3A_953 : vector<16xf32>
        %max3A_955 = arith.maximumf %max3A_927, %get3A_953 : vector<16xf32>
        %get3A_956 = arith.index_cast %add3A_943 : i32 to index
        %get3A_957 = arith.constant 32 : index
        %get3A_958 = tpu.vector_load %arg6[%get3A_956, %get3A_957] {strides = array<i32>} : memref<200x64xf32, #tpu.memory_space<vmem>>, vector<1x16xf32>,
        %get3A_959 = vector.shape_cast %get3A_958 : vector<1x16xf32> to vector<16xf32>
        %add3A_960 = arith.addf %add3A_932, %get3A_959 : vector<16xf32>
        %max3A_961 = arith.maximumf %max3A_933, %get3A_959 : vector<16xf32>
        %get3A_962 = arith.index_cast %add3A_943 : i32 to index
        %get3A_963 = arith.constant 48 : index
        %get3A_964 = tpu.vector_load %arg6[%get3A_962, %get3A_963] {strides = array<i32>} : memref<200x64xf32, #tpu.memory_space<vmem>>, vector<1x16xf32>,
        %get3A_965 = vector.shape_cast %get3A_964 : vector<1x16xf32> to vector<16xf32>
        %add3A_966 = arith.addf %add3A_938, %get3A_965 : vector<16xf32>
        %max3A_967 = arith.maximumf %max3A_939, %get3A_965 : vector<16xf32>
        %mul3A_968 = arith.constant 25 : i32
        %mul3A_969 = arith.muli %scan3A_373, %mul3A_968 : i32
        %add3A_970 = arith.constant 21 : i32
        %add3A_971 = arith.addi %mul3A_969, %add3A_970 : i32
        %get3A_972 = arith.index_cast %add3A_971 : i32 to index
        %get3A_973 = arith.constant 0 : index
        %get3A_974 = tpu.vector_load %arg6[%get3A_972, %get3A_973] {strides = array<i32>} : memref<200x64xf32, #tpu.memory_space<vmem>>, vector<1x16xf32>,
        %get3A_975 = vector.shape_cast %get3A_974 : vector<1x16xf32> to vector<16xf32>
        %add3A_976 = arith.addf %add3A_948, %get3A_975 : vector<16xf32>
        %max3A_977 = arith.maximumf %max3A_949, %get3A_975 : vector<16xf32>
        %get3A_978 = arith.index_cast %add3A_971 : i32 to index
        %get3A_979 = arith.constant 16 : index
        %get3A_980 = tpu.vector_load %arg6[%get3A_978, %get3A_979] {strides = array<i32>} : memref<200x64xf32, #tpu.memory_space<vmem>>, vector<1x16xf32>,
        %get3A_981 = vector.shape_cast %get3A_980 : vector<1x16xf32> to vector<16xf32>
        %add3A_982 = arith.addf %add3A_954, %get3A_981 : vector<16xf32>
        %max3A_983 = arith.maximumf %max3A_955, %get3A_981 : vector<16xf32>
        %get3A_984 = arith.index_cast %add3A_971 : i32 to index
        %get3A_985 = arith.constant 32 : index
        %get3A_986 = tpu.vector_load %arg6[%get3A_984, %get3A_985] {strides = array<i32>} : memref<200x64xf32, #tpu.memory_space<vmem>>, vector<1x16xf32>,
        %get3A_987 = vector.shape_cast %get3A_986 : vector<1x16xf32> to vector<16xf32>
        %add3A_988 = arith.addf %add3A_960, %get3A_987 : vector<16xf32>
        %max3A_989 = arith.maximumf %max3A_961, %get3A_987 : vector<16xf32>
        %get3A_990 = arith.index_cast %add3A_971 : i32 to index
        %get3A_991 = arith.constant 48 : index
        %get3A_992 = tpu.vector_load %arg6[%get3A_990, %get3A_991] {strides = array<i32>} : memref<200x64xf32, #tpu.memory_space<vmem>>, vector<1x16xf32>,
        %get3A_993 = vector.shape_cast %get3A_992 : vector<1x16xf32> to vector<16xf32>
        %add3A_994 = arith.addf %add3A_966, %get3A_993 : vector<16xf32>
        %max3A_995 = arith.maximumf %max3A_967, %get3A_993 : vector<16xf32>
        %mul3A_996 = arith.constant 25 : i32
        %mul3A_997 = arith.muli %scan3A_373, %mul3A_996 : i32
        %add3A_998 = arith.constant 22 : i32
        %add3A_999 = arith.addi %mul3A_997, %add3A_998 : i32
        %get3A_1000 = arith.index_cast %add3A_999 : i32 to index
        %get3A_1001 = arith.constant 0 : index
        %get3A_1002 = tpu.vector_load %arg6[%get3A_1000, %get3A_1001] {strides = array<i32>} : memref<200x64xf32, #tpu.memory_space<vmem>>, vector<1x16xf32>,
        %get3A_1003 = vector.shape_cast %get3A_1002 : vector<1x16xf32> to vector<16xf32>
        %add3A_1004 = arith.addf %add3A_976, %get3A_1003 : vector<16xf32>
        %max3A_1005 = arith.maximumf %max3A_977, %get3A_1003 : vector<16xf32>
        %get3A_1006 = arith.index_cast %add3A_999 : i32 to index
        %get3A_1007 = arith.constant 16 : index
        %get3A_1008 = tpu.vector_load %arg6[%get3A_1006, %get3A_1007] {strides = array<i32>} : memref<200x64xf32, #tpu.memory_space<vmem>>, vector<1x16xf32>,
        %get3A_1009 = vector.shape_cast %get3A_1008 : vector<1x16xf32> to vector<16xf32>
        %add3A_1010 = arith.addf %add3A_982, %get3A_1009 : vector<16xf32>
        %max3A_1011 = arith.maximumf %max3A_983, %get3A_1009 : vector<16xf32>
        %get3A_1012 = arith.index_cast %add3A_999 : i32 to index
        %get3A_1013 = arith.constant 32 : index
        %get3A_1014 = tpu.vector_load %arg6[%get3A_1012, %get3A_1013] {strides = array<i32>} : memref<200x64xf32, #tpu.memory_space<vmem>>, vector<1x16xf32>,
        %get3A_1015 = vector.shape_cast %get3A_1014 : vector<1x16xf32> to vector<16xf32>
        %add3A_1016 = arith.addf %add3A_988, %get3A_1015 : vector<16xf32>
        %max3A_1017 = arith.maximumf %max3A_989, %get3A_1015 : vector<16xf32>
        %get3A_1018 = arith.index_cast %add3A_999 : i32 to index
        %get3A_1019 = arith.constant 48 : index
        %get3A_1020 = tpu.vector_load %arg6[%get3A_1018, %get3A_1019] {strides = array<i32>} : memref<200x64xf32, #tpu.memory_space<vmem>>, vector<1x16xf32>,
        %get3A_1021 = vector.shape_cast %get3A_1020 : vector<1x16xf32> to vector<16xf32>
        %add3A_1022 = arith.addf %add3A_994, %get3A_1021 : vector<16xf32>
        %max3A_1023 = arith.maximumf %max3A_995, %get3A_1021 : vector<16xf32>
        %mul3A_1024 = arith.constant 25 : i32
        %mul3A_1025 = arith.muli %scan3A_373, %mul3A_1024 : i32
        %add3A_1026 = arith.constant 23 : i32
        %add3A_1027 = arith.addi %mul3A_1025, %add3A_1026 : i32
        %get3A_1028 = arith.index_cast %add3A_1027 : i32 to index
        %get3A_1029 = arith.constant 0 : index
        %get3A_1030 = tpu.vector_load %arg6[%get3A_1028, %get3A_1029] {strides = array<i32>} : memref<200x64xf32, #tpu.memory_space<vmem>>, vector<1x16xf32>,
        %get3A_1031 = vector.shape_cast %get3A_1030 : vector<1x16xf32> to vector<16xf32>
        %add3A_1032 = arith.addf %add3A_1004, %get3A_1031 : vector<16xf32>
        %max3A_1033 = arith.maximumf %max3A_1005, %get3A_1031 : vector<16xf32>
        %get3A_1034 = arith.index_cast %add3A_1027 : i32 to index
        %get3A_1035 = arith.constant 16 : index
        %get3A_1036 = tpu.vector_load %arg6[%get3A_1034, %get3A_1035] {strides = array<i32>} : memref<200x64xf32, #tpu.memory_space<vmem>>, vector<1x16xf32>,
        %get3A_1037 = vector.shape_cast %get3A_1036 : vector<1x16xf32> to vector<16xf32>
        %add3A_1038 = arith.addf %add3A_1010, %get3A_1037 : vector<16xf32>
        %max3A_1039 = arith.maximumf %max3A_1011, %get3A_1037 : vector<16xf32>
        %get3A_1040 = arith.index_cast %add3A_1027 : i32 to index
        %get3A_1041 = arith.constant 32 : index
        %get3A_1042 = tpu.vector_load %arg6[%get3A_1040, %get3A_1041] {strides = array<i32>} : memref<200x64xf32, #tpu.memory_space<vmem>>, vector<1x16xf32>,
        %get3A_1043 = vector.shape_cast %get3A_1042 : vector<1x16xf32> to vector<16xf32>
        %add3A_1044 = arith.addf %add3A_1016, %get3A_1043 : vector<16xf32>
        %max3A_1045 = arith.maximumf %max3A_1017, %get3A_1043 : vector<16xf32>
        %get3A_1046 = arith.index_cast %add3A_1027 : i32 to index
        %get3A_1047 = arith.constant 48 : index
        %get3A_1048 = tpu.vector_load %arg6[%get3A_1046, %get3A_1047] {strides = array<i32>} : memref<200x64xf32, #tpu.memory_space<vmem>>, vector<1x16xf32>,
        %get3A_1049 = vector.shape_cast %get3A_1048 : vector<1x16xf32> to vector<16xf32>
        %add3A_1050 = arith.addf %add3A_1022, %get3A_1049 : vector<16xf32>
        %max3A_1051 = arith.maximumf %max3A_1023, %get3A_1049 : vector<16xf32>
        %mul3A_1052 = arith.constant 25 : i32
        %mul3A_1053 = arith.muli %scan3A_373, %mul3A_1052 : i32
        %add3A_1054 = arith.constant 24 : i32
        %add3A_1055 = arith.addi %mul3A_1053, %add3A_1054 : i32
        %get3A_1056 = arith.index_cast %add3A_1055 : i32 to index
        %get3A_1057 = arith.constant 0 : index
        %get3A_1058 = tpu.vector_load %arg6[%get3A_1056, %get3A_1057] {strides = array<i32>} : memref<200x64xf32, #tpu.memory_space<vmem>>, vector<1x16xf32>,
        %get3A_1059 = vector.shape_cast %get3A_1058 : vector<1x16xf32> to vector<16xf32>
        %add3A_1060 = arith.addf %add3A_1032, %get3A_1059 : vector<16xf32>
        %max3A_1061 = arith.maximumf %max3A_1033, %get3A_1059 : vector<16xf32>
        %get3A_1062 = arith.index_cast %add3A_1055 : i32 to index
        %get3A_1063 = arith.constant 16 : index
        %get3A_1064 = tpu.vector_load %arg6[%get3A_1062, %get3A_1063] {strides = array<i32>} : memref<200x64xf32, #tpu.memory_space<vmem>>, vector<1x16xf32>,
        %get3A_1065 = vector.shape_cast %get3A_1064 : vector<1x16xf32> to vector<16xf32>
        %add3A_1066 = arith.addf %add3A_1038, %get3A_1065 : vector<16xf32>
        %max3A_1067 = arith.maximumf %max3A_1039, %get3A_1065 : vector<16xf32>
        %get3A_1068 = arith.index_cast %add3A_1055 : i32 to index
        %get3A_1069 = arith.constant 32 : index
        %get3A_1070 = tpu.vector_load %arg6[%get3A_1068, %get3A_1069] {strides = array<i32>} : memref<200x64xf32, #tpu.memory_space<vmem>>, vector<1x16xf32>,
        %get3A_1071 = vector.shape_cast %get3A_1070 : vector<1x16xf32> to vector<16xf32>
        %add3A_1072 = arith.addf %add3A_1044, %get3A_1071 : vector<16xf32>
        %max3A_1073 = arith.maximumf %max3A_1045, %get3A_1071 : vector<16xf32>
        %get3A_1074 = arith.index_cast %add3A_1055 : i32 to index
        %get3A_1075 = arith.constant 48 : index
        %get3A_1076 = tpu.vector_load %arg6[%get3A_1074, %get3A_1075] {strides = array<i32>} : memref<200x64xf32, #tpu.memory_space<vmem>>, vector<1x16xf32>,
        %get3A_1077 = vector.shape_cast %get3A_1076 : vector<1x16xf32> to vector<16xf32>
        %add3A_1078 = arith.addf %add3A_1050, %get3A_1077 : vector<16xf32>
        %max3A_1079 = arith.maximumf %max3A_1051, %get3A_1077 : vector<16xf32>
        scf.yield %add3A_1060, %add3A_1066, %add3A_1072, %add3A_1078, %max3A_1061, %max3A_1067, %max3A_1073, %max3A_1079 : vector<16xf32>, vector<16xf32>, vector<16xf32>, vector<16xf32>, vector<16xf32>, vector<16xf32>, vector<16xf32>, vector<16xf32>
      }
      %scan3A_103 = arith.constant 8 : i32
      %swap3A = arith.index_cast %add3A_79 : i32 to index
      %swap3A_104 = arith.constant 0 : index
      %swap3A_105 = tpu.vector_load %arg10[%swap3A, %swap3A_104] {strides = array<i32>} : memref<128x128xf32, #tpu.memory_space<vmem>>, vector<1x16xf32>,
      %swap3A_106 = vector.shape_cast %swap3A_105 : vector<1x16xf32> to vector<16xf32>
      %swap3A_107 = vector.shape_cast %scan3A_102#0 : vector<16xf32> to vector<1x16xf32>
      tpu.vector_store %arg10[%swap3A, %swap3A_104], %swap3A_107 {strides = array<i32>} : memref<128x128xf32, #tpu.memory_space<vmem>>, vector<1x16xf32>,
      %swap3A_108 = arith.index_cast %add3A_79 : i32 to index
      %swap3A_109 = arith.constant 64 : index
      %swap3A_110 = tpu.vector_load %arg10[%swap3A_108, %swap3A_109] {strides = array<i32>} : memref<128x128xf32, #tpu.memory_space<vmem>>, vector<1x16xf32>,
      %swap3A_111 = vector.shape_cast %swap3A_110 : vector<1x16xf32> to vector<16xf32>
      %swap3A_112 = vector.shape_cast %scan3A_102#4 : vector<16xf32> to vector<1x16xf32>
      tpu.vector_store %arg10[%swap3A_108, %swap3A_109], %swap3A_112 {strides = array<i32>} : memref<128x128xf32, #tpu.memory_space<vmem>>, vector<1x16xf32>,
      %swap3A_113 = arith.index_cast %add3A_79 : i32 to index
      %swap3A_114 = arith.constant 16 : index
      %swap3A_115 = tpu.vector_load %arg10[%swap3A_113, %swap3A_114] {strides = array<i32>} : memref<128x128xf32, #tpu.memory_space<vmem>>, vector<1x16xf32>,
      %swap3A_116 = vector.shape_cast %swap3A_115 : vector<1x16xf32> to vector<16xf32>
      %swap3A_117 = vector.shape_cast %scan3A_102#1 : vector<16xf32> to vector<1x16xf32>
      tpu.vector_store %arg10[%swap3A_113, %swap3A_114], %swap3A_117 {strides = array<i32>} : memref<128x128xf32, #tpu.memory_space<vmem>>, vector<1x16xf32>,
      %swap3A_118 = arith.index_cast %add3A_79 : i32 to index
      %swap3A_119 = arith.constant 80 : index
      %swap3A_120 = tpu.vector_load %arg10[%swap3A_118, %swap3A_119] {strides = array<i32>} : memref<128x128xf32, #tpu.memory_space<vmem>>, vector<1x16xf32>,
      %swap3A_121 = vector.shape_cast %swap3A_120 : vector<1x16xf32> to vector<16xf32>
      %swap3A_122 = vector.shape_cast %scan3A_102#5 : vector<16xf32> to vector<1x16xf32>
      tpu.vector_store %arg10[%swap3A_118, %swap3A_119], %swap3A_122 {strides = array<i32>} : memref<128x128xf32, #tpu.memory_space<vmem>>, vector<1x16xf32>,
      %swap3A_123 = arith.index_cast %add3A_79 : i32 to index
      %swap3A_124 = arith.constant 32 : index
      %swap3A_125 = tpu.vector_load %arg10[%swap3A_123, %swap3A_124] {strides = array<i32>} : memref<128x128xf32, #tpu.memory_space<vmem>>, vector<1x16xf32>,
      %swap3A_126 = vector.shape_cast %swap3A_125 : vector<1x16xf32> to vector<16xf32>
      %swap3A_127 = vector.shape_cast %scan3A_102#2 : vector<16xf32> to vector<1x16xf32>
      tpu.vector_store %arg10[%swap3A_123, %swap3A_124], %swap3A_127 {strides = array<i32>} : memref<128x128xf32, #tpu.memory_space<vmem>>, vector<1x16xf32>,
      %swap3A_128 = arith.index_cast %add3A_79 : i32 to index
      %swap3A_129 = arith.constant 96 : index
      %swap3A_130 = tpu.vector_load %arg10[%swap3A_128, %swap3A_129] {strides = array<i32>} : memref<128x128xf32, #tpu.memory_space<vmem>>, vector<1x16xf32>,
      %swap3A_131 = vector.shape_cast %swap3A_130 : vector<1x16xf32> to vector<16xf32>
      %swap3A_132 = vector.shape_cast %scan3A_102#6 : vector<16xf32> to vector<1x16xf32>
      tpu.vector_store %arg10[%swap3A_128, %swap3A_129], %swap3A_132 {strides = array<i32>} : memref<128x128xf32, #tpu.memory_space<vmem>>, vector<1x16xf32>,
      %swap3A_133 = arith.index_cast %add3A_79 : i32 to index
      %swap3A_134 = arith.constant 48 : index
      %swap3A_135 = tpu.vector_load %arg10[%swap3A_133, %swap3A_134] {strides = array<i32>} : memref<128x128xf32, #tpu.memory_space<vmem>>, vector<1x16xf32>,
      %swap3A_136 = vector.shape_cast %swap3A_135 : vector<1x16xf32> to vector<16xf32>
      %swap3A_137 = vector.shape_cast %scan3A_102#3 : vector<16xf32> to vector<1x16xf32>
      tpu.vector_store %arg10[%swap3A_133, %swap3A_134], %swap3A_137 {strides = array<i32>} : memref<128x128xf32, #tpu.memory_space<vmem>>, vector<1x16xf32>,
      %swap3A_138 = arith.index_cast %add3A_79 : i32 to index
      %swap3A_139 = arith.constant 112 : index
      %swap3A_140 = tpu.vector_load %arg10[%swap3A_138, %swap3A_139] {strides = array<i32>} : memref<128x128xf32, #tpu.memory_space<vmem>>, vector<1x16xf32>,
      %swap3A_141 = vector.shape_cast %swap3A_140 : vector<1x16xf32> to vector<16xf32>
      %swap3A_142 = vector.shape_cast %scan3A_102#7 : vector<16xf32> to vector<1x16xf32>
      tpu.vector_store %arg10[%swap3A_138, %swap3A_139], %swap3A_142 {strides = array<i32>} : memref<128x128xf32, #tpu.memory_space<vmem>>, vector<1x16xf32>,
      %add3A_143 = arith.constant 4 : i32
      %add3A_144 = arith.addi %add3A_79, %add3A_143 : i32
      %lt3A = arith.constant 128 : i32
      %lt3A_145 = arith.cmpi slt, %add3A_144, %lt3A : i32
      %convert_element_type3A = arith.extui %lt3A_145 : i1 to i32
      %cond3A = arith.constant 0 : i32
      %cond3A_146 = arith.cmpi ne, %convert_element_type3A, %cond3A : i32
      scf.if %cond3A_146 {
        %add3A_373 = arith.constant 4 : i32
        %add3A_374 = arith.addi %add3A_79, %add3A_373 : i32
        %mul3A_375 = arith.constant 200 : i32
        %mul3A_376 = arith.muli %add3A_374, %mul3A_375 : i32
        %dma_start3A_377 = arith.constant 0 : i32
        %dma_start3A_378 = arith.constant 0 : i32
        %dma_start3A_379 = tpu.memref_slice %arg6[%dma_start3A_377, %dma_start3A_378] : memref<200x64xf32, #tpu.memory_space<vmem>> -> memref<128x64xf32, #tpu.memory_space<vmem>>
        %dma_start3A_380 = tpu.memref_slice %arg5[%mul3A_376] : memref<25600xi32, #tpu.memory_space<vmem>> -> memref<128xi32, #tpu.memory_space<vmem>>
        %dma_start3A_381 = arith.constant 0 : i32
        %dma_start3A_382 = arith.constant 0 : i32
        %dma_start3A_383 = tpu.memref_slice %arg3[%dma_start3A_381, %dma_start3A_382] : memref<100000x64xf32, #tpu.memory_space<hbm>> -> memref<100000x64xf32, #tpu.memory_space<hbm>>
        tpu.enqueue_indirect_dma source(%dma_start3A_383 : memref<100000x64xf32, #tpu.memory_space<hbm>>) target(%dma_start3A_379 : memref<128x64xf32, #tpu.memory_space<vmem>>) offsets(%dma_start3A_380 : memref<128xi32, #tpu.memory_space<vmem>>) semaphore(%arg11 : memref<!tpu.dma_semaphore, #tpu.memory_space<semaphore_mem>>)
        %mul3A_384 = arith.constant 200 : i32
        %mul3A_385 = arith.muli %add3A_374, %mul3A_384 : i32
        %add3A_386 = arith.constant 128 : i32
        %add3A_387 = arith.addi %mul3A_385, %add3A_386 : i32
        %dma_start3A_388 = arith.constant 128 : i32
        %dma_start3A_389 = arith.constant 0 : i32
        %dma_start3A_390 = tpu.memref_slice %arg6[%dma_start3A_388, %dma_start3A_389] : memref<200x64xf32, #tpu.memory_space<vmem>> -> memref<72x64xf32, #tpu.memory_space<vmem>>
        %dma_start3A_391 = tpu.memref_slice %arg5[%add3A_387] : memref<25600xi32, #tpu.memory_space<vmem>> -> memref<72xi32, #tpu.memory_space<vmem>>
        %dma_start3A_392 = arith.constant 0 : i32
        %dma_start3A_393 = arith.constant 0 : i32
        %dma_start3A_394 = tpu.memref_slice %arg3[%dma_start3A_392, %dma_start3A_393] : memref<100000x64xf32, #tpu.memory_space<hbm>> -> memref<100000x64xf32, #tpu.memory_space<hbm>>
        tpu.enqueue_indirect_dma source(%dma_start3A_394 : memref<100000x64xf32, #tpu.memory_space<hbm>>) target(%dma_start3A_390 : memref<72x64xf32, #tpu.memory_space<vmem>>) offsets(%dma_start3A_391 : memref<72xi32, #tpu.memory_space<vmem>>) semaphore(%arg11 : memref<!tpu.dma_semaphore, #tpu.memory_space<semaphore_mem>>)
      } else {
      }
      %add3A_147 = arith.constant 1 : i32
      %add3A_148 = arith.addi %mul3A_77, %add3A_147 : i32
      %dma_wait3A_149 = arith.constant 0 : i32
      %dma_wait3A_150 = arith.constant 0 : i32
      %dma_wait3A_151 = tpu.memref_slice %arg7[%dma_wait3A_149, %dma_wait3A_150] : memref<200x64xf32, #tpu.memory_space<vmem>> -> memref<128x64xf32, #tpu.memory_space<vmem>>
      %dma_wait3A_152 = arith.constant 0 : i32
      %dma_wait3A_153 = tpu.memref_slice %arg5[%dma_wait3A_152] : memref<25600xi32, #tpu.memory_space<vmem>> -> memref<128xi32, #tpu.memory_space<vmem>>
      %dma_wait3A_154 = arith.constant 0 : i32
      %dma_wait3A_155 = arith.constant 0 : i32
      %dma_wait3A_156 = tpu.memref_slice %arg3[%dma_wait3A_154, %dma_wait3A_155] : memref<100000x64xf32, #tpu.memory_space<hbm>> -> memref<100000x64xf32, #tpu.memory_space<hbm>>
      tpu.wait_indirect_dma semaphore(%arg12 : memref<!tpu.dma_semaphore, #tpu.memory_space<semaphore_mem>>) src(%dma_wait3A_156 : memref<100000x64xf32, #tpu.memory_space<hbm>>) dst(%dma_wait3A_151 : memref<128x64xf32, #tpu.memory_space<vmem>>)
      %dma_wait3A_157 = arith.constant 128 : i32
      %dma_wait3A_158 = arith.constant 0 : i32
      %dma_wait3A_159 = tpu.memref_slice %arg7[%dma_wait3A_157, %dma_wait3A_158] : memref<200x64xf32, #tpu.memory_space<vmem>> -> memref<72x64xf32, #tpu.memory_space<vmem>>
      %dma_wait3A_160 = arith.constant 0 : i32
      %dma_wait3A_161 = tpu.memref_slice %arg5[%dma_wait3A_160] : memref<25600xi32, #tpu.memory_space<vmem>> -> memref<72xi32, #tpu.memory_space<vmem>>
      %dma_wait3A_162 = arith.constant 0 : i32
      %dma_wait3A_163 = arith.constant 0 : i32
      %dma_wait3A_164 = tpu.memref_slice %arg3[%dma_wait3A_162, %dma_wait3A_163] : memref<100000x64xf32, #tpu.memory_space<hbm>> -> memref<100000x64xf32, #tpu.memory_space<hbm>>
      tpu.wait_indirect_dma semaphore(%arg12 : memref<!tpu.dma_semaphore, #tpu.memory_space<semaphore_mem>>) src(%dma_wait3A_164 : memref<100000x64xf32, #tpu.memory_space<hbm>>) dst(%dma_wait3A_159 : memref<72x64xf32, #tpu.memory_space<vmem>>)
      %broadcast_in_dim3A_165 = arith.constant 0.000000e+00 : f32
      %broadcast_in_dim3A_166 = vector.broadcast %broadcast_in_dim3A_165 : f32 to vector<16xf32>
      %broadcast_in_dim3A_167 = arith.constant 0xFF800000 : f32
      %broadcast_in_dim3A_168 = vector.broadcast %broadcast_in_dim3A_167 : f32 to vector<16xf32>
      %scan3A_169 = arith.constant 0 : i32
      %scan3A_170 = arith.constant 8 : i32
      %scan3A_171 = arith.addi %scan3A_169, %scan3A_170 : i32
      %scan3A_172 = arith.constant 1 : i32
      %scan3A_173:8 = scf.for %scan3A_373 = %scan3A_169 to %scan3A_171 step %scan3A_172 iter_args(%scan3A_374 = %broadcast_in_dim3A_166, %scan3A_375 = %broadcast_in_dim3A_166, %scan3A_376 = %broadcast_in_dim3A_166, %scan3A_377 = %broadcast_in_dim3A_166, %scan3A_378 = %broadcast_in_dim3A_168, %scan3A_379 = %broadcast_in_dim3A_168, %scan3A_380 = %broadcast_in_dim3A_168, %scan3A_381 = %broadcast_in_dim3A_168) -> (vector<16xf32>, vector<16xf32>, vector<16xf32>, vector<16xf32>, vector<16xf32>, vector<16xf32>, vector<16xf32>, vector<16xf32>)  : i32 {
        %mul3A_382 = arith.constant 25 : i32
        %mul3A_383 = arith.muli %scan3A_373, %mul3A_382 : i32
        %add3A_384 = arith.constant 0 : i32
        %add3A_385 = arith.addi %mul3A_383, %add3A_384 : i32
        %get3A = arith.index_cast %add3A_385 : i32 to index
        %get3A_386 = arith.constant 0 : index
        %get3A_387 = tpu.vector_load %arg7[%get3A, %get3A_386] {strides = array<i32>} : memref<200x64xf32, #tpu.memory_space<vmem>>, vector<1x16xf32>,
        %get3A_388 = vector.shape_cast %get3A_387 : vector<1x16xf32> to vector<16xf32>
        %add3A_389 = arith.addf %scan3A_374, %get3A_388 : vector<16xf32>
        %max3A = arith.maximumf %scan3A_378, %get3A_388 : vector<16xf32>
        %get3A_390 = arith.index_cast %add3A_385 : i32 to index
        %get3A_391 = arith.constant 16 : index
        %get3A_392 = tpu.vector_load %arg7[%get3A_390, %get3A_391] {strides = array<i32>} : memref<200x64xf32, #tpu.memory_space<vmem>>, vector<1x16xf32>,
        %get3A_393 = vector.shape_cast %get3A_392 : vector<1x16xf32> to vector<16xf32>
        %add3A_394 = arith.addf %scan3A_375, %get3A_393 : vector<16xf32>
        %max3A_395 = arith.maximumf %scan3A_379, %get3A_393 : vector<16xf32>
        %get3A_396 = arith.index_cast %add3A_385 : i32 to index
        %get3A_397 = arith.constant 32 : index
        %get3A_398 = tpu.vector_load %arg7[%get3A_396, %get3A_397] {strides = array<i32>} : memref<200x64xf32, #tpu.memory_space<vmem>>, vector<1x16xf32>,
        %get3A_399 = vector.shape_cast %get3A_398 : vector<1x16xf32> to vector<16xf32>
        %add3A_400 = arith.addf %scan3A_376, %get3A_399 : vector<16xf32>
        %max3A_401 = arith.maximumf %scan3A_380, %get3A_399 : vector<16xf32>
        %get3A_402 = arith.index_cast %add3A_385 : i32 to index
        %get3A_403 = arith.constant 48 : index
        %get3A_404 = tpu.vector_load %arg7[%get3A_402, %get3A_403] {strides = array<i32>} : memref<200x64xf32, #tpu.memory_space<vmem>>, vector<1x16xf32>,
        %get3A_405 = vector.shape_cast %get3A_404 : vector<1x16xf32> to vector<16xf32>
        %add3A_406 = arith.addf %scan3A_377, %get3A_405 : vector<16xf32>
        %max3A_407 = arith.maximumf %scan3A_381, %get3A_405 : vector<16xf32>
        %mul3A_408 = arith.constant 25 : i32
        %mul3A_409 = arith.muli %scan3A_373, %mul3A_408 : i32
        %add3A_410 = arith.constant 1 : i32
        %add3A_411 = arith.addi %mul3A_409, %add3A_410 : i32
        %get3A_412 = arith.index_cast %add3A_411 : i32 to index
        %get3A_413 = arith.constant 0 : index
        %get3A_414 = tpu.vector_load %arg7[%get3A_412, %get3A_413] {strides = array<i32>} : memref<200x64xf32, #tpu.memory_space<vmem>>, vector<1x16xf32>,
        %get3A_415 = vector.shape_cast %get3A_414 : vector<1x16xf32> to vector<16xf32>
        %add3A_416 = arith.addf %add3A_389, %get3A_415 : vector<16xf32>
        %max3A_417 = arith.maximumf %max3A, %get3A_415 : vector<16xf32>
        %get3A_418 = arith.index_cast %add3A_411 : i32 to index
        %get3A_419 = arith.constant 16 : index
        %get3A_420 = tpu.vector_load %arg7[%get3A_418, %get3A_419] {strides = array<i32>} : memref<200x64xf32, #tpu.memory_space<vmem>>, vector<1x16xf32>,
        %get3A_421 = vector.shape_cast %get3A_420 : vector<1x16xf32> to vector<16xf32>
        %add3A_422 = arith.addf %add3A_394, %get3A_421 : vector<16xf32>
        %max3A_423 = arith.maximumf %max3A_395, %get3A_421 : vector<16xf32>
        %get3A_424 = arith.index_cast %add3A_411 : i32 to index
        %get3A_425 = arith.constant 32 : index
        %get3A_426 = tpu.vector_load %arg7[%get3A_424, %get3A_425] {strides = array<i32>} : memref<200x64xf32, #tpu.memory_space<vmem>>, vector<1x16xf32>,
        %get3A_427 = vector.shape_cast %get3A_426 : vector<1x16xf32> to vector<16xf32>
        %add3A_428 = arith.addf %add3A_400, %get3A_427 : vector<16xf32>
        %max3A_429 = arith.maximumf %max3A_401, %get3A_427 : vector<16xf32>
        %get3A_430 = arith.index_cast %add3A_411 : i32 to index
        %get3A_431 = arith.constant 48 : index
        %get3A_432 = tpu.vector_load %arg7[%get3A_430, %get3A_431] {strides = array<i32>} : memref<200x64xf32, #tpu.memory_space<vmem>>, vector<1x16xf32>,
        %get3A_433 = vector.shape_cast %get3A_432 : vector<1x16xf32> to vector<16xf32>
        %add3A_434 = arith.addf %add3A_406, %get3A_433 : vector<16xf32>
        %max3A_435 = arith.maximumf %max3A_407, %get3A_433 : vector<16xf32>
        %mul3A_436 = arith.constant 25 : i32
        %mul3A_437 = arith.muli %scan3A_373, %mul3A_436 : i32
        %add3A_438 = arith.constant 2 : i32
        %add3A_439 = arith.addi %mul3A_437, %add3A_438 : i32
        %get3A_440 = arith.index_cast %add3A_439 : i32 to index
        %get3A_441 = arith.constant 0 : index
        %get3A_442 = tpu.vector_load %arg7[%get3A_440, %get3A_441] {strides = array<i32>} : memref<200x64xf32, #tpu.memory_space<vmem>>, vector<1x16xf32>,
        %get3A_443 = vector.shape_cast %get3A_442 : vector<1x16xf32> to vector<16xf32>
        %add3A_444 = arith.addf %add3A_416, %get3A_443 : vector<16xf32>
        %max3A_445 = arith.maximumf %max3A_417, %get3A_443 : vector<16xf32>
        %get3A_446 = arith.index_cast %add3A_439 : i32 to index
        %get3A_447 = arith.constant 16 : index
        %get3A_448 = tpu.vector_load %arg7[%get3A_446, %get3A_447] {strides = array<i32>} : memref<200x64xf32, #tpu.memory_space<vmem>>, vector<1x16xf32>,
        %get3A_449 = vector.shape_cast %get3A_448 : vector<1x16xf32> to vector<16xf32>
        %add3A_450 = arith.addf %add3A_422, %get3A_449 : vector<16xf32>
        %max3A_451 = arith.maximumf %max3A_423, %get3A_449 : vector<16xf32>
        %get3A_452 = arith.index_cast %add3A_439 : i32 to index
        %get3A_453 = arith.constant 32 : index
        %get3A_454 = tpu.vector_load %arg7[%get3A_452, %get3A_453] {strides = array<i32>} : memref<200x64xf32, #tpu.memory_space<vmem>>, vector<1x16xf32>,
        %get3A_455 = vector.shape_cast %get3A_454 : vector<1x16xf32> to vector<16xf32>
        %add3A_456 = arith.addf %add3A_428, %get3A_455 : vector<16xf32>
        %max3A_457 = arith.maximumf %max3A_429, %get3A_455 : vector<16xf32>
        %get3A_458 = arith.index_cast %add3A_439 : i32 to index
        %get3A_459 = arith.constant 48 : index
        %get3A_460 = tpu.vector_load %arg7[%get3A_458, %get3A_459] {strides = array<i32>} : memref<200x64xf32, #tpu.memory_space<vmem>>, vector<1x16xf32>,
        %get3A_461 = vector.shape_cast %get3A_460 : vector<1x16xf32> to vector<16xf32>
        %add3A_462 = arith.addf %add3A_434, %get3A_461 : vector<16xf32>
        %max3A_463 = arith.maximumf %max3A_435, %get3A_461 : vector<16xf32>
        %mul3A_464 = arith.constant 25 : i32
        %mul3A_465 = arith.muli %scan3A_373, %mul3A_464 : i32
        %add3A_466 = arith.constant 3 : i32
        %add3A_467 = arith.addi %mul3A_465, %add3A_466 : i32
        %get3A_468 = arith.index_cast %add3A_467 : i32 to index
        %get3A_469 = arith.constant 0 : index
        %get3A_470 = tpu.vector_load %arg7[%get3A_468, %get3A_469] {strides = array<i32>} : memref<200x64xf32, #tpu.memory_space<vmem>>, vector<1x16xf32>,
        %get3A_471 = vector.shape_cast %get3A_470 : vector<1x16xf32> to vector<16xf32>
        %add3A_472 = arith.addf %add3A_444, %get3A_471 : vector<16xf32>
        %max3A_473 = arith.maximumf %max3A_445, %get3A_471 : vector<16xf32>
        %get3A_474 = arith.index_cast %add3A_467 : i32 to index
        %get3A_475 = arith.constant 16 : index
        %get3A_476 = tpu.vector_load %arg7[%get3A_474, %get3A_475] {strides = array<i32>} : memref<200x64xf32, #tpu.memory_space<vmem>>, vector<1x16xf32>,
        %get3A_477 = vector.shape_cast %get3A_476 : vector<1x16xf32> to vector<16xf32>
        %add3A_478 = arith.addf %add3A_450, %get3A_477 : vector<16xf32>
        %max3A_479 = arith.maximumf %max3A_451, %get3A_477 : vector<16xf32>
        %get3A_480 = arith.index_cast %add3A_467 : i32 to index
        %get3A_481 = arith.constant 32 : index
        %get3A_482 = tpu.vector_load %arg7[%get3A_480, %get3A_481] {strides = array<i32>} : memref<200x64xf32, #tpu.memory_space<vmem>>, vector<1x16xf32>,
        %get3A_483 = vector.shape_cast %get3A_482 : vector<1x16xf32> to vector<16xf32>
        %add3A_484 = arith.addf %add3A_456, %get3A_483 : vector<16xf32>
        %max3A_485 = arith.maximumf %max3A_457, %get3A_483 : vector<16xf32>
        %get3A_486 = arith.index_cast %add3A_467 : i32 to index
        %get3A_487 = arith.constant 48 : index
        %get3A_488 = tpu.vector_load %arg7[%get3A_486, %get3A_487] {strides = array<i32>} : memref<200x64xf32, #tpu.memory_space<vmem>>, vector<1x16xf32>,
        %get3A_489 = vector.shape_cast %get3A_488 : vector<1x16xf32> to vector<16xf32>
        %add3A_490 = arith.addf %add3A_462, %get3A_489 : vector<16xf32>
        %max3A_491 = arith.maximumf %max3A_463, %get3A_489 : vector<16xf32>
        %mul3A_492 = arith.constant 25 : i32
        %mul3A_493 = arith.muli %scan3A_373, %mul3A_492 : i32
        %add3A_494 = arith.constant 4 : i32
        %add3A_495 = arith.addi %mul3A_493, %add3A_494 : i32
        %get3A_496 = arith.index_cast %add3A_495 : i32 to index
        %get3A_497 = arith.constant 0 : index
        %get3A_498 = tpu.vector_load %arg7[%get3A_496, %get3A_497] {strides = array<i32>} : memref<200x64xf32, #tpu.memory_space<vmem>>, vector<1x16xf32>,
        %get3A_499 = vector.shape_cast %get3A_498 : vector<1x16xf32> to vector<16xf32>
        %add3A_500 = arith.addf %add3A_472, %get3A_499 : vector<16xf32>
        %max3A_501 = arith.maximumf %max3A_473, %get3A_499 : vector<16xf32>
        %get3A_502 = arith.index_cast %add3A_495 : i32 to index
        %get3A_503 = arith.constant 16 : index
        %get3A_504 = tpu.vector_load %arg7[%get3A_502, %get3A_503] {strides = array<i32>} : memref<200x64xf32, #tpu.memory_space<vmem>>, vector<1x16xf32>,
        %get3A_505 = vector.shape_cast %get3A_504 : vector<1x16xf32> to vector<16xf32>
        %add3A_506 = arith.addf %add3A_478, %get3A_505 : vector<16xf32>
        %max3A_507 = arith.maximumf %max3A_479, %get3A_505 : vector<16xf32>
        %get3A_508 = arith.index_cast %add3A_495 : i32 to index
        %get3A_509 = arith.constant 32 : index
        %get3A_510 = tpu.vector_load %arg7[%get3A_508, %get3A_509] {strides = array<i32>} : memref<200x64xf32, #tpu.memory_space<vmem>>, vector<1x16xf32>,
        %get3A_511 = vector.shape_cast %get3A_510 : vector<1x16xf32> to vector<16xf32>
        %add3A_512 = arith.addf %add3A_484, %get3A_511 : vector<16xf32>
        %max3A_513 = arith.maximumf %max3A_485, %get3A_511 : vector<16xf32>
        %get3A_514 = arith.index_cast %add3A_495 : i32 to index
        %get3A_515 = arith.constant 48 : index
        %get3A_516 = tpu.vector_load %arg7[%get3A_514, %get3A_515] {strides = array<i32>} : memref<200x64xf32, #tpu.memory_space<vmem>>, vector<1x16xf32>,
        %get3A_517 = vector.shape_cast %get3A_516 : vector<1x16xf32> to vector<16xf32>
        %add3A_518 = arith.addf %add3A_490, %get3A_517 : vector<16xf32>
        %max3A_519 = arith.maximumf %max3A_491, %get3A_517 : vector<16xf32>
        %mul3A_520 = arith.constant 25 : i32
        %mul3A_521 = arith.muli %scan3A_373, %mul3A_520 : i32
        %add3A_522 = arith.constant 5 : i32
        %add3A_523 = arith.addi %mul3A_521, %add3A_522 : i32
        %get3A_524 = arith.index_cast %add3A_523 : i32 to index
        %get3A_525 = arith.constant 0 : index
        %get3A_526 = tpu.vector_load %arg7[%get3A_524, %get3A_525] {strides = array<i32>} : memref<200x64xf32, #tpu.memory_space<vmem>>, vector<1x16xf32>,
        %get3A_527 = vector.shape_cast %get3A_526 : vector<1x16xf32> to vector<16xf32>
        %add3A_528 = arith.addf %add3A_500, %get3A_527 : vector<16xf32>
        %max3A_529 = arith.maximumf %max3A_501, %get3A_527 : vector<16xf32>
        %get3A_530 = arith.index_cast %add3A_523 : i32 to index
        %get3A_531 = arith.constant 16 : index
        %get3A_532 = tpu.vector_load %arg7[%get3A_530, %get3A_531] {strides = array<i32>} : memref<200x64xf32, #tpu.memory_space<vmem>>, vector<1x16xf32>,
        %get3A_533 = vector.shape_cast %get3A_532 : vector<1x16xf32> to vector<16xf32>
        %add3A_534 = arith.addf %add3A_506, %get3A_533 : vector<16xf32>
        %max3A_535 = arith.maximumf %max3A_507, %get3A_533 : vector<16xf32>
        %get3A_536 = arith.index_cast %add3A_523 : i32 to index
        %get3A_537 = arith.constant 32 : index
        %get3A_538 = tpu.vector_load %arg7[%get3A_536, %get3A_537] {strides = array<i32>} : memref<200x64xf32, #tpu.memory_space<vmem>>, vector<1x16xf32>,
        %get3A_539 = vector.shape_cast %get3A_538 : vector<1x16xf32> to vector<16xf32>
        %add3A_540 = arith.addf %add3A_512, %get3A_539 : vector<16xf32>
        %max3A_541 = arith.maximumf %max3A_513, %get3A_539 : vector<16xf32>
        %get3A_542 = arith.index_cast %add3A_523 : i32 to index
        %get3A_543 = arith.constant 48 : index
        %get3A_544 = tpu.vector_load %arg7[%get3A_542, %get3A_543] {strides = array<i32>} : memref<200x64xf32, #tpu.memory_space<vmem>>, vector<1x16xf32>,
        %get3A_545 = vector.shape_cast %get3A_544 : vector<1x16xf32> to vector<16xf32>
        %add3A_546 = arith.addf %add3A_518, %get3A_545 : vector<16xf32>
        %max3A_547 = arith.maximumf %max3A_519, %get3A_545 : vector<16xf32>
        %mul3A_548 = arith.constant 25 : i32
        %mul3A_549 = arith.muli %scan3A_373, %mul3A_548 : i32
        %add3A_550 = arith.constant 6 : i32
        %add3A_551 = arith.addi %mul3A_549, %add3A_550 : i32
        %get3A_552 = arith.index_cast %add3A_551 : i32 to index
        %get3A_553 = arith.constant 0 : index
        %get3A_554 = tpu.vector_load %arg7[%get3A_552, %get3A_553] {strides = array<i32>} : memref<200x64xf32, #tpu.memory_space<vmem>>, vector<1x16xf32>,
        %get3A_555 = vector.shape_cast %get3A_554 : vector<1x16xf32> to vector<16xf32>
        %add3A_556 = arith.addf %add3A_528, %get3A_555 : vector<16xf32>
        %max3A_557 = arith.maximumf %max3A_529, %get3A_555 : vector<16xf32>
        %get3A_558 = arith.index_cast %add3A_551 : i32 to index
        %get3A_559 = arith.constant 16 : index
        %get3A_560 = tpu.vector_load %arg7[%get3A_558, %get3A_559] {strides = array<i32>} : memref<200x64xf32, #tpu.memory_space<vmem>>, vector<1x16xf32>,
        %get3A_561 = vector.shape_cast %get3A_560 : vector<1x16xf32> to vector<16xf32>
        %add3A_562 = arith.addf %add3A_534, %get3A_561 : vector<16xf32>
        %max3A_563 = arith.maximumf %max3A_535, %get3A_561 : vector<16xf32>
        %get3A_564 = arith.index_cast %add3A_551 : i32 to index
        %get3A_565 = arith.constant 32 : index
        %get3A_566 = tpu.vector_load %arg7[%get3A_564, %get3A_565] {strides = array<i32>} : memref<200x64xf32, #tpu.memory_space<vmem>>, vector<1x16xf32>,
        %get3A_567 = vector.shape_cast %get3A_566 : vector<1x16xf32> to vector<16xf32>
        %add3A_568 = arith.addf %add3A_540, %get3A_567 : vector<16xf32>
        %max3A_569 = arith.maximumf %max3A_541, %get3A_567 : vector<16xf32>
        %get3A_570 = arith.index_cast %add3A_551 : i32 to index
        %get3A_571 = arith.constant 48 : index
        %get3A_572 = tpu.vector_load %arg7[%get3A_570, %get3A_571] {strides = array<i32>} : memref<200x64xf32, #tpu.memory_space<vmem>>, vector<1x16xf32>,
        %get3A_573 = vector.shape_cast %get3A_572 : vector<1x16xf32> to vector<16xf32>
        %add3A_574 = arith.addf %add3A_546, %get3A_573 : vector<16xf32>
        %max3A_575 = arith.maximumf %max3A_547, %get3A_573 : vector<16xf32>
        %mul3A_576 = arith.constant 25 : i32
        %mul3A_577 = arith.muli %scan3A_373, %mul3A_576 : i32
        %add3A_578 = arith.constant 7 : i32
        %add3A_579 = arith.addi %mul3A_577, %add3A_578 : i32
        %get3A_580 = arith.index_cast %add3A_579 : i32 to index
        %get3A_581 = arith.constant 0 : index
        %get3A_582 = tpu.vector_load %arg7[%get3A_580, %get3A_581] {strides = array<i32>} : memref<200x64xf32, #tpu.memory_space<vmem>>, vector<1x16xf32>,
        %get3A_583 = vector.shape_cast %get3A_582 : vector<1x16xf32> to vector<16xf32>
        %add3A_584 = arith.addf %add3A_556, %get3A_583 : vector<16xf32>
        %max3A_585 = arith.maximumf %max3A_557, %get3A_583 : vector<16xf32>
        %get3A_586 = arith.index_cast %add3A_579 : i32 to index
        %get3A_587 = arith.constant 16 : index
        %get3A_588 = tpu.vector_load %arg7[%get3A_586, %get3A_587] {strides = array<i32>} : memref<200x64xf32, #tpu.memory_space<vmem>>, vector<1x16xf32>,
        %get3A_589 = vector.shape_cast %get3A_588 : vector<1x16xf32> to vector<16xf32>
        %add3A_590 = arith.addf %add3A_562, %get3A_589 : vector<16xf32>
        %max3A_591 = arith.maximumf %max3A_563, %get3A_589 : vector<16xf32>
        %get3A_592 = arith.index_cast %add3A_579 : i32 to index
        %get3A_593 = arith.constant 32 : index
        %get3A_594 = tpu.vector_load %arg7[%get3A_592, %get3A_593] {strides = array<i32>} : memref<200x64xf32, #tpu.memory_space<vmem>>, vector<1x16xf32>,
        %get3A_595 = vector.shape_cast %get3A_594 : vector<1x16xf32> to vector<16xf32>
        %add3A_596 = arith.addf %add3A_568, %get3A_595 : vector<16xf32>
        %max3A_597 = arith.maximumf %max3A_569, %get3A_595 : vector<16xf32>
        %get3A_598 = arith.index_cast %add3A_579 : i32 to index
        %get3A_599 = arith.constant 48 : index
        %get3A_600 = tpu.vector_load %arg7[%get3A_598, %get3A_599] {strides = array<i32>} : memref<200x64xf32, #tpu.memory_space<vmem>>, vector<1x16xf32>,
        %get3A_601 = vector.shape_cast %get3A_600 : vector<1x16xf32> to vector<16xf32>
        %add3A_602 = arith.addf %add3A_574, %get3A_601 : vector<16xf32>
        %max3A_603 = arith.maximumf %max3A_575, %get3A_601 : vector<16xf32>
        %mul3A_604 = arith.constant 25 : i32
        %mul3A_605 = arith.muli %scan3A_373, %mul3A_604 : i32
        %add3A_606 = arith.constant 8 : i32
        %add3A_607 = arith.addi %mul3A_605, %add3A_606 : i32
        %get3A_608 = arith.index_cast %add3A_607 : i32 to index
        %get3A_609 = arith.constant 0 : index
        %get3A_610 = tpu.vector_load %arg7[%get3A_608, %get3A_609] {strides = array<i32>} : memref<200x64xf32, #tpu.memory_space<vmem>>, vector<1x16xf32>,
        %get3A_611 = vector.shape_cast %get3A_610 : vector<1x16xf32> to vector<16xf32>
        %add3A_612 = arith.addf %add3A_584, %get3A_611 : vector<16xf32>
        %max3A_613 = arith.maximumf %max3A_585, %get3A_611 : vector<16xf32>
        %get3A_614 = arith.index_cast %add3A_607 : i32 to index
        %get3A_615 = arith.constant 16 : index
        %get3A_616 = tpu.vector_load %arg7[%get3A_614, %get3A_615] {strides = array<i32>} : memref<200x64xf32, #tpu.memory_space<vmem>>, vector<1x16xf32>,
        %get3A_617 = vector.shape_cast %get3A_616 : vector<1x16xf32> to vector<16xf32>
        %add3A_618 = arith.addf %add3A_590, %get3A_617 : vector<16xf32>
        %max3A_619 = arith.maximumf %max3A_591, %get3A_617 : vector<16xf32>
        %get3A_620 = arith.index_cast %add3A_607 : i32 to index
        %get3A_621 = arith.constant 32 : index
        %get3A_622 = tpu.vector_load %arg7[%get3A_620, %get3A_621] {strides = array<i32>} : memref<200x64xf32, #tpu.memory_space<vmem>>, vector<1x16xf32>,
        %get3A_623 = vector.shape_cast %get3A_622 : vector<1x16xf32> to vector<16xf32>
        %add3A_624 = arith.addf %add3A_596, %get3A_623 : vector<16xf32>
        %max3A_625 = arith.maximumf %max3A_597, %get3A_623 : vector<16xf32>
        %get3A_626 = arith.index_cast %add3A_607 : i32 to index
        %get3A_627 = arith.constant 48 : index
        %get3A_628 = tpu.vector_load %arg7[%get3A_626, %get3A_627] {strides = array<i32>} : memref<200x64xf32, #tpu.memory_space<vmem>>, vector<1x16xf32>,
        %get3A_629 = vector.shape_cast %get3A_628 : vector<1x16xf32> to vector<16xf32>
        %add3A_630 = arith.addf %add3A_602, %get3A_629 : vector<16xf32>
        %max3A_631 = arith.maximumf %max3A_603, %get3A_629 : vector<16xf32>
        %mul3A_632 = arith.constant 25 : i32
        %mul3A_633 = arith.muli %scan3A_373, %mul3A_632 : i32
        %add3A_634 = arith.constant 9 : i32
        %add3A_635 = arith.addi %mul3A_633, %add3A_634 : i32
        %get3A_636 = arith.index_cast %add3A_635 : i32 to index
        %get3A_637 = arith.constant 0 : index
        %get3A_638 = tpu.vector_load %arg7[%get3A_636, %get3A_637] {strides = array<i32>} : memref<200x64xf32, #tpu.memory_space<vmem>>, vector<1x16xf32>,
        %get3A_639 = vector.shape_cast %get3A_638 : vector<1x16xf32> to vector<16xf32>
        %add3A_640 = arith.addf %add3A_612, %get3A_639 : vector<16xf32>
        %max3A_641 = arith.maximumf %max3A_613, %get3A_639 : vector<16xf32>
        %get3A_642 = arith.index_cast %add3A_635 : i32 to index
        %get3A_643 = arith.constant 16 : index
        %get3A_644 = tpu.vector_load %arg7[%get3A_642, %get3A_643] {strides = array<i32>} : memref<200x64xf32, #tpu.memory_space<vmem>>, vector<1x16xf32>,
        %get3A_645 = vector.shape_cast %get3A_644 : vector<1x16xf32> to vector<16xf32>
        %add3A_646 = arith.addf %add3A_618, %get3A_645 : vector<16xf32>
        %max3A_647 = arith.maximumf %max3A_619, %get3A_645 : vector<16xf32>
        %get3A_648 = arith.index_cast %add3A_635 : i32 to index
        %get3A_649 = arith.constant 32 : index
        %get3A_650 = tpu.vector_load %arg7[%get3A_648, %get3A_649] {strides = array<i32>} : memref<200x64xf32, #tpu.memory_space<vmem>>, vector<1x16xf32>,
        %get3A_651 = vector.shape_cast %get3A_650 : vector<1x16xf32> to vector<16xf32>
        %add3A_652 = arith.addf %add3A_624, %get3A_651 : vector<16xf32>
        %max3A_653 = arith.maximumf %max3A_625, %get3A_651 : vector<16xf32>
        %get3A_654 = arith.index_cast %add3A_635 : i32 to index
        %get3A_655 = arith.constant 48 : index
        %get3A_656 = tpu.vector_load %arg7[%get3A_654, %get3A_655] {strides = array<i32>} : memref<200x64xf32, #tpu.memory_space<vmem>>, vector<1x16xf32>,
        %get3A_657 = vector.shape_cast %get3A_656 : vector<1x16xf32> to vector<16xf32>
        %add3A_658 = arith.addf %add3A_630, %get3A_657 : vector<16xf32>
        %max3A_659 = arith.maximumf %max3A_631, %get3A_657 : vector<16xf32>
        %mul3A_660 = arith.constant 25 : i32
        %mul3A_661 = arith.muli %scan3A_373, %mul3A_660 : i32
        %add3A_662 = arith.constant 10 : i32
        %add3A_663 = arith.addi %mul3A_661, %add3A_662 : i32
        %get3A_664 = arith.index_cast %add3A_663 : i32 to index
        %get3A_665 = arith.constant 0 : index
        %get3A_666 = tpu.vector_load %arg7[%get3A_664, %get3A_665] {strides = array<i32>} : memref<200x64xf32, #tpu.memory_space<vmem>>, vector<1x16xf32>,
        %get3A_667 = vector.shape_cast %get3A_666 : vector<1x16xf32> to vector<16xf32>
        %add3A_668 = arith.addf %add3A_640, %get3A_667 : vector<16xf32>
        %max3A_669 = arith.maximumf %max3A_641, %get3A_667 : vector<16xf32>
        %get3A_670 = arith.index_cast %add3A_663 : i32 to index
        %get3A_671 = arith.constant 16 : index
        %get3A_672 = tpu.vector_load %arg7[%get3A_670, %get3A_671] {strides = array<i32>} : memref<200x64xf32, #tpu.memory_space<vmem>>, vector<1x16xf32>,
        %get3A_673 = vector.shape_cast %get3A_672 : vector<1x16xf32> to vector<16xf32>
        %add3A_674 = arith.addf %add3A_646, %get3A_673 : vector<16xf32>
        %max3A_675 = arith.maximumf %max3A_647, %get3A_673 : vector<16xf32>
        %get3A_676 = arith.index_cast %add3A_663 : i32 to index
        %get3A_677 = arith.constant 32 : index
        %get3A_678 = tpu.vector_load %arg7[%get3A_676, %get3A_677] {strides = array<i32>} : memref<200x64xf32, #tpu.memory_space<vmem>>, vector<1x16xf32>,
        %get3A_679 = vector.shape_cast %get3A_678 : vector<1x16xf32> to vector<16xf32>
        %add3A_680 = arith.addf %add3A_652, %get3A_679 : vector<16xf32>
        %max3A_681 = arith.maximumf %max3A_653, %get3A_679 : vector<16xf32>
        %get3A_682 = arith.index_cast %add3A_663 : i32 to index
        %get3A_683 = arith.constant 48 : index
        %get3A_684 = tpu.vector_load %arg7[%get3A_682, %get3A_683] {strides = array<i32>} : memref<200x64xf32, #tpu.memory_space<vmem>>, vector<1x16xf32>,
        %get3A_685 = vector.shape_cast %get3A_684 : vector<1x16xf32> to vector<16xf32>
        %add3A_686 = arith.addf %add3A_658, %get3A_685 : vector<16xf32>
        %max3A_687 = arith.maximumf %max3A_659, %get3A_685 : vector<16xf32>
        %mul3A_688 = arith.constant 25 : i32
        %mul3A_689 = arith.muli %scan3A_373, %mul3A_688 : i32
        %add3A_690 = arith.constant 11 : i32
        %add3A_691 = arith.addi %mul3A_689, %add3A_690 : i32
        %get3A_692 = arith.index_cast %add3A_691 : i32 to index
        %get3A_693 = arith.constant 0 : index
        %get3A_694 = tpu.vector_load %arg7[%get3A_692, %get3A_693] {strides = array<i32>} : memref<200x64xf32, #tpu.memory_space<vmem>>, vector<1x16xf32>,
        %get3A_695 = vector.shape_cast %get3A_694 : vector<1x16xf32> to vector<16xf32>
        %add3A_696 = arith.addf %add3A_668, %get3A_695 : vector<16xf32>
        %max3A_697 = arith.maximumf %max3A_669, %get3A_695 : vector<16xf32>
        %get3A_698 = arith.index_cast %add3A_691 : i32 to index
        %get3A_699 = arith.constant 16 : index
        %get3A_700 = tpu.vector_load %arg7[%get3A_698, %get3A_699] {strides = array<i32>} : memref<200x64xf32, #tpu.memory_space<vmem>>, vector<1x16xf32>,
        %get3A_701 = vector.shape_cast %get3A_700 : vector<1x16xf32> to vector<16xf32>
        %add3A_702 = arith.addf %add3A_674, %get3A_701 : vector<16xf32>
        %max3A_703 = arith.maximumf %max3A_675, %get3A_701 : vector<16xf32>
        %get3A_704 = arith.index_cast %add3A_691 : i32 to index
        %get3A_705 = arith.constant 32 : index
        %get3A_706 = tpu.vector_load %arg7[%get3A_704, %get3A_705] {strides = array<i32>} : memref<200x64xf32, #tpu.memory_space<vmem>>, vector<1x16xf32>,
        %get3A_707 = vector.shape_cast %get3A_706 : vector<1x16xf32> to vector<16xf32>
        %add3A_708 = arith.addf %add3A_680, %get3A_707 : vector<16xf32>
        %max3A_709 = arith.maximumf %max3A_681, %get3A_707 : vector<16xf32>
        %get3A_710 = arith.index_cast %add3A_691 : i32 to index
        %get3A_711 = arith.constant 48 : index
        %get3A_712 = tpu.vector_load %arg7[%get3A_710, %get3A_711] {strides = array<i32>} : memref<200x64xf32, #tpu.memory_space<vmem>>, vector<1x16xf32>,
        %get3A_713 = vector.shape_cast %get3A_712 : vector<1x16xf32> to vector<16xf32>
        %add3A_714 = arith.addf %add3A_686, %get3A_713 : vector<16xf32>
        %max3A_715 = arith.maximumf %max3A_687, %get3A_713 : vector<16xf32>
        %mul3A_716 = arith.constant 25 : i32
        %mul3A_717 = arith.muli %scan3A_373, %mul3A_716 : i32
        %add3A_718 = arith.constant 12 : i32
        %add3A_719 = arith.addi %mul3A_717, %add3A_718 : i32
        %get3A_720 = arith.index_cast %add3A_719 : i32 to index
        %get3A_721 = arith.constant 0 : index
        %get3A_722 = tpu.vector_load %arg7[%get3A_720, %get3A_721] {strides = array<i32>} : memref<200x64xf32, #tpu.memory_space<vmem>>, vector<1x16xf32>,
        %get3A_723 = vector.shape_cast %get3A_722 : vector<1x16xf32> to vector<16xf32>
        %add3A_724 = arith.addf %add3A_696, %get3A_723 : vector<16xf32>
        %max3A_725 = arith.maximumf %max3A_697, %get3A_723 : vector<16xf32>
        %get3A_726 = arith.index_cast %add3A_719 : i32 to index
        %get3A_727 = arith.constant 16 : index
        %get3A_728 = tpu.vector_load %arg7[%get3A_726, %get3A_727] {strides = array<i32>} : memref<200x64xf32, #tpu.memory_space<vmem>>, vector<1x16xf32>,
        %get3A_729 = vector.shape_cast %get3A_728 : vector<1x16xf32> to vector<16xf32>
        %add3A_730 = arith.addf %add3A_702, %get3A_729 : vector<16xf32>
        %max3A_731 = arith.maximumf %max3A_703, %get3A_729 : vector<16xf32>
        %get3A_732 = arith.index_cast %add3A_719 : i32 to index
        %get3A_733 = arith.constant 32 : index
        %get3A_734 = tpu.vector_load %arg7[%get3A_732, %get3A_733] {strides = array<i32>} : memref<200x64xf32, #tpu.memory_space<vmem>>, vector<1x16xf32>,
        %get3A_735 = vector.shape_cast %get3A_734 : vector<1x16xf32> to vector<16xf32>
        %add3A_736 = arith.addf %add3A_708, %get3A_735 : vector<16xf32>
        %max3A_737 = arith.maximumf %max3A_709, %get3A_735 : vector<16xf32>
        %get3A_738 = arith.index_cast %add3A_719 : i32 to index
        %get3A_739 = arith.constant 48 : index
        %get3A_740 = tpu.vector_load %arg7[%get3A_738, %get3A_739] {strides = array<i32>} : memref<200x64xf32, #tpu.memory_space<vmem>>, vector<1x16xf32>,
        %get3A_741 = vector.shape_cast %get3A_740 : vector<1x16xf32> to vector<16xf32>
        %add3A_742 = arith.addf %add3A_714, %get3A_741 : vector<16xf32>
        %max3A_743 = arith.maximumf %max3A_715, %get3A_741 : vector<16xf32>
        %mul3A_744 = arith.constant 25 : i32
        %mul3A_745 = arith.muli %scan3A_373, %mul3A_744 : i32
        %add3A_746 = arith.constant 13 : i32
        %add3A_747 = arith.addi %mul3A_745, %add3A_746 : i32
        %get3A_748 = arith.index_cast %add3A_747 : i32 to index
        %get3A_749 = arith.constant 0 : index
        %get3A_750 = tpu.vector_load %arg7[%get3A_748, %get3A_749] {strides = array<i32>} : memref<200x64xf32, #tpu.memory_space<vmem>>, vector<1x16xf32>,
        %get3A_751 = vector.shape_cast %get3A_750 : vector<1x16xf32> to vector<16xf32>
        %add3A_752 = arith.addf %add3A_724, %get3A_751 : vector<16xf32>
        %max3A_753 = arith.maximumf %max3A_725, %get3A_751 : vector<16xf32>
        %get3A_754 = arith.index_cast %add3A_747 : i32 to index
        %get3A_755 = arith.constant 16 : index
        %get3A_756 = tpu.vector_load %arg7[%get3A_754, %get3A_755] {strides = array<i32>} : memref<200x64xf32, #tpu.memory_space<vmem>>, vector<1x16xf32>,
        %get3A_757 = vector.shape_cast %get3A_756 : vector<1x16xf32> to vector<16xf32>
        %add3A_758 = arith.addf %add3A_730, %get3A_757 : vector<16xf32>
        %max3A_759 = arith.maximumf %max3A_731, %get3A_757 : vector<16xf32>
        %get3A_760 = arith.index_cast %add3A_747 : i32 to index
        %get3A_761 = arith.constant 32 : index
        %get3A_762 = tpu.vector_load %arg7[%get3A_760, %get3A_761] {strides = array<i32>} : memref<200x64xf32, #tpu.memory_space<vmem>>, vector<1x16xf32>,
        %get3A_763 = vector.shape_cast %get3A_762 : vector<1x16xf32> to vector<16xf32>
        %add3A_764 = arith.addf %add3A_736, %get3A_763 : vector<16xf32>
        %max3A_765 = arith.maximumf %max3A_737, %get3A_763 : vector<16xf32>
        %get3A_766 = arith.index_cast %add3A_747 : i32 to index
        %get3A_767 = arith.constant 48 : index
        %get3A_768 = tpu.vector_load %arg7[%get3A_766, %get3A_767] {strides = array<i32>} : memref<200x64xf32, #tpu.memory_space<vmem>>, vector<1x16xf32>,
        %get3A_769 = vector.shape_cast %get3A_768 : vector<1x16xf32> to vector<16xf32>
        %add3A_770 = arith.addf %add3A_742, %get3A_769 : vector<16xf32>
        %max3A_771 = arith.maximumf %max3A_743, %get3A_769 : vector<16xf32>
        %mul3A_772 = arith.constant 25 : i32
        %mul3A_773 = arith.muli %scan3A_373, %mul3A_772 : i32
        %add3A_774 = arith.constant 14 : i32
        %add3A_775 = arith.addi %mul3A_773, %add3A_774 : i32
        %get3A_776 = arith.index_cast %add3A_775 : i32 to index
        %get3A_777 = arith.constant 0 : index
        %get3A_778 = tpu.vector_load %arg7[%get3A_776, %get3A_777] {strides = array<i32>} : memref<200x64xf32, #tpu.memory_space<vmem>>, vector<1x16xf32>,
        %get3A_779 = vector.shape_cast %get3A_778 : vector<1x16xf32> to vector<16xf32>
        %add3A_780 = arith.addf %add3A_752, %get3A_779 : vector<16xf32>
        %max3A_781 = arith.maximumf %max3A_753, %get3A_779 : vector<16xf32>
        %get3A_782 = arith.index_cast %add3A_775 : i32 to index
        %get3A_783 = arith.constant 16 : index
        %get3A_784 = tpu.vector_load %arg7[%get3A_782, %get3A_783] {strides = array<i32>} : memref<200x64xf32, #tpu.memory_space<vmem>>, vector<1x16xf32>,
        %get3A_785 = vector.shape_cast %get3A_784 : vector<1x16xf32> to vector<16xf32>
        %add3A_786 = arith.addf %add3A_758, %get3A_785 : vector<16xf32>
        %max3A_787 = arith.maximumf %max3A_759, %get3A_785 : vector<16xf32>
        %get3A_788 = arith.index_cast %add3A_775 : i32 to index
        %get3A_789 = arith.constant 32 : index
        %get3A_790 = tpu.vector_load %arg7[%get3A_788, %get3A_789] {strides = array<i32>} : memref<200x64xf32, #tpu.memory_space<vmem>>, vector<1x16xf32>,
        %get3A_791 = vector.shape_cast %get3A_790 : vector<1x16xf32> to vector<16xf32>
        %add3A_792 = arith.addf %add3A_764, %get3A_791 : vector<16xf32>
        %max3A_793 = arith.maximumf %max3A_765, %get3A_791 : vector<16xf32>
        %get3A_794 = arith.index_cast %add3A_775 : i32 to index
        %get3A_795 = arith.constant 48 : index
        %get3A_796 = tpu.vector_load %arg7[%get3A_794, %get3A_795] {strides = array<i32>} : memref<200x64xf32, #tpu.memory_space<vmem>>, vector<1x16xf32>,
        %get3A_797 = vector.shape_cast %get3A_796 : vector<1x16xf32> to vector<16xf32>
        %add3A_798 = arith.addf %add3A_770, %get3A_797 : vector<16xf32>
        %max3A_799 = arith.maximumf %max3A_771, %get3A_797 : vector<16xf32>
        %mul3A_800 = arith.constant 25 : i32
        %mul3A_801 = arith.muli %scan3A_373, %mul3A_800 : i32
        %add3A_802 = arith.constant 15 : i32
        %add3A_803 = arith.addi %mul3A_801, %add3A_802 : i32
        %get3A_804 = arith.index_cast %add3A_803 : i32 to index
        %get3A_805 = arith.constant 0 : index
        %get3A_806 = tpu.vector_load %arg7[%get3A_804, %get3A_805] {strides = array<i32>} : memref<200x64xf32, #tpu.memory_space<vmem>>, vector<1x16xf32>,
        %get3A_807 = vector.shape_cast %get3A_806 : vector<1x16xf32> to vector<16xf32>
        %add3A_808 = arith.addf %add3A_780, %get3A_807 : vector<16xf32>
        %max3A_809 = arith.maximumf %max3A_781, %get3A_807 : vector<16xf32>
        %get3A_810 = arith.index_cast %add3A_803 : i32 to index
        %get3A_811 = arith.constant 16 : index
        %get3A_812 = tpu.vector_load %arg7[%get3A_810, %get3A_811] {strides = array<i32>} : memref<200x64xf32, #tpu.memory_space<vmem>>, vector<1x16xf32>,
        %get3A_813 = vector.shape_cast %get3A_812 : vector<1x16xf32> to vector<16xf32>
        %add3A_814 = arith.addf %add3A_786, %get3A_813 : vector<16xf32>
        %max3A_815 = arith.maximumf %max3A_787, %get3A_813 : vector<16xf32>
        %get3A_816 = arith.index_cast %add3A_803 : i32 to index
        %get3A_817 = arith.constant 32 : index
        %get3A_818 = tpu.vector_load %arg7[%get3A_816, %get3A_817] {strides = array<i32>} : memref<200x64xf32, #tpu.memory_space<vmem>>, vector<1x16xf32>,
        %get3A_819 = vector.shape_cast %get3A_818 : vector<1x16xf32> to vector<16xf32>
        %add3A_820 = arith.addf %add3A_792, %get3A_819 : vector<16xf32>
        %max3A_821 = arith.maximumf %max3A_793, %get3A_819 : vector<16xf32>
        %get3A_822 = arith.index_cast %add3A_803 : i32 to index
        %get3A_823 = arith.constant 48 : index
        %get3A_824 = tpu.vector_load %arg7[%get3A_822, %get3A_823] {strides = array<i32>} : memref<200x64xf32, #tpu.memory_space<vmem>>, vector<1x16xf32>,
        %get3A_825 = vector.shape_cast %get3A_824 : vector<1x16xf32> to vector<16xf32>
        %add3A_826 = arith.addf %add3A_798, %get3A_825 : vector<16xf32>
        %max3A_827 = arith.maximumf %max3A_799, %get3A_825 : vector<16xf32>
        %mul3A_828 = arith.constant 25 : i32
        %mul3A_829 = arith.muli %scan3A_373, %mul3A_828 : i32
        %add3A_830 = arith.constant 16 : i32
        %add3A_831 = arith.addi %mul3A_829, %add3A_830 : i32
        %get3A_832 = arith.index_cast %add3A_831 : i32 to index
        %get3A_833 = arith.constant 0 : index
        %get3A_834 = tpu.vector_load %arg7[%get3A_832, %get3A_833] {strides = array<i32>} : memref<200x64xf32, #tpu.memory_space<vmem>>, vector<1x16xf32>,
        %get3A_835 = vector.shape_cast %get3A_834 : vector<1x16xf32> to vector<16xf32>
        %add3A_836 = arith.addf %add3A_808, %get3A_835 : vector<16xf32>
        %max3A_837 = arith.maximumf %max3A_809, %get3A_835 : vector<16xf32>
        %get3A_838 = arith.index_cast %add3A_831 : i32 to index
        %get3A_839 = arith.constant 16 : index
        %get3A_840 = tpu.vector_load %arg7[%get3A_838, %get3A_839] {strides = array<i32>} : memref<200x64xf32, #tpu.memory_space<vmem>>, vector<1x16xf32>,
        %get3A_841 = vector.shape_cast %get3A_840 : vector<1x16xf32> to vector<16xf32>
        %add3A_842 = arith.addf %add3A_814, %get3A_841 : vector<16xf32>
        %max3A_843 = arith.maximumf %max3A_815, %get3A_841 : vector<16xf32>
        %get3A_844 = arith.index_cast %add3A_831 : i32 to index
        %get3A_845 = arith.constant 32 : index
        %get3A_846 = tpu.vector_load %arg7[%get3A_844, %get3A_845] {strides = array<i32>} : memref<200x64xf32, #tpu.memory_space<vmem>>, vector<1x16xf32>,
        %get3A_847 = vector.shape_cast %get3A_846 : vector<1x16xf32> to vector<16xf32>
        %add3A_848 = arith.addf %add3A_820, %get3A_847 : vector<16xf32>
        %max3A_849 = arith.maximumf %max3A_821, %get3A_847 : vector<16xf32>
        %get3A_850 = arith.index_cast %add3A_831 : i32 to index
        %get3A_851 = arith.constant 48 : index
        %get3A_852 = tpu.vector_load %arg7[%get3A_850, %get3A_851] {strides = array<i32>} : memref<200x64xf32, #tpu.memory_space<vmem>>, vector<1x16xf32>,
        %get3A_853 = vector.shape_cast %get3A_852 : vector<1x16xf32> to vector<16xf32>
        %add3A_854 = arith.addf %add3A_826, %get3A_853 : vector<16xf32>
        %max3A_855 = arith.maximumf %max3A_827, %get3A_853 : vector<16xf32>
        %mul3A_856 = arith.constant 25 : i32
        %mul3A_857 = arith.muli %scan3A_373, %mul3A_856 : i32
        %add3A_858 = arith.constant 17 : i32
        %add3A_859 = arith.addi %mul3A_857, %add3A_858 : i32
        %get3A_860 = arith.index_cast %add3A_859 : i32 to index
        %get3A_861 = arith.constant 0 : index
        %get3A_862 = tpu.vector_load %arg7[%get3A_860, %get3A_861] {strides = array<i32>} : memref<200x64xf32, #tpu.memory_space<vmem>>, vector<1x16xf32>,
        %get3A_863 = vector.shape_cast %get3A_862 : vector<1x16xf32> to vector<16xf32>
        %add3A_864 = arith.addf %add3A_836, %get3A_863 : vector<16xf32>
        %max3A_865 = arith.maximumf %max3A_837, %get3A_863 : vector<16xf32>
        %get3A_866 = arith.index_cast %add3A_859 : i32 to index
        %get3A_867 = arith.constant 16 : index
        %get3A_868 = tpu.vector_load %arg7[%get3A_866, %get3A_867] {strides = array<i32>} : memref<200x64xf32, #tpu.memory_space<vmem>>, vector<1x16xf32>,
        %get3A_869 = vector.shape_cast %get3A_868 : vector<1x16xf32> to vector<16xf32>
        %add3A_870 = arith.addf %add3A_842, %get3A_869 : vector<16xf32>
        %max3A_871 = arith.maximumf %max3A_843, %get3A_869 : vector<16xf32>
        %get3A_872 = arith.index_cast %add3A_859 : i32 to index
        %get3A_873 = arith.constant 32 : index
        %get3A_874 = tpu.vector_load %arg7[%get3A_872, %get3A_873] {strides = array<i32>} : memref<200x64xf32, #tpu.memory_space<vmem>>, vector<1x16xf32>,
        %get3A_875 = vector.shape_cast %get3A_874 : vector<1x16xf32> to vector<16xf32>
        %add3A_876 = arith.addf %add3A_848, %get3A_875 : vector<16xf32>
        %max3A_877 = arith.maximumf %max3A_849, %get3A_875 : vector<16xf32>
        %get3A_878 = arith.index_cast %add3A_859 : i32 to index
        %get3A_879 = arith.constant 48 : index
        %get3A_880 = tpu.vector_load %arg7[%get3A_878, %get3A_879] {strides = array<i32>} : memref<200x64xf32, #tpu.memory_space<vmem>>, vector<1x16xf32>,
        %get3A_881 = vector.shape_cast %get3A_880 : vector<1x16xf32> to vector<16xf32>
        %add3A_882 = arith.addf %add3A_854, %get3A_881 : vector<16xf32>
        %max3A_883 = arith.maximumf %max3A_855, %get3A_881 : vector<16xf32>
        %mul3A_884 = arith.constant 25 : i32
        %mul3A_885 = arith.muli %scan3A_373, %mul3A_884 : i32
        %add3A_886 = arith.constant 18 : i32
        %add3A_887 = arith.addi %mul3A_885, %add3A_886 : i32
        %get3A_888 = arith.index_cast %add3A_887 : i32 to index
        %get3A_889 = arith.constant 0 : index
        %get3A_890 = tpu.vector_load %arg7[%get3A_888, %get3A_889] {strides = array<i32>} : memref<200x64xf32, #tpu.memory_space<vmem>>, vector<1x16xf32>,
        %get3A_891 = vector.shape_cast %get3A_890 : vector<1x16xf32> to vector<16xf32>
        %add3A_892 = arith.addf %add3A_864, %get3A_891 : vector<16xf32>
        %max3A_893 = arith.maximumf %max3A_865, %get3A_891 : vector<16xf32>
        %get3A_894 = arith.index_cast %add3A_887 : i32 to index
        %get3A_895 = arith.constant 16 : index
        %get3A_896 = tpu.vector_load %arg7[%get3A_894, %get3A_895] {strides = array<i32>} : memref<200x64xf32, #tpu.memory_space<vmem>>, vector<1x16xf32>,
        %get3A_897 = vector.shape_cast %get3A_896 : vector<1x16xf32> to vector<16xf32>
        %add3A_898 = arith.addf %add3A_870, %get3A_897 : vector<16xf32>
        %max3A_899 = arith.maximumf %max3A_871, %get3A_897 : vector<16xf32>
        %get3A_900 = arith.index_cast %add3A_887 : i32 to index
        %get3A_901 = arith.constant 32 : index
        %get3A_902 = tpu.vector_load %arg7[%get3A_900, %get3A_901] {strides = array<i32>} : memref<200x64xf32, #tpu.memory_space<vmem>>, vector<1x16xf32>,
        %get3A_903 = vector.shape_cast %get3A_902 : vector<1x16xf32> to vector<16xf32>
        %add3A_904 = arith.addf %add3A_876, %get3A_903 : vector<16xf32>
        %max3A_905 = arith.maximumf %max3A_877, %get3A_903 : vector<16xf32>
        %get3A_906 = arith.index_cast %add3A_887 : i32 to index
        %get3A_907 = arith.constant 48 : index
        %get3A_908 = tpu.vector_load %arg7[%get3A_906, %get3A_907] {strides = array<i32>} : memref<200x64xf32, #tpu.memory_space<vmem>>, vector<1x16xf32>,
        %get3A_909 = vector.shape_cast %get3A_908 : vector<1x16xf32> to vector<16xf32>
        %add3A_910 = arith.addf %add3A_882, %get3A_909 : vector<16xf32>
        %max3A_911 = arith.maximumf %max3A_883, %get3A_909 : vector<16xf32>
        %mul3A_912 = arith.constant 25 : i32
        %mul3A_913 = arith.muli %scan3A_373, %mul3A_912 : i32
        %add3A_914 = arith.constant 19 : i32
        %add3A_915 = arith.addi %mul3A_913, %add3A_914 : i32
        %get3A_916 = arith.index_cast %add3A_915 : i32 to index
        %get3A_917 = arith.constant 0 : index
        %get3A_918 = tpu.vector_load %arg7[%get3A_916, %get3A_917] {strides = array<i32>} : memref<200x64xf32, #tpu.memory_space<vmem>>, vector<1x16xf32>,
        %get3A_919 = vector.shape_cast %get3A_918 : vector<1x16xf32> to vector<16xf32>
        %add3A_920 = arith.addf %add3A_892, %get3A_919 : vector<16xf32>
        %max3A_921 = arith.maximumf %max3A_893, %get3A_919 : vector<16xf32>
        %get3A_922 = arith.index_cast %add3A_915 : i32 to index
        %get3A_923 = arith.constant 16 : index
        %get3A_924 = tpu.vector_load %arg7[%get3A_922, %get3A_923] {strides = array<i32>} : memref<200x64xf32, #tpu.memory_space<vmem>>, vector<1x16xf32>,
        %get3A_925 = vector.shape_cast %get3A_924 : vector<1x16xf32> to vector<16xf32>
        %add3A_926 = arith.addf %add3A_898, %get3A_925 : vector<16xf32>
        %max3A_927 = arith.maximumf %max3A_899, %get3A_925 : vector<16xf32>
        %get3A_928 = arith.index_cast %add3A_915 : i32 to index
        %get3A_929 = arith.constant 32 : index
        %get3A_930 = tpu.vector_load %arg7[%get3A_928, %get3A_929] {strides = array<i32>} : memref<200x64xf32, #tpu.memory_space<vmem>>, vector<1x16xf32>,
        %get3A_931 = vector.shape_cast %get3A_930 : vector<1x16xf32> to vector<16xf32>
        %add3A_932 = arith.addf %add3A_904, %get3A_931 : vector<16xf32>
        %max3A_933 = arith.maximumf %max3A_905, %get3A_931 : vector<16xf32>
        %get3A_934 = arith.index_cast %add3A_915 : i32 to index
        %get3A_935 = arith.constant 48 : index
        %get3A_936 = tpu.vector_load %arg7[%get3A_934, %get3A_935] {strides = array<i32>} : memref<200x64xf32, #tpu.memory_space<vmem>>, vector<1x16xf32>,
        %get3A_937 = vector.shape_cast %get3A_936 : vector<1x16xf32> to vector<16xf32>
        %add3A_938 = arith.addf %add3A_910, %get3A_937 : vector<16xf32>
        %max3A_939 = arith.maximumf %max3A_911, %get3A_937 : vector<16xf32>
        %mul3A_940 = arith.constant 25 : i32
        %mul3A_941 = arith.muli %scan3A_373, %mul3A_940 : i32
        %add3A_942 = arith.constant 20 : i32
        %add3A_943 = arith.addi %mul3A_941, %add3A_942 : i32
        %get3A_944 = arith.index_cast %add3A_943 : i32 to index
        %get3A_945 = arith.constant 0 : index
        %get3A_946 = tpu.vector_load %arg7[%get3A_944, %get3A_945] {strides = array<i32>} : memref<200x64xf32, #tpu.memory_space<vmem>>, vector<1x16xf32>,
        %get3A_947 = vector.shape_cast %get3A_946 : vector<1x16xf32> to vector<16xf32>
        %add3A_948 = arith.addf %add3A_920, %get3A_947 : vector<16xf32>
        %max3A_949 = arith.maximumf %max3A_921, %get3A_947 : vector<16xf32>
        %get3A_950 = arith.index_cast %add3A_943 : i32 to index
        %get3A_951 = arith.constant 16 : index
        %get3A_952 = tpu.vector_load %arg7[%get3A_950, %get3A_951] {strides = array<i32>} : memref<200x64xf32, #tpu.memory_space<vmem>>, vector<1x16xf32>,
        %get3A_953 = vector.shape_cast %get3A_952 : vector<1x16xf32> to vector<16xf32>
        %add3A_954 = arith.addf %add3A_926, %get3A_953 : vector<16xf32>
        %max3A_955 = arith.maximumf %max3A_927, %get3A_953 : vector<16xf32>
        %get3A_956 = arith.index_cast %add3A_943 : i32 to index
        %get3A_957 = arith.constant 32 : index
        %get3A_958 = tpu.vector_load %arg7[%get3A_956, %get3A_957] {strides = array<i32>} : memref<200x64xf32, #tpu.memory_space<vmem>>, vector<1x16xf32>,
        %get3A_959 = vector.shape_cast %get3A_958 : vector<1x16xf32> to vector<16xf32>
        %add3A_960 = arith.addf %add3A_932, %get3A_959 : vector<16xf32>
        %max3A_961 = arith.maximumf %max3A_933, %get3A_959 : vector<16xf32>
        %get3A_962 = arith.index_cast %add3A_943 : i32 to index
        %get3A_963 = arith.constant 48 : index
        %get3A_964 = tpu.vector_load %arg7[%get3A_962, %get3A_963] {strides = array<i32>} : memref<200x64xf32, #tpu.memory_space<vmem>>, vector<1x16xf32>,
        %get3A_965 = vector.shape_cast %get3A_964 : vector<1x16xf32> to vector<16xf32>
        %add3A_966 = arith.addf %add3A_938, %get3A_965 : vector<16xf32>
        %max3A_967 = arith.maximumf %max3A_939, %get3A_965 : vector<16xf32>
        %mul3A_968 = arith.constant 25 : i32
        %mul3A_969 = arith.muli %scan3A_373, %mul3A_968 : i32
        %add3A_970 = arith.constant 21 : i32
        %add3A_971 = arith.addi %mul3A_969, %add3A_970 : i32
        %get3A_972 = arith.index_cast %add3A_971 : i32 to index
        %get3A_973 = arith.constant 0 : index
        %get3A_974 = tpu.vector_load %arg7[%get3A_972, %get3A_973] {strides = array<i32>} : memref<200x64xf32, #tpu.memory_space<vmem>>, vector<1x16xf32>,
        %get3A_975 = vector.shape_cast %get3A_974 : vector<1x16xf32> to vector<16xf32>
        %add3A_976 = arith.addf %add3A_948, %get3A_975 : vector<16xf32>
        %max3A_977 = arith.maximumf %max3A_949, %get3A_975 : vector<16xf32>
        %get3A_978 = arith.index_cast %add3A_971 : i32 to index
        %get3A_979 = arith.constant 16 : index
        %get3A_980 = tpu.vector_load %arg7[%get3A_978, %get3A_979] {strides = array<i32>} : memref<200x64xf32, #tpu.memory_space<vmem>>, vector<1x16xf32>,
        %get3A_981 = vector.shape_cast %get3A_980 : vector<1x16xf32> to vector<16xf32>
        %add3A_982 = arith.addf %add3A_954, %get3A_981 : vector<16xf32>
        %max3A_983 = arith.maximumf %max3A_955, %get3A_981 : vector<16xf32>
        %get3A_984 = arith.index_cast %add3A_971 : i32 to index
        %get3A_985 = arith.constant 32 : index
        %get3A_986 = tpu.vector_load %arg7[%get3A_984, %get3A_985] {strides = array<i32>} : memref<200x64xf32, #tpu.memory_space<vmem>>, vector<1x16xf32>,
        %get3A_987 = vector.shape_cast %get3A_986 : vector<1x16xf32> to vector<16xf32>
        %add3A_988 = arith.addf %add3A_960, %get3A_987 : vector<16xf32>
        %max3A_989 = arith.maximumf %max3A_961, %get3A_987 : vector<16xf32>
        %get3A_990 = arith.index_cast %add3A_971 : i32 to index
        %get3A_991 = arith.constant 48 : index
        %get3A_992 = tpu.vector_load %arg7[%get3A_990, %get3A_991] {strides = array<i32>} : memref<200x64xf32, #tpu.memory_space<vmem>>, vector<1x16xf32>,
        %get3A_993 = vector.shape_cast %get3A_992 : vector<1x16xf32> to vector<16xf32>
        %add3A_994 = arith.addf %add3A_966, %get3A_993 : vector<16xf32>
        %max3A_995 = arith.maximumf %max3A_967, %get3A_993 : vector<16xf32>
        %mul3A_996 = arith.constant 25 : i32
        %mul3A_997 = arith.muli %scan3A_373, %mul3A_996 : i32
        %add3A_998 = arith.constant 22 : i32
        %add3A_999 = arith.addi %mul3A_997, %add3A_998 : i32
        %get3A_1000 = arith.index_cast %add3A_999 : i32 to index
        %get3A_1001 = arith.constant 0 : index
        %get3A_1002 = tpu.vector_load %arg7[%get3A_1000, %get3A_1001] {strides = array<i32>} : memref<200x64xf32, #tpu.memory_space<vmem>>, vector<1x16xf32>,
        %get3A_1003 = vector.shape_cast %get3A_1002 : vector<1x16xf32> to vector<16xf32>
        %add3A_1004 = arith.addf %add3A_976, %get3A_1003 : vector<16xf32>
        %max3A_1005 = arith.maximumf %max3A_977, %get3A_1003 : vector<16xf32>
        %get3A_1006 = arith.index_cast %add3A_999 : i32 to index
        %get3A_1007 = arith.constant 16 : index
        %get3A_1008 = tpu.vector_load %arg7[%get3A_1006, %get3A_1007] {strides = array<i32>} : memref<200x64xf32, #tpu.memory_space<vmem>>, vector<1x16xf32>,
        %get3A_1009 = vector.shape_cast %get3A_1008 : vector<1x16xf32> to vector<16xf32>
        %add3A_1010 = arith.addf %add3A_982, %get3A_1009 : vector<16xf32>
        %max3A_1011 = arith.maximumf %max3A_983, %get3A_1009 : vector<16xf32>
        %get3A_1012 = arith.index_cast %add3A_999 : i32 to index
        %get3A_1013 = arith.constant 32 : index
        %get3A_1014 = tpu.vector_load %arg7[%get3A_1012, %get3A_1013] {strides = array<i32>} : memref<200x64xf32, #tpu.memory_space<vmem>>, vector<1x16xf32>,
        %get3A_1015 = vector.shape_cast %get3A_1014 : vector<1x16xf32> to vector<16xf32>
        %add3A_1016 = arith.addf %add3A_988, %get3A_1015 : vector<16xf32>
        %max3A_1017 = arith.maximumf %max3A_989, %get3A_1015 : vector<16xf32>
        %get3A_1018 = arith.index_cast %add3A_999 : i32 to index
        %get3A_1019 = arith.constant 48 : index
        %get3A_1020 = tpu.vector_load %arg7[%get3A_1018, %get3A_1019] {strides = array<i32>} : memref<200x64xf32, #tpu.memory_space<vmem>>, vector<1x16xf32>,
        %get3A_1021 = vector.shape_cast %get3A_1020 : vector<1x16xf32> to vector<16xf32>
        %add3A_1022 = arith.addf %add3A_994, %get3A_1021 : vector<16xf32>
        %max3A_1023 = arith.maximumf %max3A_995, %get3A_1021 : vector<16xf32>
        %mul3A_1024 = arith.constant 25 : i32
        %mul3A_1025 = arith.muli %scan3A_373, %mul3A_1024 : i32
        %add3A_1026 = arith.constant 23 : i32
        %add3A_1027 = arith.addi %mul3A_1025, %add3A_1026 : i32
        %get3A_1028 = arith.index_cast %add3A_1027 : i32 to index
        %get3A_1029 = arith.constant 0 : index
        %get3A_1030 = tpu.vector_load %arg7[%get3A_1028, %get3A_1029] {strides = array<i32>} : memref<200x64xf32, #tpu.memory_space<vmem>>, vector<1x16xf32>,
        %get3A_1031 = vector.shape_cast %get3A_1030 : vector<1x16xf32> to vector<16xf32>
        %add3A_1032 = arith.addf %add3A_1004, %get3A_1031 : vector<16xf32>
        %max3A_1033 = arith.maximumf %max3A_1005, %get3A_1031 : vector<16xf32>
        %get3A_1034 = arith.index_cast %add3A_1027 : i32 to index
        %get3A_1035 = arith.constant 16 : index
        %get3A_1036 = tpu.vector_load %arg7[%get3A_1034, %get3A_1035] {strides = array<i32>} : memref<200x64xf32, #tpu.memory_space<vmem>>, vector<1x16xf32>,
        %get3A_1037 = vector.shape_cast %get3A_1036 : vector<1x16xf32> to vector<16xf32>
        %add3A_1038 = arith.addf %add3A_1010, %get3A_1037 : vector<16xf32>
        %max3A_1039 = arith.maximumf %max3A_1011, %get3A_1037 : vector<16xf32>
        %get3A_1040 = arith.index_cast %add3A_1027 : i32 to index
        %get3A_1041 = arith.constant 32 : index
        %get3A_1042 = tpu.vector_load %arg7[%get3A_1040, %get3A_1041] {strides = array<i32>} : memref<200x64xf32, #tpu.memory_space<vmem>>, vector<1x16xf32>,
        %get3A_1043 = vector.shape_cast %get3A_1042 : vector<1x16xf32> to vector<16xf32>
        %add3A_1044 = arith.addf %add3A_1016, %get3A_1043 : vector<16xf32>
        %max3A_1045 = arith.maximumf %max3A_1017, %get3A_1043 : vector<16xf32>
        %get3A_1046 = arith.index_cast %add3A_1027 : i32 to index
        %get3A_1047 = arith.constant 48 : index
        %get3A_1048 = tpu.vector_load %arg7[%get3A_1046, %get3A_1047] {strides = array<i32>} : memref<200x64xf32, #tpu.memory_space<vmem>>, vector<1x16xf32>,
        %get3A_1049 = vector.shape_cast %get3A_1048 : vector<1x16xf32> to vector<16xf32>
        %add3A_1050 = arith.addf %add3A_1022, %get3A_1049 : vector<16xf32>
        %max3A_1051 = arith.maximumf %max3A_1023, %get3A_1049 : vector<16xf32>
        %mul3A_1052 = arith.constant 25 : i32
        %mul3A_1053 = arith.muli %scan3A_373, %mul3A_1052 : i32
        %add3A_1054 = arith.constant 24 : i32
        %add3A_1055 = arith.addi %mul3A_1053, %add3A_1054 : i32
        %get3A_1056 = arith.index_cast %add3A_1055 : i32 to index
        %get3A_1057 = arith.constant 0 : index
        %get3A_1058 = tpu.vector_load %arg7[%get3A_1056, %get3A_1057] {strides = array<i32>} : memref<200x64xf32, #tpu.memory_space<vmem>>, vector<1x16xf32>,
        %get3A_1059 = vector.shape_cast %get3A_1058 : vector<1x16xf32> to vector<16xf32>
        %add3A_1060 = arith.addf %add3A_1032, %get3A_1059 : vector<16xf32>
        %max3A_1061 = arith.maximumf %max3A_1033, %get3A_1059 : vector<16xf32>
        %get3A_1062 = arith.index_cast %add3A_1055 : i32 to index
        %get3A_1063 = arith.constant 16 : index
        %get3A_1064 = tpu.vector_load %arg7[%get3A_1062, %get3A_1063] {strides = array<i32>} : memref<200x64xf32, #tpu.memory_space<vmem>>, vector<1x16xf32>,
        %get3A_1065 = vector.shape_cast %get3A_1064 : vector<1x16xf32> to vector<16xf32>
        %add3A_1066 = arith.addf %add3A_1038, %get3A_1065 : vector<16xf32>
        %max3A_1067 = arith.maximumf %max3A_1039, %get3A_1065 : vector<16xf32>
        %get3A_1068 = arith.index_cast %add3A_1055 : i32 to index
        %get3A_1069 = arith.constant 32 : index
        %get3A_1070 = tpu.vector_load %arg7[%get3A_1068, %get3A_1069] {strides = array<i32>} : memref<200x64xf32, #tpu.memory_space<vmem>>, vector<1x16xf32>,
        %get3A_1071 = vector.shape_cast %get3A_1070 : vector<1x16xf32> to vector<16xf32>
        %add3A_1072 = arith.addf %add3A_1044, %get3A_1071 : vector<16xf32>
        %max3A_1073 = arith.maximumf %max3A_1045, %get3A_1071 : vector<16xf32>
        %get3A_1074 = arith.index_cast %add3A_1055 : i32 to index
        %get3A_1075 = arith.constant 48 : index
        %get3A_1076 = tpu.vector_load %arg7[%get3A_1074, %get3A_1075] {strides = array<i32>} : memref<200x64xf32, #tpu.memory_space<vmem>>, vector<1x16xf32>,
        %get3A_1077 = vector.shape_cast %get3A_1076 : vector<1x16xf32> to vector<16xf32>
        %add3A_1078 = arith.addf %add3A_1050, %get3A_1077 : vector<16xf32>
        %max3A_1079 = arith.maximumf %max3A_1051, %get3A_1077 : vector<16xf32>
        scf.yield %add3A_1060, %add3A_1066, %add3A_1072, %add3A_1078, %max3A_1061, %max3A_1067, %max3A_1073, %max3A_1079 : vector<16xf32>, vector<16xf32>, vector<16xf32>, vector<16xf32>, vector<16xf32>, vector<16xf32>, vector<16xf32>, vector<16xf32>
      }
      %scan3A_174 = arith.constant 8 : i32
      %swap3A_175 = arith.index_cast %add3A_148 : i32 to index
      %swap3A_176 = arith.constant 0 : index
      %swap3A_177 = tpu.vector_load %arg10[%swap3A_175, %swap3A_176] {strides = array<i32>} : memref<128x128xf32, #tpu.memory_space<vmem>>, vector<1x16xf32>,
      %swap3A_178 = vector.shape_cast %swap3A_177 : vector<1x16xf32> to vector<16xf32>
      %swap3A_179 = vector.shape_cast %scan3A_173#0 : vector<16xf32> to vector<1x16xf32>
      tpu.vector_store %arg10[%swap3A_175, %swap3A_176], %swap3A_179 {strides = array<i32>} : memref<128x128xf32, #tpu.memory_space<vmem>>, vector<1x16xf32>,
      %swap3A_180 = arith.index_cast %add3A_148 : i32 to index
      %swap3A_181 = arith.constant 64 : index
      %swap3A_182 = tpu.vector_load %arg10[%swap3A_180, %swap3A_181] {strides = array<i32>} : memref<128x128xf32, #tpu.memory_space<vmem>>, vector<1x16xf32>,
      %swap3A_183 = vector.shape_cast %swap3A_182 : vector<1x16xf32> to vector<16xf32>
      %swap3A_184 = vector.shape_cast %scan3A_173#4 : vector<16xf32> to vector<1x16xf32>
      tpu.vector_store %arg10[%swap3A_180, %swap3A_181], %swap3A_184 {strides = array<i32>} : memref<128x128xf32, #tpu.memory_space<vmem>>, vector<1x16xf32>,
      %swap3A_185 = arith.index_cast %add3A_148 : i32 to index
      %swap3A_186 = arith.constant 16 : index
      %swap3A_187 = tpu.vector_load %arg10[%swap3A_185, %swap3A_186] {strides = array<i32>} : memref<128x128xf32, #tpu.memory_space<vmem>>, vector<1x16xf32>,
      %swap3A_188 = vector.shape_cast %swap3A_187 : vector<1x16xf32> to vector<16xf32>
      %swap3A_189 = vector.shape_cast %scan3A_173#1 : vector<16xf32> to vector<1x16xf32>
      tpu.vector_store %arg10[%swap3A_185, %swap3A_186], %swap3A_189 {strides = array<i32>} : memref<128x128xf32, #tpu.memory_space<vmem>>, vector<1x16xf32>,
      %swap3A_190 = arith.index_cast %add3A_148 : i32 to index
      %swap3A_191 = arith.constant 80 : index
      %swap3A_192 = tpu.vector_load %arg10[%swap3A_190, %swap3A_191] {strides = array<i32>} : memref<128x128xf32, #tpu.memory_space<vmem>>, vector<1x16xf32>,
      %swap3A_193 = vector.shape_cast %swap3A_192 : vector<1x16xf32> to vector<16xf32>
      %swap3A_194 = vector.shape_cast %scan3A_173#5 : vector<16xf32> to vector<1x16xf32>
      tpu.vector_store %arg10[%swap3A_190, %swap3A_191], %swap3A_194 {strides = array<i32>} : memref<128x128xf32, #tpu.memory_space<vmem>>, vector<1x16xf32>,
      %swap3A_195 = arith.index_cast %add3A_148 : i32 to index
      %swap3A_196 = arith.constant 32 : index
      %swap3A_197 = tpu.vector_load %arg10[%swap3A_195, %swap3A_196] {strides = array<i32>} : memref<128x128xf32, #tpu.memory_space<vmem>>, vector<1x16xf32>,
      %swap3A_198 = vector.shape_cast %swap3A_197 : vector<1x16xf32> to vector<16xf32>
      %swap3A_199 = vector.shape_cast %scan3A_173#2 : vector<16xf32> to vector<1x16xf32>
      tpu.vector_store %arg10[%swap3A_195, %swap3A_196], %swap3A_199 {strides = array<i32>} : memref<128x128xf32, #tpu.memory_space<vmem>>, vector<1x16xf32>,
      %swap3A_200 = arith.index_cast %add3A_148 : i32 to index
      %swap3A_201 = arith.constant 96 : index
      %swap3A_202 = tpu.vector_load %arg10[%swap3A_200, %swap3A_201] {strides = array<i32>} : memref<128x128xf32, #tpu.memory_space<vmem>>, vector<1x16xf32>,
      %swap3A_203 = vector.shape_cast %swap3A_202 : vector<1x16xf32> to vector<16xf32>
      %swap3A_204 = vector.shape_cast %scan3A_173#6 : vector<16xf32> to vector<1x16xf32>
      tpu.vector_store %arg10[%swap3A_200, %swap3A_201], %swap3A_204 {strides = array<i32>} : memref<128x128xf32, #tpu.memory_space<vmem>>, vector<1x16xf32>,
      %swap3A_205 = arith.index_cast %add3A_148 : i32 to index
      %swap3A_206 = arith.constant 48 : index
      %swap3A_207 = tpu.vector_load %arg10[%swap3A_205, %swap3A_206] {strides = array<i32>} : memref<128x128xf32, #tpu.memory_space<vmem>>, vector<1x16xf32>,
      %swap3A_208 = vector.shape_cast %swap3A_207 : vector<1x16xf32> to vector<16xf32>
      %swap3A_209 = vector.shape_cast %scan3A_173#3 : vector<16xf32> to vector<1x16xf32>
      tpu.vector_store %arg10[%swap3A_205, %swap3A_206], %swap3A_209 {strides = array<i32>} : memref<128x128xf32, #tpu.memory_space<vmem>>, vector<1x16xf32>,
      %swap3A_210 = arith.index_cast %add3A_148 : i32 to index
      %swap3A_211 = arith.constant 112 : index
      %swap3A_212 = tpu.vector_load %arg10[%swap3A_210, %swap3A_211] {strides = array<i32>} : memref<128x128xf32, #tpu.memory_space<vmem>>, vector<1x16xf32>,
      %swap3A_213 = vector.shape_cast %swap3A_212 : vector<1x16xf32> to vector<16xf32>
      %swap3A_214 = vector.shape_cast %scan3A_173#7 : vector<16xf32> to vector<1x16xf32>
      tpu.vector_store %arg10[%swap3A_210, %swap3A_211], %swap3A_214 {strides = array<i32>} : memref<128x128xf32, #tpu.memory_space<vmem>>, vector<1x16xf32>,
      %add3A_215 = arith.constant 4 : i32
      %add3A_216 = arith.addi %add3A_148, %add3A_215 : i32
      %lt3A_217 = arith.constant 128 : i32
      %lt3A_218 = arith.cmpi slt, %add3A_216, %lt3A_217 : i32
      %convert_element_type3A_219 = arith.extui %lt3A_218 : i1 to i32
      %cond3A_220 = arith.constant 0 : i32
      %cond3A_221 = arith.cmpi ne, %convert_element_type3A_219, %cond3A_220 : i32
      scf.if %cond3A_221 {
        %add3A_373 = arith.constant 4 : i32
        %add3A_374 = arith.addi %add3A_148, %add3A_373 : i32
        %mul3A_375 = arith.constant 200 : i32
        %mul3A_376 = arith.muli %add3A_374, %mul3A_375 : i32
        %dma_start3A_377 = arith.constant 0 : i32
        %dma_start3A_378 = arith.constant 0 : i32
        %dma_start3A_379 = tpu.memref_slice %arg7[%dma_start3A_377, %dma_start3A_378] : memref<200x64xf32, #tpu.memory_space<vmem>> -> memref<128x64xf32, #tpu.memory_space<vmem>>
        %dma_start3A_380 = tpu.memref_slice %arg5[%mul3A_376] : memref<25600xi32, #tpu.memory_space<vmem>> -> memref<128xi32, #tpu.memory_space<vmem>>
        %dma_start3A_381 = arith.constant 0 : i32
        %dma_start3A_382 = arith.constant 0 : i32
        %dma_start3A_383 = tpu.memref_slice %arg3[%dma_start3A_381, %dma_start3A_382] : memref<100000x64xf32, #tpu.memory_space<hbm>> -> memref<100000x64xf32, #tpu.memory_space<hbm>>
        tpu.enqueue_indirect_dma source(%dma_start3A_383 : memref<100000x64xf32, #tpu.memory_space<hbm>>) target(%dma_start3A_379 : memref<128x64xf32, #tpu.memory_space<vmem>>) offsets(%dma_start3A_380 : memref<128xi32, #tpu.memory_space<vmem>>) semaphore(%arg12 : memref<!tpu.dma_semaphore, #tpu.memory_space<semaphore_mem>>)
        %mul3A_384 = arith.constant 200 : i32
        %mul3A_385 = arith.muli %add3A_374, %mul3A_384 : i32
        %add3A_386 = arith.constant 128 : i32
        %add3A_387 = arith.addi %mul3A_385, %add3A_386 : i32
        %dma_start3A_388 = arith.constant 128 : i32
        %dma_start3A_389 = arith.constant 0 : i32
        %dma_start3A_390 = tpu.memref_slice %arg7[%dma_start3A_388, %dma_start3A_389] : memref<200x64xf32, #tpu.memory_space<vmem>> -> memref<72x64xf32, #tpu.memory_space<vmem>>
        %dma_start3A_391 = tpu.memref_slice %arg5[%add3A_387] : memref<25600xi32, #tpu.memory_space<vmem>> -> memref<72xi32, #tpu.memory_space<vmem>>
        %dma_start3A_392 = arith.constant 0 : i32
        %dma_start3A_393 = arith.constant 0 : i32
        %dma_start3A_394 = tpu.memref_slice %arg3[%dma_start3A_392, %dma_start3A_393] : memref<100000x64xf32, #tpu.memory_space<hbm>> -> memref<100000x64xf32, #tpu.memory_space<hbm>>
        tpu.enqueue_indirect_dma source(%dma_start3A_394 : memref<100000x64xf32, #tpu.memory_space<hbm>>) target(%dma_start3A_390 : memref<72x64xf32, #tpu.memory_space<vmem>>) offsets(%dma_start3A_391 : memref<72xi32, #tpu.memory_space<vmem>>) semaphore(%arg12 : memref<!tpu.dma_semaphore, #tpu.memory_space<semaphore_mem>>)
      } else {
      }
      %add3A_222 = arith.constant 2 : i32
      %add3A_223 = arith.addi %mul3A_77, %add3A_222 : i32
      %dma_wait3A_224 = arith.constant 0 : i32
      %dma_wait3A_225 = arith.constant 0 : i32
      %dma_wait3A_226 = tpu.memref_slice %arg8[%dma_wait3A_224, %dma_wait3A_225] : memref<200x64xf32, #tpu.memory_space<vmem>> -> memref<128x64xf32, #tpu.memory_space<vmem>>
      %dma_wait3A_227 = arith.constant 0 : i32
      %dma_wait3A_228 = tpu.memref_slice %arg5[%dma_wait3A_227] : memref<25600xi32, #tpu.memory_space<vmem>> -> memref<128xi32, #tpu.memory_space<vmem>>
      %dma_wait3A_229 = arith.constant 0 : i32
      %dma_wait3A_230 = arith.constant 0 : i32
      %dma_wait3A_231 = tpu.memref_slice %arg3[%dma_wait3A_229, %dma_wait3A_230] : memref<100000x64xf32, #tpu.memory_space<hbm>> -> memref<100000x64xf32, #tpu.memory_space<hbm>>
      tpu.wait_indirect_dma semaphore(%arg13 : memref<!tpu.dma_semaphore, #tpu.memory_space<semaphore_mem>>) src(%dma_wait3A_231 : memref<100000x64xf32, #tpu.memory_space<hbm>>) dst(%dma_wait3A_226 : memref<128x64xf32, #tpu.memory_space<vmem>>)
      %dma_wait3A_232 = arith.constant 128 : i32
      %dma_wait3A_233 = arith.constant 0 : i32
      %dma_wait3A_234 = tpu.memref_slice %arg8[%dma_wait3A_232, %dma_wait3A_233] : memref<200x64xf32, #tpu.memory_space<vmem>> -> memref<72x64xf32, #tpu.memory_space<vmem>>
      %dma_wait3A_235 = arith.constant 0 : i32
      %dma_wait3A_236 = tpu.memref_slice %arg5[%dma_wait3A_235] : memref<25600xi32, #tpu.memory_space<vmem>> -> memref<72xi32, #tpu.memory_space<vmem>>
      %dma_wait3A_237 = arith.constant 0 : i32
      %dma_wait3A_238 = arith.constant 0 : i32
      %dma_wait3A_239 = tpu.memref_slice %arg3[%dma_wait3A_237, %dma_wait3A_238] : memref<100000x64xf32, #tpu.memory_space<hbm>> -> memref<100000x64xf32, #tpu.memory_space<hbm>>
      tpu.wait_indirect_dma semaphore(%arg13 : memref<!tpu.dma_semaphore, #tpu.memory_space<semaphore_mem>>) src(%dma_wait3A_239 : memref<100000x64xf32, #tpu.memory_space<hbm>>) dst(%dma_wait3A_234 : memref<72x64xf32, #tpu.memory_space<vmem>>)
      %broadcast_in_dim3A_240 = arith.constant 0.000000e+00 : f32
      %broadcast_in_dim3A_241 = vector.broadcast %broadcast_in_dim3A_240 : f32 to vector<16xf32>
      %broadcast_in_dim3A_242 = arith.constant 0xFF800000 : f32
      %broadcast_in_dim3A_243 = vector.broadcast %broadcast_in_dim3A_242 : f32 to vector<16xf32>
      %scan3A_244 = arith.constant 0 : i32
      %scan3A_245 = arith.constant 8 : i32
      %scan3A_246 = arith.addi %scan3A_244, %scan3A_245 : i32
      %scan3A_247 = arith.constant 1 : i32
      %scan3A_248:8 = scf.for %scan3A_373 = %scan3A_244 to %scan3A_246 step %scan3A_247 iter_args(%scan3A_374 = %broadcast_in_dim3A_241, %scan3A_375 = %broadcast_in_dim3A_241, %scan3A_376 = %broadcast_in_dim3A_241, %scan3A_377 = %broadcast_in_dim3A_241, %scan3A_378 = %broadcast_in_dim3A_243, %scan3A_379 = %broadcast_in_dim3A_243, %scan3A_380 = %broadcast_in_dim3A_243, %scan3A_381 = %broadcast_in_dim3A_243) -> (vector<16xf32>, vector<16xf32>, vector<16xf32>, vector<16xf32>, vector<16xf32>, vector<16xf32>, vector<16xf32>, vector<16xf32>)  : i32 {
        %mul3A_382 = arith.constant 25 : i32
        %mul3A_383 = arith.muli %scan3A_373, %mul3A_382 : i32
        %add3A_384 = arith.constant 0 : i32
        %add3A_385 = arith.addi %mul3A_383, %add3A_384 : i32
        %get3A = arith.index_cast %add3A_385 : i32 to index
        %get3A_386 = arith.constant 0 : index
        %get3A_387 = tpu.vector_load %arg8[%get3A, %get3A_386] {strides = array<i32>} : memref<200x64xf32, #tpu.memory_space<vmem>>, vector<1x16xf32>,
        %get3A_388 = vector.shape_cast %get3A_387 : vector<1x16xf32> to vector<16xf32>
        %add3A_389 = arith.addf %scan3A_374, %get3A_388 : vector<16xf32>
        %max3A = arith.maximumf %scan3A_378, %get3A_388 : vector<16xf32>
        %get3A_390 = arith.index_cast %add3A_385 : i32 to index
        %get3A_391 = arith.constant 16 : index
        %get3A_392 = tpu.vector_load %arg8[%get3A_390, %get3A_391] {strides = array<i32>} : memref<200x64xf32, #tpu.memory_space<vmem>>, vector<1x16xf32>,
        %get3A_393 = vector.shape_cast %get3A_392 : vector<1x16xf32> to vector<16xf32>
        %add3A_394 = arith.addf %scan3A_375, %get3A_393 : vector<16xf32>
        %max3A_395 = arith.maximumf %scan3A_379, %get3A_393 : vector<16xf32>
        %get3A_396 = arith.index_cast %add3A_385 : i32 to index
        %get3A_397 = arith.constant 32 : index
        %get3A_398 = tpu.vector_load %arg8[%get3A_396, %get3A_397] {strides = array<i32>} : memref<200x64xf32, #tpu.memory_space<vmem>>, vector<1x16xf32>,
        %get3A_399 = vector.shape_cast %get3A_398 : vector<1x16xf32> to vector<16xf32>
        %add3A_400 = arith.addf %scan3A_376, %get3A_399 : vector<16xf32>
        %max3A_401 = arith.maximumf %scan3A_380, %get3A_399 : vector<16xf32>
        %get3A_402 = arith.index_cast %add3A_385 : i32 to index
        %get3A_403 = arith.constant 48 : index
        %get3A_404 = tpu.vector_load %arg8[%get3A_402, %get3A_403] {strides = array<i32>} : memref<200x64xf32, #tpu.memory_space<vmem>>, vector<1x16xf32>,
        %get3A_405 = vector.shape_cast %get3A_404 : vector<1x16xf32> to vector<16xf32>
        %add3A_406 = arith.addf %scan3A_377, %get3A_405 : vector<16xf32>
        %max3A_407 = arith.maximumf %scan3A_381, %get3A_405 : vector<16xf32>
        %mul3A_408 = arith.constant 25 : i32
        %mul3A_409 = arith.muli %scan3A_373, %mul3A_408 : i32
        %add3A_410 = arith.constant 1 : i32
        %add3A_411 = arith.addi %mul3A_409, %add3A_410 : i32
        %get3A_412 = arith.index_cast %add3A_411 : i32 to index
        %get3A_413 = arith.constant 0 : index
        %get3A_414 = tpu.vector_load %arg8[%get3A_412, %get3A_413] {strides = array<i32>} : memref<200x64xf32, #tpu.memory_space<vmem>>, vector<1x16xf32>,
        %get3A_415 = vector.shape_cast %get3A_414 : vector<1x16xf32> to vector<16xf32>
        %add3A_416 = arith.addf %add3A_389, %get3A_415 : vector<16xf32>
        %max3A_417 = arith.maximumf %max3A, %get3A_415 : vector<16xf32>
        %get3A_418 = arith.index_cast %add3A_411 : i32 to index
        %get3A_419 = arith.constant 16 : index
        %get3A_420 = tpu.vector_load %arg8[%get3A_418, %get3A_419] {strides = array<i32>} : memref<200x64xf32, #tpu.memory_space<vmem>>, vector<1x16xf32>,
        %get3A_421 = vector.shape_cast %get3A_420 : vector<1x16xf32> to vector<16xf32>
        %add3A_422 = arith.addf %add3A_394, %get3A_421 : vector<16xf32>
        %max3A_423 = arith.maximumf %max3A_395, %get3A_421 : vector<16xf32>
        %get3A_424 = arith.index_cast %add3A_411 : i32 to index
        %get3A_425 = arith.constant 32 : index
        %get3A_426 = tpu.vector_load %arg8[%get3A_424, %get3A_425] {strides = array<i32>} : memref<200x64xf32, #tpu.memory_space<vmem>>, vector<1x16xf32>,
        %get3A_427 = vector.shape_cast %get3A_426 : vector<1x16xf32> to vector<16xf32>
        %add3A_428 = arith.addf %add3A_400, %get3A_427 : vector<16xf32>
        %max3A_429 = arith.maximumf %max3A_401, %get3A_427 : vector<16xf32>
        %get3A_430 = arith.index_cast %add3A_411 : i32 to index
        %get3A_431 = arith.constant 48 : index
        %get3A_432 = tpu.vector_load %arg8[%get3A_430, %get3A_431] {strides = array<i32>} : memref<200x64xf32, #tpu.memory_space<vmem>>, vector<1x16xf32>,
        %get3A_433 = vector.shape_cast %get3A_432 : vector<1x16xf32> to vector<16xf32>
        %add3A_434 = arith.addf %add3A_406, %get3A_433 : vector<16xf32>
        %max3A_435 = arith.maximumf %max3A_407, %get3A_433 : vector<16xf32>
        %mul3A_436 = arith.constant 25 : i32
        %mul3A_437 = arith.muli %scan3A_373, %mul3A_436 : i32
        %add3A_438 = arith.constant 2 : i32
        %add3A_439 = arith.addi %mul3A_437, %add3A_438 : i32
        %get3A_440 = arith.index_cast %add3A_439 : i32 to index
        %get3A_441 = arith.constant 0 : index
        %get3A_442 = tpu.vector_load %arg8[%get3A_440, %get3A_441] {strides = array<i32>} : memref<200x64xf32, #tpu.memory_space<vmem>>, vector<1x16xf32>,
        %get3A_443 = vector.shape_cast %get3A_442 : vector<1x16xf32> to vector<16xf32>
        %add3A_444 = arith.addf %add3A_416, %get3A_443 : vector<16xf32>
        %max3A_445 = arith.maximumf %max3A_417, %get3A_443 : vector<16xf32>
        %get3A_446 = arith.index_cast %add3A_439 : i32 to index
        %get3A_447 = arith.constant 16 : index
        %get3A_448 = tpu.vector_load %arg8[%get3A_446, %get3A_447] {strides = array<i32>} : memref<200x64xf32, #tpu.memory_space<vmem>>, vector<1x16xf32>,
        %get3A_449 = vector.shape_cast %get3A_448 : vector<1x16xf32> to vector<16xf32>
        %add3A_450 = arith.addf %add3A_422, %get3A_449 : vector<16xf32>
        %max3A_451 = arith.maximumf %max3A_423, %get3A_449 : vector<16xf32>
        %get3A_452 = arith.index_cast %add3A_439 : i32 to index
        %get3A_453 = arith.constant 32 : index
        %get3A_454 = tpu.vector_load %arg8[%get3A_452, %get3A_453] {strides = array<i32>} : memref<200x64xf32, #tpu.memory_space<vmem>>, vector<1x16xf32>,
        %get3A_455 = vector.shape_cast %get3A_454 : vector<1x16xf32> to vector<16xf32>
        %add3A_456 = arith.addf %add3A_428, %get3A_455 : vector<16xf32>
        %max3A_457 = arith.maximumf %max3A_429, %get3A_455 : vector<16xf32>
        %get3A_458 = arith.index_cast %add3A_439 : i32 to index
        %get3A_459 = arith.constant 48 : index
        %get3A_460 = tpu.vector_load %arg8[%get3A_458, %get3A_459] {strides = array<i32>} : memref<200x64xf32, #tpu.memory_space<vmem>>, vector<1x16xf32>,
        %get3A_461 = vector.shape_cast %get3A_460 : vector<1x16xf32> to vector<16xf32>
        %add3A_462 = arith.addf %add3A_434, %get3A_461 : vector<16xf32>
        %max3A_463 = arith.maximumf %max3A_435, %get3A_461 : vector<16xf32>
        %mul3A_464 = arith.constant 25 : i32
        %mul3A_465 = arith.muli %scan3A_373, %mul3A_464 : i32
        %add3A_466 = arith.constant 3 : i32
        %add3A_467 = arith.addi %mul3A_465, %add3A_466 : i32
        %get3A_468 = arith.index_cast %add3A_467 : i32 to index
        %get3A_469 = arith.constant 0 : index
        %get3A_470 = tpu.vector_load %arg8[%get3A_468, %get3A_469] {strides = array<i32>} : memref<200x64xf32, #tpu.memory_space<vmem>>, vector<1x16xf32>,
        %get3A_471 = vector.shape_cast %get3A_470 : vector<1x16xf32> to vector<16xf32>
        %add3A_472 = arith.addf %add3A_444, %get3A_471 : vector<16xf32>
        %max3A_473 = arith.maximumf %max3A_445, %get3A_471 : vector<16xf32>
        %get3A_474 = arith.index_cast %add3A_467 : i32 to index
        %get3A_475 = arith.constant 16 : index
        %get3A_476 = tpu.vector_load %arg8[%get3A_474, %get3A_475] {strides = array<i32>} : memref<200x64xf32, #tpu.memory_space<vmem>>, vector<1x16xf32>,
        %get3A_477 = vector.shape_cast %get3A_476 : vector<1x16xf32> to vector<16xf32>
        %add3A_478 = arith.addf %add3A_450, %get3A_477 : vector<16xf32>
        %max3A_479 = arith.maximumf %max3A_451, %get3A_477 : vector<16xf32>
        %get3A_480 = arith.index_cast %add3A_467 : i32 to index
        %get3A_481 = arith.constant 32 : index
        %get3A_482 = tpu.vector_load %arg8[%get3A_480, %get3A_481] {strides = array<i32>} : memref<200x64xf32, #tpu.memory_space<vmem>>, vector<1x16xf32>,
        %get3A_483 = vector.shape_cast %get3A_482 : vector<1x16xf32> to vector<16xf32>
        %add3A_484 = arith.addf %add3A_456, %get3A_483 : vector<16xf32>
        %max3A_485 = arith.maximumf %max3A_457, %get3A_483 : vector<16xf32>
        %get3A_486 = arith.index_cast %add3A_467 : i32 to index
        %get3A_487 = arith.constant 48 : index
        %get3A_488 = tpu.vector_load %arg8[%get3A_486, %get3A_487] {strides = array<i32>} : memref<200x64xf32, #tpu.memory_space<vmem>>, vector<1x16xf32>,
        %get3A_489 = vector.shape_cast %get3A_488 : vector<1x16xf32> to vector<16xf32>
        %add3A_490 = arith.addf %add3A_462, %get3A_489 : vector<16xf32>
        %max3A_491 = arith.maximumf %max3A_463, %get3A_489 : vector<16xf32>
        %mul3A_492 = arith.constant 25 : i32
        %mul3A_493 = arith.muli %scan3A_373, %mul3A_492 : i32
        %add3A_494 = arith.constant 4 : i32
        %add3A_495 = arith.addi %mul3A_493, %add3A_494 : i32
        %get3A_496 = arith.index_cast %add3A_495 : i32 to index
        %get3A_497 = arith.constant 0 : index
        %get3A_498 = tpu.vector_load %arg8[%get3A_496, %get3A_497] {strides = array<i32>} : memref<200x64xf32, #tpu.memory_space<vmem>>, vector<1x16xf32>,
        %get3A_499 = vector.shape_cast %get3A_498 : vector<1x16xf32> to vector<16xf32>
        %add3A_500 = arith.addf %add3A_472, %get3A_499 : vector<16xf32>
        %max3A_501 = arith.maximumf %max3A_473, %get3A_499 : vector<16xf32>
        %get3A_502 = arith.index_cast %add3A_495 : i32 to index
        %get3A_503 = arith.constant 16 : index
        %get3A_504 = tpu.vector_load %arg8[%get3A_502, %get3A_503] {strides = array<i32>} : memref<200x64xf32, #tpu.memory_space<vmem>>, vector<1x16xf32>,
        %get3A_505 = vector.shape_cast %get3A_504 : vector<1x16xf32> to vector<16xf32>
        %add3A_506 = arith.addf %add3A_478, %get3A_505 : vector<16xf32>
        %max3A_507 = arith.maximumf %max3A_479, %get3A_505 : vector<16xf32>
        %get3A_508 = arith.index_cast %add3A_495 : i32 to index
        %get3A_509 = arith.constant 32 : index
        %get3A_510 = tpu.vector_load %arg8[%get3A_508, %get3A_509] {strides = array<i32>} : memref<200x64xf32, #tpu.memory_space<vmem>>, vector<1x16xf32>,
        %get3A_511 = vector.shape_cast %get3A_510 : vector<1x16xf32> to vector<16xf32>
        %add3A_512 = arith.addf %add3A_484, %get3A_511 : vector<16xf32>
        %max3A_513 = arith.maximumf %max3A_485, %get3A_511 : vector<16xf32>
        %get3A_514 = arith.index_cast %add3A_495 : i32 to index
        %get3A_515 = arith.constant 48 : index
        %get3A_516 = tpu.vector_load %arg8[%get3A_514, %get3A_515] {strides = array<i32>} : memref<200x64xf32, #tpu.memory_space<vmem>>, vector<1x16xf32>,
        %get3A_517 = vector.shape_cast %get3A_516 : vector<1x16xf32> to vector<16xf32>
        %add3A_518 = arith.addf %add3A_490, %get3A_517 : vector<16xf32>
        %max3A_519 = arith.maximumf %max3A_491, %get3A_517 : vector<16xf32>
        %mul3A_520 = arith.constant 25 : i32
        %mul3A_521 = arith.muli %scan3A_373, %mul3A_520 : i32
        %add3A_522 = arith.constant 5 : i32
        %add3A_523 = arith.addi %mul3A_521, %add3A_522 : i32
        %get3A_524 = arith.index_cast %add3A_523 : i32 to index
        %get3A_525 = arith.constant 0 : index
        %get3A_526 = tpu.vector_load %arg8[%get3A_524, %get3A_525] {strides = array<i32>} : memref<200x64xf32, #tpu.memory_space<vmem>>, vector<1x16xf32>,
        %get3A_527 = vector.shape_cast %get3A_526 : vector<1x16xf32> to vector<16xf32>
        %add3A_528 = arith.addf %add3A_500, %get3A_527 : vector<16xf32>
        %max3A_529 = arith.maximumf %max3A_501, %get3A_527 : vector<16xf32>
        %get3A_530 = arith.index_cast %add3A_523 : i32 to index
        %get3A_531 = arith.constant 16 : index
        %get3A_532 = tpu.vector_load %arg8[%get3A_530, %get3A_531] {strides = array<i32>} : memref<200x64xf32, #tpu.memory_space<vmem>>, vector<1x16xf32>,
        %get3A_533 = vector.shape_cast %get3A_532 : vector<1x16xf32> to vector<16xf32>
        %add3A_534 = arith.addf %add3A_506, %get3A_533 : vector<16xf32>
        %max3A_535 = arith.maximumf %max3A_507, %get3A_533 : vector<16xf32>
        %get3A_536 = arith.index_cast %add3A_523 : i32 to index
        %get3A_537 = arith.constant 32 : index
        %get3A_538 = tpu.vector_load %arg8[%get3A_536, %get3A_537] {strides = array<i32>} : memref<200x64xf32, #tpu.memory_space<vmem>>, vector<1x16xf32>,
        %get3A_539 = vector.shape_cast %get3A_538 : vector<1x16xf32> to vector<16xf32>
        %add3A_540 = arith.addf %add3A_512, %get3A_539 : vector<16xf32>
        %max3A_541 = arith.maximumf %max3A_513, %get3A_539 : vector<16xf32>
        %get3A_542 = arith.index_cast %add3A_523 : i32 to index
        %get3A_543 = arith.constant 48 : index
        %get3A_544 = tpu.vector_load %arg8[%get3A_542, %get3A_543] {strides = array<i32>} : memref<200x64xf32, #tpu.memory_space<vmem>>, vector<1x16xf32>,
        %get3A_545 = vector.shape_cast %get3A_544 : vector<1x16xf32> to vector<16xf32>
        %add3A_546 = arith.addf %add3A_518, %get3A_545 : vector<16xf32>
        %max3A_547 = arith.maximumf %max3A_519, %get3A_545 : vector<16xf32>
        %mul3A_548 = arith.constant 25 : i32
        %mul3A_549 = arith.muli %scan3A_373, %mul3A_548 : i32
        %add3A_550 = arith.constant 6 : i32
        %add3A_551 = arith.addi %mul3A_549, %add3A_550 : i32
        %get3A_552 = arith.index_cast %add3A_551 : i32 to index
        %get3A_553 = arith.constant 0 : index
        %get3A_554 = tpu.vector_load %arg8[%get3A_552, %get3A_553] {strides = array<i32>} : memref<200x64xf32, #tpu.memory_space<vmem>>, vector<1x16xf32>,
        %get3A_555 = vector.shape_cast %get3A_554 : vector<1x16xf32> to vector<16xf32>
        %add3A_556 = arith.addf %add3A_528, %get3A_555 : vector<16xf32>
        %max3A_557 = arith.maximumf %max3A_529, %get3A_555 : vector<16xf32>
        %get3A_558 = arith.index_cast %add3A_551 : i32 to index
        %get3A_559 = arith.constant 16 : index
        %get3A_560 = tpu.vector_load %arg8[%get3A_558, %get3A_559] {strides = array<i32>} : memref<200x64xf32, #tpu.memory_space<vmem>>, vector<1x16xf32>,
        %get3A_561 = vector.shape_cast %get3A_560 : vector<1x16xf32> to vector<16xf32>
        %add3A_562 = arith.addf %add3A_534, %get3A_561 : vector<16xf32>
        %max3A_563 = arith.maximumf %max3A_535, %get3A_561 : vector<16xf32>
        %get3A_564 = arith.index_cast %add3A_551 : i32 to index
        %get3A_565 = arith.constant 32 : index
        %get3A_566 = tpu.vector_load %arg8[%get3A_564, %get3A_565] {strides = array<i32>} : memref<200x64xf32, #tpu.memory_space<vmem>>, vector<1x16xf32>,
        %get3A_567 = vector.shape_cast %get3A_566 : vector<1x16xf32> to vector<16xf32>
        %add3A_568 = arith.addf %add3A_540, %get3A_567 : vector<16xf32>
        %max3A_569 = arith.maximumf %max3A_541, %get3A_567 : vector<16xf32>
        %get3A_570 = arith.index_cast %add3A_551 : i32 to index
        %get3A_571 = arith.constant 48 : index
        %get3A_572 = tpu.vector_load %arg8[%get3A_570, %get3A_571] {strides = array<i32>} : memref<200x64xf32, #tpu.memory_space<vmem>>, vector<1x16xf32>,
        %get3A_573 = vector.shape_cast %get3A_572 : vector<1x16xf32> to vector<16xf32>
        %add3A_574 = arith.addf %add3A_546, %get3A_573 : vector<16xf32>
        %max3A_575 = arith.maximumf %max3A_547, %get3A_573 : vector<16xf32>
        %mul3A_576 = arith.constant 25 : i32
        %mul3A_577 = arith.muli %scan3A_373, %mul3A_576 : i32
        %add3A_578 = arith.constant 7 : i32
        %add3A_579 = arith.addi %mul3A_577, %add3A_578 : i32
        %get3A_580 = arith.index_cast %add3A_579 : i32 to index
        %get3A_581 = arith.constant 0 : index
        %get3A_582 = tpu.vector_load %arg8[%get3A_580, %get3A_581] {strides = array<i32>} : memref<200x64xf32, #tpu.memory_space<vmem>>, vector<1x16xf32>,
        %get3A_583 = vector.shape_cast %get3A_582 : vector<1x16xf32> to vector<16xf32>
        %add3A_584 = arith.addf %add3A_556, %get3A_583 : vector<16xf32>
        %max3A_585 = arith.maximumf %max3A_557, %get3A_583 : vector<16xf32>
        %get3A_586 = arith.index_cast %add3A_579 : i32 to index
        %get3A_587 = arith.constant 16 : index
        %get3A_588 = tpu.vector_load %arg8[%get3A_586, %get3A_587] {strides = array<i32>} : memref<200x64xf32, #tpu.memory_space<vmem>>, vector<1x16xf32>,
        %get3A_589 = vector.shape_cast %get3A_588 : vector<1x16xf32> to vector<16xf32>
        %add3A_590 = arith.addf %add3A_562, %get3A_589 : vector<16xf32>
        %max3A_591 = arith.maximumf %max3A_563, %get3A_589 : vector<16xf32>
        %get3A_592 = arith.index_cast %add3A_579 : i32 to index
        %get3A_593 = arith.constant 32 : index
        %get3A_594 = tpu.vector_load %arg8[%get3A_592, %get3A_593] {strides = array<i32>} : memref<200x64xf32, #tpu.memory_space<vmem>>, vector<1x16xf32>,
        %get3A_595 = vector.shape_cast %get3A_594 : vector<1x16xf32> to vector<16xf32>
        %add3A_596 = arith.addf %add3A_568, %get3A_595 : vector<16xf32>
        %max3A_597 = arith.maximumf %max3A_569, %get3A_595 : vector<16xf32>
        %get3A_598 = arith.index_cast %add3A_579 : i32 to index
        %get3A_599 = arith.constant 48 : index
        %get3A_600 = tpu.vector_load %arg8[%get3A_598, %get3A_599] {strides = array<i32>} : memref<200x64xf32, #tpu.memory_space<vmem>>, vector<1x16xf32>,
        %get3A_601 = vector.shape_cast %get3A_600 : vector<1x16xf32> to vector<16xf32>
        %add3A_602 = arith.addf %add3A_574, %get3A_601 : vector<16xf32>
        %max3A_603 = arith.maximumf %max3A_575, %get3A_601 : vector<16xf32>
        %mul3A_604 = arith.constant 25 : i32
        %mul3A_605 = arith.muli %scan3A_373, %mul3A_604 : i32
        %add3A_606 = arith.constant 8 : i32
        %add3A_607 = arith.addi %mul3A_605, %add3A_606 : i32
        %get3A_608 = arith.index_cast %add3A_607 : i32 to index
        %get3A_609 = arith.constant 0 : index
        %get3A_610 = tpu.vector_load %arg8[%get3A_608, %get3A_609] {strides = array<i32>} : memref<200x64xf32, #tpu.memory_space<vmem>>, vector<1x16xf32>,
        %get3A_611 = vector.shape_cast %get3A_610 : vector<1x16xf32> to vector<16xf32>
        %add3A_612 = arith.addf %add3A_584, %get3A_611 : vector<16xf32>
        %max3A_613 = arith.maximumf %max3A_585, %get3A_611 : vector<16xf32>
        %get3A_614 = arith.index_cast %add3A_607 : i32 to index
        %get3A_615 = arith.constant 16 : index
        %get3A_616 = tpu.vector_load %arg8[%get3A_614, %get3A_615] {strides = array<i32>} : memref<200x64xf32, #tpu.memory_space<vmem>>, vector<1x16xf32>,
        %get3A_617 = vector.shape_cast %get3A_616 : vector<1x16xf32> to vector<16xf32>
        %add3A_618 = arith.addf %add3A_590, %get3A_617 : vector<16xf32>
        %max3A_619 = arith.maximumf %max3A_591, %get3A_617 : vector<16xf32>
        %get3A_620 = arith.index_cast %add3A_607 : i32 to index
        %get3A_621 = arith.constant 32 : index
        %get3A_622 = tpu.vector_load %arg8[%get3A_620, %get3A_621] {strides = array<i32>} : memref<200x64xf32, #tpu.memory_space<vmem>>, vector<1x16xf32>,
        %get3A_623 = vector.shape_cast %get3A_622 : vector<1x16xf32> to vector<16xf32>
        %add3A_624 = arith.addf %add3A_596, %get3A_623 : vector<16xf32>
        %max3A_625 = arith.maximumf %max3A_597, %get3A_623 : vector<16xf32>
        %get3A_626 = arith.index_cast %add3A_607 : i32 to index
        %get3A_627 = arith.constant 48 : index
        %get3A_628 = tpu.vector_load %arg8[%get3A_626, %get3A_627] {strides = array<i32>} : memref<200x64xf32, #tpu.memory_space<vmem>>, vector<1x16xf32>,
        %get3A_629 = vector.shape_cast %get3A_628 : vector<1x16xf32> to vector<16xf32>
        %add3A_630 = arith.addf %add3A_602, %get3A_629 : vector<16xf32>
        %max3A_631 = arith.maximumf %max3A_603, %get3A_629 : vector<16xf32>
        %mul3A_632 = arith.constant 25 : i32
        %mul3A_633 = arith.muli %scan3A_373, %mul3A_632 : i32
        %add3A_634 = arith.constant 9 : i32
        %add3A_635 = arith.addi %mul3A_633, %add3A_634 : i32
        %get3A_636 = arith.index_cast %add3A_635 : i32 to index
        %get3A_637 = arith.constant 0 : index
        %get3A_638 = tpu.vector_load %arg8[%get3A_636, %get3A_637] {strides = array<i32>} : memref<200x64xf32, #tpu.memory_space<vmem>>, vector<1x16xf32>,
        %get3A_639 = vector.shape_cast %get3A_638 : vector<1x16xf32> to vector<16xf32>
        %add3A_640 = arith.addf %add3A_612, %get3A_639 : vector<16xf32>
        %max3A_641 = arith.maximumf %max3A_613, %get3A_639 : vector<16xf32>
        %get3A_642 = arith.index_cast %add3A_635 : i32 to index
        %get3A_643 = arith.constant 16 : index
        %get3A_644 = tpu.vector_load %arg8[%get3A_642, %get3A_643] {strides = array<i32>} : memref<200x64xf32, #tpu.memory_space<vmem>>, vector<1x16xf32>,
        %get3A_645 = vector.shape_cast %get3A_644 : vector<1x16xf32> to vector<16xf32>
        %add3A_646 = arith.addf %add3A_618, %get3A_645 : vector<16xf32>
        %max3A_647 = arith.maximumf %max3A_619, %get3A_645 : vector<16xf32>
        %get3A_648 = arith.index_cast %add3A_635 : i32 to index
        %get3A_649 = arith.constant 32 : index
        %get3A_650 = tpu.vector_load %arg8[%get3A_648, %get3A_649] {strides = array<i32>} : memref<200x64xf32, #tpu.memory_space<vmem>>, vector<1x16xf32>,
        %get3A_651 = vector.shape_cast %get3A_650 : vector<1x16xf32> to vector<16xf32>
        %add3A_652 = arith.addf %add3A_624, %get3A_651 : vector<16xf32>
        %max3A_653 = arith.maximumf %max3A_625, %get3A_651 : vector<16xf32>
        %get3A_654 = arith.index_cast %add3A_635 : i32 to index
        %get3A_655 = arith.constant 48 : index
        %get3A_656 = tpu.vector_load %arg8[%get3A_654, %get3A_655] {strides = array<i32>} : memref<200x64xf32, #tpu.memory_space<vmem>>, vector<1x16xf32>,
        %get3A_657 = vector.shape_cast %get3A_656 : vector<1x16xf32> to vector<16xf32>
        %add3A_658 = arith.addf %add3A_630, %get3A_657 : vector<16xf32>
        %max3A_659 = arith.maximumf %max3A_631, %get3A_657 : vector<16xf32>
        %mul3A_660 = arith.constant 25 : i32
        %mul3A_661 = arith.muli %scan3A_373, %mul3A_660 : i32
        %add3A_662 = arith.constant 10 : i32
        %add3A_663 = arith.addi %mul3A_661, %add3A_662 : i32
        %get3A_664 = arith.index_cast %add3A_663 : i32 to index
        %get3A_665 = arith.constant 0 : index
        %get3A_666 = tpu.vector_load %arg8[%get3A_664, %get3A_665] {strides = array<i32>} : memref<200x64xf32, #tpu.memory_space<vmem>>, vector<1x16xf32>,
        %get3A_667 = vector.shape_cast %get3A_666 : vector<1x16xf32> to vector<16xf32>
        %add3A_668 = arith.addf %add3A_640, %get3A_667 : vector<16xf32>
        %max3A_669 = arith.maximumf %max3A_641, %get3A_667 : vector<16xf32>
        %get3A_670 = arith.index_cast %add3A_663 : i32 to index
        %get3A_671 = arith.constant 16 : index
        %get3A_672 = tpu.vector_load %arg8[%get3A_670, %get3A_671] {strides = array<i32>} : memref<200x64xf32, #tpu.memory_space<vmem>>, vector<1x16xf32>,
        %get3A_673 = vector.shape_cast %get3A_672 : vector<1x16xf32> to vector<16xf32>
        %add3A_674 = arith.addf %add3A_646, %get3A_673 : vector<16xf32>
        %max3A_675 = arith.maximumf %max3A_647, %get3A_673 : vector<16xf32>
        %get3A_676 = arith.index_cast %add3A_663 : i32 to index
        %get3A_677 = arith.constant 32 : index
        %get3A_678 = tpu.vector_load %arg8[%get3A_676, %get3A_677] {strides = array<i32>} : memref<200x64xf32, #tpu.memory_space<vmem>>, vector<1x16xf32>,
        %get3A_679 = vector.shape_cast %get3A_678 : vector<1x16xf32> to vector<16xf32>
        %add3A_680 = arith.addf %add3A_652, %get3A_679 : vector<16xf32>
        %max3A_681 = arith.maximumf %max3A_653, %get3A_679 : vector<16xf32>
        %get3A_682 = arith.index_cast %add3A_663 : i32 to index
        %get3A_683 = arith.constant 48 : index
        %get3A_684 = tpu.vector_load %arg8[%get3A_682, %get3A_683] {strides = array<i32>} : memref<200x64xf32, #tpu.memory_space<vmem>>, vector<1x16xf32>,
        %get3A_685 = vector.shape_cast %get3A_684 : vector<1x16xf32> to vector<16xf32>
        %add3A_686 = arith.addf %add3A_658, %get3A_685 : vector<16xf32>
        %max3A_687 = arith.maximumf %max3A_659, %get3A_685 : vector<16xf32>
        %mul3A_688 = arith.constant 25 : i32
        %mul3A_689 = arith.muli %scan3A_373, %mul3A_688 : i32
        %add3A_690 = arith.constant 11 : i32
        %add3A_691 = arith.addi %mul3A_689, %add3A_690 : i32
        %get3A_692 = arith.index_cast %add3A_691 : i32 to index
        %get3A_693 = arith.constant 0 : index
        %get3A_694 = tpu.vector_load %arg8[%get3A_692, %get3A_693] {strides = array<i32>} : memref<200x64xf32, #tpu.memory_space<vmem>>, vector<1x16xf32>,
        %get3A_695 = vector.shape_cast %get3A_694 : vector<1x16xf32> to vector<16xf32>
        %add3A_696 = arith.addf %add3A_668, %get3A_695 : vector<16xf32>
        %max3A_697 = arith.maximumf %max3A_669, %get3A_695 : vector<16xf32>
        %get3A_698 = arith.index_cast %add3A_691 : i32 to index
        %get3A_699 = arith.constant 16 : index
        %get3A_700 = tpu.vector_load %arg8[%get3A_698, %get3A_699] {strides = array<i32>} : memref<200x64xf32, #tpu.memory_space<vmem>>, vector<1x16xf32>,
        %get3A_701 = vector.shape_cast %get3A_700 : vector<1x16xf32> to vector<16xf32>
        %add3A_702 = arith.addf %add3A_674, %get3A_701 : vector<16xf32>
        %max3A_703 = arith.maximumf %max3A_675, %get3A_701 : vector<16xf32>
        %get3A_704 = arith.index_cast %add3A_691 : i32 to index
        %get3A_705 = arith.constant 32 : index
        %get3A_706 = tpu.vector_load %arg8[%get3A_704, %get3A_705] {strides = array<i32>} : memref<200x64xf32, #tpu.memory_space<vmem>>, vector<1x16xf32>,
        %get3A_707 = vector.shape_cast %get3A_706 : vector<1x16xf32> to vector<16xf32>
        %add3A_708 = arith.addf %add3A_680, %get3A_707 : vector<16xf32>
        %max3A_709 = arith.maximumf %max3A_681, %get3A_707 : vector<16xf32>
        %get3A_710 = arith.index_cast %add3A_691 : i32 to index
        %get3A_711 = arith.constant 48 : index
        %get3A_712 = tpu.vector_load %arg8[%get3A_710, %get3A_711] {strides = array<i32>} : memref<200x64xf32, #tpu.memory_space<vmem>>, vector<1x16xf32>,
        %get3A_713 = vector.shape_cast %get3A_712 : vector<1x16xf32> to vector<16xf32>
        %add3A_714 = arith.addf %add3A_686, %get3A_713 : vector<16xf32>
        %max3A_715 = arith.maximumf %max3A_687, %get3A_713 : vector<16xf32>
        %mul3A_716 = arith.constant 25 : i32
        %mul3A_717 = arith.muli %scan3A_373, %mul3A_716 : i32
        %add3A_718 = arith.constant 12 : i32
        %add3A_719 = arith.addi %mul3A_717, %add3A_718 : i32
        %get3A_720 = arith.index_cast %add3A_719 : i32 to index
        %get3A_721 = arith.constant 0 : index
        %get3A_722 = tpu.vector_load %arg8[%get3A_720, %get3A_721] {strides = array<i32>} : memref<200x64xf32, #tpu.memory_space<vmem>>, vector<1x16xf32>,
        %get3A_723 = vector.shape_cast %get3A_722 : vector<1x16xf32> to vector<16xf32>
        %add3A_724 = arith.addf %add3A_696, %get3A_723 : vector<16xf32>
        %max3A_725 = arith.maximumf %max3A_697, %get3A_723 : vector<16xf32>
        %get3A_726 = arith.index_cast %add3A_719 : i32 to index
        %get3A_727 = arith.constant 16 : index
        %get3A_728 = tpu.vector_load %arg8[%get3A_726, %get3A_727] {strides = array<i32>} : memref<200x64xf32, #tpu.memory_space<vmem>>, vector<1x16xf32>,
        %get3A_729 = vector.shape_cast %get3A_728 : vector<1x16xf32> to vector<16xf32>
        %add3A_730 = arith.addf %add3A_702, %get3A_729 : vector<16xf32>
        %max3A_731 = arith.maximumf %max3A_703, %get3A_729 : vector<16xf32>
        %get3A_732 = arith.index_cast %add3A_719 : i32 to index
        %get3A_733 = arith.constant 32 : index
        %get3A_734 = tpu.vector_load %arg8[%get3A_732, %get3A_733] {strides = array<i32>} : memref<200x64xf32, #tpu.memory_space<vmem>>, vector<1x16xf32>,
        %get3A_735 = vector.shape_cast %get3A_734 : vector<1x16xf32> to vector<16xf32>
        %add3A_736 = arith.addf %add3A_708, %get3A_735 : vector<16xf32>
        %max3A_737 = arith.maximumf %max3A_709, %get3A_735 : vector<16xf32>
        %get3A_738 = arith.index_cast %add3A_719 : i32 to index
        %get3A_739 = arith.constant 48 : index
        %get3A_740 = tpu.vector_load %arg8[%get3A_738, %get3A_739] {strides = array<i32>} : memref<200x64xf32, #tpu.memory_space<vmem>>, vector<1x16xf32>,
        %get3A_741 = vector.shape_cast %get3A_740 : vector<1x16xf32> to vector<16xf32>
        %add3A_742 = arith.addf %add3A_714, %get3A_741 : vector<16xf32>
        %max3A_743 = arith.maximumf %max3A_715, %get3A_741 : vector<16xf32>
        %mul3A_744 = arith.constant 25 : i32
        %mul3A_745 = arith.muli %scan3A_373, %mul3A_744 : i32
        %add3A_746 = arith.constant 13 : i32
        %add3A_747 = arith.addi %mul3A_745, %add3A_746 : i32
        %get3A_748 = arith.index_cast %add3A_747 : i32 to index
        %get3A_749 = arith.constant 0 : index
        %get3A_750 = tpu.vector_load %arg8[%get3A_748, %get3A_749] {strides = array<i32>} : memref<200x64xf32, #tpu.memory_space<vmem>>, vector<1x16xf32>,
        %get3A_751 = vector.shape_cast %get3A_750 : vector<1x16xf32> to vector<16xf32>
        %add3A_752 = arith.addf %add3A_724, %get3A_751 : vector<16xf32>
        %max3A_753 = arith.maximumf %max3A_725, %get3A_751 : vector<16xf32>
        %get3A_754 = arith.index_cast %add3A_747 : i32 to index
        %get3A_755 = arith.constant 16 : index
        %get3A_756 = tpu.vector_load %arg8[%get3A_754, %get3A_755] {strides = array<i32>} : memref<200x64xf32, #tpu.memory_space<vmem>>, vector<1x16xf32>,
        %get3A_757 = vector.shape_cast %get3A_756 : vector<1x16xf32> to vector<16xf32>
        %add3A_758 = arith.addf %add3A_730, %get3A_757 : vector<16xf32>
        %max3A_759 = arith.maximumf %max3A_731, %get3A_757 : vector<16xf32>
        %get3A_760 = arith.index_cast %add3A_747 : i32 to index
        %get3A_761 = arith.constant 32 : index
        %get3A_762 = tpu.vector_load %arg8[%get3A_760, %get3A_761] {strides = array<i32>} : memref<200x64xf32, #tpu.memory_space<vmem>>, vector<1x16xf32>,
        %get3A_763 = vector.shape_cast %get3A_762 : vector<1x16xf32> to vector<16xf32>
        %add3A_764 = arith.addf %add3A_736, %get3A_763 : vector<16xf32>
        %max3A_765 = arith.maximumf %max3A_737, %get3A_763 : vector<16xf32>
        %get3A_766 = arith.index_cast %add3A_747 : i32 to index
        %get3A_767 = arith.constant 48 : index
        %get3A_768 = tpu.vector_load %arg8[%get3A_766, %get3A_767] {strides = array<i32>} : memref<200x64xf32, #tpu.memory_space<vmem>>, vector<1x16xf32>,
        %get3A_769 = vector.shape_cast %get3A_768 : vector<1x16xf32> to vector<16xf32>
        %add3A_770 = arith.addf %add3A_742, %get3A_769 : vector<16xf32>
        %max3A_771 = arith.maximumf %max3A_743, %get3A_769 : vector<16xf32>
        %mul3A_772 = arith.constant 25 : i32
        %mul3A_773 = arith.muli %scan3A_373, %mul3A_772 : i32
        %add3A_774 = arith.constant 14 : i32
        %add3A_775 = arith.addi %mul3A_773, %add3A_774 : i32
        %get3A_776 = arith.index_cast %add3A_775 : i32 to index
        %get3A_777 = arith.constant 0 : index
        %get3A_778 = tpu.vector_load %arg8[%get3A_776, %get3A_777] {strides = array<i32>} : memref<200x64xf32, #tpu.memory_space<vmem>>, vector<1x16xf32>,
        %get3A_779 = vector.shape_cast %get3A_778 : vector<1x16xf32> to vector<16xf32>
        %add3A_780 = arith.addf %add3A_752, %get3A_779 : vector<16xf32>
        %max3A_781 = arith.maximumf %max3A_753, %get3A_779 : vector<16xf32>
        %get3A_782 = arith.index_cast %add3A_775 : i32 to index
        %get3A_783 = arith.constant 16 : index
        %get3A_784 = tpu.vector_load %arg8[%get3A_782, %get3A_783] {strides = array<i32>} : memref<200x64xf32, #tpu.memory_space<vmem>>, vector<1x16xf32>,
        %get3A_785 = vector.shape_cast %get3A_784 : vector<1x16xf32> to vector<16xf32>
        %add3A_786 = arith.addf %add3A_758, %get3A_785 : vector<16xf32>
        %max3A_787 = arith.maximumf %max3A_759, %get3A_785 : vector<16xf32>
        %get3A_788 = arith.index_cast %add3A_775 : i32 to index
        %get3A_789 = arith.constant 32 : index
        %get3A_790 = tpu.vector_load %arg8[%get3A_788, %get3A_789] {strides = array<i32>} : memref<200x64xf32, #tpu.memory_space<vmem>>, vector<1x16xf32>,
        %get3A_791 = vector.shape_cast %get3A_790 : vector<1x16xf32> to vector<16xf32>
        %add3A_792 = arith.addf %add3A_764, %get3A_791 : vector<16xf32>
        %max3A_793 = arith.maximumf %max3A_765, %get3A_791 : vector<16xf32>
        %get3A_794 = arith.index_cast %add3A_775 : i32 to index
        %get3A_795 = arith.constant 48 : index
        %get3A_796 = tpu.vector_load %arg8[%get3A_794, %get3A_795] {strides = array<i32>} : memref<200x64xf32, #tpu.memory_space<vmem>>, vector<1x16xf32>,
        %get3A_797 = vector.shape_cast %get3A_796 : vector<1x16xf32> to vector<16xf32>
        %add3A_798 = arith.addf %add3A_770, %get3A_797 : vector<16xf32>
        %max3A_799 = arith.maximumf %max3A_771, %get3A_797 : vector<16xf32>
        %mul3A_800 = arith.constant 25 : i32
        %mul3A_801 = arith.muli %scan3A_373, %mul3A_800 : i32
        %add3A_802 = arith.constant 15 : i32
        %add3A_803 = arith.addi %mul3A_801, %add3A_802 : i32
        %get3A_804 = arith.index_cast %add3A_803 : i32 to index
        %get3A_805 = arith.constant 0 : index
        %get3A_806 = tpu.vector_load %arg8[%get3A_804, %get3A_805] {strides = array<i32>} : memref<200x64xf32, #tpu.memory_space<vmem>>, vector<1x16xf32>,
        %get3A_807 = vector.shape_cast %get3A_806 : vector<1x16xf32> to vector<16xf32>
        %add3A_808 = arith.addf %add3A_780, %get3A_807 : vector<16xf32>
        %max3A_809 = arith.maximumf %max3A_781, %get3A_807 : vector<16xf32>
        %get3A_810 = arith.index_cast %add3A_803 : i32 to index
        %get3A_811 = arith.constant 16 : index
        %get3A_812 = tpu.vector_load %arg8[%get3A_810, %get3A_811] {strides = array<i32>} : memref<200x64xf32, #tpu.memory_space<vmem>>, vector<1x16xf32>,
        %get3A_813 = vector.shape_cast %get3A_812 : vector<1x16xf32> to vector<16xf32>
        %add3A_814 = arith.addf %add3A_786, %get3A_813 : vector<16xf32>
        %max3A_815 = arith.maximumf %max3A_787, %get3A_813 : vector<16xf32>
        %get3A_816 = arith.index_cast %add3A_803 : i32 to index
        %get3A_817 = arith.constant 32 : index
        %get3A_818 = tpu.vector_load %arg8[%get3A_816, %get3A_817] {strides = array<i32>} : memref<200x64xf32, #tpu.memory_space<vmem>>, vector<1x16xf32>,
        %get3A_819 = vector.shape_cast %get3A_818 : vector<1x16xf32> to vector<16xf32>
        %add3A_820 = arith.addf %add3A_792, %get3A_819 : vector<16xf32>
        %max3A_821 = arith.maximumf %max3A_793, %get3A_819 : vector<16xf32>
        %get3A_822 = arith.index_cast %add3A_803 : i32 to index
        %get3A_823 = arith.constant 48 : index
        %get3A_824 = tpu.vector_load %arg8[%get3A_822, %get3A_823] {strides = array<i32>} : memref<200x64xf32, #tpu.memory_space<vmem>>, vector<1x16xf32>,
        %get3A_825 = vector.shape_cast %get3A_824 : vector<1x16xf32> to vector<16xf32>
        %add3A_826 = arith.addf %add3A_798, %get3A_825 : vector<16xf32>
        %max3A_827 = arith.maximumf %max3A_799, %get3A_825 : vector<16xf32>
        %mul3A_828 = arith.constant 25 : i32
        %mul3A_829 = arith.muli %scan3A_373, %mul3A_828 : i32
        %add3A_830 = arith.constant 16 : i32
        %add3A_831 = arith.addi %mul3A_829, %add3A_830 : i32
        %get3A_832 = arith.index_cast %add3A_831 : i32 to index
        %get3A_833 = arith.constant 0 : index
        %get3A_834 = tpu.vector_load %arg8[%get3A_832, %get3A_833] {strides = array<i32>} : memref<200x64xf32, #tpu.memory_space<vmem>>, vector<1x16xf32>,
        %get3A_835 = vector.shape_cast %get3A_834 : vector<1x16xf32> to vector<16xf32>
        %add3A_836 = arith.addf %add3A_808, %get3A_835 : vector<16xf32>
        %max3A_837 = arith.maximumf %max3A_809, %get3A_835 : vector<16xf32>
        %get3A_838 = arith.index_cast %add3A_831 : i32 to index
        %get3A_839 = arith.constant 16 : index
        %get3A_840 = tpu.vector_load %arg8[%get3A_838, %get3A_839] {strides = array<i32>} : memref<200x64xf32, #tpu.memory_space<vmem>>, vector<1x16xf32>,
        %get3A_841 = vector.shape_cast %get3A_840 : vector<1x16xf32> to vector<16xf32>
        %add3A_842 = arith.addf %add3A_814, %get3A_841 : vector<16xf32>
        %max3A_843 = arith.maximumf %max3A_815, %get3A_841 : vector<16xf32>
        %get3A_844 = arith.index_cast %add3A_831 : i32 to index
        %get3A_845 = arith.constant 32 : index
        %get3A_846 = tpu.vector_load %arg8[%get3A_844, %get3A_845] {strides = array<i32>} : memref<200x64xf32, #tpu.memory_space<vmem>>, vector<1x16xf32>,
        %get3A_847 = vector.shape_cast %get3A_846 : vector<1x16xf32> to vector<16xf32>
        %add3A_848 = arith.addf %add3A_820, %get3A_847 : vector<16xf32>
        %max3A_849 = arith.maximumf %max3A_821, %get3A_847 : vector<16xf32>
        %get3A_850 = arith.index_cast %add3A_831 : i32 to index
        %get3A_851 = arith.constant 48 : index
        %get3A_852 = tpu.vector_load %arg8[%get3A_850, %get3A_851] {strides = array<i32>} : memref<200x64xf32, #tpu.memory_space<vmem>>, vector<1x16xf32>,
        %get3A_853 = vector.shape_cast %get3A_852 : vector<1x16xf32> to vector<16xf32>
        %add3A_854 = arith.addf %add3A_826, %get3A_853 : vector<16xf32>
        %max3A_855 = arith.maximumf %max3A_827, %get3A_853 : vector<16xf32>
        %mul3A_856 = arith.constant 25 : i32
        %mul3A_857 = arith.muli %scan3A_373, %mul3A_856 : i32
        %add3A_858 = arith.constant 17 : i32
        %add3A_859 = arith.addi %mul3A_857, %add3A_858 : i32
        %get3A_860 = arith.index_cast %add3A_859 : i32 to index
        %get3A_861 = arith.constant 0 : index
        %get3A_862 = tpu.vector_load %arg8[%get3A_860, %get3A_861] {strides = array<i32>} : memref<200x64xf32, #tpu.memory_space<vmem>>, vector<1x16xf32>,
        %get3A_863 = vector.shape_cast %get3A_862 : vector<1x16xf32> to vector<16xf32>
        %add3A_864 = arith.addf %add3A_836, %get3A_863 : vector<16xf32>
        %max3A_865 = arith.maximumf %max3A_837, %get3A_863 : vector<16xf32>
        %get3A_866 = arith.index_cast %add3A_859 : i32 to index
        %get3A_867 = arith.constant 16 : index
        %get3A_868 = tpu.vector_load %arg8[%get3A_866, %get3A_867] {strides = array<i32>} : memref<200x64xf32, #tpu.memory_space<vmem>>, vector<1x16xf32>,
        %get3A_869 = vector.shape_cast %get3A_868 : vector<1x16xf32> to vector<16xf32>
        %add3A_870 = arith.addf %add3A_842, %get3A_869 : vector<16xf32>
        %max3A_871 = arith.maximumf %max3A_843, %get3A_869 : vector<16xf32>
        %get3A_872 = arith.index_cast %add3A_859 : i32 to index
        %get3A_873 = arith.constant 32 : index
        %get3A_874 = tpu.vector_load %arg8[%get3A_872, %get3A_873] {strides = array<i32>} : memref<200x64xf32, #tpu.memory_space<vmem>>, vector<1x16xf32>,
        %get3A_875 = vector.shape_cast %get3A_874 : vector<1x16xf32> to vector<16xf32>
        %add3A_876 = arith.addf %add3A_848, %get3A_875 : vector<16xf32>
        %max3A_877 = arith.maximumf %max3A_849, %get3A_875 : vector<16xf32>
        %get3A_878 = arith.index_cast %add3A_859 : i32 to index
        %get3A_879 = arith.constant 48 : index
        %get3A_880 = tpu.vector_load %arg8[%get3A_878, %get3A_879] {strides = array<i32>} : memref<200x64xf32, #tpu.memory_space<vmem>>, vector<1x16xf32>,
        %get3A_881 = vector.shape_cast %get3A_880 : vector<1x16xf32> to vector<16xf32>
        %add3A_882 = arith.addf %add3A_854, %get3A_881 : vector<16xf32>
        %max3A_883 = arith.maximumf %max3A_855, %get3A_881 : vector<16xf32>
        %mul3A_884 = arith.constant 25 : i32
        %mul3A_885 = arith.muli %scan3A_373, %mul3A_884 : i32
        %add3A_886 = arith.constant 18 : i32
        %add3A_887 = arith.addi %mul3A_885, %add3A_886 : i32
        %get3A_888 = arith.index_cast %add3A_887 : i32 to index
        %get3A_889 = arith.constant 0 : index
        %get3A_890 = tpu.vector_load %arg8[%get3A_888, %get3A_889] {strides = array<i32>} : memref<200x64xf32, #tpu.memory_space<vmem>>, vector<1x16xf32>,
        %get3A_891 = vector.shape_cast %get3A_890 : vector<1x16xf32> to vector<16xf32>
        %add3A_892 = arith.addf %add3A_864, %get3A_891 : vector<16xf32>
        %max3A_893 = arith.maximumf %max3A_865, %get3A_891 : vector<16xf32>
        %get3A_894 = arith.index_cast %add3A_887 : i32 to index
        %get3A_895 = arith.constant 16 : index
        %get3A_896 = tpu.vector_load %arg8[%get3A_894, %get3A_895] {strides = array<i32>} : memref<200x64xf32, #tpu.memory_space<vmem>>, vector<1x16xf32>,
        %get3A_897 = vector.shape_cast %get3A_896 : vector<1x16xf32> to vector<16xf32>
        %add3A_898 = arith.addf %add3A_870, %get3A_897 : vector<16xf32>
        %max3A_899 = arith.maximumf %max3A_871, %get3A_897 : vector<16xf32>
        %get3A_900 = arith.index_cast %add3A_887 : i32 to index
        %get3A_901 = arith.constant 32 : index
        %get3A_902 = tpu.vector_load %arg8[%get3A_900, %get3A_901] {strides = array<i32>} : memref<200x64xf32, #tpu.memory_space<vmem>>, vector<1x16xf32>,
        %get3A_903 = vector.shape_cast %get3A_902 : vector<1x16xf32> to vector<16xf32>
        %add3A_904 = arith.addf %add3A_876, %get3A_903 : vector<16xf32>
        %max3A_905 = arith.maximumf %max3A_877, %get3A_903 : vector<16xf32>
        %get3A_906 = arith.index_cast %add3A_887 : i32 to index
        %get3A_907 = arith.constant 48 : index
        %get3A_908 = tpu.vector_load %arg8[%get3A_906, %get3A_907] {strides = array<i32>} : memref<200x64xf32, #tpu.memory_space<vmem>>, vector<1x16xf32>,
        %get3A_909 = vector.shape_cast %get3A_908 : vector<1x16xf32> to vector<16xf32>
        %add3A_910 = arith.addf %add3A_882, %get3A_909 : vector<16xf32>
        %max3A_911 = arith.maximumf %max3A_883, %get3A_909 : vector<16xf32>
        %mul3A_912 = arith.constant 25 : i32
        %mul3A_913 = arith.muli %scan3A_373, %mul3A_912 : i32
        %add3A_914 = arith.constant 19 : i32
        %add3A_915 = arith.addi %mul3A_913, %add3A_914 : i32
        %get3A_916 = arith.index_cast %add3A_915 : i32 to index
        %get3A_917 = arith.constant 0 : index
        %get3A_918 = tpu.vector_load %arg8[%get3A_916, %get3A_917] {strides = array<i32>} : memref<200x64xf32, #tpu.memory_space<vmem>>, vector<1x16xf32>,
        %get3A_919 = vector.shape_cast %get3A_918 : vector<1x16xf32> to vector<16xf32>
        %add3A_920 = arith.addf %add3A_892, %get3A_919 : vector<16xf32>
        %max3A_921 = arith.maximumf %max3A_893, %get3A_919 : vector<16xf32>
        %get3A_922 = arith.index_cast %add3A_915 : i32 to index
        %get3A_923 = arith.constant 16 : index
        %get3A_924 = tpu.vector_load %arg8[%get3A_922, %get3A_923] {strides = array<i32>} : memref<200x64xf32, #tpu.memory_space<vmem>>, vector<1x16xf32>,
        %get3A_925 = vector.shape_cast %get3A_924 : vector<1x16xf32> to vector<16xf32>
        %add3A_926 = arith.addf %add3A_898, %get3A_925 : vector<16xf32>
        %max3A_927 = arith.maximumf %max3A_899, %get3A_925 : vector<16xf32>
        %get3A_928 = arith.index_cast %add3A_915 : i32 to index
        %get3A_929 = arith.constant 32 : index
        %get3A_930 = tpu.vector_load %arg8[%get3A_928, %get3A_929] {strides = array<i32>} : memref<200x64xf32, #tpu.memory_space<vmem>>, vector<1x16xf32>,
        %get3A_931 = vector.shape_cast %get3A_930 : vector<1x16xf32> to vector<16xf32>
        %add3A_932 = arith.addf %add3A_904, %get3A_931 : vector<16xf32>
        %max3A_933 = arith.maximumf %max3A_905, %get3A_931 : vector<16xf32>
        %get3A_934 = arith.index_cast %add3A_915 : i32 to index
        %get3A_935 = arith.constant 48 : index
        %get3A_936 = tpu.vector_load %arg8[%get3A_934, %get3A_935] {strides = array<i32>} : memref<200x64xf32, #tpu.memory_space<vmem>>, vector<1x16xf32>,
        %get3A_937 = vector.shape_cast %get3A_936 : vector<1x16xf32> to vector<16xf32>
        %add3A_938 = arith.addf %add3A_910, %get3A_937 : vector<16xf32>
        %max3A_939 = arith.maximumf %max3A_911, %get3A_937 : vector<16xf32>
        %mul3A_940 = arith.constant 25 : i32
        %mul3A_941 = arith.muli %scan3A_373, %mul3A_940 : i32
        %add3A_942 = arith.constant 20 : i32
        %add3A_943 = arith.addi %mul3A_941, %add3A_942 : i32
        %get3A_944 = arith.index_cast %add3A_943 : i32 to index
        %get3A_945 = arith.constant 0 : index
        %get3A_946 = tpu.vector_load %arg8[%get3A_944, %get3A_945] {strides = array<i32>} : memref<200x64xf32, #tpu.memory_space<vmem>>, vector<1x16xf32>,
        %get3A_947 = vector.shape_cast %get3A_946 : vector<1x16xf32> to vector<16xf32>
        %add3A_948 = arith.addf %add3A_920, %get3A_947 : vector<16xf32>
        %max3A_949 = arith.maximumf %max3A_921, %get3A_947 : vector<16xf32>
        %get3A_950 = arith.index_cast %add3A_943 : i32 to index
        %get3A_951 = arith.constant 16 : index
        %get3A_952 = tpu.vector_load %arg8[%get3A_950, %get3A_951] {strides = array<i32>} : memref<200x64xf32, #tpu.memory_space<vmem>>, vector<1x16xf32>,
        %get3A_953 = vector.shape_cast %get3A_952 : vector<1x16xf32> to vector<16xf32>
        %add3A_954 = arith.addf %add3A_926, %get3A_953 : vector<16xf32>
        %max3A_955 = arith.maximumf %max3A_927, %get3A_953 : vector<16xf32>
        %get3A_956 = arith.index_cast %add3A_943 : i32 to index
        %get3A_957 = arith.constant 32 : index
        %get3A_958 = tpu.vector_load %arg8[%get3A_956, %get3A_957] {strides = array<i32>} : memref<200x64xf32, #tpu.memory_space<vmem>>, vector<1x16xf32>,
        %get3A_959 = vector.shape_cast %get3A_958 : vector<1x16xf32> to vector<16xf32>
        %add3A_960 = arith.addf %add3A_932, %get3A_959 : vector<16xf32>
        %max3A_961 = arith.maximumf %max3A_933, %get3A_959 : vector<16xf32>
        %get3A_962 = arith.index_cast %add3A_943 : i32 to index
        %get3A_963 = arith.constant 48 : index
        %get3A_964 = tpu.vector_load %arg8[%get3A_962, %get3A_963] {strides = array<i32>} : memref<200x64xf32, #tpu.memory_space<vmem>>, vector<1x16xf32>,
        %get3A_965 = vector.shape_cast %get3A_964 : vector<1x16xf32> to vector<16xf32>
        %add3A_966 = arith.addf %add3A_938, %get3A_965 : vector<16xf32>
        %max3A_967 = arith.maximumf %max3A_939, %get3A_965 : vector<16xf32>
        %mul3A_968 = arith.constant 25 : i32
        %mul3A_969 = arith.muli %scan3A_373, %mul3A_968 : i32
        %add3A_970 = arith.constant 21 : i32
        %add3A_971 = arith.addi %mul3A_969, %add3A_970 : i32
        %get3A_972 = arith.index_cast %add3A_971 : i32 to index
        %get3A_973 = arith.constant 0 : index
        %get3A_974 = tpu.vector_load %arg8[%get3A_972, %get3A_973] {strides = array<i32>} : memref<200x64xf32, #tpu.memory_space<vmem>>, vector<1x16xf32>,
        %get3A_975 = vector.shape_cast %get3A_974 : vector<1x16xf32> to vector<16xf32>
        %add3A_976 = arith.addf %add3A_948, %get3A_975 : vector<16xf32>
        %max3A_977 = arith.maximumf %max3A_949, %get3A_975 : vector<16xf32>
        %get3A_978 = arith.index_cast %add3A_971 : i32 to index
        %get3A_979 = arith.constant 16 : index
        %get3A_980 = tpu.vector_load %arg8[%get3A_978, %get3A_979] {strides = array<i32>} : memref<200x64xf32, #tpu.memory_space<vmem>>, vector<1x16xf32>,
        %get3A_981 = vector.shape_cast %get3A_980 : vector<1x16xf32> to vector<16xf32>
        %add3A_982 = arith.addf %add3A_954, %get3A_981 : vector<16xf32>
        %max3A_983 = arith.maximumf %max3A_955, %get3A_981 : vector<16xf32>
        %get3A_984 = arith.index_cast %add3A_971 : i32 to index
        %get3A_985 = arith.constant 32 : index
        %get3A_986 = tpu.vector_load %arg8[%get3A_984, %get3A_985] {strides = array<i32>} : memref<200x64xf32, #tpu.memory_space<vmem>>, vector<1x16xf32>,
        %get3A_987 = vector.shape_cast %get3A_986 : vector<1x16xf32> to vector<16xf32>
        %add3A_988 = arith.addf %add3A_960, %get3A_987 : vector<16xf32>
        %max3A_989 = arith.maximumf %max3A_961, %get3A_987 : vector<16xf32>
        %get3A_990 = arith.index_cast %add3A_971 : i32 to index
        %get3A_991 = arith.constant 48 : index
        %get3A_992 = tpu.vector_load %arg8[%get3A_990, %get3A_991] {strides = array<i32>} : memref<200x64xf32, #tpu.memory_space<vmem>>, vector<1x16xf32>,
        %get3A_993 = vector.shape_cast %get3A_992 : vector<1x16xf32> to vector<16xf32>
        %add3A_994 = arith.addf %add3A_966, %get3A_993 : vector<16xf32>
        %max3A_995 = arith.maximumf %max3A_967, %get3A_993 : vector<16xf32>
        %mul3A_996 = arith.constant 25 : i32
        %mul3A_997 = arith.muli %scan3A_373, %mul3A_996 : i32
        %add3A_998 = arith.constant 22 : i32
        %add3A_999 = arith.addi %mul3A_997, %add3A_998 : i32
        %get3A_1000 = arith.index_cast %add3A_999 : i32 to index
        %get3A_1001 = arith.constant 0 : index
        %get3A_1002 = tpu.vector_load %arg8[%get3A_1000, %get3A_1001] {strides = array<i32>} : memref<200x64xf32, #tpu.memory_space<vmem>>, vector<1x16xf32>,
        %get3A_1003 = vector.shape_cast %get3A_1002 : vector<1x16xf32> to vector<16xf32>
        %add3A_1004 = arith.addf %add3A_976, %get3A_1003 : vector<16xf32>
        %max3A_1005 = arith.maximumf %max3A_977, %get3A_1003 : vector<16xf32>
        %get3A_1006 = arith.index_cast %add3A_999 : i32 to index
        %get3A_1007 = arith.constant 16 : index
        %get3A_1008 = tpu.vector_load %arg8[%get3A_1006, %get3A_1007] {strides = array<i32>} : memref<200x64xf32, #tpu.memory_space<vmem>>, vector<1x16xf32>,
        %get3A_1009 = vector.shape_cast %get3A_1008 : vector<1x16xf32> to vector<16xf32>
        %add3A_1010 = arith.addf %add3A_982, %get3A_1009 : vector<16xf32>
        %max3A_1011 = arith.maximumf %max3A_983, %get3A_1009 : vector<16xf32>
        %get3A_1012 = arith.index_cast %add3A_999 : i32 to index
        %get3A_1013 = arith.constant 32 : index
        %get3A_1014 = tpu.vector_load %arg8[%get3A_1012, %get3A_1013] {strides = array<i32>} : memref<200x64xf32, #tpu.memory_space<vmem>>, vector<1x16xf32>,
        %get3A_1015 = vector.shape_cast %get3A_1014 : vector<1x16xf32> to vector<16xf32>
        %add3A_1016 = arith.addf %add3A_988, %get3A_1015 : vector<16xf32>
        %max3A_1017 = arith.maximumf %max3A_989, %get3A_1015 : vector<16xf32>
        %get3A_1018 = arith.index_cast %add3A_999 : i32 to index
        %get3A_1019 = arith.constant 48 : index
        %get3A_1020 = tpu.vector_load %arg8[%get3A_1018, %get3A_1019] {strides = array<i32>} : memref<200x64xf32, #tpu.memory_space<vmem>>, vector<1x16xf32>,
        %get3A_1021 = vector.shape_cast %get3A_1020 : vector<1x16xf32> to vector<16xf32>
        %add3A_1022 = arith.addf %add3A_994, %get3A_1021 : vector<16xf32>
        %max3A_1023 = arith.maximumf %max3A_995, %get3A_1021 : vector<16xf32>
        %mul3A_1024 = arith.constant 25 : i32
        %mul3A_1025 = arith.muli %scan3A_373, %mul3A_1024 : i32
        %add3A_1026 = arith.constant 23 : i32
        %add3A_1027 = arith.addi %mul3A_1025, %add3A_1026 : i32
        %get3A_1028 = arith.index_cast %add3A_1027 : i32 to index
        %get3A_1029 = arith.constant 0 : index
        %get3A_1030 = tpu.vector_load %arg8[%get3A_1028, %get3A_1029] {strides = array<i32>} : memref<200x64xf32, #tpu.memory_space<vmem>>, vector<1x16xf32>,
        %get3A_1031 = vector.shape_cast %get3A_1030 : vector<1x16xf32> to vector<16xf32>
        %add3A_1032 = arith.addf %add3A_1004, %get3A_1031 : vector<16xf32>
        %max3A_1033 = arith.maximumf %max3A_1005, %get3A_1031 : vector<16xf32>
        %get3A_1034 = arith.index_cast %add3A_1027 : i32 to index
        %get3A_1035 = arith.constant 16 : index
        %get3A_1036 = tpu.vector_load %arg8[%get3A_1034, %get3A_1035] {strides = array<i32>} : memref<200x64xf32, #tpu.memory_space<vmem>>, vector<1x16xf32>,
        %get3A_1037 = vector.shape_cast %get3A_1036 : vector<1x16xf32> to vector<16xf32>
        %add3A_1038 = arith.addf %add3A_1010, %get3A_1037 : vector<16xf32>
        %max3A_1039 = arith.maximumf %max3A_1011, %get3A_1037 : vector<16xf32>
        %get3A_1040 = arith.index_cast %add3A_1027 : i32 to index
        %get3A_1041 = arith.constant 32 : index
        %get3A_1042 = tpu.vector_load %arg8[%get3A_1040, %get3A_1041] {strides = array<i32>} : memref<200x64xf32, #tpu.memory_space<vmem>>, vector<1x16xf32>,
        %get3A_1043 = vector.shape_cast %get3A_1042 : vector<1x16xf32> to vector<16xf32>
        %add3A_1044 = arith.addf %add3A_1016, %get3A_1043 : vector<16xf32>
        %max3A_1045 = arith.maximumf %max3A_1017, %get3A_1043 : vector<16xf32>
        %get3A_1046 = arith.index_cast %add3A_1027 : i32 to index
        %get3A_1047 = arith.constant 48 : index
        %get3A_1048 = tpu.vector_load %arg8[%get3A_1046, %get3A_1047] {strides = array<i32>} : memref<200x64xf32, #tpu.memory_space<vmem>>, vector<1x16xf32>,
        %get3A_1049 = vector.shape_cast %get3A_1048 : vector<1x16xf32> to vector<16xf32>
        %add3A_1050 = arith.addf %add3A_1022, %get3A_1049 : vector<16xf32>
        %max3A_1051 = arith.maximumf %max3A_1023, %get3A_1049 : vector<16xf32>
        %mul3A_1052 = arith.constant 25 : i32
        %mul3A_1053 = arith.muli %scan3A_373, %mul3A_1052 : i32
        %add3A_1054 = arith.constant 24 : i32
        %add3A_1055 = arith.addi %mul3A_1053, %add3A_1054 : i32
        %get3A_1056 = arith.index_cast %add3A_1055 : i32 to index
        %get3A_1057 = arith.constant 0 : index
        %get3A_1058 = tpu.vector_load %arg8[%get3A_1056, %get3A_1057] {strides = array<i32>} : memref<200x64xf32, #tpu.memory_space<vmem>>, vector<1x16xf32>,
        %get3A_1059 = vector.shape_cast %get3A_1058 : vector<1x16xf32> to vector<16xf32>
        %add3A_1060 = arith.addf %add3A_1032, %get3A_1059 : vector<16xf32>
        %max3A_1061 = arith.maximumf %max3A_1033, %get3A_1059 : vector<16xf32>
        %get3A_1062 = arith.index_cast %add3A_1055 : i32 to index
        %get3A_1063 = arith.constant 16 : index
        %get3A_1064 = tpu.vector_load %arg8[%get3A_1062, %get3A_1063] {strides = array<i32>} : memref<200x64xf32, #tpu.memory_space<vmem>>, vector<1x16xf32>,
        %get3A_1065 = vector.shape_cast %get3A_1064 : vector<1x16xf32> to vector<16xf32>
        %add3A_1066 = arith.addf %add3A_1038, %get3A_1065 : vector<16xf32>
        %max3A_1067 = arith.maximumf %max3A_1039, %get3A_1065 : vector<16xf32>
        %get3A_1068 = arith.index_cast %add3A_1055 : i32 to index
        %get3A_1069 = arith.constant 32 : index
        %get3A_1070 = tpu.vector_load %arg8[%get3A_1068, %get3A_1069] {strides = array<i32>} : memref<200x64xf32, #tpu.memory_space<vmem>>, vector<1x16xf32>,
        %get3A_1071 = vector.shape_cast %get3A_1070 : vector<1x16xf32> to vector<16xf32>
        %add3A_1072 = arith.addf %add3A_1044, %get3A_1071 : vector<16xf32>
        %max3A_1073 = arith.maximumf %max3A_1045, %get3A_1071 : vector<16xf32>
        %get3A_1074 = arith.index_cast %add3A_1055 : i32 to index
        %get3A_1075 = arith.constant 48 : index
        %get3A_1076 = tpu.vector_load %arg8[%get3A_1074, %get3A_1075] {strides = array<i32>} : memref<200x64xf32, #tpu.memory_space<vmem>>, vector<1x16xf32>,
        %get3A_1077 = vector.shape_cast %get3A_1076 : vector<1x16xf32> to vector<16xf32>
        %add3A_1078 = arith.addf %add3A_1050, %get3A_1077 : vector<16xf32>
        %max3A_1079 = arith.maximumf %max3A_1051, %get3A_1077 : vector<16xf32>
        scf.yield %add3A_1060, %add3A_1066, %add3A_1072, %add3A_1078, %max3A_1061, %max3A_1067, %max3A_1073, %max3A_1079 : vector<16xf32>, vector<16xf32>, vector<16xf32>, vector<16xf32>, vector<16xf32>, vector<16xf32>, vector<16xf32>, vector<16xf32>
      }
      %scan3A_249 = arith.constant 8 : i32
      %swap3A_250 = arith.index_cast %add3A_223 : i32 to index
      %swap3A_251 = arith.constant 0 : index
      %swap3A_252 = tpu.vector_load %arg10[%swap3A_250, %swap3A_251] {strides = array<i32>} : memref<128x128xf32, #tpu.memory_space<vmem>>, vector<1x16xf32>,
      %swap3A_253 = vector.shape_cast %swap3A_252 : vector<1x16xf32> to vector<16xf32>
      %swap3A_254 = vector.shape_cast %scan3A_248#0 : vector<16xf32> to vector<1x16xf32>
      tpu.vector_store %arg10[%swap3A_250, %swap3A_251], %swap3A_254 {strides = array<i32>} : memref<128x128xf32, #tpu.memory_space<vmem>>, vector<1x16xf32>,
      %swap3A_255 = arith.index_cast %add3A_223 : i32 to index
      %swap3A_256 = arith.constant 64 : index
      %swap3A_257 = tpu.vector_load %arg10[%swap3A_255, %swap3A_256] {strides = array<i32>} : memref<128x128xf32, #tpu.memory_space<vmem>>, vector<1x16xf32>,
      %swap3A_258 = vector.shape_cast %swap3A_257 : vector<1x16xf32> to vector<16xf32>
      %swap3A_259 = vector.shape_cast %scan3A_248#4 : vector<16xf32> to vector<1x16xf32>
      tpu.vector_store %arg10[%swap3A_255, %swap3A_256], %swap3A_259 {strides = array<i32>} : memref<128x128xf32, #tpu.memory_space<vmem>>, vector<1x16xf32>,
      %swap3A_260 = arith.index_cast %add3A_223 : i32 to index
      %swap3A_261 = arith.constant 16 : index
      %swap3A_262 = tpu.vector_load %arg10[%swap3A_260, %swap3A_261] {strides = array<i32>} : memref<128x128xf32, #tpu.memory_space<vmem>>, vector<1x16xf32>,
      %swap3A_263 = vector.shape_cast %swap3A_262 : vector<1x16xf32> to vector<16xf32>
      %swap3A_264 = vector.shape_cast %scan3A_248#1 : vector<16xf32> to vector<1x16xf32>
      tpu.vector_store %arg10[%swap3A_260, %swap3A_261], %swap3A_264 {strides = array<i32>} : memref<128x128xf32, #tpu.memory_space<vmem>>, vector<1x16xf32>,
      %swap3A_265 = arith.index_cast %add3A_223 : i32 to index
      %swap3A_266 = arith.constant 80 : index
      %swap3A_267 = tpu.vector_load %arg10[%swap3A_265, %swap3A_266] {strides = array<i32>} : memref<128x128xf32, #tpu.memory_space<vmem>>, vector<1x16xf32>,
      %swap3A_268 = vector.shape_cast %swap3A_267 : vector<1x16xf32> to vector<16xf32>
      %swap3A_269 = vector.shape_cast %scan3A_248#5 : vector<16xf32> to vector<1x16xf32>
      tpu.vector_store %arg10[%swap3A_265, %swap3A_266], %swap3A_269 {strides = array<i32>} : memref<128x128xf32, #tpu.memory_space<vmem>>, vector<1x16xf32>,
      %swap3A_270 = arith.index_cast %add3A_223 : i32 to index
      %swap3A_271 = arith.constant 32 : index
      %swap3A_272 = tpu.vector_load %arg10[%swap3A_270, %swap3A_271] {strides = array<i32>} : memref<128x128xf32, #tpu.memory_space<vmem>>, vector<1x16xf32>,
      %swap3A_273 = vector.shape_cast %swap3A_272 : vector<1x16xf32> to vector<16xf32>
      %swap3A_274 = vector.shape_cast %scan3A_248#2 : vector<16xf32> to vector<1x16xf32>
      tpu.vector_store %arg10[%swap3A_270, %swap3A_271], %swap3A_274 {strides = array<i32>} : memref<128x128xf32, #tpu.memory_space<vmem>>, vector<1x16xf32>,
      %swap3A_275 = arith.index_cast %add3A_223 : i32 to index
      %swap3A_276 = arith.constant 96 : index
      %swap3A_277 = tpu.vector_load %arg10[%swap3A_275, %swap3A_276] {strides = array<i32>} : memref<128x128xf32, #tpu.memory_space<vmem>>, vector<1x16xf32>,
      %swap3A_278 = vector.shape_cast %swap3A_277 : vector<1x16xf32> to vector<16xf32>
      %swap3A_279 = vector.shape_cast %scan3A_248#6 : vector<16xf32> to vector<1x16xf32>
      tpu.vector_store %arg10[%swap3A_275, %swap3A_276], %swap3A_279 {strides = array<i32>} : memref<128x128xf32, #tpu.memory_space<vmem>>, vector<1x16xf32>,
      %swap3A_280 = arith.index_cast %add3A_223 : i32 to index
      %swap3A_281 = arith.constant 48 : index
      %swap3A_282 = tpu.vector_load %arg10[%swap3A_280, %swap3A_281] {strides = array<i32>} : memref<128x128xf32, #tpu.memory_space<vmem>>, vector<1x16xf32>,
      %swap3A_283 = vector.shape_cast %swap3A_282 : vector<1x16xf32> to vector<16xf32>
      %swap3A_284 = vector.shape_cast %scan3A_248#3 : vector<16xf32> to vector<1x16xf32>
      tpu.vector_store %arg10[%swap3A_280, %swap3A_281], %swap3A_284 {strides = array<i32>} : memref<128x128xf32, #tpu.memory_space<vmem>>, vector<1x16xf32>,
      %swap3A_285 = arith.index_cast %add3A_223 : i32 to index
      %swap3A_286 = arith.constant 112 : index
      %swap3A_287 = tpu.vector_load %arg10[%swap3A_285, %swap3A_286] {strides = array<i32>} : memref<128x128xf32, #tpu.memory_space<vmem>>, vector<1x16xf32>,
      %swap3A_288 = vector.shape_cast %swap3A_287 : vector<1x16xf32> to vector<16xf32>
      %swap3A_289 = vector.shape_cast %scan3A_248#7 : vector<16xf32> to vector<1x16xf32>
      tpu.vector_store %arg10[%swap3A_285, %swap3A_286], %swap3A_289 {strides = array<i32>} : memref<128x128xf32, #tpu.memory_space<vmem>>, vector<1x16xf32>,
      %add3A_290 = arith.constant 4 : i32
      %add3A_291 = arith.addi %add3A_223, %add3A_290 : i32
      %lt3A_292 = arith.constant 128 : i32
      %lt3A_293 = arith.cmpi slt, %add3A_291, %lt3A_292 : i32
      %convert_element_type3A_294 = arith.extui %lt3A_293 : i1 to i32
      %cond3A_295 = arith.constant 0 : i32
      %cond3A_296 = arith.cmpi ne, %convert_element_type3A_294, %cond3A_295 : i32
      scf.if %cond3A_296 {
        %add3A_373 = arith.constant 4 : i32
        %add3A_374 = arith.addi %add3A_223, %add3A_373 : i32
        %mul3A_375 = arith.constant 200 : i32
        %mul3A_376 = arith.muli %add3A_374, %mul3A_375 : i32
        %dma_start3A_377 = arith.constant 0 : i32
        %dma_start3A_378 = arith.constant 0 : i32
        %dma_start3A_379 = tpu.memref_slice %arg8[%dma_start3A_377, %dma_start3A_378] : memref<200x64xf32, #tpu.memory_space<vmem>> -> memref<128x64xf32, #tpu.memory_space<vmem>>
        %dma_start3A_380 = tpu.memref_slice %arg5[%mul3A_376] : memref<25600xi32, #tpu.memory_space<vmem>> -> memref<128xi32, #tpu.memory_space<vmem>>
        %dma_start3A_381 = arith.constant 0 : i32
        %dma_start3A_382 = arith.constant 0 : i32
        %dma_start3A_383 = tpu.memref_slice %arg3[%dma_start3A_381, %dma_start3A_382] : memref<100000x64xf32, #tpu.memory_space<hbm>> -> memref<100000x64xf32, #tpu.memory_space<hbm>>
        tpu.enqueue_indirect_dma source(%dma_start3A_383 : memref<100000x64xf32, #tpu.memory_space<hbm>>) target(%dma_start3A_379 : memref<128x64xf32, #tpu.memory_space<vmem>>) offsets(%dma_start3A_380 : memref<128xi32, #tpu.memory_space<vmem>>) semaphore(%arg13 : memref<!tpu.dma_semaphore, #tpu.memory_space<semaphore_mem>>)
        %mul3A_384 = arith.constant 200 : i32
        %mul3A_385 = arith.muli %add3A_374, %mul3A_384 : i32
        %add3A_386 = arith.constant 128 : i32
        %add3A_387 = arith.addi %mul3A_385, %add3A_386 : i32
        %dma_start3A_388 = arith.constant 128 : i32
        %dma_start3A_389 = arith.constant 0 : i32
        %dma_start3A_390 = tpu.memref_slice %arg8[%dma_start3A_388, %dma_start3A_389] : memref<200x64xf32, #tpu.memory_space<vmem>> -> memref<72x64xf32, #tpu.memory_space<vmem>>
        %dma_start3A_391 = tpu.memref_slice %arg5[%add3A_387] : memref<25600xi32, #tpu.memory_space<vmem>> -> memref<72xi32, #tpu.memory_space<vmem>>
        %dma_start3A_392 = arith.constant 0 : i32
        %dma_start3A_393 = arith.constant 0 : i32
        %dma_start3A_394 = tpu.memref_slice %arg3[%dma_start3A_392, %dma_start3A_393] : memref<100000x64xf32, #tpu.memory_space<hbm>> -> memref<100000x64xf32, #tpu.memory_space<hbm>>
        tpu.enqueue_indirect_dma source(%dma_start3A_394 : memref<100000x64xf32, #tpu.memory_space<hbm>>) target(%dma_start3A_390 : memref<72x64xf32, #tpu.memory_space<vmem>>) offsets(%dma_start3A_391 : memref<72xi32, #tpu.memory_space<vmem>>) semaphore(%arg13 : memref<!tpu.dma_semaphore, #tpu.memory_space<semaphore_mem>>)
      } else {
      }
      %add3A_297 = arith.constant 3 : i32
      %add3A_298 = arith.addi %mul3A_77, %add3A_297 : i32
      %dma_wait3A_299 = arith.constant 0 : i32
      %dma_wait3A_300 = arith.constant 0 : i32
      %dma_wait3A_301 = tpu.memref_slice %arg9[%dma_wait3A_299, %dma_wait3A_300] : memref<200x64xf32, #tpu.memory_space<vmem>> -> memref<128x64xf32, #tpu.memory_space<vmem>>
      %dma_wait3A_302 = arith.constant 0 : i32
      %dma_wait3A_303 = tpu.memref_slice %arg5[%dma_wait3A_302] : memref<25600xi32, #tpu.memory_space<vmem>> -> memref<128xi32, #tpu.memory_space<vmem>>
      %dma_wait3A_304 = arith.constant 0 : i32
      %dma_wait3A_305 = arith.constant 0 : i32
      %dma_wait3A_306 = tpu.memref_slice %arg3[%dma_wait3A_304, %dma_wait3A_305] : memref<100000x64xf32, #tpu.memory_space<hbm>> -> memref<100000x64xf32, #tpu.memory_space<hbm>>
      tpu.wait_indirect_dma semaphore(%arg14 : memref<!tpu.dma_semaphore, #tpu.memory_space<semaphore_mem>>) src(%dma_wait3A_306 : memref<100000x64xf32, #tpu.memory_space<hbm>>) dst(%dma_wait3A_301 : memref<128x64xf32, #tpu.memory_space<vmem>>)
      %dma_wait3A_307 = arith.constant 128 : i32
      %dma_wait3A_308 = arith.constant 0 : i32
      %dma_wait3A_309 = tpu.memref_slice %arg9[%dma_wait3A_307, %dma_wait3A_308] : memref<200x64xf32, #tpu.memory_space<vmem>> -> memref<72x64xf32, #tpu.memory_space<vmem>>
      %dma_wait3A_310 = arith.constant 0 : i32
      %dma_wait3A_311 = tpu.memref_slice %arg5[%dma_wait3A_310] : memref<25600xi32, #tpu.memory_space<vmem>> -> memref<72xi32, #tpu.memory_space<vmem>>
      %dma_wait3A_312 = arith.constant 0 : i32
      %dma_wait3A_313 = arith.constant 0 : i32
      %dma_wait3A_314 = tpu.memref_slice %arg3[%dma_wait3A_312, %dma_wait3A_313] : memref<100000x64xf32, #tpu.memory_space<hbm>> -> memref<100000x64xf32, #tpu.memory_space<hbm>>
      tpu.wait_indirect_dma semaphore(%arg14 : memref<!tpu.dma_semaphore, #tpu.memory_space<semaphore_mem>>) src(%dma_wait3A_314 : memref<100000x64xf32, #tpu.memory_space<hbm>>) dst(%dma_wait3A_309 : memref<72x64xf32, #tpu.memory_space<vmem>>)
      %broadcast_in_dim3A_315 = arith.constant 0.000000e+00 : f32
      %broadcast_in_dim3A_316 = vector.broadcast %broadcast_in_dim3A_315 : f32 to vector<16xf32>
      %broadcast_in_dim3A_317 = arith.constant 0xFF800000 : f32
      %broadcast_in_dim3A_318 = vector.broadcast %broadcast_in_dim3A_317 : f32 to vector<16xf32>
      %scan3A_319 = arith.constant 0 : i32
      %scan3A_320 = arith.constant 8 : i32
      %scan3A_321 = arith.addi %scan3A_319, %scan3A_320 : i32
      %scan3A_322 = arith.constant 1 : i32
      %scan3A_323:8 = scf.for %scan3A_373 = %scan3A_319 to %scan3A_321 step %scan3A_322 iter_args(%scan3A_374 = %broadcast_in_dim3A_316, %scan3A_375 = %broadcast_in_dim3A_316, %scan3A_376 = %broadcast_in_dim3A_316, %scan3A_377 = %broadcast_in_dim3A_316, %scan3A_378 = %broadcast_in_dim3A_318, %scan3A_379 = %broadcast_in_dim3A_318, %scan3A_380 = %broadcast_in_dim3A_318, %scan3A_381 = %broadcast_in_dim3A_318) -> (vector<16xf32>, vector<16xf32>, vector<16xf32>, vector<16xf32>, vector<16xf32>, vector<16xf32>, vector<16xf32>, vector<16xf32>)  : i32 {
        %mul3A_382 = arith.constant 25 : i32
        %mul3A_383 = arith.muli %scan3A_373, %mul3A_382 : i32
        %add3A_384 = arith.constant 0 : i32
        %add3A_385 = arith.addi %mul3A_383, %add3A_384 : i32
        %get3A = arith.index_cast %add3A_385 : i32 to index
        %get3A_386 = arith.constant 0 : index
        %get3A_387 = tpu.vector_load %arg9[%get3A, %get3A_386] {strides = array<i32>} : memref<200x64xf32, #tpu.memory_space<vmem>>, vector<1x16xf32>,
        %get3A_388 = vector.shape_cast %get3A_387 : vector<1x16xf32> to vector<16xf32>
        %add3A_389 = arith.addf %scan3A_374, %get3A_388 : vector<16xf32>
        %max3A = arith.maximumf %scan3A_378, %get3A_388 : vector<16xf32>
        %get3A_390 = arith.index_cast %add3A_385 : i32 to index
        %get3A_391 = arith.constant 16 : index
        %get3A_392 = tpu.vector_load %arg9[%get3A_390, %get3A_391] {strides = array<i32>} : memref<200x64xf32, #tpu.memory_space<vmem>>, vector<1x16xf32>,
        %get3A_393 = vector.shape_cast %get3A_392 : vector<1x16xf32> to vector<16xf32>
        %add3A_394 = arith.addf %scan3A_375, %get3A_393 : vector<16xf32>
        %max3A_395 = arith.maximumf %scan3A_379, %get3A_393 : vector<16xf32>
        %get3A_396 = arith.index_cast %add3A_385 : i32 to index
        %get3A_397 = arith.constant 32 : index
        %get3A_398 = tpu.vector_load %arg9[%get3A_396, %get3A_397] {strides = array<i32>} : memref<200x64xf32, #tpu.memory_space<vmem>>, vector<1x16xf32>,
        %get3A_399 = vector.shape_cast %get3A_398 : vector<1x16xf32> to vector<16xf32>
        %add3A_400 = arith.addf %scan3A_376, %get3A_399 : vector<16xf32>
        %max3A_401 = arith.maximumf %scan3A_380, %get3A_399 : vector<16xf32>
        %get3A_402 = arith.index_cast %add3A_385 : i32 to index
        %get3A_403 = arith.constant 48 : index
        %get3A_404 = tpu.vector_load %arg9[%get3A_402, %get3A_403] {strides = array<i32>} : memref<200x64xf32, #tpu.memory_space<vmem>>, vector<1x16xf32>,
        %get3A_405 = vector.shape_cast %get3A_404 : vector<1x16xf32> to vector<16xf32>
        %add3A_406 = arith.addf %scan3A_377, %get3A_405 : vector<16xf32>
        %max3A_407 = arith.maximumf %scan3A_381, %get3A_405 : vector<16xf32>
        %mul3A_408 = arith.constant 25 : i32
        %mul3A_409 = arith.muli %scan3A_373, %mul3A_408 : i32
        %add3A_410 = arith.constant 1 : i32
        %add3A_411 = arith.addi %mul3A_409, %add3A_410 : i32
        %get3A_412 = arith.index_cast %add3A_411 : i32 to index
        %get3A_413 = arith.constant 0 : index
        %get3A_414 = tpu.vector_load %arg9[%get3A_412, %get3A_413] {strides = array<i32>} : memref<200x64xf32, #tpu.memory_space<vmem>>, vector<1x16xf32>,
        %get3A_415 = vector.shape_cast %get3A_414 : vector<1x16xf32> to vector<16xf32>
        %add3A_416 = arith.addf %add3A_389, %get3A_415 : vector<16xf32>
        %max3A_417 = arith.maximumf %max3A, %get3A_415 : vector<16xf32>
        %get3A_418 = arith.index_cast %add3A_411 : i32 to index
        %get3A_419 = arith.constant 16 : index
        %get3A_420 = tpu.vector_load %arg9[%get3A_418, %get3A_419] {strides = array<i32>} : memref<200x64xf32, #tpu.memory_space<vmem>>, vector<1x16xf32>,
        %get3A_421 = vector.shape_cast %get3A_420 : vector<1x16xf32> to vector<16xf32>
        %add3A_422 = arith.addf %add3A_394, %get3A_421 : vector<16xf32>
        %max3A_423 = arith.maximumf %max3A_395, %get3A_421 : vector<16xf32>
        %get3A_424 = arith.index_cast %add3A_411 : i32 to index
        %get3A_425 = arith.constant 32 : index
        %get3A_426 = tpu.vector_load %arg9[%get3A_424, %get3A_425] {strides = array<i32>} : memref<200x64xf32, #tpu.memory_space<vmem>>, vector<1x16xf32>,
        %get3A_427 = vector.shape_cast %get3A_426 : vector<1x16xf32> to vector<16xf32>
        %add3A_428 = arith.addf %add3A_400, %get3A_427 : vector<16xf32>
        %max3A_429 = arith.maximumf %max3A_401, %get3A_427 : vector<16xf32>
        %get3A_430 = arith.index_cast %add3A_411 : i32 to index
        %get3A_431 = arith.constant 48 : index
        %get3A_432 = tpu.vector_load %arg9[%get3A_430, %get3A_431] {strides = array<i32>} : memref<200x64xf32, #tpu.memory_space<vmem>>, vector<1x16xf32>,
        %get3A_433 = vector.shape_cast %get3A_432 : vector<1x16xf32> to vector<16xf32>
        %add3A_434 = arith.addf %add3A_406, %get3A_433 : vector<16xf32>
        %max3A_435 = arith.maximumf %max3A_407, %get3A_433 : vector<16xf32>
        %mul3A_436 = arith.constant 25 : i32
        %mul3A_437 = arith.muli %scan3A_373, %mul3A_436 : i32
        %add3A_438 = arith.constant 2 : i32
        %add3A_439 = arith.addi %mul3A_437, %add3A_438 : i32
        %get3A_440 = arith.index_cast %add3A_439 : i32 to index
        %get3A_441 = arith.constant 0 : index
        %get3A_442 = tpu.vector_load %arg9[%get3A_440, %get3A_441] {strides = array<i32>} : memref<200x64xf32, #tpu.memory_space<vmem>>, vector<1x16xf32>,
        %get3A_443 = vector.shape_cast %get3A_442 : vector<1x16xf32> to vector<16xf32>
        %add3A_444 = arith.addf %add3A_416, %get3A_443 : vector<16xf32>
        %max3A_445 = arith.maximumf %max3A_417, %get3A_443 : vector<16xf32>
        %get3A_446 = arith.index_cast %add3A_439 : i32 to index
        %get3A_447 = arith.constant 16 : index
        %get3A_448 = tpu.vector_load %arg9[%get3A_446, %get3A_447] {strides = array<i32>} : memref<200x64xf32, #tpu.memory_space<vmem>>, vector<1x16xf32>,
        %get3A_449 = vector.shape_cast %get3A_448 : vector<1x16xf32> to vector<16xf32>
        %add3A_450 = arith.addf %add3A_422, %get3A_449 : vector<16xf32>
        %max3A_451 = arith.maximumf %max3A_423, %get3A_449 : vector<16xf32>
        %get3A_452 = arith.index_cast %add3A_439 : i32 to index
        %get3A_453 = arith.constant 32 : index
        %get3A_454 = tpu.vector_load %arg9[%get3A_452, %get3A_453] {strides = array<i32>} : memref<200x64xf32, #tpu.memory_space<vmem>>, vector<1x16xf32>,
        %get3A_455 = vector.shape_cast %get3A_454 : vector<1x16xf32> to vector<16xf32>
        %add3A_456 = arith.addf %add3A_428, %get3A_455 : vector<16xf32>
        %max3A_457 = arith.maximumf %max3A_429, %get3A_455 : vector<16xf32>
        %get3A_458 = arith.index_cast %add3A_439 : i32 to index
        %get3A_459 = arith.constant 48 : index
        %get3A_460 = tpu.vector_load %arg9[%get3A_458, %get3A_459] {strides = array<i32>} : memref<200x64xf32, #tpu.memory_space<vmem>>, vector<1x16xf32>,
        %get3A_461 = vector.shape_cast %get3A_460 : vector<1x16xf32> to vector<16xf32>
        %add3A_462 = arith.addf %add3A_434, %get3A_461 : vector<16xf32>
        %max3A_463 = arith.maximumf %max3A_435, %get3A_461 : vector<16xf32>
        %mul3A_464 = arith.constant 25 : i32
        %mul3A_465 = arith.muli %scan3A_373, %mul3A_464 : i32
        %add3A_466 = arith.constant 3 : i32
        %add3A_467 = arith.addi %mul3A_465, %add3A_466 : i32
        %get3A_468 = arith.index_cast %add3A_467 : i32 to index
        %get3A_469 = arith.constant 0 : index
        %get3A_470 = tpu.vector_load %arg9[%get3A_468, %get3A_469] {strides = array<i32>} : memref<200x64xf32, #tpu.memory_space<vmem>>, vector<1x16xf32>,
        %get3A_471 = vector.shape_cast %get3A_470 : vector<1x16xf32> to vector<16xf32>
        %add3A_472 = arith.addf %add3A_444, %get3A_471 : vector<16xf32>
        %max3A_473 = arith.maximumf %max3A_445, %get3A_471 : vector<16xf32>
        %get3A_474 = arith.index_cast %add3A_467 : i32 to index
        %get3A_475 = arith.constant 16 : index
        %get3A_476 = tpu.vector_load %arg9[%get3A_474, %get3A_475] {strides = array<i32>} : memref<200x64xf32, #tpu.memory_space<vmem>>, vector<1x16xf32>,
        %get3A_477 = vector.shape_cast %get3A_476 : vector<1x16xf32> to vector<16xf32>
        %add3A_478 = arith.addf %add3A_450, %get3A_477 : vector<16xf32>
        %max3A_479 = arith.maximumf %max3A_451, %get3A_477 : vector<16xf32>
        %get3A_480 = arith.index_cast %add3A_467 : i32 to index
        %get3A_481 = arith.constant 32 : index
        %get3A_482 = tpu.vector_load %arg9[%get3A_480, %get3A_481] {strides = array<i32>} : memref<200x64xf32, #tpu.memory_space<vmem>>, vector<1x16xf32>,
        %get3A_483 = vector.shape_cast %get3A_482 : vector<1x16xf32> to vector<16xf32>
        %add3A_484 = arith.addf %add3A_456, %get3A_483 : vector<16xf32>
        %max3A_485 = arith.maximumf %max3A_457, %get3A_483 : vector<16xf32>
        %get3A_486 = arith.index_cast %add3A_467 : i32 to index
        %get3A_487 = arith.constant 48 : index
        %get3A_488 = tpu.vector_load %arg9[%get3A_486, %get3A_487] {strides = array<i32>} : memref<200x64xf32, #tpu.memory_space<vmem>>, vector<1x16xf32>,
        %get3A_489 = vector.shape_cast %get3A_488 : vector<1x16xf32> to vector<16xf32>
        %add3A_490 = arith.addf %add3A_462, %get3A_489 : vector<16xf32>
        %max3A_491 = arith.maximumf %max3A_463, %get3A_489 : vector<16xf32>
        %mul3A_492 = arith.constant 25 : i32
        %mul3A_493 = arith.muli %scan3A_373, %mul3A_492 : i32
        %add3A_494 = arith.constant 4 : i32
        %add3A_495 = arith.addi %mul3A_493, %add3A_494 : i32
        %get3A_496 = arith.index_cast %add3A_495 : i32 to index
        %get3A_497 = arith.constant 0 : index
        %get3A_498 = tpu.vector_load %arg9[%get3A_496, %get3A_497] {strides = array<i32>} : memref<200x64xf32, #tpu.memory_space<vmem>>, vector<1x16xf32>,
        %get3A_499 = vector.shape_cast %get3A_498 : vector<1x16xf32> to vector<16xf32>
        %add3A_500 = arith.addf %add3A_472, %get3A_499 : vector<16xf32>
        %max3A_501 = arith.maximumf %max3A_473, %get3A_499 : vector<16xf32>
        %get3A_502 = arith.index_cast %add3A_495 : i32 to index
        %get3A_503 = arith.constant 16 : index
        %get3A_504 = tpu.vector_load %arg9[%get3A_502, %get3A_503] {strides = array<i32>} : memref<200x64xf32, #tpu.memory_space<vmem>>, vector<1x16xf32>,
        %get3A_505 = vector.shape_cast %get3A_504 : vector<1x16xf32> to vector<16xf32>
        %add3A_506 = arith.addf %add3A_478, %get3A_505 : vector<16xf32>
        %max3A_507 = arith.maximumf %max3A_479, %get3A_505 : vector<16xf32>
        %get3A_508 = arith.index_cast %add3A_495 : i32 to index
        %get3A_509 = arith.constant 32 : index
        %get3A_510 = tpu.vector_load %arg9[%get3A_508, %get3A_509] {strides = array<i32>} : memref<200x64xf32, #tpu.memory_space<vmem>>, vector<1x16xf32>,
        %get3A_511 = vector.shape_cast %get3A_510 : vector<1x16xf32> to vector<16xf32>
        %add3A_512 = arith.addf %add3A_484, %get3A_511 : vector<16xf32>
        %max3A_513 = arith.maximumf %max3A_485, %get3A_511 : vector<16xf32>
        %get3A_514 = arith.index_cast %add3A_495 : i32 to index
        %get3A_515 = arith.constant 48 : index
        %get3A_516 = tpu.vector_load %arg9[%get3A_514, %get3A_515] {strides = array<i32>} : memref<200x64xf32, #tpu.memory_space<vmem>>, vector<1x16xf32>,
        %get3A_517 = vector.shape_cast %get3A_516 : vector<1x16xf32> to vector<16xf32>
        %add3A_518 = arith.addf %add3A_490, %get3A_517 : vector<16xf32>
        %max3A_519 = arith.maximumf %max3A_491, %get3A_517 : vector<16xf32>
        %mul3A_520 = arith.constant 25 : i32
        %mul3A_521 = arith.muli %scan3A_373, %mul3A_520 : i32
        %add3A_522 = arith.constant 5 : i32
        %add3A_523 = arith.addi %mul3A_521, %add3A_522 : i32
        %get3A_524 = arith.index_cast %add3A_523 : i32 to index
        %get3A_525 = arith.constant 0 : index
        %get3A_526 = tpu.vector_load %arg9[%get3A_524, %get3A_525] {strides = array<i32>} : memref<200x64xf32, #tpu.memory_space<vmem>>, vector<1x16xf32>,
        %get3A_527 = vector.shape_cast %get3A_526 : vector<1x16xf32> to vector<16xf32>
        %add3A_528 = arith.addf %add3A_500, %get3A_527 : vector<16xf32>
        %max3A_529 = arith.maximumf %max3A_501, %get3A_527 : vector<16xf32>
        %get3A_530 = arith.index_cast %add3A_523 : i32 to index
        %get3A_531 = arith.constant 16 : index
        %get3A_532 = tpu.vector_load %arg9[%get3A_530, %get3A_531] {strides = array<i32>} : memref<200x64xf32, #tpu.memory_space<vmem>>, vector<1x16xf32>,
        %get3A_533 = vector.shape_cast %get3A_532 : vector<1x16xf32> to vector<16xf32>
        %add3A_534 = arith.addf %add3A_506, %get3A_533 : vector<16xf32>
        %max3A_535 = arith.maximumf %max3A_507, %get3A_533 : vector<16xf32>
        %get3A_536 = arith.index_cast %add3A_523 : i32 to index
        %get3A_537 = arith.constant 32 : index
        %get3A_538 = tpu.vector_load %arg9[%get3A_536, %get3A_537] {strides = array<i32>} : memref<200x64xf32, #tpu.memory_space<vmem>>, vector<1x16xf32>,
        %get3A_539 = vector.shape_cast %get3A_538 : vector<1x16xf32> to vector<16xf32>
        %add3A_540 = arith.addf %add3A_512, %get3A_539 : vector<16xf32>
        %max3A_541 = arith.maximumf %max3A_513, %get3A_539 : vector<16xf32>
        %get3A_542 = arith.index_cast %add3A_523 : i32 to index
        %get3A_543 = arith.constant 48 : index
        %get3A_544 = tpu.vector_load %arg9[%get3A_542, %get3A_543] {strides = array<i32>} : memref<200x64xf32, #tpu.memory_space<vmem>>, vector<1x16xf32>,
        %get3A_545 = vector.shape_cast %get3A_544 : vector<1x16xf32> to vector<16xf32>
        %add3A_546 = arith.addf %add3A_518, %get3A_545 : vector<16xf32>
        %max3A_547 = arith.maximumf %max3A_519, %get3A_545 : vector<16xf32>
        %mul3A_548 = arith.constant 25 : i32
        %mul3A_549 = arith.muli %scan3A_373, %mul3A_548 : i32
        %add3A_550 = arith.constant 6 : i32
        %add3A_551 = arith.addi %mul3A_549, %add3A_550 : i32
        %get3A_552 = arith.index_cast %add3A_551 : i32 to index
        %get3A_553 = arith.constant 0 : index
        %get3A_554 = tpu.vector_load %arg9[%get3A_552, %get3A_553] {strides = array<i32>} : memref<200x64xf32, #tpu.memory_space<vmem>>, vector<1x16xf32>,
        %get3A_555 = vector.shape_cast %get3A_554 : vector<1x16xf32> to vector<16xf32>
        %add3A_556 = arith.addf %add3A_528, %get3A_555 : vector<16xf32>
        %max3A_557 = arith.maximumf %max3A_529, %get3A_555 : vector<16xf32>
        %get3A_558 = arith.index_cast %add3A_551 : i32 to index
        %get3A_559 = arith.constant 16 : index
        %get3A_560 = tpu.vector_load %arg9[%get3A_558, %get3A_559] {strides = array<i32>} : memref<200x64xf32, #tpu.memory_space<vmem>>, vector<1x16xf32>,
        %get3A_561 = vector.shape_cast %get3A_560 : vector<1x16xf32> to vector<16xf32>
        %add3A_562 = arith.addf %add3A_534, %get3A_561 : vector<16xf32>
        %max3A_563 = arith.maximumf %max3A_535, %get3A_561 : vector<16xf32>
        %get3A_564 = arith.index_cast %add3A_551 : i32 to index
        %get3A_565 = arith.constant 32 : index
        %get3A_566 = tpu.vector_load %arg9[%get3A_564, %get3A_565] {strides = array<i32>} : memref<200x64xf32, #tpu.memory_space<vmem>>, vector<1x16xf32>,
        %get3A_567 = vector.shape_cast %get3A_566 : vector<1x16xf32> to vector<16xf32>
        %add3A_568 = arith.addf %add3A_540, %get3A_567 : vector<16xf32>
        %max3A_569 = arith.maximumf %max3A_541, %get3A_567 : vector<16xf32>
        %get3A_570 = arith.index_cast %add3A_551 : i32 to index
        %get3A_571 = arith.constant 48 : index
        %get3A_572 = tpu.vector_load %arg9[%get3A_570, %get3A_571] {strides = array<i32>} : memref<200x64xf32, #tpu.memory_space<vmem>>, vector<1x16xf32>,
        %get3A_573 = vector.shape_cast %get3A_572 : vector<1x16xf32> to vector<16xf32>
        %add3A_574 = arith.addf %add3A_546, %get3A_573 : vector<16xf32>
        %max3A_575 = arith.maximumf %max3A_547, %get3A_573 : vector<16xf32>
        %mul3A_576 = arith.constant 25 : i32
        %mul3A_577 = arith.muli %scan3A_373, %mul3A_576 : i32
        %add3A_578 = arith.constant 7 : i32
        %add3A_579 = arith.addi %mul3A_577, %add3A_578 : i32
        %get3A_580 = arith.index_cast %add3A_579 : i32 to index
        %get3A_581 = arith.constant 0 : index
        %get3A_582 = tpu.vector_load %arg9[%get3A_580, %get3A_581] {strides = array<i32>} : memref<200x64xf32, #tpu.memory_space<vmem>>, vector<1x16xf32>,
        %get3A_583 = vector.shape_cast %get3A_582 : vector<1x16xf32> to vector<16xf32>
        %add3A_584 = arith.addf %add3A_556, %get3A_583 : vector<16xf32>
        %max3A_585 = arith.maximumf %max3A_557, %get3A_583 : vector<16xf32>
        %get3A_586 = arith.index_cast %add3A_579 : i32 to index
        %get3A_587 = arith.constant 16 : index
        %get3A_588 = tpu.vector_load %arg9[%get3A_586, %get3A_587] {strides = array<i32>} : memref<200x64xf32, #tpu.memory_space<vmem>>, vector<1x16xf32>,
        %get3A_589 = vector.shape_cast %get3A_588 : vector<1x16xf32> to vector<16xf32>
        %add3A_590 = arith.addf %add3A_562, %get3A_589 : vector<16xf32>
        %max3A_591 = arith.maximumf %max3A_563, %get3A_589 : vector<16xf32>
        %get3A_592 = arith.index_cast %add3A_579 : i32 to index
        %get3A_593 = arith.constant 32 : index
        %get3A_594 = tpu.vector_load %arg9[%get3A_592, %get3A_593] {strides = array<i32>} : memref<200x64xf32, #tpu.memory_space<vmem>>, vector<1x16xf32>,
        %get3A_595 = vector.shape_cast %get3A_594 : vector<1x16xf32> to vector<16xf32>
        %add3A_596 = arith.addf %add3A_568, %get3A_595 : vector<16xf32>
        %max3A_597 = arith.maximumf %max3A_569, %get3A_595 : vector<16xf32>
        %get3A_598 = arith.index_cast %add3A_579 : i32 to index
        %get3A_599 = arith.constant 48 : index
        %get3A_600 = tpu.vector_load %arg9[%get3A_598, %get3A_599] {strides = array<i32>} : memref<200x64xf32, #tpu.memory_space<vmem>>, vector<1x16xf32>,
        %get3A_601 = vector.shape_cast %get3A_600 : vector<1x16xf32> to vector<16xf32>
        %add3A_602 = arith.addf %add3A_574, %get3A_601 : vector<16xf32>
        %max3A_603 = arith.maximumf %max3A_575, %get3A_601 : vector<16xf32>
        %mul3A_604 = arith.constant 25 : i32
        %mul3A_605 = arith.muli %scan3A_373, %mul3A_604 : i32
        %add3A_606 = arith.constant 8 : i32
        %add3A_607 = arith.addi %mul3A_605, %add3A_606 : i32
        %get3A_608 = arith.index_cast %add3A_607 : i32 to index
        %get3A_609 = arith.constant 0 : index
        %get3A_610 = tpu.vector_load %arg9[%get3A_608, %get3A_609] {strides = array<i32>} : memref<200x64xf32, #tpu.memory_space<vmem>>, vector<1x16xf32>,
        %get3A_611 = vector.shape_cast %get3A_610 : vector<1x16xf32> to vector<16xf32>
        %add3A_612 = arith.addf %add3A_584, %get3A_611 : vector<16xf32>
        %max3A_613 = arith.maximumf %max3A_585, %get3A_611 : vector<16xf32>
        %get3A_614 = arith.index_cast %add3A_607 : i32 to index
        %get3A_615 = arith.constant 16 : index
        %get3A_616 = tpu.vector_load %arg9[%get3A_614, %get3A_615] {strides = array<i32>} : memref<200x64xf32, #tpu.memory_space<vmem>>, vector<1x16xf32>,
        %get3A_617 = vector.shape_cast %get3A_616 : vector<1x16xf32> to vector<16xf32>
        %add3A_618 = arith.addf %add3A_590, %get3A_617 : vector<16xf32>
        %max3A_619 = arith.maximumf %max3A_591, %get3A_617 : vector<16xf32>
        %get3A_620 = arith.index_cast %add3A_607 : i32 to index
        %get3A_621 = arith.constant 32 : index
        %get3A_622 = tpu.vector_load %arg9[%get3A_620, %get3A_621] {strides = array<i32>} : memref<200x64xf32, #tpu.memory_space<vmem>>, vector<1x16xf32>,
        %get3A_623 = vector.shape_cast %get3A_622 : vector<1x16xf32> to vector<16xf32>
        %add3A_624 = arith.addf %add3A_596, %get3A_623 : vector<16xf32>
        %max3A_625 = arith.maximumf %max3A_597, %get3A_623 : vector<16xf32>
        %get3A_626 = arith.index_cast %add3A_607 : i32 to index
        %get3A_627 = arith.constant 48 : index
        %get3A_628 = tpu.vector_load %arg9[%get3A_626, %get3A_627] {strides = array<i32>} : memref<200x64xf32, #tpu.memory_space<vmem>>, vector<1x16xf32>,
        %get3A_629 = vector.shape_cast %get3A_628 : vector<1x16xf32> to vector<16xf32>
        %add3A_630 = arith.addf %add3A_602, %get3A_629 : vector<16xf32>
        %max3A_631 = arith.maximumf %max3A_603, %get3A_629 : vector<16xf32>
        %mul3A_632 = arith.constant 25 : i32
        %mul3A_633 = arith.muli %scan3A_373, %mul3A_632 : i32
        %add3A_634 = arith.constant 9 : i32
        %add3A_635 = arith.addi %mul3A_633, %add3A_634 : i32
        %get3A_636 = arith.index_cast %add3A_635 : i32 to index
        %get3A_637 = arith.constant 0 : index
        %get3A_638 = tpu.vector_load %arg9[%get3A_636, %get3A_637] {strides = array<i32>} : memref<200x64xf32, #tpu.memory_space<vmem>>, vector<1x16xf32>,
        %get3A_639 = vector.shape_cast %get3A_638 : vector<1x16xf32> to vector<16xf32>
        %add3A_640 = arith.addf %add3A_612, %get3A_639 : vector<16xf32>
        %max3A_641 = arith.maximumf %max3A_613, %get3A_639 : vector<16xf32>
        %get3A_642 = arith.index_cast %add3A_635 : i32 to index
        %get3A_643 = arith.constant 16 : index
        %get3A_644 = tpu.vector_load %arg9[%get3A_642, %get3A_643] {strides = array<i32>} : memref<200x64xf32, #tpu.memory_space<vmem>>, vector<1x16xf32>,
        %get3A_645 = vector.shape_cast %get3A_644 : vector<1x16xf32> to vector<16xf32>
        %add3A_646 = arith.addf %add3A_618, %get3A_645 : vector<16xf32>
        %max3A_647 = arith.maximumf %max3A_619, %get3A_645 : vector<16xf32>
        %get3A_648 = arith.index_cast %add3A_635 : i32 to index
        %get3A_649 = arith.constant 32 : index
        %get3A_650 = tpu.vector_load %arg9[%get3A_648, %get3A_649] {strides = array<i32>} : memref<200x64xf32, #tpu.memory_space<vmem>>, vector<1x16xf32>,
        %get3A_651 = vector.shape_cast %get3A_650 : vector<1x16xf32> to vector<16xf32>
        %add3A_652 = arith.addf %add3A_624, %get3A_651 : vector<16xf32>
        %max3A_653 = arith.maximumf %max3A_625, %get3A_651 : vector<16xf32>
        %get3A_654 = arith.index_cast %add3A_635 : i32 to index
        %get3A_655 = arith.constant 48 : index
        %get3A_656 = tpu.vector_load %arg9[%get3A_654, %get3A_655] {strides = array<i32>} : memref<200x64xf32, #tpu.memory_space<vmem>>, vector<1x16xf32>,
        %get3A_657 = vector.shape_cast %get3A_656 : vector<1x16xf32> to vector<16xf32>
        %add3A_658 = arith.addf %add3A_630, %get3A_657 : vector<16xf32>
        %max3A_659 = arith.maximumf %max3A_631, %get3A_657 : vector<16xf32>
        %mul3A_660 = arith.constant 25 : i32
        %mul3A_661 = arith.muli %scan3A_373, %mul3A_660 : i32
        %add3A_662 = arith.constant 10 : i32
        %add3A_663 = arith.addi %mul3A_661, %add3A_662 : i32
        %get3A_664 = arith.index_cast %add3A_663 : i32 to index
        %get3A_665 = arith.constant 0 : index
        %get3A_666 = tpu.vector_load %arg9[%get3A_664, %get3A_665] {strides = array<i32>} : memref<200x64xf32, #tpu.memory_space<vmem>>, vector<1x16xf32>,
        %get3A_667 = vector.shape_cast %get3A_666 : vector<1x16xf32> to vector<16xf32>
        %add3A_668 = arith.addf %add3A_640, %get3A_667 : vector<16xf32>
        %max3A_669 = arith.maximumf %max3A_641, %get3A_667 : vector<16xf32>
        %get3A_670 = arith.index_cast %add3A_663 : i32 to index
        %get3A_671 = arith.constant 16 : index
        %get3A_672 = tpu.vector_load %arg9[%get3A_670, %get3A_671] {strides = array<i32>} : memref<200x64xf32, #tpu.memory_space<vmem>>, vector<1x16xf32>,
        %get3A_673 = vector.shape_cast %get3A_672 : vector<1x16xf32> to vector<16xf32>
        %add3A_674 = arith.addf %add3A_646, %get3A_673 : vector<16xf32>
        %max3A_675 = arith.maximumf %max3A_647, %get3A_673 : vector<16xf32>
        %get3A_676 = arith.index_cast %add3A_663 : i32 to index
        %get3A_677 = arith.constant 32 : index
        %get3A_678 = tpu.vector_load %arg9[%get3A_676, %get3A_677] {strides = array<i32>} : memref<200x64xf32, #tpu.memory_space<vmem>>, vector<1x16xf32>,
        %get3A_679 = vector.shape_cast %get3A_678 : vector<1x16xf32> to vector<16xf32>
        %add3A_680 = arith.addf %add3A_652, %get3A_679 : vector<16xf32>
        %max3A_681 = arith.maximumf %max3A_653, %get3A_679 : vector<16xf32>
        %get3A_682 = arith.index_cast %add3A_663 : i32 to index
        %get3A_683 = arith.constant 48 : index
        %get3A_684 = tpu.vector_load %arg9[%get3A_682, %get3A_683] {strides = array<i32>} : memref<200x64xf32, #tpu.memory_space<vmem>>, vector<1x16xf32>,
        %get3A_685 = vector.shape_cast %get3A_684 : vector<1x16xf32> to vector<16xf32>
        %add3A_686 = arith.addf %add3A_658, %get3A_685 : vector<16xf32>
        %max3A_687 = arith.maximumf %max3A_659, %get3A_685 : vector<16xf32>
        %mul3A_688 = arith.constant 25 : i32
        %mul3A_689 = arith.muli %scan3A_373, %mul3A_688 : i32
        %add3A_690 = arith.constant 11 : i32
        %add3A_691 = arith.addi %mul3A_689, %add3A_690 : i32
        %get3A_692 = arith.index_cast %add3A_691 : i32 to index
        %get3A_693 = arith.constant 0 : index
        %get3A_694 = tpu.vector_load %arg9[%get3A_692, %get3A_693] {strides = array<i32>} : memref<200x64xf32, #tpu.memory_space<vmem>>, vector<1x16xf32>,
        %get3A_695 = vector.shape_cast %get3A_694 : vector<1x16xf32> to vector<16xf32>
        %add3A_696 = arith.addf %add3A_668, %get3A_695 : vector<16xf32>
        %max3A_697 = arith.maximumf %max3A_669, %get3A_695 : vector<16xf32>
        %get3A_698 = arith.index_cast %add3A_691 : i32 to index
        %get3A_699 = arith.constant 16 : index
        %get3A_700 = tpu.vector_load %arg9[%get3A_698, %get3A_699] {strides = array<i32>} : memref<200x64xf32, #tpu.memory_space<vmem>>, vector<1x16xf32>,
        %get3A_701 = vector.shape_cast %get3A_700 : vector<1x16xf32> to vector<16xf32>
        %add3A_702 = arith.addf %add3A_674, %get3A_701 : vector<16xf32>
        %max3A_703 = arith.maximumf %max3A_675, %get3A_701 : vector<16xf32>
        %get3A_704 = arith.index_cast %add3A_691 : i32 to index
        %get3A_705 = arith.constant 32 : index
        %get3A_706 = tpu.vector_load %arg9[%get3A_704, %get3A_705] {strides = array<i32>} : memref<200x64xf32, #tpu.memory_space<vmem>>, vector<1x16xf32>,
        %get3A_707 = vector.shape_cast %get3A_706 : vector<1x16xf32> to vector<16xf32>
        %add3A_708 = arith.addf %add3A_680, %get3A_707 : vector<16xf32>
        %max3A_709 = arith.maximumf %max3A_681, %get3A_707 : vector<16xf32>
        %get3A_710 = arith.index_cast %add3A_691 : i32 to index
        %get3A_711 = arith.constant 48 : index
        %get3A_712 = tpu.vector_load %arg9[%get3A_710, %get3A_711] {strides = array<i32>} : memref<200x64xf32, #tpu.memory_space<vmem>>, vector<1x16xf32>,
        %get3A_713 = vector.shape_cast %get3A_712 : vector<1x16xf32> to vector<16xf32>
        %add3A_714 = arith.addf %add3A_686, %get3A_713 : vector<16xf32>
        %max3A_715 = arith.maximumf %max3A_687, %get3A_713 : vector<16xf32>
        %mul3A_716 = arith.constant 25 : i32
        %mul3A_717 = arith.muli %scan3A_373, %mul3A_716 : i32
        %add3A_718 = arith.constant 12 : i32
        %add3A_719 = arith.addi %mul3A_717, %add3A_718 : i32
        %get3A_720 = arith.index_cast %add3A_719 : i32 to index
        %get3A_721 = arith.constant 0 : index
        %get3A_722 = tpu.vector_load %arg9[%get3A_720, %get3A_721] {strides = array<i32>} : memref<200x64xf32, #tpu.memory_space<vmem>>, vector<1x16xf32>,
        %get3A_723 = vector.shape_cast %get3A_722 : vector<1x16xf32> to vector<16xf32>
        %add3A_724 = arith.addf %add3A_696, %get3A_723 : vector<16xf32>
        %max3A_725 = arith.maximumf %max3A_697, %get3A_723 : vector<16xf32>
        %get3A_726 = arith.index_cast %add3A_719 : i32 to index
        %get3A_727 = arith.constant 16 : index
        %get3A_728 = tpu.vector_load %arg9[%get3A_726, %get3A_727] {strides = array<i32>} : memref<200x64xf32, #tpu.memory_space<vmem>>, vector<1x16xf32>,
        %get3A_729 = vector.shape_cast %get3A_728 : vector<1x16xf32> to vector<16xf32>
        %add3A_730 = arith.addf %add3A_702, %get3A_729 : vector<16xf32>
        %max3A_731 = arith.maximumf %max3A_703, %get3A_729 : vector<16xf32>
        %get3A_732 = arith.index_cast %add3A_719 : i32 to index
        %get3A_733 = arith.constant 32 : index
        %get3A_734 = tpu.vector_load %arg9[%get3A_732, %get3A_733] {strides = array<i32>} : memref<200x64xf32, #tpu.memory_space<vmem>>, vector<1x16xf32>,
        %get3A_735 = vector.shape_cast %get3A_734 : vector<1x16xf32> to vector<16xf32>
        %add3A_736 = arith.addf %add3A_708, %get3A_735 : vector<16xf32>
        %max3A_737 = arith.maximumf %max3A_709, %get3A_735 : vector<16xf32>
        %get3A_738 = arith.index_cast %add3A_719 : i32 to index
        %get3A_739 = arith.constant 48 : index
        %get3A_740 = tpu.vector_load %arg9[%get3A_738, %get3A_739] {strides = array<i32>} : memref<200x64xf32, #tpu.memory_space<vmem>>, vector<1x16xf32>,
        %get3A_741 = vector.shape_cast %get3A_740 : vector<1x16xf32> to vector<16xf32>
        %add3A_742 = arith.addf %add3A_714, %get3A_741 : vector<16xf32>
        %max3A_743 = arith.maximumf %max3A_715, %get3A_741 : vector<16xf32>
        %mul3A_744 = arith.constant 25 : i32
        %mul3A_745 = arith.muli %scan3A_373, %mul3A_744 : i32
        %add3A_746 = arith.constant 13 : i32
        %add3A_747 = arith.addi %mul3A_745, %add3A_746 : i32
        %get3A_748 = arith.index_cast %add3A_747 : i32 to index
        %get3A_749 = arith.constant 0 : index
        %get3A_750 = tpu.vector_load %arg9[%get3A_748, %get3A_749] {strides = array<i32>} : memref<200x64xf32, #tpu.memory_space<vmem>>, vector<1x16xf32>,
        %get3A_751 = vector.shape_cast %get3A_750 : vector<1x16xf32> to vector<16xf32>
        %add3A_752 = arith.addf %add3A_724, %get3A_751 : vector<16xf32>
        %max3A_753 = arith.maximumf %max3A_725, %get3A_751 : vector<16xf32>
        %get3A_754 = arith.index_cast %add3A_747 : i32 to index
        %get3A_755 = arith.constant 16 : index
        %get3A_756 = tpu.vector_load %arg9[%get3A_754, %get3A_755] {strides = array<i32>} : memref<200x64xf32, #tpu.memory_space<vmem>>, vector<1x16xf32>,
        %get3A_757 = vector.shape_cast %get3A_756 : vector<1x16xf32> to vector<16xf32>
        %add3A_758 = arith.addf %add3A_730, %get3A_757 : vector<16xf32>
        %max3A_759 = arith.maximumf %max3A_731, %get3A_757 : vector<16xf32>
        %get3A_760 = arith.index_cast %add3A_747 : i32 to index
        %get3A_761 = arith.constant 32 : index
        %get3A_762 = tpu.vector_load %arg9[%get3A_760, %get3A_761] {strides = array<i32>} : memref<200x64xf32, #tpu.memory_space<vmem>>, vector<1x16xf32>,
        %get3A_763 = vector.shape_cast %get3A_762 : vector<1x16xf32> to vector<16xf32>
        %add3A_764 = arith.addf %add3A_736, %get3A_763 : vector<16xf32>
        %max3A_765 = arith.maximumf %max3A_737, %get3A_763 : vector<16xf32>
        %get3A_766 = arith.index_cast %add3A_747 : i32 to index
        %get3A_767 = arith.constant 48 : index
        %get3A_768 = tpu.vector_load %arg9[%get3A_766, %get3A_767] {strides = array<i32>} : memref<200x64xf32, #tpu.memory_space<vmem>>, vector<1x16xf32>,
        %get3A_769 = vector.shape_cast %get3A_768 : vector<1x16xf32> to vector<16xf32>
        %add3A_770 = arith.addf %add3A_742, %get3A_769 : vector<16xf32>
        %max3A_771 = arith.maximumf %max3A_743, %get3A_769 : vector<16xf32>
        %mul3A_772 = arith.constant 25 : i32
        %mul3A_773 = arith.muli %scan3A_373, %mul3A_772 : i32
        %add3A_774 = arith.constant 14 : i32
        %add3A_775 = arith.addi %mul3A_773, %add3A_774 : i32
        %get3A_776 = arith.index_cast %add3A_775 : i32 to index
        %get3A_777 = arith.constant 0 : index
        %get3A_778 = tpu.vector_load %arg9[%get3A_776, %get3A_777] {strides = array<i32>} : memref<200x64xf32, #tpu.memory_space<vmem>>, vector<1x16xf32>,
        %get3A_779 = vector.shape_cast %get3A_778 : vector<1x16xf32> to vector<16xf32>
        %add3A_780 = arith.addf %add3A_752, %get3A_779 : vector<16xf32>
        %max3A_781 = arith.maximumf %max3A_753, %get3A_779 : vector<16xf32>
        %get3A_782 = arith.index_cast %add3A_775 : i32 to index
        %get3A_783 = arith.constant 16 : index
        %get3A_784 = tpu.vector_load %arg9[%get3A_782, %get3A_783] {strides = array<i32>} : memref<200x64xf32, #tpu.memory_space<vmem>>, vector<1x16xf32>,
        %get3A_785 = vector.shape_cast %get3A_784 : vector<1x16xf32> to vector<16xf32>
        %add3A_786 = arith.addf %add3A_758, %get3A_785 : vector<16xf32>
        %max3A_787 = arith.maximumf %max3A_759, %get3A_785 : vector<16xf32>
        %get3A_788 = arith.index_cast %add3A_775 : i32 to index
        %get3A_789 = arith.constant 32 : index
        %get3A_790 = tpu.vector_load %arg9[%get3A_788, %get3A_789] {strides = array<i32>} : memref<200x64xf32, #tpu.memory_space<vmem>>, vector<1x16xf32>,
        %get3A_791 = vector.shape_cast %get3A_790 : vector<1x16xf32> to vector<16xf32>
        %add3A_792 = arith.addf %add3A_764, %get3A_791 : vector<16xf32>
        %max3A_793 = arith.maximumf %max3A_765, %get3A_791 : vector<16xf32>
        %get3A_794 = arith.index_cast %add3A_775 : i32 to index
        %get3A_795 = arith.constant 48 : index
        %get3A_796 = tpu.vector_load %arg9[%get3A_794, %get3A_795] {strides = array<i32>} : memref<200x64xf32, #tpu.memory_space<vmem>>, vector<1x16xf32>,
        %get3A_797 = vector.shape_cast %get3A_796 : vector<1x16xf32> to vector<16xf32>
        %add3A_798 = arith.addf %add3A_770, %get3A_797 : vector<16xf32>
        %max3A_799 = arith.maximumf %max3A_771, %get3A_797 : vector<16xf32>
        %mul3A_800 = arith.constant 25 : i32
        %mul3A_801 = arith.muli %scan3A_373, %mul3A_800 : i32
        %add3A_802 = arith.constant 15 : i32
        %add3A_803 = arith.addi %mul3A_801, %add3A_802 : i32
        %get3A_804 = arith.index_cast %add3A_803 : i32 to index
        %get3A_805 = arith.constant 0 : index
        %get3A_806 = tpu.vector_load %arg9[%get3A_804, %get3A_805] {strides = array<i32>} : memref<200x64xf32, #tpu.memory_space<vmem>>, vector<1x16xf32>,
        %get3A_807 = vector.shape_cast %get3A_806 : vector<1x16xf32> to vector<16xf32>
        %add3A_808 = arith.addf %add3A_780, %get3A_807 : vector<16xf32>
        %max3A_809 = arith.maximumf %max3A_781, %get3A_807 : vector<16xf32>
        %get3A_810 = arith.index_cast %add3A_803 : i32 to index
        %get3A_811 = arith.constant 16 : index
        %get3A_812 = tpu.vector_load %arg9[%get3A_810, %get3A_811] {strides = array<i32>} : memref<200x64xf32, #tpu.memory_space<vmem>>, vector<1x16xf32>,
        %get3A_813 = vector.shape_cast %get3A_812 : vector<1x16xf32> to vector<16xf32>
        %add3A_814 = arith.addf %add3A_786, %get3A_813 : vector<16xf32>
        %max3A_815 = arith.maximumf %max3A_787, %get3A_813 : vector<16xf32>
        %get3A_816 = arith.index_cast %add3A_803 : i32 to index
        %get3A_817 = arith.constant 32 : index
        %get3A_818 = tpu.vector_load %arg9[%get3A_816, %get3A_817] {strides = array<i32>} : memref<200x64xf32, #tpu.memory_space<vmem>>, vector<1x16xf32>,
        %get3A_819 = vector.shape_cast %get3A_818 : vector<1x16xf32> to vector<16xf32>
        %add3A_820 = arith.addf %add3A_792, %get3A_819 : vector<16xf32>
        %max3A_821 = arith.maximumf %max3A_793, %get3A_819 : vector<16xf32>
        %get3A_822 = arith.index_cast %add3A_803 : i32 to index
        %get3A_823 = arith.constant 48 : index
        %get3A_824 = tpu.vector_load %arg9[%get3A_822, %get3A_823] {strides = array<i32>} : memref<200x64xf32, #tpu.memory_space<vmem>>, vector<1x16xf32>,
        %get3A_825 = vector.shape_cast %get3A_824 : vector<1x16xf32> to vector<16xf32>
        %add3A_826 = arith.addf %add3A_798, %get3A_825 : vector<16xf32>
        %max3A_827 = arith.maximumf %max3A_799, %get3A_825 : vector<16xf32>
        %mul3A_828 = arith.constant 25 : i32
        %mul3A_829 = arith.muli %scan3A_373, %mul3A_828 : i32
        %add3A_830 = arith.constant 16 : i32
        %add3A_831 = arith.addi %mul3A_829, %add3A_830 : i32
        %get3A_832 = arith.index_cast %add3A_831 : i32 to index
        %get3A_833 = arith.constant 0 : index
        %get3A_834 = tpu.vector_load %arg9[%get3A_832, %get3A_833] {strides = array<i32>} : memref<200x64xf32, #tpu.memory_space<vmem>>, vector<1x16xf32>,
        %get3A_835 = vector.shape_cast %get3A_834 : vector<1x16xf32> to vector<16xf32>
        %add3A_836 = arith.addf %add3A_808, %get3A_835 : vector<16xf32>
        %max3A_837 = arith.maximumf %max3A_809, %get3A_835 : vector<16xf32>
        %get3A_838 = arith.index_cast %add3A_831 : i32 to index
        %get3A_839 = arith.constant 16 : index
        %get3A_840 = tpu.vector_load %arg9[%get3A_838, %get3A_839] {strides = array<i32>} : memref<200x64xf32, #tpu.memory_space<vmem>>, vector<1x16xf32>,
        %get3A_841 = vector.shape_cast %get3A_840 : vector<1x16xf32> to vector<16xf32>
        %add3A_842 = arith.addf %add3A_814, %get3A_841 : vector<16xf32>
        %max3A_843 = arith.maximumf %max3A_815, %get3A_841 : vector<16xf32>
        %get3A_844 = arith.index_cast %add3A_831 : i32 to index
        %get3A_845 = arith.constant 32 : index
        %get3A_846 = tpu.vector_load %arg9[%get3A_844, %get3A_845] {strides = array<i32>} : memref<200x64xf32, #tpu.memory_space<vmem>>, vector<1x16xf32>,
        %get3A_847 = vector.shape_cast %get3A_846 : vector<1x16xf32> to vector<16xf32>
        %add3A_848 = arith.addf %add3A_820, %get3A_847 : vector<16xf32>
        %max3A_849 = arith.maximumf %max3A_821, %get3A_847 : vector<16xf32>
        %get3A_850 = arith.index_cast %add3A_831 : i32 to index
        %get3A_851 = arith.constant 48 : index
        %get3A_852 = tpu.vector_load %arg9[%get3A_850, %get3A_851] {strides = array<i32>} : memref<200x64xf32, #tpu.memory_space<vmem>>, vector<1x16xf32>,
        %get3A_853 = vector.shape_cast %get3A_852 : vector<1x16xf32> to vector<16xf32>
        %add3A_854 = arith.addf %add3A_826, %get3A_853 : vector<16xf32>
        %max3A_855 = arith.maximumf %max3A_827, %get3A_853 : vector<16xf32>
        %mul3A_856 = arith.constant 25 : i32
        %mul3A_857 = arith.muli %scan3A_373, %mul3A_856 : i32
        %add3A_858 = arith.constant 17 : i32
        %add3A_859 = arith.addi %mul3A_857, %add3A_858 : i32
        %get3A_860 = arith.index_cast %add3A_859 : i32 to index
        %get3A_861 = arith.constant 0 : index
        %get3A_862 = tpu.vector_load %arg9[%get3A_860, %get3A_861] {strides = array<i32>} : memref<200x64xf32, #tpu.memory_space<vmem>>, vector<1x16xf32>,
        %get3A_863 = vector.shape_cast %get3A_862 : vector<1x16xf32> to vector<16xf32>
        %add3A_864 = arith.addf %add3A_836, %get3A_863 : vector<16xf32>
        %max3A_865 = arith.maximumf %max3A_837, %get3A_863 : vector<16xf32>
        %get3A_866 = arith.index_cast %add3A_859 : i32 to index
        %get3A_867 = arith.constant 16 : index
        %get3A_868 = tpu.vector_load %arg9[%get3A_866, %get3A_867] {strides = array<i32>} : memref<200x64xf32, #tpu.memory_space<vmem>>, vector<1x16xf32>,
        %get3A_869 = vector.shape_cast %get3A_868 : vector<1x16xf32> to vector<16xf32>
        %add3A_870 = arith.addf %add3A_842, %get3A_869 : vector<16xf32>
        %max3A_871 = arith.maximumf %max3A_843, %get3A_869 : vector<16xf32>
        %get3A_872 = arith.index_cast %add3A_859 : i32 to index
        %get3A_873 = arith.constant 32 : index
        %get3A_874 = tpu.vector_load %arg9[%get3A_872, %get3A_873] {strides = array<i32>} : memref<200x64xf32, #tpu.memory_space<vmem>>, vector<1x16xf32>,
        %get3A_875 = vector.shape_cast %get3A_874 : vector<1x16xf32> to vector<16xf32>
        %add3A_876 = arith.addf %add3A_848, %get3A_875 : vector<16xf32>
        %max3A_877 = arith.maximumf %max3A_849, %get3A_875 : vector<16xf32>
        %get3A_878 = arith.index_cast %add3A_859 : i32 to index
        %get3A_879 = arith.constant 48 : index
        %get3A_880 = tpu.vector_load %arg9[%get3A_878, %get3A_879] {strides = array<i32>} : memref<200x64xf32, #tpu.memory_space<vmem>>, vector<1x16xf32>,
        %get3A_881 = vector.shape_cast %get3A_880 : vector<1x16xf32> to vector<16xf32>
        %add3A_882 = arith.addf %add3A_854, %get3A_881 : vector<16xf32>
        %max3A_883 = arith.maximumf %max3A_855, %get3A_881 : vector<16xf32>
        %mul3A_884 = arith.constant 25 : i32
        %mul3A_885 = arith.muli %scan3A_373, %mul3A_884 : i32
        %add3A_886 = arith.constant 18 : i32
        %add3A_887 = arith.addi %mul3A_885, %add3A_886 : i32
        %get3A_888 = arith.index_cast %add3A_887 : i32 to index
        %get3A_889 = arith.constant 0 : index
        %get3A_890 = tpu.vector_load %arg9[%get3A_888, %get3A_889] {strides = array<i32>} : memref<200x64xf32, #tpu.memory_space<vmem>>, vector<1x16xf32>,
        %get3A_891 = vector.shape_cast %get3A_890 : vector<1x16xf32> to vector<16xf32>
        %add3A_892 = arith.addf %add3A_864, %get3A_891 : vector<16xf32>
        %max3A_893 = arith.maximumf %max3A_865, %get3A_891 : vector<16xf32>
        %get3A_894 = arith.index_cast %add3A_887 : i32 to index
        %get3A_895 = arith.constant 16 : index
        %get3A_896 = tpu.vector_load %arg9[%get3A_894, %get3A_895] {strides = array<i32>} : memref<200x64xf32, #tpu.memory_space<vmem>>, vector<1x16xf32>,
        %get3A_897 = vector.shape_cast %get3A_896 : vector<1x16xf32> to vector<16xf32>
        %add3A_898 = arith.addf %add3A_870, %get3A_897 : vector<16xf32>
        %max3A_899 = arith.maximumf %max3A_871, %get3A_897 : vector<16xf32>
        %get3A_900 = arith.index_cast %add3A_887 : i32 to index
        %get3A_901 = arith.constant 32 : index
        %get3A_902 = tpu.vector_load %arg9[%get3A_900, %get3A_901] {strides = array<i32>} : memref<200x64xf32, #tpu.memory_space<vmem>>, vector<1x16xf32>,
        %get3A_903 = vector.shape_cast %get3A_902 : vector<1x16xf32> to vector<16xf32>
        %add3A_904 = arith.addf %add3A_876, %get3A_903 : vector<16xf32>
        %max3A_905 = arith.maximumf %max3A_877, %get3A_903 : vector<16xf32>
        %get3A_906 = arith.index_cast %add3A_887 : i32 to index
        %get3A_907 = arith.constant 48 : index
        %get3A_908 = tpu.vector_load %arg9[%get3A_906, %get3A_907] {strides = array<i32>} : memref<200x64xf32, #tpu.memory_space<vmem>>, vector<1x16xf32>,
        %get3A_909 = vector.shape_cast %get3A_908 : vector<1x16xf32> to vector<16xf32>
        %add3A_910 = arith.addf %add3A_882, %get3A_909 : vector<16xf32>
        %max3A_911 = arith.maximumf %max3A_883, %get3A_909 : vector<16xf32>
        %mul3A_912 = arith.constant 25 : i32
        %mul3A_913 = arith.muli %scan3A_373, %mul3A_912 : i32
        %add3A_914 = arith.constant 19 : i32
        %add3A_915 = arith.addi %mul3A_913, %add3A_914 : i32
        %get3A_916 = arith.index_cast %add3A_915 : i32 to index
        %get3A_917 = arith.constant 0 : index
        %get3A_918 = tpu.vector_load %arg9[%get3A_916, %get3A_917] {strides = array<i32>} : memref<200x64xf32, #tpu.memory_space<vmem>>, vector<1x16xf32>,
        %get3A_919 = vector.shape_cast %get3A_918 : vector<1x16xf32> to vector<16xf32>
        %add3A_920 = arith.addf %add3A_892, %get3A_919 : vector<16xf32>
        %max3A_921 = arith.maximumf %max3A_893, %get3A_919 : vector<16xf32>
        %get3A_922 = arith.index_cast %add3A_915 : i32 to index
        %get3A_923 = arith.constant 16 : index
        %get3A_924 = tpu.vector_load %arg9[%get3A_922, %get3A_923] {strides = array<i32>} : memref<200x64xf32, #tpu.memory_space<vmem>>, vector<1x16xf32>,
        %get3A_925 = vector.shape_cast %get3A_924 : vector<1x16xf32> to vector<16xf32>
        %add3A_926 = arith.addf %add3A_898, %get3A_925 : vector<16xf32>
        %max3A_927 = arith.maximumf %max3A_899, %get3A_925 : vector<16xf32>
        %get3A_928 = arith.index_cast %add3A_915 : i32 to index
        %get3A_929 = arith.constant 32 : index
        %get3A_930 = tpu.vector_load %arg9[%get3A_928, %get3A_929] {strides = array<i32>} : memref<200x64xf32, #tpu.memory_space<vmem>>, vector<1x16xf32>,
        %get3A_931 = vector.shape_cast %get3A_930 : vector<1x16xf32> to vector<16xf32>
        %add3A_932 = arith.addf %add3A_904, %get3A_931 : vector<16xf32>
        %max3A_933 = arith.maximumf %max3A_905, %get3A_931 : vector<16xf32>
        %get3A_934 = arith.index_cast %add3A_915 : i32 to index
        %get3A_935 = arith.constant 48 : index
        %get3A_936 = tpu.vector_load %arg9[%get3A_934, %get3A_935] {strides = array<i32>} : memref<200x64xf32, #tpu.memory_space<vmem>>, vector<1x16xf32>,
        %get3A_937 = vector.shape_cast %get3A_936 : vector<1x16xf32> to vector<16xf32>
        %add3A_938 = arith.addf %add3A_910, %get3A_937 : vector<16xf32>
        %max3A_939 = arith.maximumf %max3A_911, %get3A_937 : vector<16xf32>
        %mul3A_940 = arith.constant 25 : i32
        %mul3A_941 = arith.muli %scan3A_373, %mul3A_940 : i32
        %add3A_942 = arith.constant 20 : i32
        %add3A_943 = arith.addi %mul3A_941, %add3A_942 : i32
        %get3A_944 = arith.index_cast %add3A_943 : i32 to index
        %get3A_945 = arith.constant 0 : index
        %get3A_946 = tpu.vector_load %arg9[%get3A_944, %get3A_945] {strides = array<i32>} : memref<200x64xf32, #tpu.memory_space<vmem>>, vector<1x16xf32>,
        %get3A_947 = vector.shape_cast %get3A_946 : vector<1x16xf32> to vector<16xf32>
        %add3A_948 = arith.addf %add3A_920, %get3A_947 : vector<16xf32>
        %max3A_949 = arith.maximumf %max3A_921, %get3A_947 : vector<16xf32>
        %get3A_950 = arith.index_cast %add3A_943 : i32 to index
        %get3A_951 = arith.constant 16 : index
        %get3A_952 = tpu.vector_load %arg9[%get3A_950, %get3A_951] {strides = array<i32>} : memref<200x64xf32, #tpu.memory_space<vmem>>, vector<1x16xf32>,
        %get3A_953 = vector.shape_cast %get3A_952 : vector<1x16xf32> to vector<16xf32>
        %add3A_954 = arith.addf %add3A_926, %get3A_953 : vector<16xf32>
        %max3A_955 = arith.maximumf %max3A_927, %get3A_953 : vector<16xf32>
        %get3A_956 = arith.index_cast %add3A_943 : i32 to index
        %get3A_957 = arith.constant 32 : index
        %get3A_958 = tpu.vector_load %arg9[%get3A_956, %get3A_957] {strides = array<i32>} : memref<200x64xf32, #tpu.memory_space<vmem>>, vector<1x16xf32>,
        %get3A_959 = vector.shape_cast %get3A_958 : vector<1x16xf32> to vector<16xf32>
        %add3A_960 = arith.addf %add3A_932, %get3A_959 : vector<16xf32>
        %max3A_961 = arith.maximumf %max3A_933, %get3A_959 : vector<16xf32>
        %get3A_962 = arith.index_cast %add3A_943 : i32 to index
        %get3A_963 = arith.constant 48 : index
        %get3A_964 = tpu.vector_load %arg9[%get3A_962, %get3A_963] {strides = array<i32>} : memref<200x64xf32, #tpu.memory_space<vmem>>, vector<1x16xf32>,
        %get3A_965 = vector.shape_cast %get3A_964 : vector<1x16xf32> to vector<16xf32>
        %add3A_966 = arith.addf %add3A_938, %get3A_965 : vector<16xf32>
        %max3A_967 = arith.maximumf %max3A_939, %get3A_965 : vector<16xf32>
        %mul3A_968 = arith.constant 25 : i32
        %mul3A_969 = arith.muli %scan3A_373, %mul3A_968 : i32
        %add3A_970 = arith.constant 21 : i32
        %add3A_971 = arith.addi %mul3A_969, %add3A_970 : i32
        %get3A_972 = arith.index_cast %add3A_971 : i32 to index
        %get3A_973 = arith.constant 0 : index
        %get3A_974 = tpu.vector_load %arg9[%get3A_972, %get3A_973] {strides = array<i32>} : memref<200x64xf32, #tpu.memory_space<vmem>>, vector<1x16xf32>,
        %get3A_975 = vector.shape_cast %get3A_974 : vector<1x16xf32> to vector<16xf32>
        %add3A_976 = arith.addf %add3A_948, %get3A_975 : vector<16xf32>
        %max3A_977 = arith.maximumf %max3A_949, %get3A_975 : vector<16xf32>
        %get3A_978 = arith.index_cast %add3A_971 : i32 to index
        %get3A_979 = arith.constant 16 : index
        %get3A_980 = tpu.vector_load %arg9[%get3A_978, %get3A_979] {strides = array<i32>} : memref<200x64xf32, #tpu.memory_space<vmem>>, vector<1x16xf32>,
        %get3A_981 = vector.shape_cast %get3A_980 : vector<1x16xf32> to vector<16xf32>
        %add3A_982 = arith.addf %add3A_954, %get3A_981 : vector<16xf32>
        %max3A_983 = arith.maximumf %max3A_955, %get3A_981 : vector<16xf32>
        %get3A_984 = arith.index_cast %add3A_971 : i32 to index
        %get3A_985 = arith.constant 32 : index
        %get3A_986 = tpu.vector_load %arg9[%get3A_984, %get3A_985] {strides = array<i32>} : memref<200x64xf32, #tpu.memory_space<vmem>>, vector<1x16xf32>,
        %get3A_987 = vector.shape_cast %get3A_986 : vector<1x16xf32> to vector<16xf32>
        %add3A_988 = arith.addf %add3A_960, %get3A_987 : vector<16xf32>
        %max3A_989 = arith.maximumf %max3A_961, %get3A_987 : vector<16xf32>
        %get3A_990 = arith.index_cast %add3A_971 : i32 to index
        %get3A_991 = arith.constant 48 : index
        %get3A_992 = tpu.vector_load %arg9[%get3A_990, %get3A_991] {strides = array<i32>} : memref<200x64xf32, #tpu.memory_space<vmem>>, vector<1x16xf32>,
        %get3A_993 = vector.shape_cast %get3A_992 : vector<1x16xf32> to vector<16xf32>
        %add3A_994 = arith.addf %add3A_966, %get3A_993 : vector<16xf32>
        %max3A_995 = arith.maximumf %max3A_967, %get3A_993 : vector<16xf32>
        %mul3A_996 = arith.constant 25 : i32
        %mul3A_997 = arith.muli %scan3A_373, %mul3A_996 : i32
        %add3A_998 = arith.constant 22 : i32
        %add3A_999 = arith.addi %mul3A_997, %add3A_998 : i32
        %get3A_1000 = arith.index_cast %add3A_999 : i32 to index
        %get3A_1001 = arith.constant 0 : index
        %get3A_1002 = tpu.vector_load %arg9[%get3A_1000, %get3A_1001] {strides = array<i32>} : memref<200x64xf32, #tpu.memory_space<vmem>>, vector<1x16xf32>,
        %get3A_1003 = vector.shape_cast %get3A_1002 : vector<1x16xf32> to vector<16xf32>
        %add3A_1004 = arith.addf %add3A_976, %get3A_1003 : vector<16xf32>
        %max3A_1005 = arith.maximumf %max3A_977, %get3A_1003 : vector<16xf32>
        %get3A_1006 = arith.index_cast %add3A_999 : i32 to index
        %get3A_1007 = arith.constant 16 : index
        %get3A_1008 = tpu.vector_load %arg9[%get3A_1006, %get3A_1007] {strides = array<i32>} : memref<200x64xf32, #tpu.memory_space<vmem>>, vector<1x16xf32>,
        %get3A_1009 = vector.shape_cast %get3A_1008 : vector<1x16xf32> to vector<16xf32>
        %add3A_1010 = arith.addf %add3A_982, %get3A_1009 : vector<16xf32>
        %max3A_1011 = arith.maximumf %max3A_983, %get3A_1009 : vector<16xf32>
        %get3A_1012 = arith.index_cast %add3A_999 : i32 to index
        %get3A_1013 = arith.constant 32 : index
        %get3A_1014 = tpu.vector_load %arg9[%get3A_1012, %get3A_1013] {strides = array<i32>} : memref<200x64xf32, #tpu.memory_space<vmem>>, vector<1x16xf32>,
        %get3A_1015 = vector.shape_cast %get3A_1014 : vector<1x16xf32> to vector<16xf32>
        %add3A_1016 = arith.addf %add3A_988, %get3A_1015 : vector<16xf32>
        %max3A_1017 = arith.maximumf %max3A_989, %get3A_1015 : vector<16xf32>
        %get3A_1018 = arith.index_cast %add3A_999 : i32 to index
        %get3A_1019 = arith.constant 48 : index
        %get3A_1020 = tpu.vector_load %arg9[%get3A_1018, %get3A_1019] {strides = array<i32>} : memref<200x64xf32, #tpu.memory_space<vmem>>, vector<1x16xf32>,
        %get3A_1021 = vector.shape_cast %get3A_1020 : vector<1x16xf32> to vector<16xf32>
        %add3A_1022 = arith.addf %add3A_994, %get3A_1021 : vector<16xf32>
        %max3A_1023 = arith.maximumf %max3A_995, %get3A_1021 : vector<16xf32>
        %mul3A_1024 = arith.constant 25 : i32
        %mul3A_1025 = arith.muli %scan3A_373, %mul3A_1024 : i32
        %add3A_1026 = arith.constant 23 : i32
        %add3A_1027 = arith.addi %mul3A_1025, %add3A_1026 : i32
        %get3A_1028 = arith.index_cast %add3A_1027 : i32 to index
        %get3A_1029 = arith.constant 0 : index
        %get3A_1030 = tpu.vector_load %arg9[%get3A_1028, %get3A_1029] {strides = array<i32>} : memref<200x64xf32, #tpu.memory_space<vmem>>, vector<1x16xf32>,
        %get3A_1031 = vector.shape_cast %get3A_1030 : vector<1x16xf32> to vector<16xf32>
        %add3A_1032 = arith.addf %add3A_1004, %get3A_1031 : vector<16xf32>
        %max3A_1033 = arith.maximumf %max3A_1005, %get3A_1031 : vector<16xf32>
        %get3A_1034 = arith.index_cast %add3A_1027 : i32 to index
        %get3A_1035 = arith.constant 16 : index
        %get3A_1036 = tpu.vector_load %arg9[%get3A_1034, %get3A_1035] {strides = array<i32>} : memref<200x64xf32, #tpu.memory_space<vmem>>, vector<1x16xf32>,
        %get3A_1037 = vector.shape_cast %get3A_1036 : vector<1x16xf32> to vector<16xf32>
        %add3A_1038 = arith.addf %add3A_1010, %get3A_1037 : vector<16xf32>
        %max3A_1039 = arith.maximumf %max3A_1011, %get3A_1037 : vector<16xf32>
        %get3A_1040 = arith.index_cast %add3A_1027 : i32 to index
        %get3A_1041 = arith.constant 32 : index
        %get3A_1042 = tpu.vector_load %arg9[%get3A_1040, %get3A_1041] {strides = array<i32>} : memref<200x64xf32, #tpu.memory_space<vmem>>, vector<1x16xf32>,
        %get3A_1043 = vector.shape_cast %get3A_1042 : vector<1x16xf32> to vector<16xf32>
        %add3A_1044 = arith.addf %add3A_1016, %get3A_1043 : vector<16xf32>
        %max3A_1045 = arith.maximumf %max3A_1017, %get3A_1043 : vector<16xf32>
        %get3A_1046 = arith.index_cast %add3A_1027 : i32 to index
        %get3A_1047 = arith.constant 48 : index
        %get3A_1048 = tpu.vector_load %arg9[%get3A_1046, %get3A_1047] {strides = array<i32>} : memref<200x64xf32, #tpu.memory_space<vmem>>, vector<1x16xf32>,
        %get3A_1049 = vector.shape_cast %get3A_1048 : vector<1x16xf32> to vector<16xf32>
        %add3A_1050 = arith.addf %add3A_1022, %get3A_1049 : vector<16xf32>
        %max3A_1051 = arith.maximumf %max3A_1023, %get3A_1049 : vector<16xf32>
        %mul3A_1052 = arith.constant 25 : i32
        %mul3A_1053 = arith.muli %scan3A_373, %mul3A_1052 : i32
        %add3A_1054 = arith.constant 24 : i32
        %add3A_1055 = arith.addi %mul3A_1053, %add3A_1054 : i32
        %get3A_1056 = arith.index_cast %add3A_1055 : i32 to index
        %get3A_1057 = arith.constant 0 : index
        %get3A_1058 = tpu.vector_load %arg9[%get3A_1056, %get3A_1057] {strides = array<i32>} : memref<200x64xf32, #tpu.memory_space<vmem>>, vector<1x16xf32>,
        %get3A_1059 = vector.shape_cast %get3A_1058 : vector<1x16xf32> to vector<16xf32>
        %add3A_1060 = arith.addf %add3A_1032, %get3A_1059 : vector<16xf32>
        %max3A_1061 = arith.maximumf %max3A_1033, %get3A_1059 : vector<16xf32>
        %get3A_1062 = arith.index_cast %add3A_1055 : i32 to index
        %get3A_1063 = arith.constant 16 : index
        %get3A_1064 = tpu.vector_load %arg9[%get3A_1062, %get3A_1063] {strides = array<i32>} : memref<200x64xf32, #tpu.memory_space<vmem>>, vector<1x16xf32>,
        %get3A_1065 = vector.shape_cast %get3A_1064 : vector<1x16xf32> to vector<16xf32>
        %add3A_1066 = arith.addf %add3A_1038, %get3A_1065 : vector<16xf32>
        %max3A_1067 = arith.maximumf %max3A_1039, %get3A_1065 : vector<16xf32>
        %get3A_1068 = arith.index_cast %add3A_1055 : i32 to index
        %get3A_1069 = arith.constant 32 : index
        %get3A_1070 = tpu.vector_load %arg9[%get3A_1068, %get3A_1069] {strides = array<i32>} : memref<200x64xf32, #tpu.memory_space<vmem>>, vector<1x16xf32>,
        %get3A_1071 = vector.shape_cast %get3A_1070 : vector<1x16xf32> to vector<16xf32>
        %add3A_1072 = arith.addf %add3A_1044, %get3A_1071 : vector<16xf32>
        %max3A_1073 = arith.maximumf %max3A_1045, %get3A_1071 : vector<16xf32>
        %get3A_1074 = arith.index_cast %add3A_1055 : i32 to index
        %get3A_1075 = arith.constant 48 : index
        %get3A_1076 = tpu.vector_load %arg9[%get3A_1074, %get3A_1075] {strides = array<i32>} : memref<200x64xf32, #tpu.memory_space<vmem>>, vector<1x16xf32>,
        %get3A_1077 = vector.shape_cast %get3A_1076 : vector<1x16xf32> to vector<16xf32>
        %add3A_1078 = arith.addf %add3A_1050, %get3A_1077 : vector<16xf32>
        %max3A_1079 = arith.maximumf %max3A_1051, %get3A_1077 : vector<16xf32>
        scf.yield %add3A_1060, %add3A_1066, %add3A_1072, %add3A_1078, %max3A_1061, %max3A_1067, %max3A_1073, %max3A_1079 : vector<16xf32>, vector<16xf32>, vector<16xf32>, vector<16xf32>, vector<16xf32>, vector<16xf32>, vector<16xf32>, vector<16xf32>
      }
      %scan3A_324 = arith.constant 8 : i32
      %swap3A_325 = arith.index_cast %add3A_298 : i32 to index
      %swap3A_326 = arith.constant 0 : index
      %swap3A_327 = tpu.vector_load %arg10[%swap3A_325, %swap3A_326] {strides = array<i32>} : memref<128x128xf32, #tpu.memory_space<vmem>>, vector<1x16xf32>,
      %swap3A_328 = vector.shape_cast %swap3A_327 : vector<1x16xf32> to vector<16xf32>
      %swap3A_329 = vector.shape_cast %scan3A_323#0 : vector<16xf32> to vector<1x16xf32>
      tpu.vector_store %arg10[%swap3A_325, %swap3A_326], %swap3A_329 {strides = array<i32>} : memref<128x128xf32, #tpu.memory_space<vmem>>, vector<1x16xf32>,
      %swap3A_330 = arith.index_cast %add3A_298 : i32 to index
      %swap3A_331 = arith.constant 64 : index
      %swap3A_332 = tpu.vector_load %arg10[%swap3A_330, %swap3A_331] {strides = array<i32>} : memref<128x128xf32, #tpu.memory_space<vmem>>, vector<1x16xf32>,
      %swap3A_333 = vector.shape_cast %swap3A_332 : vector<1x16xf32> to vector<16xf32>
      %swap3A_334 = vector.shape_cast %scan3A_323#4 : vector<16xf32> to vector<1x16xf32>
      tpu.vector_store %arg10[%swap3A_330, %swap3A_331], %swap3A_334 {strides = array<i32>} : memref<128x128xf32, #tpu.memory_space<vmem>>, vector<1x16xf32>,
      %swap3A_335 = arith.index_cast %add3A_298 : i32 to index
      %swap3A_336 = arith.constant 16 : index
      %swap3A_337 = tpu.vector_load %arg10[%swap3A_335, %swap3A_336] {strides = array<i32>} : memref<128x128xf32, #tpu.memory_space<vmem>>, vector<1x16xf32>,
      %swap3A_338 = vector.shape_cast %swap3A_337 : vector<1x16xf32> to vector<16xf32>
      %swap3A_339 = vector.shape_cast %scan3A_323#1 : vector<16xf32> to vector<1x16xf32>
      tpu.vector_store %arg10[%swap3A_335, %swap3A_336], %swap3A_339 {strides = array<i32>} : memref<128x128xf32, #tpu.memory_space<vmem>>, vector<1x16xf32>,
      %swap3A_340 = arith.index_cast %add3A_298 : i32 to index
      %swap3A_341 = arith.constant 80 : index
      %swap3A_342 = tpu.vector_load %arg10[%swap3A_340, %swap3A_341] {strides = array<i32>} : memref<128x128xf32, #tpu.memory_space<vmem>>, vector<1x16xf32>,
      %swap3A_343 = vector.shape_cast %swap3A_342 : vector<1x16xf32> to vector<16xf32>
      %swap3A_344 = vector.shape_cast %scan3A_323#5 : vector<16xf32> to vector<1x16xf32>
      tpu.vector_store %arg10[%swap3A_340, %swap3A_341], %swap3A_344 {strides = array<i32>} : memref<128x128xf32, #tpu.memory_space<vmem>>, vector<1x16xf32>,
      %swap3A_345 = arith.index_cast %add3A_298 : i32 to index
      %swap3A_346 = arith.constant 32 : index
      %swap3A_347 = tpu.vector_load %arg10[%swap3A_345, %swap3A_346] {strides = array<i32>} : memref<128x128xf32, #tpu.memory_space<vmem>>, vector<1x16xf32>,
      %swap3A_348 = vector.shape_cast %swap3A_347 : vector<1x16xf32> to vector<16xf32>
      %swap3A_349 = vector.shape_cast %scan3A_323#2 : vector<16xf32> to vector<1x16xf32>
      tpu.vector_store %arg10[%swap3A_345, %swap3A_346], %swap3A_349 {strides = array<i32>} : memref<128x128xf32, #tpu.memory_space<vmem>>, vector<1x16xf32>,
      %swap3A_350 = arith.index_cast %add3A_298 : i32 to index
      %swap3A_351 = arith.constant 96 : index
      %swap3A_352 = tpu.vector_load %arg10[%swap3A_350, %swap3A_351] {strides = array<i32>} : memref<128x128xf32, #tpu.memory_space<vmem>>, vector<1x16xf32>,
      %swap3A_353 = vector.shape_cast %swap3A_352 : vector<1x16xf32> to vector<16xf32>
      %swap3A_354 = vector.shape_cast %scan3A_323#6 : vector<16xf32> to vector<1x16xf32>
      tpu.vector_store %arg10[%swap3A_350, %swap3A_351], %swap3A_354 {strides = array<i32>} : memref<128x128xf32, #tpu.memory_space<vmem>>, vector<1x16xf32>,
      %swap3A_355 = arith.index_cast %add3A_298 : i32 to index
      %swap3A_356 = arith.constant 48 : index
      %swap3A_357 = tpu.vector_load %arg10[%swap3A_355, %swap3A_356] {strides = array<i32>} : memref<128x128xf32, #tpu.memory_space<vmem>>, vector<1x16xf32>,
      %swap3A_358 = vector.shape_cast %swap3A_357 : vector<1x16xf32> to vector<16xf32>
      %swap3A_359 = vector.shape_cast %scan3A_323#3 : vector<16xf32> to vector<1x16xf32>
      tpu.vector_store %arg10[%swap3A_355, %swap3A_356], %swap3A_359 {strides = array<i32>} : memref<128x128xf32, #tpu.memory_space<vmem>>, vector<1x16xf32>,
      %swap3A_360 = arith.index_cast %add3A_298 : i32 to index
      %swap3A_361 = arith.constant 112 : index
      %swap3A_362 = tpu.vector_load %arg10[%swap3A_360, %swap3A_361] {strides = array<i32>} : memref<128x128xf32, #tpu.memory_space<vmem>>, vector<1x16xf32>,
      %swap3A_363 = vector.shape_cast %swap3A_362 : vector<1x16xf32> to vector<16xf32>
      %swap3A_364 = vector.shape_cast %scan3A_323#7 : vector<16xf32> to vector<1x16xf32>
      tpu.vector_store %arg10[%swap3A_360, %swap3A_361], %swap3A_364 {strides = array<i32>} : memref<128x128xf32, #tpu.memory_space<vmem>>, vector<1x16xf32>,
      %add3A_365 = arith.constant 4 : i32
      %add3A_366 = arith.addi %add3A_298, %add3A_365 : i32
      %lt3A_367 = arith.constant 128 : i32
      %lt3A_368 = arith.cmpi slt, %add3A_366, %lt3A_367 : i32
      %convert_element_type3A_369 = arith.extui %lt3A_368 : i1 to i32
      %cond3A_370 = arith.constant 0 : i32
      %cond3A_371 = arith.cmpi ne, %convert_element_type3A_369, %cond3A_370 : i32
      scf.if %cond3A_371 {
        %add3A_373 = arith.constant 4 : i32
        %add3A_374 = arith.addi %add3A_298, %add3A_373 : i32
        %mul3A_375 = arith.constant 200 : i32
        %mul3A_376 = arith.muli %add3A_374, %mul3A_375 : i32
        %dma_start3A_377 = arith.constant 0 : i32
        %dma_start3A_378 = arith.constant 0 : i32
        %dma_start3A_379 = tpu.memref_slice %arg9[%dma_start3A_377, %dma_start3A_378] : memref<200x64xf32, #tpu.memory_space<vmem>> -> memref<128x64xf32, #tpu.memory_space<vmem>>
        %dma_start3A_380 = tpu.memref_slice %arg5[%mul3A_376] : memref<25600xi32, #tpu.memory_space<vmem>> -> memref<128xi32, #tpu.memory_space<vmem>>
        %dma_start3A_381 = arith.constant 0 : i32
        %dma_start3A_382 = arith.constant 0 : i32
        %dma_start3A_383 = tpu.memref_slice %arg3[%dma_start3A_381, %dma_start3A_382] : memref<100000x64xf32, #tpu.memory_space<hbm>> -> memref<100000x64xf32, #tpu.memory_space<hbm>>
        tpu.enqueue_indirect_dma source(%dma_start3A_383 : memref<100000x64xf32, #tpu.memory_space<hbm>>) target(%dma_start3A_379 : memref<128x64xf32, #tpu.memory_space<vmem>>) offsets(%dma_start3A_380 : memref<128xi32, #tpu.memory_space<vmem>>) semaphore(%arg14 : memref<!tpu.dma_semaphore, #tpu.memory_space<semaphore_mem>>)
        %mul3A_384 = arith.constant 200 : i32
        %mul3A_385 = arith.muli %add3A_374, %mul3A_384 : i32
        %add3A_386 = arith.constant 128 : i32
        %add3A_387 = arith.addi %mul3A_385, %add3A_386 : i32
        %dma_start3A_388 = arith.constant 128 : i32
        %dma_start3A_389 = arith.constant 0 : i32
        %dma_start3A_390 = tpu.memref_slice %arg9[%dma_start3A_388, %dma_start3A_389] : memref<200x64xf32, #tpu.memory_space<vmem>> -> memref<72x64xf32, #tpu.memory_space<vmem>>
        %dma_start3A_391 = tpu.memref_slice %arg5[%add3A_387] : memref<25600xi32, #tpu.memory_space<vmem>> -> memref<72xi32, #tpu.memory_space<vmem>>
        %dma_start3A_392 = arith.constant 0 : i32
        %dma_start3A_393 = arith.constant 0 : i32
        %dma_start3A_394 = tpu.memref_slice %arg3[%dma_start3A_392, %dma_start3A_393] : memref<100000x64xf32, #tpu.memory_space<hbm>> -> memref<100000x64xf32, #tpu.memory_space<hbm>>
        tpu.enqueue_indirect_dma source(%dma_start3A_394 : memref<100000x64xf32, #tpu.memory_space<hbm>>) target(%dma_start3A_390 : memref<72x64xf32, #tpu.memory_space<vmem>>) offsets(%dma_start3A_391 : memref<72xi32, #tpu.memory_space<vmem>>) semaphore(%arg14 : memref<!tpu.dma_semaphore, #tpu.memory_space<semaphore_mem>>)
      } else {
      }
      %scan3A_372 = arith.constant 0 : i32
      scf.yield %scan3A_372 : i32
    }
    %scan3A_73 = arith.constant 32 : i32
    "tpu.region"() ({
      %run_scoped3A = tpu.sem_alloc : memref<!tpu.dma_semaphore, #tpu.memory_space<semaphore_mem>>
      %dma_start3A_74 = arith.constant 0 : i32
      %dma_start3A_75 = tpu.memref_slice %arg4[%mul3A_2, %dma_start3A_74] : memref<4096x128xf32, #tpu.memory_space<hbm>> -> memref<128x128xf32, #tpu.memory_space<hbm>>
      %dma_start3A_76 = arith.constant 0 : i32
      %dma_start3A_77 = tpu.memref_slice %arg4[%mul3A_2, %dma_start3A_76] : memref<4096x128xf32, #tpu.memory_space<hbm>> -> memref<128x128xf32, #tpu.memory_space<hbm>>
      tpu.enqueue_dma source(%arg10 : memref<128x128xf32, #tpu.memory_space<vmem>>) target(%dma_start3A_77 : memref<128x128xf32, #tpu.memory_space<hbm>>) target_semaphore(%run_scoped3A : memref<!tpu.dma_semaphore, #tpu.memory_space<semaphore_mem>>)
      %dma_wait3A = arith.constant 0 : i32
      %dma_wait3A_78 = tpu.memref_slice %arg4[%mul3A_2, %dma_wait3A] : memref<4096x128xf32, #tpu.memory_space<hbm>> -> memref<128x128xf32, #tpu.memory_space<hbm>>
      %dma_wait3A_79 = arith.constant 0 : i32
      %dma_wait3A_80 = tpu.memref_slice %arg4[%mul3A_2, %dma_wait3A_79] : memref<4096x128xf32, #tpu.memory_space<hbm>> -> memref<128x128xf32, #tpu.memory_space<hbm>>
      tpu.wait_dma2 semaphore(%run_scoped3A : memref<!tpu.dma_semaphore, #tpu.memory_space<semaphore_mem>>) src(%arg10 : memref<128x128xf32, #tpu.memory_space<vmem>>) dst(%dma_wait3A_80 : memref<128x128xf32, #tpu.memory_space<hbm>>)
      tpu.yield
    }) : () -> ()
    return
  }
}

module attributes {stable_mosaic.version = 14 : i64} {
  func.func @_tc_head_body(%arg0: memref<4096x128xf32, #tpu.memory_space<vmem>>, %arg1: memref<4096x1xf32, #tpu.memory_space<vmem>>, %arg2: memref<128x128xf32, #tpu.memory_space<vmem>>, %arg3: memref<1x128xf32, #tpu.memory_space<vmem>>, %arg4: memref<10x128xf32, #tpu.memory_space<vmem>>, %arg5: memref<1x10xf32, #tpu.memory_space<vmem>>, %arg6: memref<4096x10xf32, #tpu.memory_space<vmem>>) attributes {dimension_semantics = [], scalar_prefetch = 0 : i64, scratch_operands = 0 : i64, tpu.core_type = #tpu.core_type<tc>} {
    %get3A = arith.constant 0 : index
    %get3A_0 = arith.constant 0 : index
    %get3A_1 = vector.load %arg0[%get3A, %get3A_0] : memref<4096x128xf32, #tpu.memory_space<vmem>>, vector<4096x128xf32>
    %get3A_2 = arith.constant 0 : index
    %get3A_3 = arith.constant 0 : index
    %get3A_4 = vector.load %arg1[%get3A_2, %get3A_3] : memref<4096x1xf32, #tpu.memory_space<vmem>>, vector<4096x1xf32>
    %mul3A = arith.mulf %get3A_4, %get3A_4 : vector<4096x1xf32>
    %div3A = arith.constant 1.000000e+00 : f32
    %div3A_5 = vector.broadcast %div3A : f32 to vector<4096x1xf32>
    %div3A_6 = arith.divf %div3A_5, %mul3A : vector<4096x1xf32>
    %slice3A = vector.extract_strided_slice %get3A_1 {offsets = [0, 0], sizes = [4096, 64], strides = [1, 1]} : vector<4096x128xf32> to vector<4096x64xf32>
    %mul3A_7 = vector.broadcast %div3A_6 : vector<4096x1xf32> to vector<4096x64xf32>
    %mul3A_8 = arith.mulf %slice3A, %mul3A_7 : vector<4096x64xf32>
    %slice3A_9 = vector.extract_strided_slice %get3A_1 {offsets = [0, 64], sizes = [4096, 64], strides = [1, 1]} : vector<4096x128xf32> to vector<4096x64xf32>
    %concatenate3A = tpu.concatenate %mul3A_8, %slice3A_9 in 1 : vector<4096x64xf32>, vector<4096x64xf32> -> vector<4096x128xf32>
    %get3A_10 = arith.constant 0 : index
    %get3A_11 = arith.constant 0 : index
    %get3A_12 = vector.load %arg2[%get3A_10, %get3A_11] : memref<128x128xf32, #tpu.memory_space<vmem>>, vector<128x128xf32>
    %dot_general3A = arith.constant dense<0.000000e+00> : vector<4096x128xf32>
    %dot_general3A_13 = tpu.matmul %concatenate3A, %get3A_12, %dot_general3A {dimension_numbers = #tpu.dot_dimension_numbers<[1], [1], [0], [0], [0, 0, 1, 0], [], []>, transpose_lhs_hint = false} : vector<4096x128xf32>, vector<128x128xf32>, vector<4096x128xf32> -> vector<4096x128xf32>
    %get3A_14 = arith.constant 0 : index
    %get3A_15 = arith.constant 0 : index
    %get3A_16 = vector.load %arg3[%get3A_14, %get3A_15] : memref<1x128xf32, #tpu.memory_space<vmem>>, vector<1x128xf32>
    %add3A = vector.broadcast %get3A_16 : vector<1x128xf32> to vector<4096x128xf32>
    %add3A_17 = arith.addf %dot_general3A_13, %add3A : vector<4096x128xf32>
    %max3A = arith.constant 0.000000e+00 : f32
    %max3A_18 = vector.broadcast %max3A : f32 to vector<4096x128xf32>
    %max3A_19 = arith.maximumf %add3A_17, %max3A_18 : vector<4096x128xf32>
    %get3A_20 = arith.constant 0 : index
    %get3A_21 = arith.constant 0 : index
    %get3A_22 = vector.load %arg4[%get3A_20, %get3A_21] : memref<10x128xf32, #tpu.memory_space<vmem>>, vector<10x128xf32>
    %dot_general3A_23 = arith.constant dense<0.000000e+00> : vector<4096x10xf32>
    %dot_general3A_24 = tpu.matmul %max3A_19, %get3A_22, %dot_general3A_23 {dimension_numbers = #tpu.dot_dimension_numbers<[1], [1], [0], [0], [0, 0, 1, 0], [], []>, transpose_lhs_hint = false} : vector<4096x128xf32>, vector<10x128xf32>, vector<4096x10xf32> -> vector<4096x10xf32>
    %get3A_25 = arith.constant 0 : index
    %get3A_26 = arith.constant 0 : index
    %get3A_27 = vector.load %arg5[%get3A_25, %get3A_26] : memref<1x10xf32, #tpu.memory_space<vmem>>, vector<1x10xf32>
    %add3A_28 = vector.broadcast %get3A_27 : vector<1x10xf32> to vector<4096x10xf32>
    %add3A_29 = arith.addf %dot_general3A_24, %add3A_28 : vector<4096x10xf32>
    %swap3A = arith.constant 0 : index
    %swap3A_30 = arith.constant 0 : index
    %swap3A_31 = vector.load %arg6[%swap3A, %swap3A_30] : memref<4096x10xf32, #tpu.memory_space<vmem>>, vector<4096x10xf32>
    tpu.vector_store %arg6[%swap3A, %swap3A_30], %add3A_29 {strides = array<i32>} : memref<4096x10xf32, #tpu.memory_space<vmem>>, vector<4096x10xf32>,
    return
  }
}

</mosaic_0001>

<sc_bundles>
// kernel: kernel.4.cloned.1.call-start
scs
__scs_entry_jumppad:
0x0: {  	(pc) =	sbr.rel $0x88, $3  }
0x1: {  	(tag) =	ssettag $0x0;
	lr =	simm.s32 $0x1  }
0x2: {  	[smem:$0x3F9A] =	sst lr;
	_ =	strace $0xD0000000  }
0x3: {  	_ = 	snop  }
0x4: {  	_ = 	snop  }
0x5: {  	_ = 	snop  }
0x6: {  	_ = 	snop  }
0x7: {  	_ = 	snop  }
__scs_overlays_trampoline_lowered:
0x8: {  	[smem:$0x3FA9] =	sst s0  }
0x9: {  	[smem:$0x3FAA] =	sst s1  }
0xa: {  	[smem:$0x3FAB] =	sst s2  }
0xb: {  	[smem:$0x3FAC] =	sst s3  }
0xc: {  	[smem:$0x3FAD] =	sst s4  }
0xd: {  	[smem:$0x3FAE] =	sst s5  }
0xe: {  	[smem:$0x3FAF] =	sst s6  }
0xf: {  	[smem:$0x3FB0] =	sst s7  }
0x10: {  	[smem:$0x3FB1] =	sst s8  }
0x11: {  	[smem:$0x3FB2] =	sst s9;
	s0 =	simm.s32 @!p0 $0x0  }
0x12: {  	s1 =	sld [smem:$0x3F98];
	s0 =	simm.s32 @p0 $0x1  }
0x13: {  	[smem:$0x3FB3] =	sst s0;
	s0 =	simm.s32 @!p1 $0x0  }
0x14: {  	s2 =	sld [smem:$0x3F97];
	s0 =	simm.s32 @p1 $0x1  }
0x15: {  	[smem:$0x3FB4] =	sst s0;
	s0 =	simm.s32 @!p2 $0x0  }
0x16: {  	s3 =	sld [smem:$0x3FDB];
	s0 =	simm.s32 @p2 $0x1  }
0x17: {  	s4 =	simm.s32 $0x1BF5;
	[smem:$0x3FB6] =	sst s0  }
0x18: {  	s0 =	sld [smem:$0x3F99];
	_ =	swait.ge [sflag:s4], $0x0  }
0x19: {  	s7 =	sld [smem:$0x3F9A]  }
0x1a: {  	s8 =	sadd.s32 $0xFFFFE003, lr  }
0x1b: {  	s9 =	sadd.s32 $0xFFFFFEF7, lr;
	s5 =	simm.s32 $0xFFFFFFFF;
	p2 =	slt.u32 s8, $0xFFFFF086  }
0x1c: {  	p1 =	slt.u32 s9, $0xF7A;
	s5 =	simm.s32 @!p2 $0x0  }
0x1d: {  	s5 =	simm.s32 @p1 $0x1;
	p0 =	seq.s32 s7, s2  }
0x1e: {  	s7 =	smul.u32 @!p0 $0xF7A, s2;
	p2 =	seq.s32 @!p0 s5, $0x0  }
0x1f: {  	s9 =	smul.u32 $0xF7A, s1;
	s8 =	simm.s32 @!p0 $0x1BF5;
	p2 =	por !p2, p0  }
0x20: {  	[sflag:s8] =	ssyncset.s32 @!p0 $0xFFFFF086;
	s6 =	sadd.s32 @!p0 s3, s7;
	s7 =	simm.s32 @!p0 $0x108  }
0x21: {  	s3 =	sadd.s32 s3, s9;
	s6 =	sadd.s32 @!p0 $0x88, s6;
	s7 =	simm.s32 @p2 $0x1082  }
0x22: {  	[simem:s7], [sflag:s8] =	dma.local @!p0 [hbm:s6], $0xF7A  }
0x23: {  	s9 =	sor.u32 $0xD0000000, s2;
	s6 =	simm.s32 $0x108;
	_ =	swait.ge @!p0 [sflag:s8], $0x0  }
0x24: {  	s3 =	sadd.s32 $0x88, s3;
	s6 =	simm.s32 @!p1 $0x1082;
	[sflag:s4] =	ssyncset.s32 $0xFFFFF086  }
0x25: {  	[simem:s6], [sflag:s4] =	dma.local [hbm:s3], $0xF7A  }
0x26: {  	[smem:$0x3F9A] =	sst s1;
	(tag) =	ssettag s2;
	_ =	strace s9  }
0x27: {  	s1 =	sld [smem:$0x3FAA]  }
0x28: {  	s2 =	sld [smem:$0x3FAB]  }
0x29: {  	s4 =	sld [smem:$0x3FAD]  }
0x2a: {  	p0 =	seq.s32 s5, $0x0;
	s5 =	sld [smem:$0x3FAE]  }
0x2b: {  	s6 =	sld [smem:$0x3FAF]  }
0x2c: {  	s7 =	sld [smem:$0x3FB0]  }
0x2d: {  	s3 =	simm.s32 $0x108;
	s8 =	sld [smem:$0x3FB1]  }
0x2e: {  	s3 =	simm.s32 @!p0 $0x1082;
	s9 =	sld [smem:$0x3FB2]  }
0x2f: {  	lr =	sadd.s32 s0, s3;
	s0 =	sld [smem:$0x3FA9]  }
0x30: {  	s3 =	sld [smem:$0x3FAC]  }
0x31: {  	[smem:$0x3FB5] =	sst s10  }
0x32: {  	s10 =	sld [smem:$0x3FB3];
	_ =	sdelay $0x3  }
0x33: {  	p0 =	seq.s32 s10, $0x1;
	s10 =	sld [smem:$0x3FB5];
	_ =	sdelay $0x3  }
0x34: {  	[smem:$0x3FB5] =	sst s10  }
0x35: {  	s10 =	sld [smem:$0x3FB4];
	_ =	sdelay $0x3  }
0x36: {  	p1 =	seq.s32 s10, $0x1;
	s10 =	sld [smem:$0x3FB5];
	_ =	sdelay $0x3  }
0x37: {  	[smem:$0x3FB5] =	sst s10  }
0x38: {  	s10 =	sld [smem:$0x3FB6]  }
0x39: {  	_ = 	snop;
	(pc) =	sbr.ind lr, $3  }
0x3a: {  	_ = 	snop  }
0x3b: {  	_ = 	snop  }
0x3c: {  	p2 =	seq.s32 s10, $0x1;
	s10 =	sld [smem:$0x3FB5]  }
0x3d: {  	_ =	shalt  }
0x3e: {  	_ =	shalt  }
0x3f: {  	_ =	shalt  }
0x40: {  	_ =	shalt  }
0x41: {  	_ =	shalt  }
0x42: {  	_ =	shalt  }
0x43: {  	_ =	shalt  }
0x44: {  	_ =	shalt  }
0x45: {  	_ =	shalt  }
0x46: {  	_ =	shalt  }
0x47: {  	_ =	shalt  }
0x48: {  	_ =	shalt  }
0x49: {  	_ =	shalt  }
0x4a: {  	_ =	shalt  }
0x4b: {  	_ =	shalt  }
0x4c: {  	_ =	shalt  }
0x4d: {  	_ =	shalt  }
0x4e: {  	_ =	shalt  }
0x4f: {  	_ =	shalt  }
0x50: {  	_ =	shalt  }
0x51: {  	_ =	shalt  }
0x52: {  	_ =	shalt  }
0x53: {  	_ =	shalt  }
0x54: {  	_ =	shalt  }
0x55: {  	_ =	shalt  }
0x56: {  	_ =	shalt  }
0x57: {  	_ =	shalt  }
0x58: {  	_ =	shalt  }
0x59: {  	_ =	shalt  }
0x5a: {  	_ =	shalt  }
0x5b: {  	_ =	shalt  }
0x5c: {  	_ =	shalt  }
0x5d: {  	_ =	shalt  }
0x5e: {  	_ =	shalt  }
0x5f: {  	_ =	shalt  }
0x60: {  	_ =	shalt  }
0x61: {  	_ =	shalt  }
0x62: {  	_ =	shalt  }
0x63: {  	_ =	shalt  }
0x64: {  	_ =	shalt  }
0x65: {  	_ =	shalt  }
0x66: {  	_ =	shalt  }
0x67: {  	_ =	shalt  }
0x68: {  	_ =	shalt  }
0x69: {  	_ =	shalt  }
0x6a: {  	_ =	shalt  }
0x6b: {  	_ =	shalt  }
0x6c: {  	_ =	shalt  }
0x6d: {  	_ =	shalt  }
0x6e: {  	_ =	shalt  }
0x6f: {  	_ =	shalt  }
0x70: {  	_ =	shalt  }
0x71: {  	_ =	shalt  }
0x72: {  	_ =	shalt  }
0x73: {  	_ =	shalt  }
0x74: {  	_ =	shalt  }
0x75: {  	_ =	shalt  }
0x76: {  	_ =	shalt  }
0x77: {  	_ =	shalt  }
0x78: {  	_ =	shalt  }
0x79: {  	_ =	shalt  }
0x7a: {  	_ =	shalt  }
0x7b: {  	_ =	shalt  }
0x7c: {  	_ =	shalt  }
0x7d: {  	_ =	shalt  }
0x7e: {  	_ =	shalt  }
0x7f: {  	_ =	shalt  }
0x80: {  	_ =	shalt  }
0x81: {  	_ =	shalt  }
0x82: {  	_ =	shalt  }
0x83: {  	_ =	shalt  }
0x84: {  	_ =	shalt  }
0x85: {  	_ =	shalt  }
0x86: {  	_ =	shalt  }
0x87: {  	_ =	shalt  }
.Lfunc_end0:
.L_simem_size_0:
called_computation_lowered:
.L_overlay_start_0:
0x88: {  	s2 =	sld [smem:$0x3FD9]  }
0x89: {  	s3 =	sld [smem:$0x3FFE];
	_ =	sdelay $0x1  }
0x8a: {  	s1 =	srdreg.scid  }
0x8b: {  	s0 =	sand.u32 $0x1, s1  }
0x8c: {  	s16 =	sshll.u32 s0, $0xA;
	s2 =	sadd.s32 s3, s2  }
0x8d: {  	s2 =	sadd.s32 s2, s16  }
0x8e: {  	[smem:$0x3FC1] =	sst s2  }
0x8f: {  	_ = 	snop  }
0x90: {  	(tm) =	ssettm $0x1  }
0x91: {  	s17 =	sld [smem:$0x3FFB];
	_ =	sdelay $0x3  }
0x92: {  	_ =	strace s17  }
0x93: {  	s2 =	sld [smem:$0x3FFC];
	_ =	sdelay $0x3  }
0x94: {  	_ =	strace s2  }
0x95: {  	s2 =	sld [smem:$0x3FFD];
	_ =	sdelay $0x3  }
0x96: {  	_ =	strace s2  }
0x97: {  	_ =	strace $0x8FFFFFFF  }
0x98: {  	s18 =	sld [smem:$0x3FDB];
	_ =	sdelay $0x1  }
0x99: {  	s19 =	simm.s32 $_scs_section_size  }
0x9a: {  	s4 =	simm.s32 $_size__tile_overlayer_lowered;
	s5 =	simm.s32 $_tile_overlayer_lowered  }
0x9b: {  	s22 =	simm.s32 $0x1BFF;
	s21 =	sshll.u32 s5, $0x1;
	s2 =	sadd.s32 s19, s18  }
0x9c: {  	s6 =	simm.s32 $0x0;
	s20 =	sshll.u32 s4, $0x1;
	s4 =	sadd.s32 s21, s2  }
0x9d: {  	[timem:s6], [sflag:s22] =	dma.local [hbm:s4], s20  }
0x9e: {  	_ =	swait.ge [sflag:s22], s20  }
0x9f: {  	s3 =	ssub.s32 $0x0, s20;
	[sflag:s22] =	ssyncset.done $0x0  }
0xa0: {  	[sflag:s22] =	ssyncadd.s32 s3;
	_ =	sdelay $0x1  }
0xa1: {  	s23 =	simm.s32 $0x1B8B  }
0xa2: {  	_ =	swait.ge [sflag:s23], $0x1  }
0xa3: {  	[sflag:s23] =	ssyncset.done $0x0  }
0xa4: {  	s25 =	simm.s32 $0x1B8E;
	s24 =	sld [smem:$0x3FFE];
	[sflag:s23] =	ssyncadd.s32 $0xFFFFFFFF  }
0xa5: {  	s26 =	simm.s32 $execute0_lowered;
	[smem:$0x3FD2] =	sst s25  }
0xa6: {  	s4 =	sshll.u32 s26, $0x1;
	_ =	strace $0x80000046;
	[dreg:$0x1] =	wrdreg $0xFFFFFFFF  }
0xa7: {  	s28 =	simm.s32 $_size_execute0_lowered;
	s2 =	sadd.s32 s2, s4;
	[dreg:$0x0] =	wrdreg $0x0  }
0xa8: {  	s4 =	sshll.u32 s28, $0x1;
	[dreg:$0x2] =	wrdreg s2  }
0xa9: {  	[dreg:$0x3] =	wrdreg s4  }
0xaa: {  	[dreg:$0x4] =	wrdreg $0xC0  }
0xab: {  	_ =	task [dreg:s6], $0x5FFFF  }
0xac: {  	[dreg:$0x1] =	wrdreg $0xFFFFFFFF  }
0xad: {  	[dreg:$0x0] =	wrdreg $0x60  }
0xae: {  	[dreg:$0x2] =	wrdreg s24  }
0xaf: {  	[dreg:$0x3] =	wrdreg $0x9  }
0xb0: {  	_ =	task.clear_ibuf [dreg:s6], $0x4FFFF;
	_ =	strace $0x90000046  }
0xb1: {  	s29 =	simm.s32 $0x9;
	_ =	strace $0x80000048  }
0xb2: {  	_ =	swait.ge [sflag:s29], $0x1  }
0xb3: {  	[sflag:s29] =	ssyncadd.s32 $0xFFFFFFFF  }
0xb4: {  	_ =	strace $0x90000048  }
0xb5: {  	_ =	sfence  }
0xb6: {  	s30 =	sld [smem:$0x0];
	_ =	sdelay $0x2  }
0xb7: {  	s31 =	sshll.u32 s1, $0xD;
	s1 =	sshrl.u32 s1, $0x2  }
0xb8: {  	s3 =	sand.u32 $0x4000, s31;
	s1 =	sadd.s32 s1, s30  }
0xb9: {  	s0 =	sor.u32 s3, s0;
	s1 =	sshll.u32 s1, $0x11  }
0xba: {  	s0 =	sor.u32 s1, s0  }
0xbb: {  	s0 =	sadd.s32 $0x8F2B, s0  }
0xbc: {  	[sflag:s0] =	ssyncadd.remote.s32 $0x1  }
0xbd: {  	_ =	sfence.sel $0xFFFF  }
0xbe: {  	[dreg:$0x0] =	wrdreg $0xFFFFFFFF;
	(pc) =	sbr.abs _section_cstart, $3  }
0xbf: {  	[dreg:$0x1] =	wrdreg $0xFFFFFFFF  }
0xc0: {  	_ =	task.clear_ibuf [dreg:s6], $0x2FFFF;
	_ =	strace $0x9FFFFFFF  }
0xc1: {  	(tm) =	ssettm $0x7FFFFFFF  }
tec
execute0_lowered:
.L_overlay_start_1:
0x0: {  	(tag) =	ssettag $0x1  }
0x1: {  	s0 =	srdreg.scid;
	s2 =	stileid.u32  }
0x2: {  	s1 =	rddreg [dreg:$0x0];
	s7 =	simm.s32 $0x5;
	s8 =	simm.s32 $0x80  }
0x3: {  	s10 =	simm.s32 $0x48;
	s13 =	simm.s32 $0x9600;
	s14 =	simm.s32 $0x148  }
0x4: {  	s15 =	simm.s32 $0xB600;
	s16 =	simm.s32 $0x190;
	s17 =	simm.s32 $0xC800  }
0x5: {  	s18 =	simm.s32 $0x210;
	s19 =	simm.s32 $0xE800;
	s20 =	simm.s32 $0x258  }
0x6: {  	s21 =	simm.s32 $0xFA00;
	s22 =	simm.s32 $0x2D8;
	s23 =	simm.s32 $0x11A00  }
0x7: {  	s24 =	simm.s32 $0x1;
	s25 =	simm.s32 $0x2;
	s26 =	simm.s32 $0x3  }
0x8: {  	s28 =	simm.s32 $0x4;
	s29 =	simm.s32 $0x12C00;
	s30 =	simm.s32 $0x0  }
0x9: {  	s0 =	sand.u32 $0x1, s0;
	s3 =	sshll.u32 s2, $0x1;
	s2 =	simm.s32 $0x0  }
.Ltmp0:
0xa: {  	s3 =	sor.u32 s0, s3;
	[smem:$0x7FF] =	sst s2;
	(pc) =	sbr.rel .LBB2_1-.Ltmp0, $4  }
0xb: {  	s0 =	ssub.s32 $0x2, s0;
	s4 =	smul.u32 $0xC80, s3;
	_ =	strace $0x80000047  }
0xc: {  	s5 =	sshll.u32 s3, $0xB;
	s3 =	sadd.s32 $0x187C00, s1;
	s31 =	sshrl.u32 s0, $0x1  }
0xd: {  	s0 =	ssub.s32 s0, s31;
	s4 =	sadd.s32 s4, s1;
	s1 =	sadd.s32 s5, s1  }
0xe: {  	s6 =	smax.u32 s0, $0x1;
	s4 =	sadd.s32 $0x1200, s4;
	s5 =	sadd.s32 $0x1A200, s1  }
.LBB2_12:
0xf: {  	s30 =	sadd.s32 $0x1, s30  }
0x10: {  	p0 =	sne.s32 s30, s6  }
.Ltmp1:
0x11: {  	_ = 	snop;
	(pc) =	sbr.rel @!p0 .LBB2_13-.Ltmp1, $4  }
0x12: {  	[hbm4b:s5+s2] =	stream.linear.scatter [tilespmem:s29], [sflag:$0x5], $0x4000, $0x38;
	[tilespmem:$0x16C00] =	vst v63  }
0x13: {  	_ =	swait.ge [sflag:s7], $0x4000  }
0x14: {  	[sflag:s7] =	ssyncset.done $0x0  }
0x15: {  	[sflag:s7] =	ssyncadd.s32 $0xFFFFC000  }
.LBB2_1:
0x16: {  	[tilespmem:s2], [sflag:$0x5] =	stream.linear.gather [hbm4b:s4+s2], $0x6400, $0x38;
	[tilespmem:$0x16C00] =	vst v63  }
0x17: {  	_ =	swait.ge [sflag:s7], $0x6400  }
0x18: {  	[sflag:s7] =	ssyncset.done $0x0  }
0x19: {  	s0 =	simm.s32 $0x6400;
	[sflag:s7] =	ssyncadd.s32 $0xFFFF9C00  }
0x1a: {  	[tilespmem:s0], [sflag:$0x1] =	stream.indirect.gather [hbm4b:s3+s8], $0x40, s2, s8, $0xb8;
	[tilespmem:$0x16C00] =	vst v63  }
0x1b: {  	s11 =	simm.s32 $0x8400  }
0x1c: {  	[tilespmem:s11], [sflag:$0x1] =	stream.indirect.gather [hbm4b:s3+s10], $0x40, s8, s10, $0xb8;
	[tilespmem:$0x16C00] =	vst v63  }
0x1d: {  	s12 =	simm.s32 $0xC8  }
0x1e: {  	[tilespmem:s13], [sflag:$0x2] =	stream.indirect.gather [hbm4b:s3+s8], $0x40, s12, s8, $0xb8;
	[tilespmem:$0x16C00] =	vst v63  }
0x1f: {  	_ = 	snop  }
0x20: {  	[tilespmem:s15], [sflag:$0x2] =	stream.indirect.gather [hbm4b:s3+s10], $0x40, s14, s10, $0xb8;
	[tilespmem:$0x16C00] =	vst v63  }
0x21: {  	_ = 	snop  }
0x22: {  	[tilespmem:s17], [sflag:$0x3] =	stream.indirect.gather [hbm4b:s3+s8], $0x40, s16, s8, $0xb8;
	[tilespmem:$0x16C00] =	vst v63  }
0x23: {  	_ = 	snop  }
0x24: {  	[tilespmem:s19], [sflag:$0x3] =	stream.indirect.gather [hbm4b:s3+s10], $0x40, s18, s10, $0xb8;
	[tilespmem:$0x16C00] =	vst v63  }
0x25: {  	_ = 	snop  }
0x26: {  	[tilespmem:s21], [sflag:$0x4] =	stream.indirect.gather [hbm4b:s3+s8], $0x40, s20, s8, $0xb8;
	[tilespmem:$0x16C00] =	vst v63  }
0x27: {  	s31 =	simm.s32 $0x0  }
0x28: {  	[tilespmem:s23], [sflag:$0x4] =	stream.indirect.gather [hbm4b:s3+s10], $0x40, s22, s10, $0xb8;
	[tilespmem:$0x16C00] =	vst v63  }
.LBB2_2:
0x29: {  	_ =	swait.ge [sflag:s24], $0x2000  }
0x2a: {  	[sflag:s24] =	ssyncset.done $0x0  }
0x2b: {  	[sflag:s24] =	ssyncadd.s32 $0xFFFFE000  }
0x2c: {  	_ =	swait.ge [sflag:s24], $0x1200  }
0x2d: {  	[sflag:s24] =	ssyncset.done $0x0  }
0x2e: {  	s0 =	simm.s32 $0x0;
	[sflag:s24] =	ssyncadd.s32 $0xFFFFEE00  }
0x2f: {  	v7 =	vld [tilespmem:s0+$0x6400]  }
0x30: {  	v1 =	vld [tilespmem:s0+$0x6A00]  }
0x31: {  	v8 =	vld [tilespmem:s0+$0x6440]  }
0x32: {  	v0 =	vld [tilespmem:s0+$0x6A10]  }
0x33: {  	v19 =	vld [tilespmem:s0+$0x6480]  }
0x34: {  	v18 =	vimm.f32 $0.0e+00;
	v3 =	vld [tilespmem:s0+$0x69C0]  }
0x35: {  	v26 =	vld [tilespmem:s0+$0x64C0];
	v4 =	vadd.f32 v7, v18  }
0x36: {  	v2 =	vld [tilespmem:s0+$0x69D0]  }
0x37: {  	v30 =	vld [tilespmem:s0+$0x6500];
	v4 =	vadd.f32 v8, v4  }
0x38: {  	v5 =	vld [tilespmem:s0+$0x6980]  }
0x39: {  	v34 =	vld [tilespmem:s0+$0x6540];
	v6 =	vadd.f32 v19, v4  }
0x3a: {  	v45 =	vld [tilespmem:s0+$0x6580]  }
0x3b: {  	v10 =	vld [tilespmem:s0+$0x6940];
	v6 =	vadd.f32 v26, v6  }
0x3c: {  	v47 =	vld [tilespmem:s0+$0x65C0]  }
0x3d: {  	v49 =	vld [tilespmem:s0+$0x6600];
	v9 =	vadd.f32 v30, v6  }
0x3e: {  	v12 =	vld [tilespmem:s0+$0x6900]  }
0x3f: {  	v20 =	vld [tilespmem:s0+$0x6640];
	v9 =	vadd.f32 v34, v9  }
0x40: {  	v38 =	vld [tilespmem:s0+$0x6680]  }
0x41: {  	v14 =	vld [tilespmem:s0+$0x68C0];
	v11 =	vadd.f32 v45, v9  }
0x42: {  	v40 =	vld [tilespmem:s0+$0x66C0]  }
0x43: {  	v41 =	vld [tilespmem:s0+$0x6700];
	v11 =	vadd.f32 v47, v11  }
0x44: {  	v37 =	vld [tilespmem:s0+$0x6410]  }
0x45: {  	v28 =	vld [tilespmem:s0+$0x6740];
	v13 =	vadd.f32 v49, v11  }
0x46: {  	v33 =	vld [tilespmem:s0+$0x6450]  }
0x47: {  	v27 =	vld [tilespmem:s0+$0x6780];
	v13 =	vadd.f32 v20, v13  }
0x48: {  	v29 =	vld [tilespmem:s0+$0x6490]  }
0x49: {  	v25 =	vld [tilespmem:s0+$0x67C0];
	v13 =	vadd.f32 v38, v13  }
0x4a: {  	v31 =	vld [tilespmem:s0+$0x64D0]  }
0x4b: {  	v24 =	vld [tilespmem:s0+$0x6800];
	v13 =	vadd.f32 v40, v13  }
0x4c: {  	v32 =	vld [tilespmem:s0+$0x6510]  }
0x4d: {  	v23 =	vld [tilespmem:s0+$0x6840];
	v13 =	vadd.f32 v41, v13  }
0x4e: {  	v17 =	vld [tilespmem:s0+$0x6880];
	v15 =	vadd.f32 v37, v18  }
0x4f: {  	v35 =	vld [tilespmem:s0+$0x6550];
	v13 =	vadd.f32 v28, v13  }
0x50: {  	v36 =	vld [tilespmem:s0+$0x6590];
	v15 =	vadd.f32 v33, v15  }
0x51: {  	v39 =	vld [tilespmem:s0+$0x65D0];
	v13 =	vadd.f32 v27, v13  }
0x52: {  	v42 =	vld [tilespmem:s0+$0x6610];
	v15 =	vadd.f32 v29, v15  }
0x53: {  	v46 =	vld [tilespmem:s0+$0x66D0];
	v13 =	vadd.f32 v25, v13  }
0x54: {  	v4 =	vld [tilespmem:s0+$0x6990];
	v16 =	vadd.f32 v31, v15  }
0x55: {  	v15 =	vld [tilespmem:s0+$0x6890];
	v13 =	vadd.f32 v24, v13  }
0x56: {  	v6 =	vld [tilespmem:s0+$0x6950];
	v21 =	vadd.f32 v32, v16  }
0x57: {  	v16 =	vld [tilespmem:s0+$0x6850];
	v22 =	vadd.f32 v23, v13  }
0x58: {  	v43 =	vadd.f32 v35, v21;
	v21 =	vld [tilespmem:s0+$0x6810];
	v13 =	vimm.f32 $-Inf  }
0x59: {  	v9 =	vld [tilespmem:s0+$0x6910];
	v7 =	vmax.f32 v13, v7;
	v44 =	vadd.f32 v17, v22  }
0x5a: {  	v11 =	vld [tilespmem:s0+$0x68D0];
	v7 =	vmax.f32 v7, v8;
	v8 =	vadd.f32 v36, v43  }
0x5b: {  	v43 =	vld [tilespmem:s0+$0x6650];
	v7 =	vmax.f32 v7, v19;
	v19 =	vadd.f32 v14, v44  }
0x5c: {  	v22 =	vld [tilespmem:s0+$0x67D0];
	v7 =	vmax.f32 v7, v26;
	v8 =	vadd.f32 v39, v8  }
0x5d: {  	v44 =	vld [tilespmem:s0+$0x6690];
	v7 =	vmax.f32 v7, v30;
	v19 =	vadd.f32 v12, v19  }
0x5e: {  	v26 =	vld [tilespmem:s0+$0x6790];
	v7 =	vmax.f32 v7, v34;
	v8 =	vadd.f32 v42, v8  }
0x5f: {  	v30 =	vld [tilespmem:s0+$0x6750];
	v34 =	vimm.f32 $0.0e+00;
	v7 =	vmax.f32 v7, v45;
	v19 =	vadd.f32 v10, v19  }
0x60: {  	v45 =	vld [tilespmem:s0+$0x6710];
	v7 =	vmax.f32 v7, v47;
	v48 =	vadd.f32 v43, v8;
	v8 =	vimm.f32 $-Inf  }
0x61: {  	s1 =	simm.s32 $0x1900;
	v50 =	vmax.f32 v7, v49;
	v7 =	vimm.f32 $-Inf;
	v49 =	vadd.f32 v5, v19;
	v19 =	vld [tilespmem:s0+$0x6420]  }
.LBB2_3:
0x62: {  	p0 =	sne.s32 s1, $0xAF00;
	v47 =	vld [tilespmem:s0+$0x6430];
	v20 =	vmax.f32 v50, v20;
	v50 =	vadd.f32 v44, v48  }
0x63: {  	v48 =	vld [tilespmem:s0+$0x6460];
	v20 =	vmax.f32 v20, v38;
	v49 =	vadd.f32 v3, v49  }
0x64: {  	v38 =	vld [tilespmem:s0+$0x6470];
	v20 =	vmax.f32 v20, v40;
	v50 =	vadd.f32 v46, v50  }
0x65: {  	v40 =	vld [tilespmem:s0+$0x64A0];
	v41 =	vmax.f32 v20, v41;
	v20 =	vadd.f32 v1, v49  }
0x66: {  	v13 =	vmax.f32 v13, v37;
	v37 =	vadd.f32 v19, v18;
	v18 =	vld [tilespmem:s0+$0x64B0];
	v49 =	vadd.f32 v45, v50  }
0x67: {  	v13 =	vmax.f32 v13, v33;
	v41 =	vmax.f32 v41, v28;
	v34 =	vadd.f32 v47, v34;
	v33 =	vld [tilespmem:s0+$0x64E0]  }
0x68: {  	v13 =	vmax.f32 v13, v29;
	v37 =	vadd.f32 v48, v37;
	v28 =	vld [tilespmem:s0+$0x64F0];
	v29 =	vadd.f32 v30, v49  }
0x69: {  	v13 =	vmax.f32 v13, v31;
	v27 =	vmax.f32 v41, v27;
	v34 =	vadd.f32 v38, v34;
	v31 =	vld [tilespmem:s0+$0x6520]  }
0x6a: {  	v13 =	vmax.f32 v13, v32;
	v37 =	vadd.f32 v40, v37;
	v32 =	vld [tilespmem:s0+$0x6530];
	v29 =	vadd.f32 v26, v29  }
0x6b: {  	v13 =	vmax.f32 v13, v35;
	v25 =	vmax.f32 v27, v25;
	v34 =	vadd.f32 v18, v34;
	v35 =	vld [tilespmem:s0+$0x6560]  }
0x6c: {  	v13 =	vmax.f32 v13, v36;
	v27 =	vadd.f32 v33, v37;
	v37 =	vld [tilespmem:s0+$0x6570];
	v29 =	vadd.f32 v22, v29  }
0x6d: {  	v13 =	vmax.f32 v13, v39;
	v24 =	vmax.f32 v25, v24;
	v34 =	vadd.f32 v28, v34;
	v36 =	vld [tilespmem:s0+$0x65A0]  }
0x6e: {  	v13 =	vmax.f32 v13, v42;
	v25 =	vadd.f32 v31, v27;
	v27 =	vld [tilespmem:s0+$0x65B0];
	v29 =	vadd.f32 v21, v29  }
0x6f: {  	v23 =	vmax.f32 v24, v23;
	v13 =	vmax.f32 v13, v43;
	v34 =	vadd.f32 v32, v34;
	v39 =	vld [tilespmem:s0+$0x65E0]  }
0x70: {  	v13 =	vmax.f32 v13, v44;
	v24 =	vadd.f32 v35, v25;
	v25 =	vld [tilespmem:s0+$0x65F0];
	v29 =	vadd.f32 v16, v29  }
0x71: {  	v17 =	vmax.f32 v23, v17;
	v13 =	vmax.f32 v13, v46;
	v34 =	vadd.f32 v37, v34;
	v41 =	vld [tilespmem:s0+$0x6620]  }
0x72: {  	v13 =	vmax.f32 v13, v45;
	v23 =	vadd.f32 v36, v24;
	v24 =	vld [tilespmem:s0+$0x6630];
	v29 =	vadd.f32 v15, v29  }
0x73: {  	v14 =	vmax.f32 v17, v14;
	v13 =	vmax.f32 v13, v30;
	v34 =	vadd.f32 v27, v34;
	v42 =	vld [tilespmem:s0+$0x6660]  }
0x74: {  	v13 =	vmax.f32 v13, v26;
	v17 =	vadd.f32 v39, v23;
	v23 =	vld [tilespmem:s0+$0x6670];
	v26 =	vadd.f32 v11, v29  }
0x75: {  	v12 =	vmax.f32 v14, v12;
	v13 =	vmax.f32 v13, v22;
	v29 =	vadd.f32 v25, v34;
	v30 =	vld [tilespmem:s0+$0x66A0]  }
0x76: {  	v13 =	vmax.f32 v13, v21;
	v14 =	vadd.f32 v41, v17;
	v17 =	vld [tilespmem:s0+$0x66B0];
	v21 =	vadd.f32 v9, v26  }
0x77: {  	v10 =	vmax.f32 v12, v10;
	v13 =	vmax.f32 v13, v16;
	v22 =	vadd.f32 v24, v29;
	v26 =	vld [tilespmem:s0+$0x66E0]  }
0x78: {  	v13 =	vmax.f32 v13, v15;
	v12 =	vadd.f32 v42, v14;
	v14 =	vld [tilespmem:s0+$0x66F0];
	v15 =	vadd.f32 v6, v21  }
0x79: {  	v5 =	vmax.f32 v10, v5;
	v11 =	vmax.f32 v13, v11;
	v16 =	vadd.f32 v23, v22;
	v21 =	vld [tilespmem:s0+$0x6720]  }
0x7a: {  	v9 =	vmax.f32 v11, v9;
	v10 =	vadd.f32 v30, v12;
	v12 =	vld [tilespmem:s0+$0x6730];
	v11 =	vadd.f32 v4, v15  }
0x7b: {  	v3 =	vmax.f32 v5, v3;
	v6 =	vmax.f32 v9, v6;
	v13 =	vadd.f32 v17, v16;
	v16 =	vld [tilespmem:s0+$0x6760]  }
0x7c: {  	v4 =	vmax.f32 v6, v4;
	v5 =	vadd.f32 v26, v10;
	v9 =	vld [tilespmem:s0+$0x6770];
	v6 =	vadd.f32 v2, v11  }
0x7d: {  	v22 =	vmax.f32 v3, v1;
	v2 =	vmax.f32 v4, v2;
	v10 =	vadd.f32 v14, v13;
	v11 =	vld [tilespmem:s0+$0x67A0]  }
0x7e: {  	v13 =	vmax.f32 v2, v0;
	v1 =	vadd.f32 v21, v5;
	v3 =	vld [tilespmem:s0+$0x67B0];
	v15 =	vadd.f32 v0, v6  }
0x7f: {  	v2 =	vmax.f32 v8, v47;
	v0 =	vmax.f32 v7, v19;
	v4 =	vadd.f32 v12, v10;
	v5 =	vld [tilespmem:s0+$0x67E0]  }
0x80: {  	v2 =	vmax.f32 v2, v38;
	v0 =	vmax.f32 v0, v48;
	v1 =	vadd.f32 v16, v1;
	v6 =	vld [tilespmem:s0+$0x67F0]  }
0x81: {  	v2 =	vmax.f32 v2, v18;
	v0 =	vmax.f32 v0, v40;
	v4 =	vadd.f32 v9, v4;
	v7 =	vld [tilespmem:s0+$0x6820]  }
0x82: {  	v2 =	vmax.f32 v2, v28;
	v0 =	vmax.f32 v0, v33;
	v1 =	vadd.f32 v11, v1;
	v8 =	vld [tilespmem:s0+$0x6830]  }
0x83: {  	v2 =	vmax.f32 v2, v32;
	v0 =	vmax.f32 v0, v31;
	v4 =	vadd.f32 v3, v4;
	v10 =	vld [tilespmem:s0+$0x6860]  }
0x84: {  	v2 =	vmax.f32 v2, v37;
	v0 =	vmax.f32 v0, v35;
	v1 =	vadd.f32 v5, v1;
	v18 =	vld [tilespmem:s0+$0x6870]  }
0x85: {  	v2 =	vmax.f32 v2, v27;
	v0 =	vmax.f32 v0, v36;
	v4 =	vadd.f32 v6, v4;
	v19 =	vld [tilespmem:s0+$0x68A0]  }
0x86: {  	v2 =	vmax.f32 v2, v25;
	v0 =	vmax.f32 v0, v39;
	v1 =	vadd.f32 v7, v1;
	v25 =	vld [tilespmem:s0+$0x68B0]  }
0x87: {  	v2 =	vmax.f32 v2, v24;
	v0 =	vmax.f32 v0, v41;
	v4 =	vadd.f32 v8, v4;
	v24 =	vld [tilespmem:s0+$0x68E0]  }
0x88: {  	v2 =	vmax.f32 v2, v23;
	v0 =	vmax.f32 v0, v42;
	v1 =	vadd.f32 v10, v1;
	v23 =	vld [tilespmem:s0+$0x68F0]  }
0x89: {  	v2 =	vmax.f32 v2, v17;
	v0 =	vmax.f32 v0, v30;
	v4 =	vadd.f32 v18, v4;
	v17 =	vld [tilespmem:s0+$0x6920]  }
0x8a: {  	v2 =	vmax.f32 v2, v14;
	v0 =	vmax.f32 v0, v26;
	v1 =	vadd.f32 v19, v1;
	v14 =	vld [tilespmem:s0+$0x6930]  }
0x8b: {  	v2 =	vmax.f32 v2, v12;
	v0 =	vmax.f32 v0, v21;
	v4 =	vadd.f32 v25, v4;
	v12 =	vld [tilespmem:s0+$0x6960]  }
0x8c: {  	v2 =	vmax.f32 v2, v9;
	v0 =	vmax.f32 v0, v16;
	v1 =	vadd.f32 v24, v1;
	v9 =	vld [tilespmem:s0+$0x6970]  }
0x8d: {  	v2 =	vmax.f32 v2, v3;
	v0 =	vmax.f32 v0, v11;
	v3 =	vadd.f32 v23, v4;
	v4 =	vld [tilespmem:s0+$0x69A0]  }
0x8e: {  	v2 =	vmax.f32 v2, v6;
	v0 =	vmax.f32 v0, v5;
	v1 =	vadd.f32 v17, v1;
	v5 =	vld [tilespmem:s0+$0x69B0]  }
0x8f: {  	v2 =	vmax.f32 v2, v8;
	v0 =	vmax.f32 v0, v7;
	v3 =	vadd.f32 v14, v3;
	v6 =	vld [tilespmem:s0+$0x69E0]  }
0x90: {  	v2 =	vmax.f32 v2, v18;
	v0 =	vmax.f32 v0, v10;
	v1 =	vadd.f32 v12, v1;
	v7 =	vld [tilespmem:s0+$0x69F0]  }
0x91: {  	v2 =	vmax.f32 v2, v25;
	v0 =	vmax.f32 v0, v19;
	v3 =	vadd.f32 v9, v3;
	v8 =	vld [tilespmem:s0+$0x6A20]  }
0x92: {  	v2 =	vmax.f32 v2, v23;
	v0 =	vmax.f32 v0, v24;
	v10 =	vadd.f32 v4, v1;
	v11 =	vld [tilespmem:s0+$0x6A30];
	s0 =	sshra.s32 s1, $0x2  }
0x93: {  	v2 =	vmax.f32 v2, v14;
	v0 =	vmax.f32 v0, v17;
	v1 =	vld [tilespmem:s0+$0x6A00];
	v3 =	vadd.f32 v5, v3  }
0x94: {  	v2 =	vmax.f32 v2, v9;
	v12 =	vmax.f32 v0, v12;
	v19 =	vld [tilespmem:s0+$0x6400];
	v9 =	vadd.f32 v6, v10  }
0x95: {  	v2 =	vmax.f32 v2, v5;
	v4 =	vmax.f32 v12, v4;
	v0 =	vld [tilespmem:s0+$0x6A10];
	v5 =	vadd.f32 v7, v3  }
0x96: {  	v4 =	vmax.f32 v4, v6;
	v2 =	vmax.f32 v2, v7;
	v26 =	vld [tilespmem:s0+$0x6440];
	v18 =	vadd.f32 v8, v9  }
0x97: {  	v7 =	vmax.f32 v4, v8;
	v3 =	vld [tilespmem:s0+$0x69C0];
	v34 =	vadd.f32 v11, v5;
	v8 =	vmax.f32 v2, v11  }
0x98: {  	v30 =	vld [tilespmem:s0+$0x6480]  }
0x99: {  	v4 =	vadd.f32 v19, v20;
	v2 =	vld [tilespmem:s0+$0x69D0]  }
0x9a: {  	v44 =	vld [tilespmem:s0+$0x64C0]  }
0x9b: {  	v4 =	vadd.f32 v26, v4;
	v5 =	vld [tilespmem:s0+$0x6980]  }
0x9c: {  	v45 =	vld [tilespmem:s0+$0x6500]  }
0x9d: {  	v6 =	vadd.f32 v30, v4;
	v4 =	vld [tilespmem:s0+$0x6990]  }
0x9e: {  	v46 =	vld [tilespmem:s0+$0x6540]  }
0x9f: {  	v6 =	vadd.f32 v44, v6;
	v10 =	vld [tilespmem:s0+$0x6940]  }
0xa0: {  	v47 =	vld [tilespmem:s0+$0x6580]  }
0xa1: {  	v9 =	vadd.f32 v45, v6;
	v6 =	vld [tilespmem:s0+$0x6950]  }
0xa2: {  	v48 =	vld [tilespmem:s0+$0x65C0]  }
0xa3: {  	v9 =	vadd.f32 v46, v9;
	v12 =	vld [tilespmem:s0+$0x6900]  }
0xa4: {  	v49 =	vld [tilespmem:s0+$0x6600]  }
0xa5: {  	v11 =	vadd.f32 v47, v9;
	v9 =	vld [tilespmem:s0+$0x6910]  }
0xa6: {  	v20 =	vld [tilespmem:s0+$0x6640]  }
0xa7: {  	v11 =	vadd.f32 v48, v11;
	v14 =	vld [tilespmem:s0+$0x68C0]  }
0xa8: {  	v38 =	vld [tilespmem:s0+$0x6680]  }
0xa9: {  	v16 =	vadd.f32 v49, v11;
	v11 =	vld [tilespmem:s0+$0x68D0]  }
0xaa: {  	v40 =	vld [tilespmem:s0+$0x66C0]  }
0xab: {  	v16 =	vadd.f32 v20, v16;
	v17 =	vld [tilespmem:s0+$0x6880]  }
0xac: {  	v41 =	vld [tilespmem:s0+$0x6700]  }
0xad: {  	v37 =	vld [tilespmem:s0+$0x6410];
	v16 =	vadd.f32 v38, v16  }
0xae: {  	v28 =	vld [tilespmem:s0+$0x6740]  }
0xaf: {  	v33 =	vld [tilespmem:s0+$0x6450];
	v16 =	vadd.f32 v40, v16  }
0xb0: {  	v27 =	vld [tilespmem:s0+$0x6780]  }
0xb1: {  	v29 =	vld [tilespmem:s0+$0x6490];
	v16 =	vadd.f32 v41, v16  }
0xb2: {  	v15 =	vadd.f32 v37, v15;
	v25 =	vld [tilespmem:s0+$0x67C0]  }
0xb3: {  	v31 =	vld [tilespmem:s0+$0x64D0];
	v16 =	vadd.f32 v28, v16  }
0xb4: {  	v15 =	vadd.f32 v33, v15;
	v24 =	vld [tilespmem:s0+$0x6800]  }
0xb5: {  	v32 =	vld [tilespmem:s0+$0x6510];
	v16 =	vadd.f32 v27, v16  }
0xb6: {  	v15 =	vadd.f32 v29, v15;
	v23 =	vld [tilespmem:s0+$0x6840]  }
0xb7: {  	v35 =	vld [tilespmem:s0+$0x6550];
	v16 =	vadd.f32 v25, v16  }
0xb8: {  	v21 =	vadd.f32 v31, v15;
	v15 =	vld [tilespmem:s0+$0x6890]  }
0xb9: {  	v36 =	vld [tilespmem:s0+$0x6590];
	v42 =	vadd.f32 v24, v16  }
0xba: {  	v21 =	vadd.f32 v32, v21;
	v16 =	vld [tilespmem:s0+$0x6850]  }
0xbb: {  	v39 =	vld [tilespmem:s0+$0x65D0];
	v43 =	vadd.f32 v23, v42  }
0xbc: {  	v50 =	vadd.f32 v35, v21;
	v21 =	vld [tilespmem:s0+$0x6810]  }
0xbd: {  	v19 =	vmax.f32 v22, v19;
	v42 =	vld [tilespmem:s0+$0x6610];
	v51 =	vadd.f32 v17, v43  }
0xbe: {  	v19 =	vmax.f32 v19, v26;
	v26 =	vadd.f32 v36, v50;
	v22 =	vld [tilespmem:s0+$0x67D0]  }
0xbf: {  	v19 =	vmax.f32 v19, v30;
	v43 =	vld [tilespmem:s0+$0x6650];
	v30 =	vadd.f32 v14, v51  }
0xc0: {  	v19 =	vmax.f32 v19, v44;
	v50 =	vadd.f32 v39, v26;
	v26 =	vld [tilespmem:s0+$0x6790]  }
.Ltmp2:
0xc1: {  	v19 =	vmax.f32 v19, v45;
	v44 =	vld [tilespmem:s0+$0x6690];
	v45 =	vadd.f32 v12, v30;
	(pc) =	sbr.rel @p0 .LBB2_3-.Ltmp2, $4  }
0xc2: {  	v19 =	vmax.f32 v19, v46;
	v50 =	vadd.f32 v42, v50;
	v30 =	vld [tilespmem:s0+$0x6750]  }
0xc3: {  	v19 =	vmax.f32 v19, v47;
	v46 =	vld [tilespmem:s0+$0x66D0];
	v47 =	vadd.f32 v10, v45  }
0xc4: {  	v51 =	vmax.f32 v19, v48;
	v48 =	vadd.f32 v43, v50;
	v45 =	vld [tilespmem:s0+$0x6710]  }
0xc5: {  	s1 =	sadd.s32 $0x1900, s1;
	v50 =	vmax.f32 v51, v49;
	v19 =	vld [tilespmem:s0+$0x6420];
	v49 =	vadd.f32 v5, v47  }
0xc6: {  	v47 =	vld [tilespmem:s0+$0x6430]  }
0xc7: {  	v20 =	vmax.f32 v50, v20;
	v50 =	vld [tilespmem:s0+$0x6460];
	v48 =	vadd.f32 v44, v48;
	v13 =	vmax.f32 v13, v37  }
0xc8: {  	v58 =	vld [tilespmem:s0+$0x6470];
	v20 =	vmax.f32 v20, v38;
	v33 =	vmax.f32 v13, v33  }
0xc9: {  	v59 =	vld [tilespmem:s0+$0x64A0];
	v20 =	vmax.f32 v20, v40;
	v48 =	vadd.f32 v46, v48;
	v29 =	vmax.f32 v33, v29  }
0xca: {  	v60 =	vld [tilespmem:s0+$0x64B0];
	v49 =	vadd.f32 v3, v49;
	v20 =	vmax.f32 v20, v41;
	v29 =	vmax.f32 v29, v31  }
0xcb: {  	v61 =	vld [tilespmem:s0+$0x64E0];
	v18 =	vadd.f32 v19, v18;
	v48 =	vadd.f32 v45, v48;
	v20 =	vmax.f32 v20, v28  }
0xcc: {  	v51 =	vld [tilespmem:s0+$0x64F0];
	v29 =	vmax.f32 v29, v32;
	v7 =	vmax.f32 v7, v19;
	v34 =	vadd.f32 v47, v34  }
0xcd: {  	v62 =	vld [tilespmem:s0+$0x6520];
	v20 =	vmax.f32 v20, v27;
	v29 =	vmax.f32 v29, v35;
	v18 =	vadd.f32 v50, v18  }
0xce: {  	v52 =	vld [tilespmem:s0+$0x6530];
	v8 =	vmax.f32 v8, v47;
	v7 =	vmax.f32 v7, v50;
	v28 =	vadd.f32 v58, v34  }
0xcf: {  	v53 =	vld [tilespmem:s0+$0x6570];
	v63 =	vadd.f32 v30, v48;
	v20 =	vmax.f32 v20, v25;
	v18 =	vadd.f32 v59, v18  }
0xd0: {  	v29 =	vmax.f32 v29, v36;
	v8 =	vmax.f32 v8, v58;
	v27 =	vadd.f32 v60, v28;
	v28 =	vld [tilespmem:s0+$0x6560]  }
0xd1: {  	v54 =	vld [tilespmem:s0+$0x65B0];
	v7 =	vmax.f32 v7, v59;
	v31 =	vadd.f32 v26, v63;
	v18 =	vadd.f32 v61, v18  }
0xd2: {  	v29 =	vmax.f32 v29, v39;
	v20 =	vmax.f32 v20, v24;
	v25 =	vadd.f32 v51, v27;
	v27 =	vld [tilespmem:s0+$0x65A0]  }
0xd3: {  	v55 =	vld [tilespmem:s0+$0x65F0];
	v8 =	vmax.f32 v8, v60;
	v31 =	vadd.f32 v22, v31;
	v18 =	vadd.f32 v62, v18  }
0xd4: {  	v29 =	vmax.f32 v29, v42;
	v20 =	vmax.f32 v20, v23;
	v24 =	vadd.f32 v52, v25;
	v25 =	vld [tilespmem:s0+$0x65E0]  }
0xd5: {  	v56 =	vld [tilespmem:s0+$0x6630];
	v8 =	vmax.f32 v8, v51;
	v31 =	vadd.f32 v21, v31;
	v18 =	vadd.f32 v28, v18  }
0xd6: {  	v29 =	vmax.f32 v29, v43;
	v17 =	vmax.f32 v20, v17;
	v23 =	vadd.f32 v53, v24;
	v24 =	vld [tilespmem:s0+$0x6620]  }
0xd7: {  	v57 =	vld [tilespmem:s0+$0x6670];
	v29 =	vmax.f32 v29, v44;
	v31 =	vadd.f32 v16, v31;
	v18 =	vadd.f32 v27, v18  }
0xd8: {  	v8 =	vmax.f32 v8, v52;
	v29 =	vmax.f32 v29, v46;
	v20 =	vadd.f32 v54, v23;
	v23 =	vld [tilespmem:s0+$0x6660]  }
0xd9: {  	v19 =	vld [tilespmem:s0+$0x6820];
	v29 =	vmax.f32 v29, v45;
	v31 =	vadd.f32 v15, v31;
	v18 =	vadd.f32 v25, v18  }
0xda: {  	v14 =	vmax.f32 v17, v14;
	v29 =	vmax.f32 v29, v30;
	v17 =	vadd.f32 v55, v20;
	v20 =	vld [tilespmem:s0+$0x66A0]  }
0xdb: {  	v30 =	vld [tilespmem:s0+$0x66B0];
	v26 =	vmax.f32 v29, v26;
	v29 =	vadd.f32 v11, v31;
	v18 =	vadd.f32 v24, v18  }
0xdc: {  	v12 =	vmax.f32 v14, v12;
	v22 =	vmax.f32 v26, v22;
	v14 =	vadd.f32 v56, v17;
	v17 =	vld [tilespmem:s0+$0x66E0]  }
0xdd: {  	v26 =	vld [tilespmem:s0+$0x66F0];
	v21 =	vmax.f32 v22, v21;
	v22 =	vadd.f32 v9, v29;
	v18 =	vadd.f32 v23, v18  }
0xde: {  	v10 =	vmax.f32 v12, v10;
	v16 =	vmax.f32 v21, v16;
	v12 =	vadd.f32 v57, v14;
	v14 =	vld [tilespmem:s0+$0x6720]  }
0xdf: {  	v21 =	vld [tilespmem:s0+$0x6730];
	v15 =	vmax.f32 v16, v15;
	v16 =	vadd.f32 v6, v22;
	v18 =	vadd.f32 v20, v18  }
0xe0: {  	v5 =	vmax.f32 v10, v5;
	v11 =	vmax.f32 v15, v11;
	v10 =	vadd.f32 v30, v12;
	v12 =	vld [tilespmem:s0+$0x6760]  }
0xe1: {  	v9 =	vmax.f32 v11, v9;
	v11 =	vadd.f32 v4, v16;
	v16 =	vld [tilespmem:s0+$0x6770];
	v15 =	vadd.f32 v17, v18  }
0xe2: {  	v3 =	vmax.f32 v5, v3;
	v6 =	vmax.f32 v9, v6;
	v9 =	vld [tilespmem:s0+$0x67A0];
	v5 =	vadd.f32 v26, v10  }
0xe3: {  	v4 =	vmax.f32 v6, v4;
	v6 =	vadd.f32 v2, v11;
	v11 =	vld [tilespmem:s0+$0x67B0];
	v10 =	vadd.f32 v14, v15  }
0xe4: {  	v7 =	vmax.f32 v7, v61;
	v8 =	vmax.f32 v8, v53;
	v15 =	vld [tilespmem:s0+$0x67E0];
	v5 =	vadd.f32 v21, v5  }
0xe5: {  	v7 =	vmax.f32 v7, v62;
	v8 =	vmax.f32 v8, v54;
	v18 =	vld [tilespmem:s0+$0x67F0];
	v10 =	vadd.f32 v12, v10  }
0xe6: {  	v8 =	vmax.f32 v8, v55;
	v7 =	vmax.f32 v7, v28;
	v28 =	vld [tilespmem:s0+$0x6870];
	v5 =	vadd.f32 v16, v5  }
0xe7: {  	v13 =	vadd.f32 v1, v49;
	v8 =	vmax.f32 v8, v56;
	v22 =	vld [tilespmem:s0+$0x6830];
	v10 =	vadd.f32 v9, v10  }
0xe8: {  	v8 =	vmax.f32 v8, v57;
	v7 =	vmax.f32 v7, v27;
	v29 =	vld [tilespmem:s0+$0x6860];
	v5 =	vadd.f32 v11, v5  }
0xe9: {  	v1 =	vmax.f32 v3, v1;
	v27 =	vld [tilespmem:s0+$0x68A0];
	v7 =	vmax.f32 v7, v25;
	v10 =	vadd.f32 v15, v10  }
0xea: {  	v25 =	vld [tilespmem:s0+$0x68B0];
	v8 =	vmax.f32 v8, v30;
	v7 =	vmax.f32 v7, v24;
	v5 =	vadd.f32 v18, v5  }
0xeb: {  	v24 =	vld [tilespmem:s0+$0x68E0];
	v8 =	vmax.f32 v8, v26;
	v7 =	vmax.f32 v7, v23;
	v10 =	vadd.f32 v19, v10  }
0xec: {  	v23 =	vld [tilespmem:s0+$0x68F0];
	v8 =	vmax.f32 v8, v21;
	v7 =	vmax.f32 v7, v20;
	v5 =	vadd.f32 v22, v5  }
0xed: {  	v20 =	vld [tilespmem:s0+$0x6920];
	v7 =	vmax.f32 v7, v17;
	v2 =	vmax.f32 v4, v2;
	v10 =	vadd.f32 v29, v10  }
0xee: {  	v17 =	vld [tilespmem:s0+$0x6930];
	v7 =	vmax.f32 v7, v14;
	v6 =	vadd.f32 v0, v6;
	v5 =	vadd.f32 v28, v5  }
0xef: {  	v14 =	vld [tilespmem:s0+$0x6960];
	v0 =	vmax.f32 v2, v0;
	v7 =	vmax.f32 v7, v12;
	v10 =	vadd.f32 v27, v10  }
0xf0: {  	v8 =	vmax.f32 v8, v16;
	v12 =	vld [tilespmem:s0+$0x6970];
	v7 =	vmax.f32 v7, v9;
	v5 =	vadd.f32 v25, v5  }
0xf1: {  	v8 =	vmax.f32 v8, v11;
	v9 =	vld [tilespmem:s0+$0x69A0];
	v7 =	vmax.f32 v7, v15;
	v10 =	vadd.f32 v24, v10  }
0xf2: {  	v8 =	vmax.f32 v8, v18;
	v11 =	vld [tilespmem:s0+$0x69B0];
	v4 =	vmax.f32 v7, v19;
	v5 =	vadd.f32 v23, v5  }
0xf3: {  	v7 =	vmax.f32 v8, v22;
	v8 =	vld [tilespmem:s0+$0x69E0];
	v4 =	vmax.f32 v4, v29;
	v10 =	vadd.f32 v20, v10  }
0xf4: {  	v15 =	vld [tilespmem:s0+$0x69F0];
	v3 =	vmax.f32 v7, v28;
	v4 =	vmax.f32 v4, v27;
	v5 =	vadd.f32 v17, v5  }
0xf5: {  	s1 =	sshll.u32 s31, $0x9;
	v7 =	vld [tilespmem:s0+$0x6A20];
	v3 =	vmax.f32 v3, v25;
	v4 =	vmax.f32 v4, v24;
	v10 =	vadd.f32 v14, v10  }
0xf6: {  	s1 =	sand.u32 $0x3FFFFE00, s1;
	v16 =	vld [tilespmem:s0+$0x6A30];
	v3 =	vmax.f32 v3, v23;
	v4 =	vmax.f32 v4, v20;
	v5 =	vadd.f32 v12, v5  }
0xf7: {  	[tilespmem:s1+$0x12C00] =	vst v13;
	v2 =	vmax.f32 v3, v17;
	v3 =	vmax.f32 v4, v14;
	v10 =	vadd.f32 v9, v10  }
0xf8: {  	[tilespmem:s1+$0x12C40] =	vst v1;
	v2 =	vmax.f32 v2, v12;
	v1 =	vmax.f32 v3, v9;
	v5 =	vadd.f32 v11, v5  }
0xf9: {  	[tilespmem:s1+$0x12C50] =	vst v0;
	v0 =	vmax.f32 v2, v11;
	v1 =	vmax.f32 v1, v8;
	v10 =	vadd.f32 v8, v10  }
0xfa: {  	p0 =	seq.s32 s31, $0x1F;
	[tilespmem:s1+$0x12C10] =	vst v6;
	v0 =	vmax.f32 v0, v15;
	v1 =	vmax.f32 v1, v7;
	v3 =	vadd.f32 v15, v5  }
0xfb: {  	s0 =	smul.u32 @!p0 $0xC80, s31;
	v0 =	vmax.f32 v0, v16;
	[tilespmem:s1+$0x12C60] =	vst v1;
	v4 =	vadd.f32 v7, v10  }
0xfc: {  	[tilespmem:s1+$0x12C70] =	vst v0;
	v2 =	vadd.f32 v16, v3  }
0xfd: {  	s0 =	sshra.s32 @!p0 s0, $0x2;
	[tilespmem:s1+$0x12C20] =	vst v4  }
0xfe: {  	s11 =	simm.s32 @!p0 $0x80;
	s12 =	simm.s32 @!p0 $0x6400;
	s9 =	sadd.s32 @!p0 $0x320, s0;
	[tilespmem:s1+$0x12C30] =	vst v2  }
0xff: {  	[tilespmem:s12], [sflag:$0x1] =	stream.indirect.gather @!p0 [hbm4b:s3+s11], $0x40, s9, s11, $0xb8;
	[tilespmem:$0x16C00] =	vst v63  }
0x100: {  	s9 =	sadd.s32 @!p0 $0x3A0, s0;
	s11 =	simm.s32 @!p0 $0x48;
	s12 =	simm.s32 @!p0 $0x8400  }
0x101: {  	[tilespmem:s12], [sflag:$0x1] =	stream.indirect.gather @!p0 [hbm4b:s3+s11], $0x40, s9, s11, $0xb8;
	[tilespmem:$0x16C00] =	vst v63  }
0x102: {  	_ =	swait.ge [sflag:s25], $0x2000  }
0x103: {  	[sflag:s25] =	ssyncset.done $0x0  }
0x104: {  	[sflag:s25] =	ssyncadd.s32 $0xFFFFE000  }
0x105: {  	_ =	swait.ge [sflag:s25], $0x1200  }
0x106: {  	[sflag:s25] =	ssyncset.done $0x0  }
0x107: {  	s9 =	simm.s32 $0x0;
	[sflag:s25] =	ssyncadd.s32 $0xFFFFEE00  }
0x108: {  	v7 =	vld [tilespmem:s9+$0x9600]  }
0x109: {  	v1 =	vld [tilespmem:s9+$0x9C00]  }
0x10a: {  	v8 =	vld [tilespmem:s9+$0x9640]  }
0x10b: {  	v0 =	vld [tilespmem:s9+$0x9C10]  }
0x10c: {  	v19 =	vld [tilespmem:s9+$0x9680]  }
0x10d: {  	v18 =	vimm.f32 $0.0e+00;
	v3 =	vld [tilespmem:s9+$0x9BC0]  }
0x10e: {  	v26 =	vld [tilespmem:s9+$0x96C0];
	v4 =	vadd.f32 v7, v18  }
0x10f: {  	v2 =	vld [tilespmem:s9+$0x9BD0]  }
0x110: {  	v30 =	vld [tilespmem:s9+$0x9700];
	v4 =	vadd.f32 v8, v4  }
0x111: {  	v5 =	vld [tilespmem:s9+$0x9B80]  }
0x112: {  	v58 =	vld [tilespmem:s9+$0x9740];
	v6 =	vadd.f32 v19, v4  }
0x113: {  	v59 =	vld [tilespmem:s9+$0x9780]  }
0x114: {  	v10 =	vld [tilespmem:s9+$0x9B40];
	v6 =	vadd.f32 v26, v6  }
0x115: {  	v60 =	vld [tilespmem:s9+$0x97C0]  }
0x116: {  	v61 =	vld [tilespmem:s9+$0x9800];
	v9 =	vadd.f32 v30, v6  }
0x117: {  	v12 =	vld [tilespmem:s9+$0x9B00]  }
0x118: {  	v20 =	vld [tilespmem:s9+$0x9840];
	v9 =	vadd.f32 v58, v9  }
0x119: {  	v38 =	vld [tilespmem:s9+$0x9880]  }
0x11a: {  	v14 =	vld [tilespmem:s9+$0x9AC0];
	v11 =	vadd.f32 v59, v9  }
0x11b: {  	v40 =	vld [tilespmem:s9+$0x98C0]  }
0x11c: {  	v41 =	vld [tilespmem:s9+$0x9900];
	v11 =	vadd.f32 v60, v11  }
0x11d: {  	v37 =	vld [tilespmem:s9+$0x9610]  }
0x11e: {  	v28 =	vld [tilespmem:s9+$0x9940];
	v13 =	vadd.f32 v61, v11  }
0x11f: {  	v33 =	vld [tilespmem:s9+$0x9650]  }
0x120: {  	v27 =	vld [tilespmem:s9+$0x9980];
	v13 =	vadd.f32 v20, v13  }
0x121: {  	v29 =	vld [tilespmem:s9+$0x9690]  }
0x122: {  	v25 =	vld [tilespmem:s9+$0x99C0];
	v13 =	vadd.f32 v38, v13  }
0x123: {  	v31 =	vld [tilespmem:s9+$0x96D0]  }
0x124: {  	v24 =	vld [tilespmem:s9+$0x9A00];
	v13 =	vadd.f32 v40, v13  }
0x125: {  	v32 =	vld [tilespmem:s9+$0x9710]  }
0x126: {  	v23 =	vld [tilespmem:s9+$0x9A40];
	v13 =	vadd.f32 v41, v13  }
0x127: {  	v17 =	vld [tilespmem:s9+$0x9A80];
	v15 =	vadd.f32 v37, v18  }
0x128: {  	v35 =	vld [tilespmem:s9+$0x9750];
	v13 =	vadd.f32 v28, v13  }
0x129: {  	v36 =	vld [tilespmem:s9+$0x9790];
	v15 =	vadd.f32 v33, v15  }
0x12a: {  	v39 =	vld [tilespmem:s9+$0x97D0];
	v13 =	vadd.f32 v27, v13  }
0x12b: {  	v42 =	vld [tilespmem:s9+$0x9810];
	v15 =	vadd.f32 v29, v15  }
0x12c: {  	v43 =	vld [tilespmem:s9+$0x9850];
	v13 =	vadd.f32 v25, v13  }
0x12d: {  	v44 =	vld [tilespmem:s9+$0x9890];
	v16 =	vadd.f32 v31, v15  }
0x12e: {  	v46 =	vld [tilespmem:s9+$0x98D0];
	v13 =	vadd.f32 v24, v13  }
0x12f: {  	v45 =	vld [tilespmem:s9+$0x9910];
	v21 =	vadd.f32 v32, v16  }
0x130: {  	v4 =	vld [tilespmem:s9+$0x9B90];
	v22 =	vadd.f32 v23, v13  }
0x131: {  	v15 =	vld [tilespmem:s9+$0x9A90];
	v62 =	vadd.f32 v35, v21;
	v13 =	vimm.f32 $-Inf  }
0x132: {  	v6 =	vld [tilespmem:s9+$0x9B50];
	v7 =	vmax.f32 v13, v7;
	v63 =	vadd.f32 v17, v22  }
0x133: {  	v16 =	vld [tilespmem:s9+$0x9A50];
	v7 =	vmax.f32 v7, v8;
	v8 =	vadd.f32 v36, v62  }
0x134: {  	v21 =	vld [tilespmem:s9+$0x9A10];
	v7 =	vmax.f32 v7, v19;
	v19 =	vadd.f32 v14, v63  }
0x135: {  	v9 =	vld [tilespmem:s9+$0x9B10];
	v7 =	vmax.f32 v7, v26;
	v8 =	vadd.f32 v39, v8  }
0x136: {  	v11 =	vld [tilespmem:s9+$0x9AD0];
	v7 =	vmax.f32 v7, v30;
	v19 =	vadd.f32 v12, v19  }
0x137: {  	v22 =	vld [tilespmem:s9+$0x99D0];
	v7 =	vmax.f32 v7, v58;
	v8 =	vadd.f32 v42, v8  }
0x138: {  	v34 =	vimm.f32 $0.0e+00;
	v26 =	vld [tilespmem:s9+$0x9990];
	v7 =	vmax.f32 v7, v59;
	v19 =	vadd.f32 v10, v19  }
0x139: {  	v30 =	vld [tilespmem:s9+$0x9950];
	v7 =	vmax.f32 v7, v60;
	v48 =	vadd.f32 v43, v8;
	v8 =	vimm.f32 $-Inf  }
0x13a: {  	s11 =	simm.s32 $0x1900;
	v50 =	vmax.f32 v7, v61;
	v7 =	vimm.f32 $-Inf;
	v49 =	vadd.f32 v5, v19;
	v19 =	vld [tilespmem:s9+$0x9620]  }
.LBB2_5:
0x13b: {  	p1 =	sne.s32 s11, $0xAF00;
	v47 =	vld [tilespmem:s9+$0x9630];
	v20 =	vmax.f32 v50, v20;
	v50 =	vadd.f32 v44, v48  }
0x13c: {  	v48 =	vld [tilespmem:s9+$0x9660];
	v20 =	vmax.f32 v20, v38;
	v49 =	vadd.f32 v3, v49  }
0x13d: {  	v38 =	vld [tilespmem:s9+$0x9670];
	v20 =	vmax.f32 v20, v40;
	v50 =	vadd.f32 v46, v50  }
0x13e: {  	v40 =	vld [tilespmem:s9+$0x96A0];
	v41 =	vmax.f32 v20, v41;
	v20 =	vadd.f32 v1, v49  }
0x13f: {  	v13 =	vmax.f32 v13, v37;
	v37 =	vadd.f32 v19, v18;
	v18 =	vld [tilespmem:s9+$0x96B0];
	v49 =	vadd.f32 v45, v50  }
0x140: {  	v13 =	vmax.f32 v13, v33;
	v41 =	vmax.f32 v41, v28;
	v34 =	vadd.f32 v47, v34;
	v33 =	vld [tilespmem:s9+$0x96E0]  }
0x141: {  	v13 =	vmax.f32 v13, v29;
	v37 =	vadd.f32 v48, v37;
	v28 =	vld [tilespmem:s9+$0x96F0];
	v29 =	vadd.f32 v30, v49  }
0x142: {  	v13 =	vmax.f32 v13, v31;
	v27 =	vmax.f32 v41, v27;
	v34 =	vadd.f32 v38, v34;
	v31 =	vld [tilespmem:s9+$0x9720]  }
0x143: {  	v13 =	vmax.f32 v13, v32;
	v37 =	vadd.f32 v40, v37;
	v32 =	vld [tilespmem:s9+$0x9730];
	v29 =	vadd.f32 v26, v29  }
0x144: {  	v13 =	vmax.f32 v13, v35;
	v25 =	vmax.f32 v27, v25;
	v34 =	vadd.f32 v18, v34;
	v35 =	vld [tilespmem:s9+$0x9760]  }
0x145: {  	v13 =	vmax.f32 v13, v36;
	v27 =	vadd.f32 v33, v37;
	v37 =	vld [tilespmem:s9+$0x9770];
	v29 =	vadd.f32 v22, v29  }
0x146: {  	v13 =	vmax.f32 v13, v39;
	v24 =	vmax.f32 v25, v24;
	v34 =	vadd.f32 v28, v34;
	v36 =	vld [tilespmem:s9+$0x97A0]  }
0x147: {  	v13 =	vmax.f32 v13, v42;
	v25 =	vadd.f32 v31, v27;
	v27 =	vld [tilespmem:s9+$0x97B0];
	v29 =	vadd.f32 v21, v29  }
0x148: {  	v23 =	vmax.f32 v24, v23;
	v13 =	vmax.f32 v13, v43;
	v34 =	vadd.f32 v32, v34;
	v39 =	vld [tilespmem:s9+$0x97E0]  }
0x149: {  	v13 =	vmax.f32 v13, v44;
	v24 =	vadd.f32 v35, v25;
	v25 =	vld [tilespmem:s9+$0x97F0];
	v29 =	vadd.f32 v16, v29  }
0x14a: {  	v17 =	vmax.f32 v23, v17;
	v13 =	vmax.f32 v13, v46;
	v34 =	vadd.f32 v37, v34;
	v41 =	vld [tilespmem:s9+$0x9820]  }
0x14b: {  	v13 =	vmax.f32 v13, v45;
	v23 =	vadd.f32 v36, v24;
	v24 =	vld [tilespmem:s9+$0x9830];
	v29 =	vadd.f32 v15, v29  }
0x14c: {  	v14 =	vmax.f32 v17, v14;
	v13 =	vmax.f32 v13, v30;
	v34 =	vadd.f32 v27, v34;
	v42 =	vld [tilespmem:s9+$0x9860]  }
0x14d: {  	v13 =	vmax.f32 v13, v26;
	v17 =	vadd.f32 v39, v23;
	v23 =	vld [tilespmem:s9+$0x9870];
	v26 =	vadd.f32 v11, v29  }
0x14e: {  	v12 =	vmax.f32 v14, v12;
	v13 =	vmax.f32 v13, v22;
	v29 =	vadd.f32 v25, v34;
	v30 =	vld [tilespmem:s9+$0x98A0]  }
0x14f: {  	v13 =	vmax.f32 v13, v21;
	v14 =	vadd.f32 v41, v17;
	v17 =	vld [tilespmem:s9+$0x98B0];
	v21 =	vadd.f32 v9, v26  }
0x150: {  	v10 =	vmax.f32 v12, v10;
	v13 =	vmax.f32 v13, v16;
	v22 =	vadd.f32 v24, v29;
	v26 =	vld [tilespmem:s9+$0x98E0]  }
0x151: {  	v13 =	vmax.f32 v13, v15;
	v12 =	vadd.f32 v42, v14;
	v14 =	vld [tilespmem:s9+$0x98F0];
	v15 =	vadd.f32 v6, v21  }
0x152: {  	v5 =	vmax.f32 v10, v5;
	v11 =	vmax.f32 v13, v11;
	v16 =	vadd.f32 v23, v22;
	v21 =	vld [tilespmem:s9+$0x9920]  }
0x153: {  	v9 =	vmax.f32 v11, v9;
	v10 =	vadd.f32 v30, v12;
	v12 =	vld [tilespmem:s9+$0x9930];
	v11 =	vadd.f32 v4, v15  }
0x154: {  	v3 =	vmax.f32 v5, v3;
	v6 =	vmax.f32 v9, v6;
	v13 =	vadd.f32 v17, v16;
	v16 =	vld [tilespmem:s9+$0x9960]  }
0x155: {  	v4 =	vmax.f32 v6, v4;
	v5 =	vadd.f32 v26, v10;
	v9 =	vld [tilespmem:s9+$0x9970];
	v6 =	vadd.f32 v2, v11  }
0x156: {  	v22 =	vmax.f32 v3, v1;
	v2 =	vmax.f32 v4, v2;
	v10 =	vadd.f32 v14, v13;
	v11 =	vld [tilespmem:s9+$0x99A0]  }
0x157: {  	v13 =	vmax.f32 v2, v0;
	v1 =	vadd.f32 v21, v5;
	v3 =	vld [tilespmem:s9+$0x99B0];
	v15 =	vadd.f32 v0, v6  }
0x158: {  	v2 =	vmax.f32 v8, v47;
	v0 =	vmax.f32 v7, v19;
	v4 =	vadd.f32 v12, v10;
	v5 =	vld [tilespmem:s9+$0x99E0]  }
0x159: {  	v2 =	vmax.f32 v2, v38;
	v0 =	vmax.f32 v0, v48;
	v1 =	vadd.f32 v16, v1;
	v6 =	vld [tilespmem:s9+$0x99F0]  }
0x15a: {  	v2 =	vmax.f32 v2, v18;
	v0 =	vmax.f32 v0, v40;
	v4 =	vadd.f32 v9, v4;
	v7 =	vld [tilespmem:s9+$0x9A20]  }
0x15b: {  	v2 =	vmax.f32 v2, v28;
	v0 =	vmax.f32 v0, v33;
	v1 =	vadd.f32 v11, v1;
	v8 =	vld [tilespmem:s9+$0x9A30]  }
0x15c: {  	v2 =	vmax.f32 v2, v32;
	v0 =	vmax.f32 v0, v31;
	v4 =	vadd.f32 v3, v4;
	v10 =	vld [tilespmem:s9+$0x9A60]  }
0x15d: {  	v2 =	vmax.f32 v2, v37;
	v0 =	vmax.f32 v0, v35;
	v1 =	vadd.f32 v5, v1;
	v18 =	vld [tilespmem:s9+$0x9A70]  }
0x15e: {  	v2 =	vmax.f32 v2, v27;
	v0 =	vmax.f32 v0, v36;
	v4 =	vadd.f32 v6, v4;
	v19 =	vld [tilespmem:s9+$0x9AA0]  }
0x15f: {  	v2 =	vmax.f32 v2, v25;
	v0 =	vmax.f32 v0, v39;
	v1 =	vadd.f32 v7, v1;
	v25 =	vld [tilespmem:s9+$0x9AB0]  }
0x160: {  	v2 =	vmax.f32 v2, v24;
	v0 =	vmax.f32 v0, v41;
	v4 =	vadd.f32 v8, v4;
	v24 =	vld [tilespmem:s9+$0x9AE0]  }
0x161: {  	v2 =	vmax.f32 v2, v23;
	v0 =	vmax.f32 v0, v42;
	v1 =	vadd.f32 v10, v1;
	v23 =	vld [tilespmem:s9+$0x9AF0]  }
0x162: {  	v2 =	vmax.f32 v2, v17;
	v0 =	vmax.f32 v0, v30;
	v4 =	vadd.f32 v18, v4;
	v17 =	vld [tilespmem:s9+$0x9B20]  }
0x163: {  	v2 =	vmax.f32 v2, v14;
	v0 =	vmax.f32 v0, v26;
	v1 =	vadd.f32 v19, v1;
	v14 =	vld [tilespmem:s9+$0x9B30]  }
0x164: {  	v2 =	vmax.f32 v2, v12;
	v0 =	vmax.f32 v0, v21;
	v4 =	vadd.f32 v25, v4;
	v12 =	vld [tilespmem:s9+$0x9B60]  }
0x165: {  	v2 =	vmax.f32 v2, v9;
	v0 =	vmax.f32 v0, v16;
	v1 =	vadd.f32 v24, v1;
	v9 =	vld [tilespmem:s9+$0x9B70]  }
0x166: {  	v2 =	vmax.f32 v2, v3;
	v0 =	vmax.f32 v0, v11;
	v3 =	vadd.f32 v23, v4;
	v4 =	vld [tilespmem:s9+$0x9BA0]  }
0x167: {  	v2 =	vmax.f32 v2, v6;
	v0 =	vmax.f32 v0, v5;
	v1 =	vadd.f32 v17, v1;
	v5 =	vld [tilespmem:s9+$0x9BB0]  }
0x168: {  	v2 =	vmax.f32 v2, v8;
	v0 =	vmax.f32 v0, v7;
	v3 =	vadd.f32 v14, v3;
	v6 =	vld [tilespmem:s9+$0x9BE0]  }
0x169: {  	v2 =	vmax.f32 v2, v18;
	v0 =	vmax.f32 v0, v10;
	v1 =	vadd.f32 v12, v1;
	v7 =	vld [tilespmem:s9+$0x9BF0]  }
0x16a: {  	v2 =	vmax.f32 v2, v25;
	v0 =	vmax.f32 v0, v19;
	v3 =	vadd.f32 v9, v3;
	v8 =	vld [tilespmem:s9+$0x9C20]  }
0x16b: {  	v2 =	vmax.f32 v2, v23;
	v0 =	vmax.f32 v0, v24;
	v10 =	vadd.f32 v4, v1;
	v11 =	vld [tilespmem:s9+$0x9C30];
	s9 =	sshra.s32 s11, $0x2  }
0x16c: {  	v2 =	vmax.f32 v2, v14;
	v0 =	vmax.f32 v0, v17;
	v1 =	vld [tilespmem:s9+$0x9C00];
	v3 =	vadd.f32 v5, v3  }
0x16d: {  	v2 =	vmax.f32 v2, v9;
	v12 =	vmax.f32 v0, v12;
	v19 =	vld [tilespmem:s9+$0x9600];
	v9 =	vadd.f32 v6, v10  }
0x16e: {  	v2 =	vmax.f32 v2, v5;
	v4 =	vmax.f32 v12, v4;
	v0 =	vld [tilespmem:s9+$0x9C10];
	v5 =	vadd.f32 v7, v3  }
0x16f: {  	v4 =	vmax.f32 v4, v6;
	v2 =	vmax.f32 v2, v7;
	v26 =	vld [tilespmem:s9+$0x9640];
	v18 =	vadd.f32 v8, v9  }
0x170: {  	v7 =	vmax.f32 v4, v8;
	v3 =	vld [tilespmem:s9+$0x9BC0];
	v34 =	vadd.f32 v11, v5;
	v8 =	vmax.f32 v2, v11  }
0x171: {  	v30 =	vld [tilespmem:s9+$0x9680]  }
0x172: {  	v4 =	vadd.f32 v19, v20;
	v2 =	vld [tilespmem:s9+$0x9BD0]  }
0x173: {  	v44 =	vld [tilespmem:s9+$0x96C0]  }
0x174: {  	v4 =	vadd.f32 v26, v4;
	v5 =	vld [tilespmem:s9+$0x9B80]  }
0x175: {  	v45 =	vld [tilespmem:s9+$0x9700]  }
0x176: {  	v6 =	vadd.f32 v30, v4;
	v4 =	vld [tilespmem:s9+$0x9B90]  }
0x177: {  	v46 =	vld [tilespmem:s9+$0x9740]  }
0x178: {  	v6 =	vadd.f32 v44, v6;
	v10 =	vld [tilespmem:s9+$0x9B40]  }
0x179: {  	v47 =	vld [tilespmem:s9+$0x9780]  }
0x17a: {  	v9 =	vadd.f32 v45, v6;
	v6 =	vld [tilespmem:s9+$0x9B50]  }
0x17b: {  	v48 =	vld [tilespmem:s9+$0x97C0]  }
0x17c: {  	v9 =	vadd.f32 v46, v9;
	v12 =	vld [tilespmem:s9+$0x9B00]  }
0x17d: {  	v49 =	vld [tilespmem:s9+$0x9800]  }
0x17e: {  	v11 =	vadd.f32 v47, v9;
	v9 =	vld [tilespmem:s9+$0x9B10]  }
0x17f: {  	v20 =	vld [tilespmem:s9+$0x9840]  }
0x180: {  	v11 =	vadd.f32 v48, v11;
	v14 =	vld [tilespmem:s9+$0x9AC0]  }
0x181: {  	v38 =	vld [tilespmem:s9+$0x9880]  }
0x182: {  	v16 =	vadd.f32 v49, v11;
	v11 =	vld [tilespmem:s9+$0x9AD0]  }
0x183: {  	v40 =	vld [tilespmem:s9+$0x98C0]  }
0x184: {  	v16 =	vadd.f32 v20, v16;
	v17 =	vld [tilespmem:s9+$0x9A80]  }
0x185: {  	v41 =	vld [tilespmem:s9+$0x9900]  }
0x186: {  	v37 =	vld [tilespmem:s9+$0x9610];
	v16 =	vadd.f32 v38, v16  }
0x187: {  	v28 =	vld [tilespmem:s9+$0x9940]  }
0x188: {  	v33 =	vld [tilespmem:s9+$0x9650];
	v16 =	vadd.f32 v40, v16  }
0x189: {  	v27 =	vld [tilespmem:s9+$0x9980]  }
0x18a: {  	v29 =	vld [tilespmem:s9+$0x9690];
	v16 =	vadd.f32 v41, v16  }
0x18b: {  	v15 =	vadd.f32 v37, v15;
	v25 =	vld [tilespmem:s9+$0x99C0]  }
0x18c: {  	v31 =	vld [tilespmem:s9+$0x96D0];
	v16 =	vadd.f32 v28, v16  }
0x18d: {  	v15 =	vadd.f32 v33, v15;
	v24 =	vld [tilespmem:s9+$0x9A00]  }
0x18e: {  	v32 =	vld [tilespmem:s9+$0x9710];
	v16 =	vadd.f32 v27, v16  }
0x18f: {  	v15 =	vadd.f32 v29, v15;
	v23 =	vld [tilespmem:s9+$0x9A40]  }
0x190: {  	v35 =	vld [tilespmem:s9+$0x9750];
	v16 =	vadd.f32 v25, v16  }
0x191: {  	v21 =	vadd.f32 v31, v15;
	v15 =	vld [tilespmem:s9+$0x9A90]  }
0x192: {  	v36 =	vld [tilespmem:s9+$0x9790];
	v42 =	vadd.f32 v24, v16  }
0x193: {  	v21 =	vadd.f32 v32, v21;
	v16 =	vld [tilespmem:s9+$0x9A50]  }
0x194: {  	v39 =	vld [tilespmem:s9+$0x97D0];
	v43 =	vadd.f32 v23, v42  }
0x195: {  	v50 =	vadd.f32 v35, v21;
	v21 =	vld [tilespmem:s9+$0x9A10]  }
0x196: {  	v19 =	vmax.f32 v22, v19;
	v42 =	vld [tilespmem:s9+$0x9810];
	v51 =	vadd.f32 v17, v43  }
0x197: {  	v19 =	vmax.f32 v19, v26;
	v26 =	vadd.f32 v36, v50;
	v22 =	vld [tilespmem:s9+$0x99D0]  }
0x198: {  	v19 =	vmax.f32 v19, v30;
	v43 =	vld [tilespmem:s9+$0x9850];
	v30 =	vadd.f32 v14, v51  }
0x199: {  	v19 =	vmax.f32 v19, v44;
	v50 =	vadd.f32 v39, v26;
	v26 =	vld [tilespmem:s9+$0x9990]  }
.Ltmp3:
0x19a: {  	v19 =	vmax.f32 v19, v45;
	v44 =	vld [tilespmem:s9+$0x9890];
	v45 =	vadd.f32 v12, v30;
	(pc) =	sbr.rel @p1 .LBB2_5-.Ltmp3, $4  }
0x19b: {  	v19 =	vmax.f32 v19, v46;
	v50 =	vadd.f32 v42, v50;
	v30 =	vld [tilespmem:s9+$0x9950]  }
0x19c: {  	v19 =	vmax.f32 v19, v47;
	v46 =	vld [tilespmem:s9+$0x98D0];
	v47 =	vadd.f32 v10, v45  }
0x19d: {  	v51 =	vmax.f32 v19, v48;
	v48 =	vadd.f32 v43, v50;
	v45 =	vld [tilespmem:s9+$0x9910]  }
0x19e: {  	s11 =	sadd.s32 $0x1900, s11;
	v50 =	vmax.f32 v51, v49;
	v19 =	vld [tilespmem:s9+$0x9620];
	v49 =	vadd.f32 v5, v47  }
0x19f: {  	v47 =	vld [tilespmem:s9+$0x9630]  }
0x1a0: {  	v20 =	vmax.f32 v50, v20;
	v50 =	vld [tilespmem:s9+$0x9660];
	v48 =	vadd.f32 v44, v48;
	v13 =	vmax.f32 v13, v37  }
0x1a1: {  	v58 =	vld [tilespmem:s9+$0x9670];
	v20 =	vmax.f32 v20, v38;
	v33 =	vmax.f32 v13, v33  }
0x1a2: {  	v59 =	vld [tilespmem:s9+$0x96A0];
	v20 =	vmax.f32 v20, v40;
	v48 =	vadd.f32 v46, v48;
	v29 =	vmax.f32 v33, v29  }
0x1a3: {  	v60 =	vld [tilespmem:s9+$0x96B0];
	v49 =	vadd.f32 v3, v49;
	v20 =	vmax.f32 v20, v41;
	v29 =	vmax.f32 v29, v31  }
0x1a4: {  	v61 =	vld [tilespmem:s9+$0x96E0];
	v18 =	vadd.f32 v19, v18;
	v48 =	vadd.f32 v45, v48;
	v20 =	vmax.f32 v20, v28  }
0x1a5: {  	v51 =	vld [tilespmem:s9+$0x96F0];
	v29 =	vmax.f32 v29, v32;
	v7 =	vmax.f32 v7, v19;
	v34 =	vadd.f32 v47, v34  }
0x1a6: {  	v62 =	vld [tilespmem:s9+$0x9720];
	v20 =	vmax.f32 v20, v27;
	v29 =	vmax.f32 v29, v35;
	v18 =	vadd.f32 v50, v18  }
0x1a7: {  	v52 =	vld [tilespmem:s9+$0x9730];
	v8 =	vmax.f32 v8, v47;
	v7 =	vmax.f32 v7, v50;
	v28 =	vadd.f32 v58, v34  }
0x1a8: {  	v53 =	vld [tilespmem:s9+$0x9770];
	v63 =	vadd.f32 v30, v48;
	v20 =	vmax.f32 v20, v25;
	v18 =	vadd.f32 v59, v18  }
0x1a9: {  	v29 =	vmax.f32 v29, v36;
	v8 =	vmax.f32 v8, v58;
	v27 =	vadd.f32 v60, v28;
	v28 =	vld [tilespmem:s9+$0x9760]  }
0x1aa: {  	v54 =	vld [tilespmem:s9+$0x97B0];
	v7 =	vmax.f32 v7, v59;
	v31 =	vadd.f32 v26, v63;
	v18 =	vadd.f32 v61, v18  }
0x1ab: {  	v29 =	vmax.f32 v29, v39;
	v20 =	vmax.f32 v20, v24;
	v25 =	vadd.f32 v51, v27;
	v27 =	vld [tilespmem:s9+$0x97A0]  }
0x1ac: {  	v55 =	vld [tilespmem:s9+$0x97F0];
	v8 =	vmax.f32 v8, v60;
	v31 =	vadd.f32 v22, v31;
	v18 =	vadd.f32 v62, v18  }
0x1ad: {  	v29 =	vmax.f32 v29, v42;
	v20 =	vmax.f32 v20, v23;
	v24 =	vadd.f32 v52, v25;
	v25 =	vld [tilespmem:s9+$0x97E0]  }
0x1ae: {  	v56 =	vld [tilespmem:s9+$0x9830];
	v8 =	vmax.f32 v8, v51;
	v31 =	vadd.f32 v21, v31;
	v18 =	vadd.f32 v28, v18  }
0x1af: {  	v29 =	vmax.f32 v29, v43;
	v17 =	vmax.f32 v20, v17;
	v23 =	vadd.f32 v53, v24;
	v24 =	vld [tilespmem:s9+$0x9820]  }
0x1b0: {  	v57 =	vld [tilespmem:s9+$0x9870];
	v29 =	vmax.f32 v29, v44;
	v31 =	vadd.f32 v16, v31;
	v18 =	vadd.f32 v27, v18  }
0x1b1: {  	v8 =	vmax.f32 v8, v52;
	v29 =	vmax.f32 v29, v46;
	v20 =	vadd.f32 v54, v23;
	v23 =	vld [tilespmem:s9+$0x9860]  }
0x1b2: {  	v19 =	vld [tilespmem:s9+$0x9A20];
	v29 =	vmax.f32 v29, v45;
	v31 =	vadd.f32 v15, v31;
	v18 =	vadd.f32 v25, v18  }
0x1b3: {  	v14 =	vmax.f32 v17, v14;
	v29 =	vmax.f32 v29, v30;
	v17 =	vadd.f32 v55, v20;
	v20 =	vld [tilespmem:s9+$0x98A0]  }
0x1b4: {  	v30 =	vld [tilespmem:s9+$0x98B0];
	v26 =	vmax.f32 v29, v26;
	v29 =	vadd.f32 v11, v31;
	v18 =	vadd.f32 v24, v18  }
0x1b5: {  	v12 =	vmax.f32 v14, v12;
	v22 =	vmax.f32 v26, v22;
	v14 =	vadd.f32 v56, v17;
	v17 =	vld [tilespmem:s9+$0x98E0]  }
0x1b6: {  	v26 =	vld [tilespmem:s9+$0x98F0];
	v21 =	vmax.f32 v22, v21;
	v22 =	vadd.f32 v9, v29;
	v18 =	vadd.f32 v23, v18  }
0x1b7: {  	v10 =	vmax.f32 v12, v10;
	v16 =	vmax.f32 v21, v16;
	v12 =	vadd.f32 v57, v14;
	v14 =	vld [tilespmem:s9+$0x9920]  }
0x1b8: {  	v21 =	vld [tilespmem:s9+$0x9930];
	v15 =	vmax.f32 v16, v15;
	v16 =	vadd.f32 v6, v22;
	v18 =	vadd.f32 v20, v18  }
0x1b9: {  	v5 =	vmax.f32 v10, v5;
	v11 =	vmax.f32 v15, v11;
	v10 =	vadd.f32 v30, v12;
	v12 =	vld [tilespmem:s9+$0x9960]  }
0x1ba: {  	v9 =	vmax.f32 v11, v9;
	v11 =	vadd.f32 v4, v16;
	v16 =	vld [tilespmem:s9+$0x9970];
	v15 =	vadd.f32 v17, v18  }
0x1bb: {  	v3 =	vmax.f32 v5, v3;
	v6 =	vmax.f32 v9, v6;
	v9 =	vld [tilespmem:s9+$0x99A0];
	v5 =	vadd.f32 v26, v10  }
0x1bc: {  	v4 =	vmax.f32 v6, v4;
	v6 =	vadd.f32 v2, v11;
	v11 =	vld [tilespmem:s9+$0x99B0];
	v10 =	vadd.f32 v14, v15  }
0x1bd: {  	v7 =	vmax.f32 v7, v61;
	v8 =	vmax.f32 v8, v53;
	v15 =	vld [tilespmem:s9+$0x99E0];
	v5 =	vadd.f32 v21, v5  }
0x1be: {  	v7 =	vmax.f32 v7, v62;
	v8 =	vmax.f32 v8, v54;
	v18 =	vld [tilespmem:s9+$0x99F0];
	v10 =	vadd.f32 v12, v10  }
0x1bf: {  	v8 =	vmax.f32 v8, v55;
	v7 =	vmax.f32 v7, v28;
	v28 =	vld [tilespmem:s9+$0x9A70];
	v5 =	vadd.f32 v16, v5  }
0x1c0: {  	v13 =	vadd.f32 v1, v49;
	v8 =	vmax.f32 v8, v56;
	v22 =	vld [tilespmem:s9+$0x9A30];
	v10 =	vadd.f32 v9, v10  }
0x1c1: {  	v8 =	vmax.f32 v8, v57;
	v7 =	vmax.f32 v7, v27;
	v29 =	vld [tilespmem:s9+$0x9A60];
	v5 =	vadd.f32 v11, v5  }
0x1c2: {  	v1 =	vmax.f32 v3, v1;
	v27 =	vld [tilespmem:s9+$0x9AA0];
	v7 =	vmax.f32 v7, v25;
	v10 =	vadd.f32 v15, v10  }
0x1c3: {  	v25 =	vld [tilespmem:s9+$0x9AB0];
	v8 =	vmax.f32 v8, v30;
	v7 =	vmax.f32 v7, v24;
	v5 =	vadd.f32 v18, v5  }
0x1c4: {  	v24 =	vld [tilespmem:s9+$0x9AE0];
	v8 =	vmax.f32 v8, v26;
	v7 =	vmax.f32 v7, v23;
	v10 =	vadd.f32 v19, v10  }
0x1c5: {  	v23 =	vld [tilespmem:s9+$0x9AF0];
	v8 =	vmax.f32 v8, v21;
	v7 =	vmax.f32 v7, v20;
	v5 =	vadd.f32 v22, v5  }
0x1c6: {  	v20 =	vld [tilespmem:s9+$0x9B20];
	v7 =	vmax.f32 v7, v17;
	v2 =	vmax.f32 v4, v2;
	v10 =	vadd.f32 v29, v10  }
0x1c7: {  	v17 =	vld [tilespmem:s9+$0x9B30];
	v7 =	vmax.f32 v7, v14;
	v6 =	vadd.f32 v0, v6;
	v5 =	vadd.f32 v28, v5  }
0x1c8: {  	v14 =	vld [tilespmem:s9+$0x9B60];
	v0 =	vmax.f32 v2, v0;
	v7 =	vmax.f32 v7, v12;
	v10 =	vadd.f32 v27, v10  }
0x1c9: {  	v8 =	vmax.f32 v8, v16;
	v12 =	vld [tilespmem:s9+$0x9B70];
	v7 =	vmax.f32 v7, v9;
	v5 =	vadd.f32 v25, v5  }
0x1ca: {  	v8 =	vmax.f32 v8, v11;
	v9 =	vld [tilespmem:s9+$0x9BA0];
	v7 =	vmax.f32 v7, v15;
	v10 =	vadd.f32 v24, v10  }
0x1cb: {  	v8 =	vmax.f32 v8, v18;
	v11 =	vld [tilespmem:s9+$0x9BB0];
	v4 =	vmax.f32 v7, v19;
	v5 =	vadd.f32 v23, v5  }
0x1cc: {  	v7 =	vmax.f32 v8, v22;
	v8 =	vld [tilespmem:s9+$0x9BE0];
	v4 =	vmax.f32 v4, v29;
	v10 =	vadd.f32 v20, v10  }
0x1cd: {  	v15 =	vld [tilespmem:s9+$0x9BF0];
	v3 =	vmax.f32 v7, v28;
	v4 =	vmax.f32 v4, v27;
	v5 =	vadd.f32 v17, v5  }
0x1ce: {  	v7 =	vld [tilespmem:s9+$0x9C20];
	v3 =	vmax.f32 v3, v25;
	v4 =	vmax.f32 v4, v24;
	v10 =	vadd.f32 v14, v10  }
0x1cf: {  	v16 =	vld [tilespmem:s9+$0x9C30];
	v3 =	vmax.f32 v3, v23;
	v4 =	vmax.f32 v4, v20;
	v5 =	vadd.f32 v12, v5  }
0x1d0: {  	[tilespmem:s1+$0x12C80] =	vst v13;
	v2 =	vmax.f32 v3, v17;
	v3 =	vmax.f32 v4, v14;
	v10 =	vadd.f32 v9, v10  }
0x1d1: {  	[tilespmem:s1+$0x12CC0] =	vst v1;
	v2 =	vmax.f32 v2, v12;
	v1 =	vmax.f32 v3, v9;
	v5 =	vadd.f32 v11, v5  }
0x1d2: {  	[tilespmem:s1+$0x12CD0] =	vst v0;
	v0 =	vmax.f32 v2, v11;
	v1 =	vmax.f32 v1, v8;
	v10 =	vadd.f32 v8, v10  }
0x1d3: {  	[tilespmem:s1+$0x12C90] =	vst v6;
	v0 =	vmax.f32 v0, v15;
	v1 =	vmax.f32 v1, v7;
	v3 =	vadd.f32 v15, v5  }
0x1d4: {  	v0 =	vmax.f32 v0, v16;
	[tilespmem:s1+$0x12CE0] =	vst v1;
	v4 =	vadd.f32 v7, v10  }
0x1d5: {  	[tilespmem:s1+$0x12CF0] =	vst v0;
	v2 =	vadd.f32 v16, v3  }
0x1d6: {  	[tilespmem:s1+$0x12CA0] =	vst v4  }
0x1d7: {  	s11 =	simm.s32 @!p0 $0x80;
	s12 =	simm.s32 @!p0 $0x9600;
	s9 =	sadd.s32 @!p0 $0x3E8, s0;
	[tilespmem:s1+$0x12CB0] =	vst v2  }
0x1d8: {  	[tilespmem:s12], [sflag:$0x2] =	stream.indirect.gather @!p0 [hbm4b:s3+s11], $0x40, s9, s11, $0xb8;
	[tilespmem:$0x16C00] =	vst v63  }
0x1d9: {  	s9 =	sadd.s32 @!p0 $0x468, s0;
	s11 =	simm.s32 @!p0 $0x48;
	s12 =	simm.s32 @!p0 $0xB600  }
0x1da: {  	[tilespmem:s12], [sflag:$0x2] =	stream.indirect.gather @!p0 [hbm4b:s3+s11], $0x40, s9, s11, $0xb8;
	[tilespmem:$0x16C00] =	vst v63  }
0x1db: {  	_ =	swait.ge [sflag:s26], $0x2000  }
0x1dc: {  	[sflag:s26] =	ssyncset.done $0x0  }
0x1dd: {  	[sflag:s26] =	ssyncadd.s32 $0xFFFFE000  }
0x1de: {  	_ =	swait.ge [sflag:s26], $0x1200  }
0x1df: {  	[sflag:s26] =	ssyncset.done $0x0  }
0x1e0: {  	s9 =	simm.s32 $0x0;
	[sflag:s26] =	ssyncadd.s32 $0xFFFFEE00  }
0x1e1: {  	v7 =	vld [tilespmem:s9+$0xC800]  }
0x1e2: {  	v1 =	vld [tilespmem:s9+$0xCE00]  }
0x1e3: {  	v8 =	vld [tilespmem:s9+$0xC840]  }
0x1e4: {  	v0 =	vld [tilespmem:s9+$0xCE10]  }
0x1e5: {  	v19 =	vld [tilespmem:s9+$0xC880]  }
0x1e6: {  	v18 =	vimm.f32 $0.0e+00;
	v3 =	vld [tilespmem:s9+$0xCDC0]  }
0x1e7: {  	v26 =	vld [tilespmem:s9+$0xC8C0];
	v4 =	vadd.f32 v7, v18  }
0x1e8: {  	v2 =	vld [tilespmem:s9+$0xCDD0]  }
0x1e9: {  	v30 =	vld [tilespmem:s9+$0xC900];
	v4 =	vadd.f32 v8, v4  }
0x1ea: {  	v5 =	vld [tilespmem:s9+$0xCD80]  }
0x1eb: {  	v58 =	vld [tilespmem:s9+$0xC940];
	v6 =	vadd.f32 v19, v4  }
0x1ec: {  	v59 =	vld [tilespmem:s9+$0xC980]  }
0x1ed: {  	v10 =	vld [tilespmem:s9+$0xCD40];
	v6 =	vadd.f32 v26, v6  }
0x1ee: {  	v60 =	vld [tilespmem:s9+$0xC9C0]  }
0x1ef: {  	v61 =	vld [tilespmem:s9+$0xCA00];
	v9 =	vadd.f32 v30, v6  }
0x1f0: {  	v12 =	vld [tilespmem:s9+$0xCD00]  }
0x1f1: {  	v20 =	vld [tilespmem:s9+$0xCA40];
	v9 =	vadd.f32 v58, v9  }
0x1f2: {  	v38 =	vld [tilespmem:s9+$0xCA80]  }
0x1f3: {  	v14 =	vld [tilespmem:s9+$0xCCC0];
	v11 =	vadd.f32 v59, v9  }
0x1f4: {  	v40 =	vld [tilespmem:s9+$0xCAC0]  }
0x1f5: {  	v41 =	vld [tilespmem:s9+$0xCB00];
	v11 =	vadd.f32 v60, v11  }
0x1f6: {  	v37 =	vld [tilespmem:s9+$0xC810]  }
0x1f7: {  	v28 =	vld [tilespmem:s9+$0xCB40];
	v13 =	vadd.f32 v61, v11  }
0x1f8: {  	v33 =	vld [tilespmem:s9+$0xC850]  }
0x1f9: {  	v27 =	vld [tilespmem:s9+$0xCB80];
	v13 =	vadd.f32 v20, v13  }
0x1fa: {  	v29 =	vld [tilespmem:s9+$0xC890]  }
0x1fb: {  	v25 =	vld [tilespmem:s9+$0xCBC0];
	v13 =	vadd.f32 v38, v13  }
0x1fc: {  	v31 =	vld [tilespmem:s9+$0xC8D0]  }
0x1fd: {  	v24 =	vld [tilespmem:s9+$0xCC00];
	v13 =	vadd.f32 v40, v13  }
0x1fe: {  	v32 =	vld [tilespmem:s9+$0xC910]  }
0x1ff: {  	v23 =	vld [tilespmem:s9+$0xCC40];
	v13 =	vadd.f32 v41, v13  }
0x200: {  	v17 =	vld [tilespmem:s9+$0xCC80];
	v15 =	vadd.f32 v37, v18  }
0x201: {  	v35 =	vld [tilespmem:s9+$0xC950];
	v13 =	vadd.f32 v28, v13  }
0x202: {  	v36 =	vld [tilespmem:s9+$0xC990];
	v15 =	vadd.f32 v33, v15  }
0x203: {  	v39 =	vld [tilespmem:s9+$0xC9D0];
	v13 =	vadd.f32 v27, v13  }
0x204: {  	v42 =	vld [tilespmem:s9+$0xCA10];
	v15 =	vadd.f32 v29, v15  }
0x205: {  	v43 =	vld [tilespmem:s9+$0xCA50];
	v13 =	vadd.f32 v25, v13  }
0x206: {  	v44 =	vld [tilespmem:s9+$0xCA90];
	v16 =	vadd.f32 v31, v15  }
0x207: {  	v46 =	vld [tilespmem:s9+$0xCAD0];
	v13 =	vadd.f32 v24, v13  }
0x208: {  	v45 =	vld [tilespmem:s9+$0xCB10];
	v21 =	vadd.f32 v32, v16  }
0x209: {  	v4 =	vld [tilespmem:s9+$0xCD90];
	v22 =	vadd.f32 v23, v13  }
0x20a: {  	v15 =	vld [tilespmem:s9+$0xCC90];
	v62 =	vadd.f32 v35, v21;
	v13 =	vimm.f32 $-Inf  }
0x20b: {  	v6 =	vld [tilespmem:s9+$0xCD50];
	v7 =	vmax.f32 v13, v7;
	v63 =	vadd.f32 v17, v22  }
0x20c: {  	v16 =	vld [tilespmem:s9+$0xCC50];
	v7 =	vmax.f32 v7, v8;
	v8 =	vadd.f32 v36, v62  }
0x20d: {  	v21 =	vld [tilespmem:s9+$0xCC10];
	v7 =	vmax.f32 v7, v19;
	v19 =	vadd.f32 v14, v63  }
0x20e: {  	v9 =	vld [tilespmem:s9+$0xCD10];
	v7 =	vmax.f32 v7, v26;
	v8 =	vadd.f32 v39, v8  }
0x20f: {  	v11 =	vld [tilespmem:s9+$0xCCD0];
	v7 =	vmax.f32 v7, v30;
	v19 =	vadd.f32 v12, v19  }
0x210: {  	v22 =	vld [tilespmem:s9+$0xCBD0];
	v7 =	vmax.f32 v7, v58;
	v8 =	vadd.f32 v42, v8  }
0x211: {  	v34 =	vimm.f32 $0.0e+00;
	v26 =	vld [tilespmem:s9+$0xCB90];
	v7 =	vmax.f32 v7, v59;
	v19 =	vadd.f32 v10, v19  }
0x212: {  	v30 =	vld [tilespmem:s9+$0xCB50];
	v7 =	vmax.f32 v7, v60;
	v48 =	vadd.f32 v43, v8;
	v8 =	vimm.f32 $-Inf  }
0x213: {  	s11 =	simm.s32 $0x1900;
	v50 =	vmax.f32 v7, v61;
	v7 =	vimm.f32 $-Inf;
	v49 =	vadd.f32 v5, v19;
	v19 =	vld [tilespmem:s9+$0xC820]  }
.LBB2_7:
0x214: {  	p1 =	sne.s32 s11, $0xAF00;
	v47 =	vld [tilespmem:s9+$0xC830];
	v20 =	vmax.f32 v50, v20;
	v50 =	vadd.f32 v44, v48  }
0x215: {  	v48 =	vld [tilespmem:s9+$0xC860];
	v20 =	vmax.f32 v20, v38;
	v49 =	vadd.f32 v3, v49  }
0x216: {  	v38 =	vld [tilespmem:s9+$0xC870];
	v20 =	vmax.f32 v20, v40;
	v50 =	vadd.f32 v46, v50  }
0x217: {  	v40 =	vld [tilespmem:s9+$0xC8A0];
	v41 =	vmax.f32 v20, v41;
	v20 =	vadd.f32 v1, v49  }
0x218: {  	v13 =	vmax.f32 v13, v37;
	v37 =	vadd.f32 v19, v18;
	v18 =	vld [tilespmem:s9+$0xC8B0];
	v49 =	vadd.f32 v45, v50  }
0x219: {  	v13 =	vmax.f32 v13, v33;
	v41 =	vmax.f32 v41, v28;
	v34 =	vadd.f32 v47, v34;
	v33 =	vld [tilespmem:s9+$0xC8E0]  }
0x21a: {  	v13 =	vmax.f32 v13, v29;
	v37 =	vadd.f32 v48, v37;
	v28 =	vld [tilespmem:s9+$0xC8F0];
	v29 =	vadd.f32 v30, v49  }
0x21b: {  	v13 =	vmax.f32 v13, v31;
	v27 =	vmax.f32 v41, v27;
	v34 =	vadd.f32 v38, v34;
	v31 =	vld [tilespmem:s9+$0xC920]  }
0x21c: {  	v13 =	vmax.f32 v13, v32;
	v37 =	vadd.f32 v40, v37;
	v32 =	vld [tilespmem:s9+$0xC930];
	v29 =	vadd.f32 v26, v29  }
0x21d: {  	v13 =	vmax.f32 v13, v35;
	v25 =	vmax.f32 v27, v25;
	v34 =	vadd.f32 v18, v34;
	v35 =	vld [tilespmem:s9+$0xC960]  }
0x21e: {  	v13 =	vmax.f32 v13, v36;
	v27 =	vadd.f32 v33, v37;
	v37 =	vld [tilespmem:s9+$0xC970];
	v29 =	vadd.f32 v22, v29  }
0x21f: {  	v13 =	vmax.f32 v13, v39;
	v24 =	vmax.f32 v25, v24;
	v34 =	vadd.f32 v28, v34;
	v36 =	vld [tilespmem:s9+$0xC9A0]  }
0x220: {  	v13 =	vmax.f32 v13, v42;
	v25 =	vadd.f32 v31, v27;
	v27 =	vld [tilespmem:s9+$0xC9B0];
	v29 =	vadd.f32 v21, v29  }
0x221: {  	v23 =	vmax.f32 v24, v23;
	v13 =	vmax.f32 v13, v43;
	v34 =	vadd.f32 v32, v34;
	v39 =	vld [tilespmem:s9+$0xC9E0]  }
0x222: {  	v13 =	vmax.f32 v13, v44;
	v24 =	vadd.f32 v35, v25;
	v25 =	vld [tilespmem:s9+$0xC9F0];
	v29 =	vadd.f32 v16, v29  }
0x223: {  	v17 =	vmax.f32 v23, v17;
	v13 =	vmax.f32 v13, v46;
	v34 =	vadd.f32 v37, v34;
	v41 =	vld [tilespmem:s9+$0xCA20]  }
0x224: {  	v13 =	vmax.f32 v13, v45;
	v23 =	vadd.f32 v36, v24;
	v24 =	vld [tilespmem:s9+$0xCA30];
	v29 =	vadd.f32 v15, v29  }
0x225: {  	v14 =	vmax.f32 v17, v14;
	v13 =	vmax.f32 v13, v30;
	v34 =	vadd.f32 v27, v34;
	v42 =	vld [tilespmem:s9+$0xCA60]  }
0x226: {  	v13 =	vmax.f32 v13, v26;
	v17 =	vadd.f32 v39, v23;
	v23 =	vld [tilespmem:s9+$0xCA70];
	v26 =	vadd.f32 v11, v29  }
0x227: {  	v12 =	vmax.f32 v14, v12;
	v13 =	vmax.f32 v13, v22;
	v29 =	vadd.f32 v25, v34;
	v30 =	vld [tilespmem:s9+$0xCAA0]  }
0x228: {  	v13 =	vmax.f32 v13, v21;
	v14 =	vadd.f32 v41, v17;
	v17 =	vld [tilespmem:s9+$0xCAB0];
	v21 =	vadd.f32 v9, v26  }
0x229: {  	v10 =	vmax.f32 v12, v10;
	v13 =	vmax.f32 v13, v16;
	v22 =	vadd.f32 v24, v29;
	v26 =	vld [tilespmem:s9+$0xCAE0]  }
0x22a: {  	v13 =	vmax.f32 v13, v15;
	v12 =	vadd.f32 v42, v14;
	v14 =	vld [tilespmem:s9+$0xCAF0];
	v15 =	vadd.f32 v6, v21  }
0x22b: {  	v5 =	vmax.f32 v10, v5;
	v11 =	vmax.f32 v13, v11;
	v16 =	vadd.f32 v23, v22;
	v21 =	vld [tilespmem:s9+$0xCB20]  }
0x22c: {  	v9 =	vmax.f32 v11, v9;
	v10 =	vadd.f32 v30, v12;
	v12 =	vld [tilespmem:s9+$0xCB30];
	v11 =	vadd.f32 v4, v15  }
0x22d: {  	v3 =	vmax.f32 v5, v3;
	v6 =	vmax.f32 v9, v6;
	v13 =	vadd.f32 v17, v16;
	v16 =	vld [tilespmem:s9+$0xCB60]  }
0x22e: {  	v4 =	vmax.f32 v6, v4;
	v5 =	vadd.f32 v26, v10;
	v9 =	vld [tilespmem:s9+$0xCB70];
	v6 =	vadd.f32 v2, v11  }
0x22f: {  	v22 =	vmax.f32 v3, v1;
	v2 =	vmax.f32 v4, v2;
	v10 =	vadd.f32 v14, v13;
	v11 =	vld [tilespmem:s9+$0xCBA0]  }
0x230: {  	v13 =	vmax.f32 v2, v0;
	v1 =	vadd.f32 v21, v5;
	v3 =	vld [tilespmem:s9+$0xCBB0];
	v15 =	vadd.f32 v0, v6  }
0x231: {  	v2 =	vmax.f32 v8, v47;
	v0 =	vmax.f32 v7, v19;
	v4 =	vadd.f32 v12, v10;
	v5 =	vld [tilespmem:s9+$0xCBE0]  }
0x232: {  	v2 =	vmax.f32 v2, v38;
	v0 =	vmax.f32 v0, v48;
	v1 =	vadd.f32 v16, v1;
	v6 =	vld [tilespmem:s9+$0xCBF0]  }
0x233: {  	v2 =	vmax.f32 v2, v18;
	v0 =	vmax.f32 v0, v40;
	v4 =	vadd.f32 v9, v4;
	v7 =	vld [tilespmem:s9+$0xCC20]  }
0x234: {  	v2 =	vmax.f32 v2, v28;
	v0 =	vmax.f32 v0, v33;
	v1 =	vadd.f32 v11, v1;
	v8 =	vld [tilespmem:s9+$0xCC30]  }
0x235: {  	v2 =	vmax.f32 v2, v32;
	v0 =	vmax.f32 v0, v31;
	v4 =	vadd.f32 v3, v4;
	v10 =	vld [tilespmem:s9+$0xCC60]  }
0x236: {  	v2 =	vmax.f32 v2, v37;
	v0 =	vmax.f32 v0, v35;
	v1 =	vadd.f32 v5, v1;
	v18 =	vld [tilespmem:s9+$0xCC70]  }
0x237: {  	v2 =	vmax.f32 v2, v27;
	v0 =	vmax.f32 v0, v36;
	v4 =	vadd.f32 v6, v4;
	v19 =	vld [tilespmem:s9+$0xCCA0]  }
0x238: {  	v2 =	vmax.f32 v2, v25;
	v0 =	vmax.f32 v0, v39;
	v1 =	vadd.f32 v7, v1;
	v25 =	vld [tilespmem:s9+$0xCCB0]  }
0x239: {  	v2 =	vmax.f32 v2, v24;
	v0 =	vmax.f32 v0, v41;
	v4 =	vadd.f32 v8, v4;
	v24 =	vld [tilespmem:s9+$0xCCE0]  }
0x23a: {  	v2 =	vmax.f32 v2, v23;
	v0 =	vmax.f32 v0, v42;
	v1 =	vadd.f32 v10, v1;
	v23 =	vld [tilespmem:s9+$0xCCF0]  }
0x23b: {  	v2 =	vmax.f32 v2, v17;
	v0 =	vmax.f32 v0, v30;
	v4 =	vadd.f32 v18, v4;
	v17 =	vld [tilespmem:s9+$0xCD20]  }
0x23c: {  	v2 =	vmax.f32 v2, v14;
	v0 =	vmax.f32 v0, v26;
	v1 =	vadd.f32 v19, v1;
	v14 =	vld [tilespmem:s9+$0xCD30]  }
0x23d: {  	v2 =	vmax.f32 v2, v12;
	v0 =	vmax.f32 v0, v21;
	v4 =	vadd.f32 v25, v4;
	v12 =	vld [tilespmem:s9+$0xCD60]  }
0x23e: {  	v2 =	vmax.f32 v2, v9;
	v0 =	vmax.f32 v0, v16;
	v1 =	vadd.f32 v24, v1;
	v9 =	vld [tilespmem:s9+$0xCD70]  }
0x23f: {  	v2 =	vmax.f32 v2, v3;
	v0 =	vmax.f32 v0, v11;
	v3 =	vadd.f32 v23, v4;
	v4 =	vld [tilespmem:s9+$0xCDA0]  }
0x240: {  	v2 =	vmax.f32 v2, v6;
	v0 =	vmax.f32 v0, v5;
	v1 =	vadd.f32 v17, v1;
	v5 =	vld [tilespmem:s9+$0xCDB0]  }
0x241: {  	v2 =	vmax.f32 v2, v8;
	v0 =	vmax.f32 v0, v7;
	v3 =	vadd.f32 v14, v3;
	v6 =	vld [tilespmem:s9+$0xCDE0]  }
0x242: {  	v2 =	vmax.f32 v2, v18;
	v0 =	vmax.f32 v0, v10;
	v1 =	vadd.f32 v12, v1;
	v7 =	vld [tilespmem:s9+$0xCDF0]  }
0x243: {  	v2 =	vmax.f32 v2, v25;
	v0 =	vmax.f32 v0, v19;
	v3 =	vadd.f32 v9, v3;
	v8 =	vld [tilespmem:s9+$0xCE20]  }
0x244: {  	v2 =	vmax.f32 v2, v23;
	v0 =	vmax.f32 v0, v24;
	v10 =	vadd.f32 v4, v1;
	v11 =	vld [tilespmem:s9+$0xCE30];
	s9 =	sshra.s32 s11, $0x2  }
0x245: {  	v2 =	vmax.f32 v2, v14;
	v0 =	vmax.f32 v0, v17;
	v1 =	vld [tilespmem:s9+$0xCE00];
	v3 =	vadd.f32 v5, v3  }
0x246: {  	v2 =	vmax.f32 v2, v9;
	v12 =	vmax.f32 v0, v12;
	v19 =	vld [tilespmem:s9+$0xC800];
	v9 =	vadd.f32 v6, v10  }
0x247: {  	v2 =	vmax.f32 v2, v5;
	v4 =	vmax.f32 v12, v4;
	v0 =	vld [tilespmem:s9+$0xCE10];
	v5 =	vadd.f32 v7, v3  }
0x248: {  	v4 =	vmax.f32 v4, v6;
	v2 =	vmax.f32 v2, v7;
	v26 =	vld [tilespmem:s9+$0xC840];
	v18 =	vadd.f32 v8, v9  }
0x249: {  	v7 =	vmax.f32 v4, v8;
	v3 =	vld [tilespmem:s9+$0xCDC0];
	v34 =	vadd.f32 v11, v5;
	v8 =	vmax.f32 v2, v11  }
0x24a: {  	v30 =	vld [tilespmem:s9+$0xC880]  }
0x24b: {  	v4 =	vadd.f32 v19, v20;
	v2 =	vld [tilespmem:s9+$0xCDD0]  }
0x24c: {  	v44 =	vld [tilespmem:s9+$0xC8C0]  }
0x24d: {  	v4 =	vadd.f32 v26, v4;
	v5 =	vld [tilespmem:s9+$0xCD80]  }
0x24e: {  	v45 =	vld [tilespmem:s9+$0xC900]  }
0x24f: {  	v6 =	vadd.f32 v30, v4;
	v4 =	vld [tilespmem:s9+$0xCD90]  }
0x250: {  	v46 =	vld [tilespmem:s9+$0xC940]  }
0x251: {  	v6 =	vadd.f32 v44, v6;
	v10 =	vld [tilespmem:s9+$0xCD40]  }
0x252: {  	v47 =	vld [tilespmem:s9+$0xC980]  }
0x253: {  	v9 =	vadd.f32 v45, v6;
	v6 =	vld [tilespmem:s9+$0xCD50]  }
0x254: {  	v48 =	vld [tilespmem:s9+$0xC9C0]  }
0x255: {  	v9 =	vadd.f32 v46, v9;
	v12 =	vld [tilespmem:s9+$0xCD00]  }
0x256: {  	v49 =	vld [tilespmem:s9+$0xCA00]  }
0x257: {  	v11 =	vadd.f32 v47, v9;
	v9 =	vld [tilespmem:s9+$0xCD10]  }
0x258: {  	v20 =	vld [tilespmem:s9+$0xCA40]  }
0x259: {  	v11 =	vadd.f32 v48, v11;
	v14 =	vld [tilespmem:s9+$0xCCC0]  }
0x25a: {  	v38 =	vld [tilespmem:s9+$0xCA80]  }
0x25b: {  	v16 =	vadd.f32 v49, v11;
	v11 =	vld [tilespmem:s9+$0xCCD0]  }
0x25c: {  	v40 =	vld [tilespmem:s9+$0xCAC0]  }
0x25d: {  	v16 =	vadd.f32 v20, v16;
	v17 =	vld [tilespmem:s9+$0xCC80]  }
0x25e: {  	v41 =	vld [tilespmem:s9+$0xCB00]  }
0x25f: {  	v37 =	vld [tilespmem:s9+$0xC810];
	v16 =	vadd.f32 v38, v16  }
0x260: {  	v28 =	vld [tilespmem:s9+$0xCB40]  }
0x261: {  	v33 =	vld [tilespmem:s9+$0xC850];
	v16 =	vadd.f32 v40, v16  }
0x262: {  	v27 =	vld [tilespmem:s9+$0xCB80]  }
0x263: {  	v29 =	vld [tilespmem:s9+$0xC890];
	v16 =	vadd.f32 v41, v16  }
0x264: {  	v15 =	vadd.f32 v37, v15;
	v25 =	vld [tilespmem:s9+$0xCBC0]  }
0x265: {  	v31 =	vld [tilespmem:s9+$0xC8D0];
	v16 =	vadd.f32 v28, v16  }
0x266: {  	v15 =	vadd.f32 v33, v15;
	v24 =	vld [tilespmem:s9+$0xCC00]  }
0x267: {  	v32 =	vld [tilespmem:s9+$0xC910];
	v16 =	vadd.f32 v27, v16  }
0x268: {  	v15 =	vadd.f32 v29, v15;
	v23 =	vld [tilespmem:s9+$0xCC40]  }
0x269: {  	v35 =	vld [tilespmem:s9+$0xC950];
	v16 =	vadd.f32 v25, v16  }
0x26a: {  	v21 =	vadd.f32 v31, v15;
	v15 =	vld [tilespmem:s9+$0xCC90]  }
0x26b: {  	v36 =	vld [tilespmem:s9+$0xC990];
	v42 =	vadd.f32 v24, v16  }
0x26c: {  	v21 =	vadd.f32 v32, v21;
	v16 =	vld [tilespmem:s9+$0xCC50]  }
0x26d: {  	v39 =	vld [tilespmem:s9+$0xC9D0];
	v43 =	vadd.f32 v23, v42  }
0x26e: {  	v50 =	vadd.f32 v35, v21;
	v21 =	vld [tilespmem:s9+$0xCC10]  }
0x26f: {  	v19 =	vmax.f32 v22, v19;
	v42 =	vld [tilespmem:s9+$0xCA10];
	v51 =	vadd.f32 v17, v43  }
0x270: {  	v19 =	vmax.f32 v19, v26;
	v26 =	vadd.f32 v36, v50;
	v22 =	vld [tilespmem:s9+$0xCBD0]  }
0x271: {  	v19 =	vmax.f32 v19, v30;
	v43 =	vld [tilespmem:s9+$0xCA50];
	v30 =	vadd.f32 v14, v51  }
0x272: {  	v19 =	vmax.f32 v19, v44;
	v50 =	vadd.f32 v39, v26;
	v26 =	vld [tilespmem:s9+$0xCB90]  }
.Ltmp4:
0x273: {  	v19 =	vmax.f32 v19, v45;
	v44 =	vld [tilespmem:s9+$0xCA90];
	v45 =	vadd.f32 v12, v30;
	(pc) =	sbr.rel @p1 .LBB2_7-.Ltmp4, $4  }
0x274: {  	v19 =	vmax.f32 v19, v46;
	v50 =	vadd.f32 v42, v50;
	v30 =	vld [tilespmem:s9+$0xCB50]  }
0x275: {  	v19 =	vmax.f32 v19, v47;
	v46 =	vld [tilespmem:s9+$0xCAD0];
	v47 =	vadd.f32 v10, v45  }
0x276: {  	v51 =	vmax.f32 v19, v48;
	v48 =	vadd.f32 v43, v50;
	v45 =	vld [tilespmem:s9+$0xCB10]  }
0x277: {  	s11 =	sadd.s32 $0x1900, s11;
	v50 =	vmax.f32 v51, v49;
	v19 =	vld [tilespmem:s9+$0xC820];
	v49 =	vadd.f32 v5, v47  }
0x278: {  	v47 =	vld [tilespmem:s9+$0xC830]  }
0x279: {  	v20 =	vmax.f32 v50, v20;
	v50 =	vld [tilespmem:s9+$0xC860];
	v48 =	vadd.f32 v44, v48;
	v13 =	vmax.f32 v13, v37  }
0x27a: {  	v58 =	vld [tilespmem:s9+$0xC870];
	v20 =	vmax.f32 v20, v38;
	v33 =	vmax.f32 v13, v33  }
0x27b: {  	v59 =	vld [tilespmem:s9+$0xC8A0];
	v20 =	vmax.f32 v20, v40;
	v48 =	vadd.f32 v46, v48;
	v29 =	vmax.f32 v33, v29  }
0x27c: {  	v60 =	vld [tilespmem:s9+$0xC8B0];
	v49 =	vadd.f32 v3, v49;
	v20 =	vmax.f32 v20, v41;
	v29 =	vmax.f32 v29, v31  }
0x27d: {  	v61 =	vld [tilespmem:s9+$0xC8E0];
	v18 =	vadd.f32 v19, v18;
	v48 =	vadd.f32 v45, v48;
	v20 =	vmax.f32 v20, v28  }
0x27e: {  	v51 =	vld [tilespmem:s9+$0xC8F0];
	v29 =	vmax.f32 v29, v32;
	v7 =	vmax.f32 v7, v19;
	v34 =	vadd.f32 v47, v34  }
0x27f: {  	v62 =	vld [tilespmem:s9+$0xC920];
	v20 =	vmax.f32 v20, v27;
	v29 =	vmax.f32 v29, v35;
	v18 =	vadd.f32 v50, v18  }
0x280: {  	v52 =	vld [tilespmem:s9+$0xC930];
	v8 =	vmax.f32 v8, v47;
	v7 =	vmax.f32 v7, v50;
	v28 =	vadd.f32 v58, v34  }
0x281: {  	v53 =	vld [tilespmem:s9+$0xC970];
	v63 =	vadd.f32 v30, v48;
	v20 =	vmax.f32 v20, v25;
	v18 =	vadd.f32 v59, v18  }
0x282: {  	v29 =	vmax.f32 v29, v36;
	v8 =	vmax.f32 v8, v58;
	v27 =	vadd.f32 v60, v28;
	v28 =	vld [tilespmem:s9+$0xC960]  }
0x283: {  	v54 =	vld [tilespmem:s9+$0xC9B0];
	v7 =	vmax.f32 v7, v59;
	v31 =	vadd.f32 v26, v63;
	v18 =	vadd.f32 v61, v18  }
0x284: {  	v29 =	vmax.f32 v29, v39;
	v20 =	vmax.f32 v20, v24;
	v25 =	vadd.f32 v51, v27;
	v27 =	vld [tilespmem:s9+$0xC9A0]  }
0x285: {  	v55 =	vld [tilespmem:s9+$0xC9F0];
	v8 =	vmax.f32 v8, v60;
	v31 =	vadd.f32 v22, v31;
	v18 =	vadd.f32 v62, v18  }
0x286: {  	v29 =	vmax.f32 v29, v42;
	v20 =	vmax.f32 v20, v23;
	v24 =	vadd.f32 v52, v25;
	v25 =	vld [tilespmem:s9+$0xC9E0]  }
0x287: {  	v56 =	vld [tilespmem:s9+$0xCA30];
	v8 =	vmax.f32 v8, v51;
	v31 =	vadd.f32 v21, v31;
	v18 =	vadd.f32 v28, v18  }
0x288: {  	v29 =	vmax.f32 v29, v43;
	v17 =	vmax.f32 v20, v17;
	v23 =	vadd.f32 v53, v24;
	v24 =	vld [tilespmem:s9+$0xCA20]  }
0x289: {  	v57 =	vld [tilespmem:s9+$0xCA70];
	v29 =	vmax.f32 v29, v44;
	v31 =	vadd.f32 v16, v31;
	v18 =	vadd.f32 v27, v18  }
0x28a: {  	v8 =	vmax.f32 v8, v52;
	v29 =	vmax.f32 v29, v46;
	v20 =	vadd.f32 v54, v23;
	v23 =	vld [tilespmem:s9+$0xCA60]  }
0x28b: {  	v19 =	vld [tilespmem:s9+$0xCC20];
	v29 =	vmax.f32 v29, v45;
	v31 =	vadd.f32 v15, v31;
	v18 =	vadd.f32 v25, v18  }
0x28c: {  	v14 =	vmax.f32 v17, v14;
	v29 =	vmax.f32 v29, v30;
	v17 =	vadd.f32 v55, v20;
	v20 =	vld [tilespmem:s9+$0xCAA0]  }
0x28d: {  	v30 =	vld [tilespmem:s9+$0xCAB0];
	v26 =	vmax.f32 v29, v26;
	v29 =	vadd.f32 v11, v31;
	v18 =	vadd.f32 v24, v18  }
0x28e: {  	v12 =	vmax.f32 v14, v12;
	v22 =	vmax.f32 v26, v22;
	v14 =	vadd.f32 v56, v17;
	v17 =	vld [tilespmem:s9+$0xCAE0]  }
0x28f: {  	v26 =	vld [tilespmem:s9+$0xCAF0];
	v21 =	vmax.f32 v22, v21;
	v22 =	vadd.f32 v9, v29;
	v18 =	vadd.f32 v23, v18  }
0x290: {  	v10 =	vmax.f32 v12, v10;
	v16 =	vmax.f32 v21, v16;
	v12 =	vadd.f32 v57, v14;
	v14 =	vld [tilespmem:s9+$0xCB20]  }
0x291: {  	v21 =	vld [tilespmem:s9+$0xCB30];
	v15 =	vmax.f32 v16, v15;
	v16 =	vadd.f32 v6, v22;
	v18 =	vadd.f32 v20, v18  }
0x292: {  	v5 =	vmax.f32 v10, v5;
	v11 =	vmax.f32 v15, v11;
	v10 =	vadd.f32 v30, v12;
	v12 =	vld [tilespmem:s9+$0xCB60]  }
0x293: {  	v9 =	vmax.f32 v11, v9;
	v11 =	vadd.f32 v4, v16;
	v16 =	vld [tilespmem:s9+$0xCB70];
	v15 =	vadd.f32 v17, v18  }
0x294: {  	v3 =	vmax.f32 v5, v3;
	v6 =	vmax.f32 v9, v6;
	v9 =	vld [tilespmem:s9+$0xCBA0];
	v5 =	vadd.f32 v26, v10  }
0x295: {  	v4 =	vmax.f32 v6, v4;
	v6 =	vadd.f32 v2, v11;
	v11 =	vld [tilespmem:s9+$0xCBB0];
	v10 =	vadd.f32 v14, v15  }
0x296: {  	v7 =	vmax.f32 v7, v61;
	v8 =	vmax.f32 v8, v53;
	v15 =	vld [tilespmem:s9+$0xCBE0];
	v5 =	vadd.f32 v21, v5  }
0x297: {  	v7 =	vmax.f32 v7, v62;
	v8 =	vmax.f32 v8, v54;
	v18 =	vld [tilespmem:s9+$0xCBF0];
	v10 =	vadd.f32 v12, v10  }
0x298: {  	v8 =	vmax.f32 v8, v55;
	v7 =	vmax.f32 v7, v28;
	v28 =	vld [tilespmem:s9+$0xCC70];
	v5 =	vadd.f32 v16, v5  }
0x299: {  	v13 =	vadd.f32 v1, v49;
	v8 =	vmax.f32 v8, v56;
	v22 =	vld [tilespmem:s9+$0xCC30];
	v10 =	vadd.f32 v9, v10  }
0x29a: {  	v8 =	vmax.f32 v8, v57;
	v7 =	vmax.f32 v7, v27;
	v29 =	vld [tilespmem:s9+$0xCC60];
	v5 =	vadd.f32 v11, v5  }
0x29b: {  	v1 =	vmax.f32 v3, v1;
	v27 =	vld [tilespmem:s9+$0xCCA0];
	v7 =	vmax.f32 v7, v25;
	v10 =	vadd.f32 v15, v10  }
0x29c: {  	v25 =	vld [tilespmem:s9+$0xCCB0];
	v8 =	vmax.f32 v8, v30;
	v7 =	vmax.f32 v7, v24;
	v5 =	vadd.f32 v18, v5  }
0x29d: {  	v24 =	vld [tilespmem:s9+$0xCCE0];
	v8 =	vmax.f32 v8, v26;
	v7 =	vmax.f32 v7, v23;
	v10 =	vadd.f32 v19, v10  }
0x29e: {  	v23 =	vld [tilespmem:s9+$0xCCF0];
	v8 =	vmax.f32 v8, v21;
	v7 =	vmax.f32 v7, v20;
	v5 =	vadd.f32 v22, v5  }
0x29f: {  	v20 =	vld [tilespmem:s9+$0xCD20];
	v7 =	vmax.f32 v7, v17;
	v2 =	vmax.f32 v4, v2;
	v10 =	vadd.f32 v29, v10  }
0x2a0: {  	v17 =	vld [tilespmem:s9+$0xCD30];
	v7 =	vmax.f32 v7, v14;
	v6 =	vadd.f32 v0, v6;
	v5 =	vadd.f32 v28, v5  }
0x2a1: {  	v14 =	vld [tilespmem:s9+$0xCD60];
	v0 =	vmax.f32 v2, v0;
	v7 =	vmax.f32 v7, v12;
	v10 =	vadd.f32 v27, v10  }
0x2a2: {  	v8 =	vmax.f32 v8, v16;
	v12 =	vld [tilespmem:s9+$0xCD70];
	v7 =	vmax.f32 v7, v9;
	v5 =	vadd.f32 v25, v5  }
0x2a3: {  	v8 =	vmax.f32 v8, v11;
	v9 =	vld [tilespmem:s9+$0xCDA0];
	v7 =	vmax.f32 v7, v15;
	v10 =	vadd.f32 v24, v10  }
0x2a4: {  	v8 =	vmax.f32 v8, v18;
	v11 =	vld [tilespmem:s9+$0xCDB0];
	v4 =	vmax.f32 v7, v19;
	v5 =	vadd.f32 v23, v5  }
0x2a5: {  	v7 =	vmax.f32 v8, v22;
	v8 =	vld [tilespmem:s9+$0xCDE0];
	v4 =	vmax.f32 v4, v29;
	v10 =	vadd.f32 v20, v10  }
0x2a6: {  	v15 =	vld [tilespmem:s9+$0xCDF0];
	v3 =	vmax.f32 v7, v28;
	v4 =	vmax.f32 v4, v27;
	v5 =	vadd.f32 v17, v5  }
0x2a7: {  	v7 =	vld [tilespmem:s9+$0xCE20];
	v3 =	vmax.f32 v3, v25;
	v4 =	vmax.f32 v4, v24;
	v10 =	vadd.f32 v14, v10  }
0x2a8: {  	v16 =	vld [tilespmem:s9+$0xCE30];
	v3 =	vmax.f32 v3, v23;
	v4 =	vmax.f32 v4, v20;
	v5 =	vadd.f32 v12, v5  }
0x2a9: {  	[tilespmem:s1+$0x12D00] =	vst v13;
	v2 =	vmax.f32 v3, v17;
	v3 =	vmax.f32 v4, v14;
	v10 =	vadd.f32 v9, v10  }
0x2aa: {  	[tilespmem:s1+$0x12D40] =	vst v1;
	v2 =	vmax.f32 v2, v12;
	v1 =	vmax.f32 v3, v9;
	v5 =	vadd.f32 v11, v5  }
0x2ab: {  	[tilespmem:s1+$0x12D50] =	vst v0;
	v0 =	vmax.f32 v2, v11;
	v1 =	vmax.f32 v1, v8;
	v10 =	vadd.f32 v8, v10  }
0x2ac: {  	[tilespmem:s1+$0x12D10] =	vst v6;
	v0 =	vmax.f32 v0, v15;
	v1 =	vmax.f32 v1, v7;
	v3 =	vadd.f32 v15, v5  }
0x2ad: {  	v0 =	vmax.f32 v0, v16;
	[tilespmem:s1+$0x12D60] =	vst v1;
	v4 =	vadd.f32 v7, v10  }
0x2ae: {  	[tilespmem:s1+$0x12D70] =	vst v0;
	v2 =	vadd.f32 v16, v3  }
0x2af: {  	[tilespmem:s1+$0x12D20] =	vst v4  }
0x2b0: {  	s11 =	simm.s32 @!p0 $0x80;
	s12 =	simm.s32 @!p0 $0xC800;
	s9 =	sadd.s32 @!p0 $0x4B0, s0;
	[tilespmem:s1+$0x12D30] =	vst v2  }
0x2b1: {  	[tilespmem:s12], [sflag:$0x3] =	stream.indirect.gather @!p0 [hbm4b:s3+s11], $0x40, s9, s11, $0xb8;
	[tilespmem:$0x16C00] =	vst v63  }
0x2b2: {  	s0 =	sadd.s32 @!p0 $0x530, s0;
	s9 =	simm.s32 @!p0 $0x48;
	s11 =	simm.s32 @!p0 $0xE800  }
0x2b3: {  	[tilespmem:s11], [sflag:$0x3] =	stream.indirect.gather @!p0 [hbm4b:s3+s9], $0x40, s0, s9, $0xb8;
	[tilespmem:$0x16C00] =	vst v63  }
0x2b4: {  	_ =	swait.ge [sflag:s28], $0x2000  }
0x2b5: {  	[sflag:s28] =	ssyncset.done $0x0  }
0x2b6: {  	[sflag:s28] =	ssyncadd.s32 $0xFFFFE000  }
0x2b7: {  	_ =	swait.ge [sflag:s28], $0x1200  }
0x2b8: {  	[sflag:s28] =	ssyncset.done $0x0  }
0x2b9: {  	s0 =	simm.s32 $0x0;
	[sflag:s28] =	ssyncadd.s32 $0xFFFFEE00  }
0x2ba: {  	v7 =	vld [tilespmem:s0+$0xFA00]  }
0x2bb: {  	v1 =	vld [tilespmem:s0+$0x10000]  }
0x2bc: {  	v8 =	vld [tilespmem:s0+$0xFA40]  }
0x2bd: {  	v0 =	vld [tilespmem:s0+$0x10010]  }
0x2be: {  	v19 =	vld [tilespmem:s0+$0xFA80]  }
0x2bf: {  	v18 =	vimm.f32 $0.0e+00;
	v3 =	vld [tilespmem:s0+$0xFFC0]  }
0x2c0: {  	v26 =	vld [tilespmem:s0+$0xFAC0];
	v4 =	vadd.f32 v7, v18  }
0x2c1: {  	v2 =	vld [tilespmem:s0+$0xFFD0]  }
0x2c2: {  	v30 =	vld [tilespmem:s0+$0xFB00];
	v4 =	vadd.f32 v8, v4  }
0x2c3: {  	v5 =	vld [tilespmem:s0+$0xFF80]  }
0x2c4: {  	v58 =	vld [tilespmem:s0+$0xFB40];
	v6 =	vadd.f32 v19, v4  }
0x2c5: {  	v59 =	vld [tilespmem:s0+$0xFB80]  }
0x2c6: {  	v10 =	vld [tilespmem:s0+$0xFF40];
	v6 =	vadd.f32 v26, v6  }
0x2c7: {  	v60 =	vld [tilespmem:s0+$0xFBC0]  }
0x2c8: {  	v61 =	vld [tilespmem:s0+$0xFC00];
	v9 =	vadd.f32 v30, v6  }
0x2c9: {  	v12 =	vld [tilespmem:s0+$0xFF00]  }
0x2ca: {  	v20 =	vld [tilespmem:s0+$0xFC40];
	v9 =	vadd.f32 v58, v9  }
0x2cb: {  	v38 =	vld [tilespmem:s0+$0xFC80]  }
0x2cc: {  	v14 =	vld [tilespmem:s0+$0xFEC0];
	v11 =	vadd.f32 v59, v9  }
0x2cd: {  	v40 =	vld [tilespmem:s0+$0xFCC0]  }
0x2ce: {  	v41 =	vld [tilespmem:s0+$0xFD00];
	v11 =	vadd.f32 v60, v11  }
0x2cf: {  	v37 =	vld [tilespmem:s0+$0xFA10]  }
0x2d0: {  	v28 =	vld [tilespmem:s0+$0xFD40];
	v13 =	vadd.f32 v61, v11  }
0x2d1: {  	v33 =	vld [tilespmem:s0+$0xFA50]  }
0x2d2: {  	v27 =	vld [tilespmem:s0+$0xFD80];
	v13 =	vadd.f32 v20, v13  }
0x2d3: {  	v29 =	vld [tilespmem:s0+$0xFA90]  }
0x2d4: {  	v25 =	vld [tilespmem:s0+$0xFDC0];
	v13 =	vadd.f32 v38, v13  }
0x2d5: {  	v31 =	vld [tilespmem:s0+$0xFAD0]  }
0x2d6: {  	v24 =	vld [tilespmem:s0+$0xFE00];
	v13 =	vadd.f32 v40, v13  }
0x2d7: {  	v32 =	vld [tilespmem:s0+$0xFB10]  }
0x2d8: {  	v23 =	vld [tilespmem:s0+$0xFE40];
	v13 =	vadd.f32 v41, v13  }
0x2d9: {  	v17 =	vld [tilespmem:s0+$0xFE80];
	v15 =	vadd.f32 v37, v18  }
0x2da: {  	v35 =	vld [tilespmem:s0+$0xFB50];
	v13 =	vadd.f32 v28, v13  }
0x2db: {  	v36 =	vld [tilespmem:s0+$0xFB90];
	v15 =	vadd.f32 v33, v15  }
0x2dc: {  	v39 =	vld [tilespmem:s0+$0xFBD0];
	v13 =	vadd.f32 v27, v13  }
0x2dd: {  	v42 =	vld [tilespmem:s0+$0xFC10];
	v15 =	vadd.f32 v29, v15  }
0x2de: {  	v43 =	vld [tilespmem:s0+$0xFC50];
	v13 =	vadd.f32 v25, v13  }
0x2df: {  	v44 =	vld [tilespmem:s0+$0xFC90];
	v16 =	vadd.f32 v31, v15  }
0x2e0: {  	v46 =	vld [tilespmem:s0+$0xFCD0];
	v13 =	vadd.f32 v24, v13  }
0x2e1: {  	v45 =	vld [tilespmem:s0+$0xFD10];
	v21 =	vadd.f32 v32, v16  }
0x2e2: {  	v4 =	vld [tilespmem:s0+$0xFF90];
	v22 =	vadd.f32 v23, v13  }
0x2e3: {  	v15 =	vld [tilespmem:s0+$0xFE90];
	v62 =	vadd.f32 v35, v21;
	v13 =	vimm.f32 $-Inf  }
0x2e4: {  	v6 =	vld [tilespmem:s0+$0xFF50];
	v7 =	vmax.f32 v13, v7;
	v63 =	vadd.f32 v17, v22  }
0x2e5: {  	v16 =	vld [tilespmem:s0+$0xFE50];
	v7 =	vmax.f32 v7, v8;
	v8 =	vadd.f32 v36, v62  }
0x2e6: {  	v21 =	vld [tilespmem:s0+$0xFE10];
	v7 =	vmax.f32 v7, v19;
	v19 =	vadd.f32 v14, v63  }
0x2e7: {  	v9 =	vld [tilespmem:s0+$0xFF10];
	v7 =	vmax.f32 v7, v26;
	v8 =	vadd.f32 v39, v8  }
0x2e8: {  	v11 =	vld [tilespmem:s0+$0xFED0];
	v7 =	vmax.f32 v7, v30;
	v19 =	vadd.f32 v12, v19  }
0x2e9: {  	v22 =	vld [tilespmem:s0+$0xFDD0];
	v7 =	vmax.f32 v7, v58;
	v8 =	vadd.f32 v42, v8  }
0x2ea: {  	v34 =	vimm.f32 $0.0e+00;
	v26 =	vld [tilespmem:s0+$0xFD90];
	v7 =	vmax.f32 v7, v59;
	v19 =	vadd.f32 v10, v19  }
0x2eb: {  	v30 =	vld [tilespmem:s0+$0xFD50];
	v7 =	vmax.f32 v7, v60;
	v48 =	vadd.f32 v43, v8;
	v8 =	vimm.f32 $-Inf  }
0x2ec: {  	s9 =	simm.s32 $0x1900;
	v50 =	vmax.f32 v7, v61;
	v7 =	vimm.f32 $-Inf;
	v49 =	vadd.f32 v5, v19;
	v19 =	vld [tilespmem:s0+$0xFA20]  }
.LBB2_9:
0x2ed: {  	p1 =	sne.s32 s9, $0xAF00;
	v47 =	vld [tilespmem:s0+$0xFA30];
	v20 =	vmax.f32 v50, v20;
	v50 =	vadd.f32 v44, v48  }
0x2ee: {  	v48 =	vld [tilespmem:s0+$0xFA60];
	v20 =	vmax.f32 v20, v38;
	v49 =	vadd.f32 v3, v49  }
0x2ef: {  	v38 =	vld [tilespmem:s0+$0xFA70];
	v20 =	vmax.f32 v20, v40;
	v50 =	vadd.f32 v46, v50  }
0x2f0: {  	v40 =	vld [tilespmem:s0+$0xFAA0];
	v41 =	vmax.f32 v20, v41;
	v20 =	vadd.f32 v1, v49  }
0x2f1: {  	v13 =	vmax.f32 v13, v37;
	v37 =	vadd.f32 v19, v18;
	v18 =	vld [tilespmem:s0+$0xFAB0];
	v49 =	vadd.f32 v45, v50  }
0x2f2: {  	v13 =	vmax.f32 v13, v33;
	v41 =	vmax.f32 v41, v28;
	v34 =	vadd.f32 v47, v34;
	v33 =	vld [tilespmem:s0+$0xFAE0]  }
0x2f3: {  	v13 =	vmax.f32 v13, v29;
	v37 =	vadd.f32 v48, v37;
	v28 =	vld [tilespmem:s0+$0xFAF0];
	v29 =	vadd.f32 v30, v49  }
0x2f4: {  	v13 =	vmax.f32 v13, v31;
	v27 =	vmax.f32 v41, v27;
	v34 =	vadd.f32 v38, v34;
	v31 =	vld [tilespmem:s0+$0xFB20]  }
0x2f5: {  	v13 =	vmax.f32 v13, v32;
	v37 =	vadd.f32 v40, v37;
	v32 =	vld [tilespmem:s0+$0xFB30];
	v29 =	vadd.f32 v26, v29  }
0x2f6: {  	v13 =	vmax.f32 v13, v35;
	v25 =	vmax.f32 v27, v25;
	v34 =	vadd.f32 v18, v34;
	v35 =	vld [tilespmem:s0+$0xFB60]  }
0x2f7: {  	v13 =	vmax.f32 v13, v36;
	v27 =	vadd.f32 v33, v37;
	v37 =	vld [tilespmem:s0+$0xFB70];
	v29 =	vadd.f32 v22, v29  }
0x2f8: {  	v13 =	vmax.f32 v13, v39;
	v24 =	vmax.f32 v25, v24;
	v34 =	vadd.f32 v28, v34;
	v36 =	vld [tilespmem:s0+$0xFBA0]  }
0x2f9: {  	v13 =	vmax.f32 v13, v42;
	v25 =	vadd.f32 v31, v27;
	v27 =	vld [tilespmem:s0+$0xFBB0];
	v29 =	vadd.f32 v21, v29  }
0x2fa: {  	v23 =	vmax.f32 v24, v23;
	v13 =	vmax.f32 v13, v43;
	v34 =	vadd.f32 v32, v34;
	v39 =	vld [tilespmem:s0+$0xFBE0]  }
0x2fb: {  	v13 =	vmax.f32 v13, v44;
	v24 =	vadd.f32 v35, v25;
	v25 =	vld [tilespmem:s0+$0xFBF0];
	v29 =	vadd.f32 v16, v29  }
0x2fc: {  	v17 =	vmax.f32 v23, v17;
	v13 =	vmax.f32 v13, v46;
	v34 =	vadd.f32 v37, v34;
	v41 =	vld [tilespmem:s0+$0xFC20]  }
0x2fd: {  	v13 =	vmax.f32 v13, v45;
	v23 =	vadd.f32 v36, v24;
	v24 =	vld [tilespmem:s0+$0xFC30];
	v29 =	vadd.f32 v15, v29  }
0x2fe: {  	v14 =	vmax.f32 v17, v14;
	v13 =	vmax.f32 v13, v30;
	v34 =	vadd.f32 v27, v34;
	v42 =	vld [tilespmem:s0+$0xFC60]  }
0x2ff: {  	v13 =	vmax.f32 v13, v26;
	v17 =	vadd.f32 v39, v23;
	v23 =	vld [tilespmem:s0+$0xFC70];
	v26 =	vadd.f32 v11, v29  }
0x300: {  	v12 =	vmax.f32 v14, v12;
	v13 =	vmax.f32 v13, v22;
	v29 =	vadd.f32 v25, v34;
	v30 =	vld [tilespmem:s0+$0xFCA0]  }
0x301: {  	v13 =	vmax.f32 v13, v21;
	v14 =	vadd.f32 v41, v17;
	v17 =	vld [tilespmem:s0+$0xFCB0];
	v21 =	vadd.f32 v9, v26  }
0x302: {  	v10 =	vmax.f32 v12, v10;
	v13 =	vmax.f32 v13, v16;
	v22 =	vadd.f32 v24, v29;
	v26 =	vld [tilespmem:s0+$0xFCE0]  }
0x303: {  	v13 =	vmax.f32 v13, v15;
	v12 =	vadd.f32 v42, v14;
	v14 =	vld [tilespmem:s0+$0xFCF0];
	v15 =	vadd.f32 v6, v21  }
0x304: {  	v5 =	vmax.f32 v10, v5;
	v11 =	vmax.f32 v13, v11;
	v16 =	vadd.f32 v23, v22;
	v21 =	vld [tilespmem:s0+$0xFD20]  }
0x305: {  	v9 =	vmax.f32 v11, v9;
	v10 =	vadd.f32 v30, v12;
	v12 =	vld [tilespmem:s0+$0xFD30];
	v11 =	vadd.f32 v4, v15  }
0x306: {  	v3 =	vmax.f32 v5, v3;
	v6 =	vmax.f32 v9, v6;
	v13 =	vadd.f32 v17, v16;
	v16 =	vld [tilespmem:s0+$0xFD60]  }
0x307: {  	v4 =	vmax.f32 v6, v4;
	v5 =	vadd.f32 v26, v10;
	v9 =	vld [tilespmem:s0+$0xFD70];
	v6 =	vadd.f32 v2, v11  }
0x308: {  	v22 =	vmax.f32 v3, v1;
	v2 =	vmax.f32 v4, v2;
	v10 =	vadd.f32 v14, v13;
	v11 =	vld [tilespmem:s0+$0xFDA0]  }
0x309: {  	v13 =	vmax.f32 v2, v0;
	v1 =	vadd.f32 v21, v5;
	v3 =	vld [tilespmem:s0+$0xFDB0];
	v15 =	vadd.f32 v0, v6  }
0x30a: {  	v2 =	vmax.f32 v8, v47;
	v0 =	vmax.f32 v7, v19;
	v4 =	vadd.f32 v12, v10;
	v5 =	vld [tilespmem:s0+$0xFDE0]  }
0x30b: {  	v2 =	vmax.f32 v2, v38;
	v0 =	vmax.f32 v0, v48;
	v1 =	vadd.f32 v16, v1;
	v6 =	vld [tilespmem:s0+$0xFDF0]  }
0x30c: {  	v2 =	vmax.f32 v2, v18;
	v0 =	vmax.f32 v0, v40;
	v4 =	vadd.f32 v9, v4;
	v7 =	vld [tilespmem:s0+$0xFE20]  }
0x30d: {  	v2 =	vmax.f32 v2, v28;
	v0 =	vmax.f32 v0, v33;
	v1 =	vadd.f32 v11, v1;
	v8 =	vld [tilespmem:s0+$0xFE30]  }
0x30e: {  	v2 =	vmax.f32 v2, v32;
	v0 =	vmax.f32 v0, v31;
	v4 =	vadd.f32 v3, v4;
	v10 =	vld [tilespmem:s0+$0xFE60]  }
0x30f: {  	v2 =	vmax.f32 v2, v37;
	v0 =	vmax.f32 v0, v35;
	v1 =	vadd.f32 v5, v1;
	v18 =	vld [tilespmem:s0+$0xFE70]  }
0x310: {  	v2 =	vmax.f32 v2, v27;
	v0 =	vmax.f32 v0, v36;
	v4 =	vadd.f32 v6, v4;
	v19 =	vld [tilespmem:s0+$0xFEA0]  }
0x311: {  	v2 =	vmax.f32 v2, v25;
	v0 =	vmax.f32 v0, v39;
	v1 =	vadd.f32 v7, v1;
	v25 =	vld [tilespmem:s0+$0xFEB0]  }
0x312: {  	v2 =	vmax.f32 v2, v24;
	v0 =	vmax.f32 v0, v41;
	v4 =	vadd.f32 v8, v4;
	v24 =	vld [tilespmem:s0+$0xFEE0]  }
0x313: {  	v2 =	vmax.f32 v2, v23;
	v0 =	vmax.f32 v0, v42;
	v1 =	vadd.f32 v10, v1;
	v23 =	vld [tilespmem:s0+$0xFEF0]  }
0x314: {  	v2 =	vmax.f32 v2, v17;
	v0 =	vmax.f32 v0, v30;
	v4 =	vadd.f32 v18, v4;
	v17 =	vld [tilespmem:s0+$0xFF20]  }
0x315: {  	v2 =	vmax.f32 v2, v14;
	v0 =	vmax.f32 v0, v26;
	v1 =	vadd.f32 v19, v1;
	v14 =	vld [tilespmem:s0+$0xFF30]  }
0x316: {  	v2 =	vmax.f32 v2, v12;
	v0 =	vmax.f32 v0, v21;
	v4 =	vadd.f32 v25, v4;
	v12 =	vld [tilespmem:s0+$0xFF60]  }
0x317: {  	v2 =	vmax.f32 v2, v9;
	v0 =	vmax.f32 v0, v16;
	v1 =	vadd.f32 v24, v1;
	v9 =	vld [tilespmem:s0+$0xFF70]  }
0x318: {  	v2 =	vmax.f32 v2, v3;
	v0 =	vmax.f32 v0, v11;
	v3 =	vadd.f32 v23, v4;
	v4 =	vld [tilespmem:s0+$0xFFA0]  }
0x319: {  	v2 =	vmax.f32 v2, v6;
	v0 =	vmax.f32 v0, v5;
	v1 =	vadd.f32 v17, v1;
	v5 =	vld [tilespmem:s0+$0xFFB0]  }
0x31a: {  	v2 =	vmax.f32 v2, v8;
	v0 =	vmax.f32 v0, v7;
	v3 =	vadd.f32 v14, v3;
	v6 =	vld [tilespmem:s0+$0xFFE0]  }
0x31b: {  	v2 =	vmax.f32 v2, v18;
	v0 =	vmax.f32 v0, v10;
	v1 =	vadd.f32 v12, v1;
	v7 =	vld [tilespmem:s0+$0xFFF0]  }
0x31c: {  	v2 =	vmax.f32 v2, v25;
	v0 =	vmax.f32 v0, v19;
	v3 =	vadd.f32 v9, v3;
	v8 =	vld [tilespmem:s0+$0x10020]  }
0x31d: {  	v2 =	vmax.f32 v2, v23;
	v0 =	vmax.f32 v0, v24;
	v10 =	vadd.f32 v4, v1;
	v11 =	vld [tilespmem:s0+$0x10030];
	s0 =	sshra.s32 s9, $0x2  }
0x31e: {  	v2 =	vmax.f32 v2, v14;
	v0 =	vmax.f32 v0, v17;
	v1 =	vld [tilespmem:s0+$0x10000];
	v3 =	vadd.f32 v5, v3  }
0x31f: {  	v2 =	vmax.f32 v2, v9;
	v12 =	vmax.f32 v0, v12;
	v19 =	vld [tilespmem:s0+$0xFA00];
	v9 =	vadd.f32 v6, v10  }
0x320: {  	v2 =	vmax.f32 v2, v5;
	v4 =	vmax.f32 v12, v4;
	v0 =	vld [tilespmem:s0+$0x10010];
	v5 =	vadd.f32 v7, v3  }
0x321: {  	v4 =	vmax.f32 v4, v6;
	v2 =	vmax.f32 v2, v7;
	v26 =	vld [tilespmem:s0+$0xFA40];
	v18 =	vadd.f32 v8, v9  }
0x322: {  	v7 =	vmax.f32 v4, v8;
	v3 =	vld [tilespmem:s0+$0xFFC0];
	v34 =	vadd.f32 v11, v5;
	v8 =	vmax.f32 v2, v11  }
0x323: {  	v30 =	vld [tilespmem:s0+$0xFA80]  }
0x324: {  	v4 =	vadd.f32 v19, v20;
	v2 =	vld [tilespmem:s0+$0xFFD0]  }
0x325: {  	v44 =	vld [tilespmem:s0+$0xFAC0]  }
0x326: {  	v4 =	vadd.f32 v26, v4;
	v5 =	vld [tilespmem:s0+$0xFF80]  }
0x327: {  	v45 =	vld [tilespmem:s0+$0xFB00]  }
0x328: {  	v6 =	vadd.f32 v30, v4;
	v4 =	vld [tilespmem:s0+$0xFF90]  }
0x329: {  	v46 =	vld [tilespmem:s0+$0xFB40]  }
0x32a: {  	v6 =	vadd.f32 v44, v6;
	v10 =	vld [tilespmem:s0+$0xFF40]  }
0x32b: {  	v47 =	vld [tilespmem:s0+$0xFB80]  }
0x32c: {  	v9 =	vadd.f32 v45, v6;
	v6 =	vld [tilespmem:s0+$0xFF50]  }
0x32d: {  	v48 =	vld [tilespmem:s0+$0xFBC0]  }
0x32e: {  	v9 =	vadd.f32 v46, v9;
	v12 =	vld [tilespmem:s0+$0xFF00]  }
0x32f: {  	v49 =	vld [tilespmem:s0+$0xFC00]  }
0x330: {  	v11 =	vadd.f32 v47, v9;
	v9 =	vld [tilespmem:s0+$0xFF10]  }
0x331: {  	v20 =	vld [tilespmem:s0+$0xFC40]  }
0x332: {  	v11 =	vadd.f32 v48, v11;
	v14 =	vld [tilespmem:s0+$0xFEC0]  }
0x333: {  	v38 =	vld [tilespmem:s0+$0xFC80]  }
0x334: {  	v16 =	vadd.f32 v49, v11;
	v11 =	vld [tilespmem:s0+$0xFED0]  }
0x335: {  	v40 =	vld [tilespmem:s0+$0xFCC0]  }
0x336: {  	v16 =	vadd.f32 v20, v16;
	v17 =	vld [tilespmem:s0+$0xFE80]  }
0x337: {  	v41 =	vld [tilespmem:s0+$0xFD00]  }
0x338: {  	v37 =	vld [tilespmem:s0+$0xFA10];
	v16 =	vadd.f32 v38, v16  }
0x339: {  	v28 =	vld [tilespmem:s0+$0xFD40]  }
0x33a: {  	v33 =	vld [tilespmem:s0+$0xFA50];
	v16 =	vadd.f32 v40, v16  }
0x33b: {  	v27 =	vld [tilespmem:s0+$0xFD80]  }
0x33c: {  	v29 =	vld [tilespmem:s0+$0xFA90];
	v16 =	vadd.f32 v41, v16  }
0x33d: {  	v15 =	vadd.f32 v37, v15;
	v25 =	vld [tilespmem:s0+$0xFDC0]  }
0x33e: {  	v31 =	vld [tilespmem:s0+$0xFAD0];
	v16 =	vadd.f32 v28, v16  }
0x33f: {  	v15 =	vadd.f32 v33, v15;
	v24 =	vld [tilespmem:s0+$0xFE00]  }
0x340: {  	v32 =	vld [tilespmem:s0+$0xFB10];
	v16 =	vadd.f32 v27, v16  }
0x341: {  	v15 =	vadd.f32 v29, v15;
	v23 =	vld [tilespmem:s0+$0xFE40]  }
0x342: {  	v35 =	vld [tilespmem:s0+$0xFB50];
	v16 =	vadd.f32 v25, v16  }
0x343: {  	v21 =	vadd.f32 v31, v15;
	v15 =	vld [tilespmem:s0+$0xFE90]  }
0x344: {  	v36 =	vld [tilespmem:s0+$0xFB90];
	v42 =	vadd.f32 v24, v16  }
0x345: {  	v21 =	vadd.f32 v32, v21;
	v16 =	vld [tilespmem:s0+$0xFE50]  }
0x346: {  	v39 =	vld [tilespmem:s0+$0xFBD0];
	v43 =	vadd.f32 v23, v42  }
0x347: {  	v50 =	vadd.f32 v35, v21;
	v21 =	vld [tilespmem:s0+$0xFE10]  }
0x348: {  	v19 =	vmax.f32 v22, v19;
	v42 =	vld [tilespmem:s0+$0xFC10];
	v51 =	vadd.f32 v17, v43  }
0x349: {  	v19 =	vmax.f32 v19, v26;
	v26 =	vadd.f32 v36, v50;
	v22 =	vld [tilespmem:s0+$0xFDD0]  }
0x34a: {  	v19 =	vmax.f32 v19, v30;
	v43 =	vld [tilespmem:s0+$0xFC50];
	v30 =	vadd.f32 v14, v51  }
0x34b: {  	v19 =	vmax.f32 v19, v44;
	v50 =	vadd.f32 v39, v26;
	v26 =	vld [tilespmem:s0+$0xFD90]  }
.Ltmp5:
0x34c: {  	v19 =	vmax.f32 v19, v45;
	v44 =	vld [tilespmem:s0+$0xFC90];
	v45 =	vadd.f32 v12, v30;
	(pc) =	sbr.rel @p1 .LBB2_9-.Ltmp5, $4  }
0x34d: {  	v19 =	vmax.f32 v19, v46;
	v50 =	vadd.f32 v42, v50;
	v30 =	vld [tilespmem:s0+$0xFD50]  }
0x34e: {  	v19 =	vmax.f32 v19, v47;
	v46 =	vld [tilespmem:s0+$0xFCD0];
	v47 =	vadd.f32 v10, v45  }
0x34f: {  	v51 =	vmax.f32 v19, v48;
	v48 =	vadd.f32 v43, v50;
	v45 =	vld [tilespmem:s0+$0xFD10]  }
0x350: {  	s9 =	sadd.s32 $0x1900, s9;
	v50 =	vmax.f32 v51, v49;
	v19 =	vld [tilespmem:s0+$0xFA20];
	v49 =	vadd.f32 v5, v47  }
0x351: {  	v47 =	vld [tilespmem:s0+$0xFA30]  }
0x352: {  	v20 =	vmax.f32 v50, v20;
	v50 =	vld [tilespmem:s0+$0xFA60];
	v48 =	vadd.f32 v44, v48  }
0x353: {  	v13 =	vmax.f32 v13, v37;
	v37 =	vld [tilespmem:s0+$0xFAE0];
	v20 =	vmax.f32 v20, v38;
	v49 =	vadd.f32 v3, v49  }
0x354: {  	v38 =	vld [tilespmem:s0+$0xFA70];
	v33 =	vmax.f32 v13, v33;
	v20 =	vmax.f32 v20, v40;
	v48 =	vadd.f32 v46, v48  }
0x355: {  	v40 =	vld [tilespmem:s0+$0xFAA0];
	v29 =	vmax.f32 v33, v29;
	v20 =	vmax.f32 v20, v41;
	v13 =	vadd.f32 v1, v49  }
0x356: {  	v41 =	vld [tilespmem:s0+$0xFAB0];
	v29 =	vmax.f32 v29, v31;
	v18 =	vadd.f32 v19, v18;
	v48 =	vadd.f32 v45, v48  }
0x357: {  	v51 =	vld [tilespmem:s0+$0xFAF0];
	v20 =	vmax.f32 v20, v28;
	v29 =	vmax.f32 v29, v32;
	v34 =	vadd.f32 v47, v34  }
0x358: {  	v33 =	vld [tilespmem:s0+$0xFBB0];
	v7 =	vmax.f32 v7, v19;
	v20 =	vmax.f32 v20, v27;
	v18 =	vadd.f32 v50, v18  }
0x359: {  	v29 =	vmax.f32 v29, v35;
	v8 =	vmax.f32 v8, v47;
	v59 =	vadd.f32 v38, v34;
	v34 =	vld [tilespmem:s0+$0xFB20]  }
0x35a: {  	v7 =	vmax.f32 v7, v50;
	v60 =	vadd.f32 v30, v48;
	v48 =	vld [tilespmem:s0+$0xFB30];
	v18 =	vadd.f32 v40, v18  }
0x35b: {  	v28 =	vld [tilespmem:s0+$0xFB60];
	v20 =	vmax.f32 v20, v25;
	v29 =	vmax.f32 v29, v36;
	v61 =	vadd.f32 v41, v59  }
0x35c: {  	v32 =	vld [tilespmem:s0+$0xFB70];
	v8 =	vmax.f32 v8, v38;
	v29 =	vmax.f32 v29, v39;
	v18 =	vadd.f32 v37, v18  }
0x35d: {  	v27 =	vld [tilespmem:s0+$0xFBA0];
	v20 =	vmax.f32 v20, v24;
	v7 =	vmax.f32 v7, v40;
	v63 =	vadd.f32 v51, v61  }
0x35e: {  	v35 =	vld [tilespmem:s0+$0xFBF0];
	v62 =	vadd.f32 v26, v60;
	v29 =	vmax.f32 v29, v42;
	v18 =	vadd.f32 v34, v18  }
0x35f: {  	v25 =	vld [tilespmem:s0+$0xFBE0];
	v20 =	vmax.f32 v20, v23;
	v8 =	vmax.f32 v8, v41;
	v49 =	vadd.f32 v48, v63  }
0x360: {  	v36 =	vld [tilespmem:s0+$0xFC30];
	v7 =	vmax.f32 v7, v37;
	v29 =	vmax.f32 v29, v43;
	v18 =	vadd.f32 v28, v18  }
0x361: {  	v24 =	vld [tilespmem:s0+$0xFC20];
	v17 =	vmax.f32 v20, v17;
	v8 =	vmax.f32 v8, v51;
	v52 =	vadd.f32 v32, v49  }
0x362: {  	v50 =	vld [tilespmem:s0+$0xFFE0];
	v31 =	vadd.f32 v22, v62;
	v29 =	vmax.f32 v29, v44;
	v18 =	vadd.f32 v27, v18  }
0x363: {  	v23 =	vld [tilespmem:s0+$0xFC60];
	v14 =	vmax.f32 v17, v14;
	v29 =	vmax.f32 v29, v46;
	v53 =	vadd.f32 v33, v52  }
0x364: {  	v39 =	vld [tilespmem:s0+$0xFC70];
	v12 =	vmax.f32 v14, v12;
	v8 =	vmax.f32 v8, v48;
	v18 =	vadd.f32 v25, v18  }
0x365: {  	v20 =	vld [tilespmem:s0+$0xFCA0];
	v31 =	vadd.f32 v21, v31;
	v29 =	vmax.f32 v29, v45;
	v54 =	vadd.f32 v35, v53  }
0x366: {  	v10 =	vmax.f32 v12, v10;
	v29 =	vmax.f32 v29, v30;
	v30 =	vld [tilespmem:s0+$0xFCB0];
	v18 =	vadd.f32 v24, v18  }
0x367: {  	v17 =	vld [tilespmem:s0+$0xFCE0];
	v7 =	vmax.f32 v7, v34;
	v8 =	vmax.f32 v8, v32;
	v58 =	vadd.f32 v36, v54  }
0x368: {  	v31 =	vadd.f32 v16, v31;
	v55 =	vmax.f32 v29, v26;
	v26 =	vld [tilespmem:s0+$0xFCF0];
	v18 =	vadd.f32 v23, v18  }
0x369: {  	v14 =	vld [tilespmem:s0+$0xFD20];
	v5 =	vmax.f32 v10, v5;
	v57 =	vmax.f32 v55, v22;
	v62 =	vadd.f32 v39, v58  }
0x36a: {  	v31 =	vadd.f32 v15, v31;
	v59 =	vmax.f32 v57, v21;
	v21 =	vld [tilespmem:s0+$0xFD30];
	v18 =	vadd.f32 v20, v18  }
0x36b: {  	v12 =	vld [tilespmem:s0+$0xFD60];
	v7 =	vmax.f32 v7, v28;
	v8 =	vmax.f32 v8, v33;
	v42 =	vadd.f32 v30, v62  }
0x36c: {  	v46 =	vld [tilespmem:s0+$0xFD70];
	v7 =	vmax.f32 v7, v27;
	v56 =	vadd.f32 v11, v31;
	v45 =	vadd.f32 v17, v18  }
0x36d: {  	v8 =	vmax.f32 v8, v35;
	v7 =	vmax.f32 v7, v25;
	v54 =	vld [tilespmem:s0+$0xFDA0];
	v53 =	vadd.f32 v26, v42  }
0x36e: {  	v8 =	vmax.f32 v8, v36;
	v60 =	vadd.f32 v9, v56;
	v58 =	vld [tilespmem:s0+$0xFDB0];
	v57 =	vadd.f32 v14, v45  }
0x36f: {  	v61 =	vmax.f32 v59, v16;
	v52 =	vmax.f32 v5, v3;
	v59 =	vld [tilespmem:s0+$0xFDE0];
	v5 =	vadd.f32 v21, v53  }
0x370: {  	v7 =	vmax.f32 v7, v24;
	v29 =	vadd.f32 v6, v60;
	v60 =	vld [tilespmem:s0+$0xFDF0];
	v10 =	vadd.f32 v12, v57  }
0x371: {  	v7 =	vmax.f32 v7, v23;
	v63 =	vmax.f32 v61, v15;
	v61 =	vld [tilespmem:s0+$0xFE20];
	v5 =	vadd.f32 v46, v5  }
0x372: {  	v8 =	vmax.f32 v8, v39;
	v7 =	vmax.f32 v7, v20;
	v62 =	vld [tilespmem:s0+$0xFE30];
	v10 =	vadd.f32 v54, v10  }
0x373: {  	v8 =	vmax.f32 v8, v30;
	v31 =	vmax.f32 v63, v11;
	v63 =	vld [tilespmem:s0+$0xFE60];
	v5 =	vadd.f32 v58, v5  }
0x374: {  	v32 =	vld [tilespmem:s0+$0xFE70];
	v52 =	vmax.f32 v52, v1;
	v7 =	vmax.f32 v7, v17;
	v10 =	vadd.f32 v59, v10  }
0x375: {  	v34 =	vld [tilespmem:s0+$0xFEA0];
	v8 =	vmax.f32 v8, v26;
	v43 =	vmax.f32 v31, v9;
	v5 =	vadd.f32 v60, v5  }
0x376: {  	v37 =	vld [tilespmem:s0+$0xFEB0];
	v7 =	vmax.f32 v7, v14;
	v49 =	vmax.f32 v43, v6;
	v10 =	vadd.f32 v61, v10  }
0x377: {  	v38 =	vld [tilespmem:s0+$0xFEE0];
	v8 =	vmax.f32 v8, v21;
	v7 =	vmax.f32 v7, v12;
	v5 =	vadd.f32 v62, v5  }
0x378: {  	v40 =	vld [tilespmem:s0+$0xFEF0];
	v55 =	vmax.f32 v49, v4;
	v44 =	vadd.f32 v4, v29;
	v10 =	vadd.f32 v63, v10  }
0x379: {  	v41 =	vld [tilespmem:s0+$0xFF20];
	v8 =	vmax.f32 v8, v46;
	v47 =	vmax.f32 v55, v2;
	v5 =	vadd.f32 v32, v5  }
0x37a: {  	v56 =	vadd.f32 v2, v44;
	v7 =	vmax.f32 v7, v54;
	v42 =	vld [tilespmem:s0+$0xFF30];
	v10 =	vadd.f32 v34, v10  }
0x37b: {  	v43 =	vld [tilespmem:s0+$0xFF60];
	v7 =	vmax.f32 v7, v59;
	v8 =	vmax.f32 v8, v58;
	v5 =	vadd.f32 v37, v5  }
0x37c: {  	v44 =	vld [tilespmem:s0+$0xFF70];
	v48 =	vmax.f32 v7, v61;
	v6 =	vadd.f32 v0, v56;
	v10 =	vadd.f32 v38, v10  }
0x37d: {  	v45 =	vld [tilespmem:s0+$0xFFA0];
	v56 =	vmax.f32 v47, v0;
	v8 =	vmax.f32 v8, v60;
	v5 =	vadd.f32 v40, v5  }
0x37e: {  	v4 =	vmax.f32 v48, v63;
	v49 =	vmax.f32 v8, v62;
	v46 =	vld [tilespmem:s0+$0xFFB0];
	v10 =	vadd.f32 v41, v10  }
0x37f: {  	v51 =	vld [tilespmem:s0+$0xFFF0];
	v4 =	vmax.f32 v4, v34;
	v53 =	vmax.f32 v49, v32;
	v5 =	vadd.f32 v42, v5  }
0x380: {  	v4 =	vmax.f32 v4, v38;
	v54 =	vld [tilespmem:s0+$0x10020];
	v3 =	vmax.f32 v53, v37;
	v10 =	vadd.f32 v43, v10  }
0x381: {  	v55 =	vld [tilespmem:s0+$0x10030];
	v4 =	vmax.f32 v4, v41;
	v3 =	vmax.f32 v3, v40;
	v5 =	vadd.f32 v44, v5  }
0x382: {  	[tilespmem:s1+$0x12D80] =	vst v13;
	v58 =	vmax.f32 v4, v43;
	v57 =	vmax.f32 v3, v42;
	v10 =	vadd.f32 v45, v10  }
0x383: {  	[tilespmem:s1+$0x12DC0] =	vst v52;
	v59 =	vmax.f32 v58, v45;
	v2 =	vmax.f32 v57, v44;
	v5 =	vadd.f32 v46, v5  }
0x384: {  	[tilespmem:s1+$0x12D90] =	vst v6;
	v1 =	vmax.f32 v59, v50;
	v62 =	vmax.f32 v2, v46;
	v10 =	vadd.f32 v50, v10  }
.Ltmp6:
0x385: {  	[tilespmem:s1+$0x12DD0] =	vst v56;
	v1 =	vmax.f32 v1, v54;
	v0 =	vmax.f32 v62, v51;
	v60 =	vadd.f32 v51, v5;
	(pc) =	sbr.rel @p0 .LBB2_12-.Ltmp6, $4  }
0x386: {  	[tilespmem:s1+$0x12DE0] =	vst v1;
	v0 =	vmax.f32 v0, v55;
	v61 =	vadd.f32 v54, v10  }
0x387: {  	[tilespmem:s1+$0x12DF0] =	vst v0;
	v63 =	vadd.f32 v55, v60  }
0x388: {  	[tilespmem:s1+$0x12DA0] =	vst v61  }
0x389: {  	[tilespmem:s1+$0x12DB0] =	vst v63  }
0x38a: {  	s0 =	smul.u32 $0xC80, s31;
	_ =	sdelay $0x1  }
.Ltmp7:
0x38b: {  	s0 =	sshra.s32 s0, $0x2;
	(pc) =	sbr.rel .LBB2_2-.Ltmp7, $4  }
0x38c: {  	s1 =	sadd.s32 $0x578, s0  }
0x38d: {  	[tilespmem:s21], [sflag:$0x4] =	stream.indirect.gather [hbm4b:s3+s8], $0x40, s1, s8, $0xb8;
	[tilespmem:$0x16C00] =	vst v63  }
0x38e: {  	s31 =	sadd.s32 $0x1, s31;
	s0 =	sadd.s32 $0x5F8, s0  }
0x38f: {  	[tilespmem:s23], [sflag:$0x4] =	stream.indirect.gather [hbm4b:s3+s10], $0x40, s0, s10, $0xb8;
	[tilespmem:$0x16C00] =	vst v63  }
.LBB2_13:
0x390: {  	_ =	sfence.sel $0x180000  }
0x391: {  	[bflag:$0x0] =	sbarrier.arrive $0xFFFF  }
0x392: {  	_ =	strace $0x90000047  }
0x393: {  	s0 =	stileid.u32;
	[bflag:$0x2] =	sbarrier.arrive $0xFFFF  }
0x394: {  	p0 =	sne.s32 s0, $0x0;
	s0 =	rddreg [dreg:$0x1]  }
0x395: {  	s0 =	sadd.s32 @!p0 $0x100000, s0  }
0x396: {  	[sflag:s0] =	ssyncadd.tile.s32 @!p0 $0x1;
	_ =	shalt  }
.Lfunc_end2:
_tile_overlayer_lowered:
.L_overlay_start_2:
0x397: {  	(tag) =	ssettag $0x2  }
0x398: {  	s0 =	rddreg [dreg:$0x0];
	s2 =	stileid.u32  }
0x399: {  	s1 =	rddreg [dreg:$0x1];
	p0 =	sne.s32 s2, $0x0  }
0x39a: {  	s3 =	rddreg [dreg:$0x2];
	[bflag:$0x3] =	sbarrier.arrive $0xFFFF;
	s2 =	simm.s32 @!p0 $0x1C05  }
0x39b: {  	[timem:s3], [sflag:s2] =	dma.local @!p0 [hbm:s0], s1  }
0x39c: {  	s0 =	simm.s32 @!p0 $0x5  }
0x39d: {  	_ =	swait.ge @!p0 [sflag:s0], s1  }
0x39e: {  	s1 =	ssub.s32 @!p0 $0x0, s1;
	[sflag:s0] =	ssyncset.done @!p0 $0x0  }
0x39f: {  	[sflag:s0] =	ssyncadd.s32 @!p0 s1  }
0x3a0: {  	[bflag:$0x3] =	sbarrier.arrive $0xFFFF  }
0x3a1: {  	_ =	shalt  }

</sc_bundles>
